<compile_context>
chip_gen: v7x
topology: tpu7x:2x2x1
jax: 0.10.2.dev20260603
libtpu: 0.0.44.dev20260713+nightly
codegen_flags: <defaults>
</compile_context>

<pallas_src>
import functools

import jax
import jax.numpy as jnp
from jax import lax
from jax.experimental import pallas as pl
from jax.experimental.pallas import tpu as pltpu
from jax.experimental.pallas import tpu_sc as plsc

DIM = 32
CHUNK = 128

_BITREV = [0, 8, 4, 12, 2, 10, 6, 14, 1, 9, 5, 13, 3, 11, 7, 15]


def kernel(u, i, user_emb, item_emb):
    B = u.shape[0]
    info = plsc.get_sparse_core_info()
    NC, NS = info.num_cores, info.num_subcores
    NW = NC * NS
    bpw = B // NW
    nchunk = bpw // CHUNK

    u3 = u.astype(jnp.int32).reshape(NW, nchunk, CHUNK)
    i3 = i.astype(jnp.int32).reshape(NW, nchunk, CHUNK)

    mesh = plsc.VectorSubcoreMesh(core_axis_name="c", subcore_axis_name="s")

    @functools.partial(
        pl.kernel,
        mesh=mesh,
        out_type=jax.ShapeDtypeStruct((B,), jnp.float32),
        compiler_params=pltpu.CompilerParams(use_tc_tiling_on_sc=False),
        scratch_types=[
            pltpu.VMEM((nchunk, CHUNK), jnp.int32),
            pltpu.VMEM((nchunk, CHUNK), jnp.int32),
            pltpu.VMEM((bpw, DIM), jnp.float32),
            pltpu.VMEM((bpw, DIM), jnp.float32),
            pltpu.VMEM((bpw,), jnp.float32),
            pltpu.SemaphoreType.DMA((2,)),
            pltpu.SemaphoreType.DMA((nchunk,)),
        ],
    )
    def sc_kernel(u_hbm, i_hbm, ue_hbm, ie_hbm, out_hbm,
                  uidx, iidx, urows, irows, outv, isem, gsem):
        wid = lax.axis_index("s") * NC + lax.axis_index("c")
        base = wid * bpw

        idx_cp = [
            pltpu.async_copy(u_hbm.at[wid], uidx, isem.at[0]),
            pltpu.async_copy(i_hbm.at[wid], iidx, isem.at[1]),
        ]
        idx_cp[0].wait()
        idx_cp[1].wait()

        copies = []
        for j in range(nchunk):
            sl = pl.ds(j * CHUNK, CHUNK)
            copies.append(pltpu.async_copy(
                ue_hbm.at[uidx.at[j]], urows.at[sl], gsem.at[j]))
            copies.append(pltpu.async_copy(
                ie_hbm.at[iidx.at[j]], irows.at[sl], gsem.at[j]))

        lane = lax.iota(jnp.int32, 16)
        perm = {k: lane ^ k for k in (8, 4, 2, 1)}
        msk = {k: (lane & k) == 0 for k in (8, 4, 2, 1)}

        def bfly(x, k):
            return x + jnp.take_along_axis(x, perm[k], axis=0)

        def block16(blk):
            v = []
            for r in _BITREV:
                b = blk * 16 + r
                a0 = urows[b, pl.ds(0, 16)]
                a1 = urows[b, pl.ds(16, 16)]
                c0 = irows[b, pl.ds(0, 16)]
                c1 = irows[b, pl.ds(16, 16)]
                v.append(bfly(a0 * c0 + a1 * c1, 8))
            for k in (4, 2, 1):
                v = [jnp.where(msk[2 * k], v[2 * t], v[2 * t + 1])
                     for t in range(len(v) // 2)]
                v = [bfly(x, k) for x in v]
            v = jnp.where(msk[1], v[0], v[1])
            outv[pl.ds(blk * 16, 16)] = v

        for j in range(nchunk):
            copies[2 * j].wait()
            copies[2 * j + 1].wait()

            def body(blk, carry):
                block16(j * (CHUNK // 16) + blk)
                return carry

            lax.fori_loop(0, CHUNK // 16, body, 0)

        pltpu.sync_copy(outv, out_hbm.at[pl.ds(base, bpw)])

    return sc_kernel(u3, i3, user_emb, item_emb)

# --- scband reference (transcript-rebuilt; emitter-appended) ---
"""Pipeline reference for scband-product-embedding-model-82772609728602 (READ-ONLY COPY).

The authoritative reference and input builder live on the scoring server;
editing this copy changes nothing except your own understanding.
"""

import jax, jax.numpy as jnp
import numpy as np

N_USERS = 1000000
N_ITEMS = 1000000
DIM = 32
BATCH = 16384

def setup_inputs(seed: int = 0) -> dict:
    key = jax.random.key(seed)
    k1, k2, k3, k4 = jax.random.split(key, 4)
    u = jax.random.randint(k1, (BATCH,), 0, N_USERS, dtype=jnp.int64) if jax.config.jax_enable_x64 else jax.random.randint(k1, (BATCH,), 0, N_USERS, dtype=jnp.int32)
    i = jax.random.randint(k2, (BATCH,), 0, N_ITEMS, dtype=jnp.int64) if jax.config.jax_enable_x64 else jax.random.randint(k2, (BATCH,), 0, N_ITEMS, dtype=jnp.int32)
    user_emb = jax.random.normal(k3, (N_USERS, DIM), dtype=jnp.float32)
    item_emb = jax.random.normal(k4, (N_ITEMS, DIM), dtype=jnp.float32)
    return {"u": u, "i": i, "user_emb": user_emb, "item_emb": item_emb}

def reference(u, i, user_emb, item_emb):
    ue = jnp.take(user_emb, u, axis=0)
    ie = jnp.take(item_emb, i, axis=0)
    return (ue * ie).sum(axis=1)

if __name__ == "__main__":
    import jax
    _d = setup_inputs()
    print(jax.jit(kernel)(*tuple(_d.values())))

</pallas_src>

<mosaic_0001>
#map = affine_map<(d0, d1) -> (0, 0, 0)>
#map1 = affine_map<(d0, d1) -> (0, 0)>
#map2 = affine_map<(d0, d1) -> (0)>
module attributes {stable_mosaic.version = 14 : i64} {
  func.func @sc_kernel(%arg0: i32, %arg1: i32, %arg2: memref<32x4x128xi32, #tpu.memory_space<hbm>>, %arg3: memref<32x4x128xi32, #tpu.memory_space<hbm>>, %arg4: memref<1000000x32xf32, #tpu.memory_space<hbm>>, %arg5: memref<1000000x32xf32, #tpu.memory_space<hbm>>, %arg6: memref<16384xf32, #tpu.memory_space<hbm>>, %arg7: memref<4x128xi32, #tpu.memory_space<vmem>>, %arg8: memref<4x128xi32, #tpu.memory_space<vmem>>, %arg9: memref<512x32xf32, #tpu.memory_space<vmem>>, %arg10: memref<512x32xf32, #tpu.memory_space<vmem>>, %arg11: memref<512xf32, #tpu.memory_space<vmem>>, %arg12: memref<2x!tpu.dma_semaphore, #tpu.memory_space<semaphore_mem>>, %arg13: memref<4x!tpu.dma_semaphore, #tpu.memory_space<semaphore_mem>>) attributes {dimension_semantics = [#tpu.dimension_semantics<core_parallel>, #tpu.dimension_semantics<subcore_parallel>], iteration_bounds = array<i64: 2, 16>, scalar_prefetch = 0 : i64, scratch_operands = 7 : i64, tpu.core_type = #tpu.core_type<sc_vector_subcore>, window_params = [{transform_indices = #map}, {transform_indices = #map}, {transform_indices = #map1}, {transform_indices = #map1}, {transform_indices = #map2}]} {
    %mul3A = arith.constant 2 : i32
    %mul3A_0 = arith.muli %arg1, %mul3A : i32
    %add3A = arith.addi %mul3A_0, %arg0 : i32
    %mul3A_1 = arith.constant 512 : i32
    %mul3A_2 = arith.muli %add3A, %mul3A_1 : i32
    %dma_start3A = arith.constant 0 : i32
    %dma_start3A_3 = arith.constant 0 : i32
    %dma_start3A_4 = arith.constant 0 : i32
    %dma_start3A_5 = tpu.memref_slice %arg2[%add3A, %dma_start3A_3, %dma_start3A_4] : memref<32x4x128xi32, #tpu.memory_space<hbm>> -> memref<1x4x128xi32, #tpu.memory_space<hbm>>
    %dma_start3A_6 = tpu.memref_squeeze %dma_start3A_5 : memref<1x4x128xi32, #tpu.memory_space<hbm>> -> memref<4x128xi32, #tpu.memory_space<hbm>>
    %dma_start3A_7 = tpu.memref_slice %arg12[%dma_start3A] : memref<2x!tpu.dma_semaphore, #tpu.memory_space<semaphore_mem>> -> memref<1x!tpu.dma_semaphore, #tpu.memory_space<semaphore_mem>>
    %dma_start3A_8 = tpu.memref_squeeze %dma_start3A_7 : memref<1x!tpu.dma_semaphore, #tpu.memory_space<semaphore_mem>> -> memref<!tpu.dma_semaphore, #tpu.memory_space<semaphore_mem>>
    %dma_start3A_9 = arith.constant 0 : i32
    %dma_start3A_10 = arith.constant 0 : i32
    %dma_start3A_11 = tpu.memref_slice %arg2[%add3A, %dma_start3A_9, %dma_start3A_10] : memref<32x4x128xi32, #tpu.memory_space<hbm>> -> memref<1x4x128xi32, #tpu.memory_space<hbm>>
    %dma_start3A_12 = tpu.memref_squeeze %dma_start3A_11 : memref<1x4x128xi32, #tpu.memory_space<hbm>> -> memref<4x128xi32, #tpu.memory_space<hbm>>
    tpu.enqueue_dma source(%dma_start3A_12 : memref<4x128xi32, #tpu.memory_space<hbm>>) target(%arg7 : memref<4x128xi32, #tpu.memory_space<vmem>>) target_semaphore(%dma_start3A_8 : memref<!tpu.dma_semaphore, #tpu.memory_space<semaphore_mem>>)
    %dma_start3A_13 = arith.constant 1 : i32
    %dma_start3A_14 = arith.constant 0 : i32
    %dma_start3A_15 = arith.constant 0 : i32
    %dma_start3A_16 = tpu.memref_slice %arg3[%add3A, %dma_start3A_14, %dma_start3A_15] : memref<32x4x128xi32, #tpu.memory_space<hbm>> -> memref<1x4x128xi32, #tpu.memory_space<hbm>>
    %dma_start3A_17 = tpu.memref_squeeze %dma_start3A_16 : memref<1x4x128xi32, #tpu.memory_space<hbm>> -> memref<4x128xi32, #tpu.memory_space<hbm>>
    %dma_start3A_18 = tpu.memref_slice %arg12[%dma_start3A_13] : memref<2x!tpu.dma_semaphore, #tpu.memory_space<semaphore_mem>> -> memref<1x!tpu.dma_semaphore, #tpu.memory_space<semaphore_mem>>
    %dma_start3A_19 = tpu.memref_squeeze %dma_start3A_18 : memref<1x!tpu.dma_semaphore, #tpu.memory_space<semaphore_mem>> -> memref<!tpu.dma_semaphore, #tpu.memory_space<semaphore_mem>>
    %dma_start3A_20 = arith.constant 0 : i32
    %dma_start3A_21 = arith.constant 0 : i32
    %dma_start3A_22 = tpu.memref_slice %arg3[%add3A, %dma_start3A_20, %dma_start3A_21] : memref<32x4x128xi32, #tpu.memory_space<hbm>> -> memref<1x4x128xi32, #tpu.memory_space<hbm>>
    %dma_start3A_23 = tpu.memref_squeeze %dma_start3A_22 : memref<1x4x128xi32, #tpu.memory_space<hbm>> -> memref<4x128xi32, #tpu.memory_space<hbm>>
    tpu.enqueue_dma source(%dma_start3A_23 : memref<4x128xi32, #tpu.memory_space<hbm>>) target(%arg8 : memref<4x128xi32, #tpu.memory_space<vmem>>) target_semaphore(%dma_start3A_19 : memref<!tpu.dma_semaphore, #tpu.memory_space<semaphore_mem>>)
    %dma_wait3A = arith.constant 0 : i32
    %dma_wait3A_24 = arith.constant 0 : i32
    %dma_wait3A_25 = arith.constant 0 : i32
    %dma_wait3A_26 = tpu.memref_slice %arg2[%add3A, %dma_wait3A_24, %dma_wait3A_25] : memref<32x4x128xi32, #tpu.memory_space<hbm>> -> memref<1x4x128xi32, #tpu.memory_space<hbm>>
    %dma_wait3A_27 = tpu.memref_squeeze %dma_wait3A_26 : memref<1x4x128xi32, #tpu.memory_space<hbm>> -> memref<4x128xi32, #tpu.memory_space<hbm>>
    %dma_wait3A_28 = tpu.memref_slice %arg12[%dma_wait3A] : memref<2x!tpu.dma_semaphore, #tpu.memory_space<semaphore_mem>> -> memref<1x!tpu.dma_semaphore, #tpu.memory_space<semaphore_mem>>
    %dma_wait3A_29 = tpu.memref_squeeze %dma_wait3A_28 : memref<1x!tpu.dma_semaphore, #tpu.memory_space<semaphore_mem>> -> memref<!tpu.dma_semaphore, #tpu.memory_space<semaphore_mem>>
    %dma_wait3A_30 = arith.constant 0 : i32
    %dma_wait3A_31 = arith.constant 0 : i32
    %dma_wait3A_32 = tpu.memref_slice %arg2[%add3A, %dma_wait3A_30, %dma_wait3A_31] : memref<32x4x128xi32, #tpu.memory_space<hbm>> -> memref<1x4x128xi32, #tpu.memory_space<hbm>>
    %dma_wait3A_33 = tpu.memref_squeeze %dma_wait3A_32 : memref<1x4x128xi32, #tpu.memory_space<hbm>> -> memref<4x128xi32, #tpu.memory_space<hbm>>
    tpu.wait_dma2 semaphore(%dma_wait3A_29 : memref<!tpu.dma_semaphore, #tpu.memory_space<semaphore_mem>>) src(%dma_wait3A_33 : memref<4x128xi32, #tpu.memory_space<hbm>>) dst(%arg7 : memref<4x128xi32, #tpu.memory_space<vmem>>)
    %dma_wait3A_34 = arith.constant 1 : i32
    %dma_wait3A_35 = arith.constant 0 : i32
    %dma_wait3A_36 = arith.constant 0 : i32
    %dma_wait3A_37 = tpu.memref_slice %arg3[%add3A, %dma_wait3A_35, %dma_wait3A_36] : memref<32x4x128xi32, #tpu.memory_space<hbm>> -> memref<1x4x128xi32, #tpu.memory_space<hbm>>
    %dma_wait3A_38 = tpu.memref_squeeze %dma_wait3A_37 : memref<1x4x128xi32, #tpu.memory_space<hbm>> -> memref<4x128xi32, #tpu.memory_space<hbm>>
    %dma_wait3A_39 = tpu.memref_slice %arg12[%dma_wait3A_34] : memref<2x!tpu.dma_semaphore, #tpu.memory_space<semaphore_mem>> -> memref<1x!tpu.dma_semaphore, #tpu.memory_space<semaphore_mem>>
    %dma_wait3A_40 = tpu.memref_squeeze %dma_wait3A_39 : memref<1x!tpu.dma_semaphore, #tpu.memory_space<semaphore_mem>> -> memref<!tpu.dma_semaphore, #tpu.memory_space<semaphore_mem>>
    %dma_wait3A_41 = arith.constant 0 : i32
    %dma_wait3A_42 = arith.constant 0 : i32
    %dma_wait3A_43 = tpu.memref_slice %arg3[%add3A, %dma_wait3A_41, %dma_wait3A_42] : memref<32x4x128xi32, #tpu.memory_space<hbm>> -> memref<1x4x128xi32, #tpu.memory_space<hbm>>
    %dma_wait3A_44 = tpu.memref_squeeze %dma_wait3A_43 : memref<1x4x128xi32, #tpu.memory_space<hbm>> -> memref<4x128xi32, #tpu.memory_space<hbm>>
    tpu.wait_dma2 semaphore(%dma_wait3A_40 : memref<!tpu.dma_semaphore, #tpu.memory_space<semaphore_mem>>) src(%dma_wait3A_44 : memref<4x128xi32, #tpu.memory_space<hbm>>) dst(%arg8 : memref<4x128xi32, #tpu.memory_space<vmem>>)
    %dma_start3A_45 = arith.constant 0 : i32
    %dma_start3A_46 = arith.constant 0 : i32
    %dma_start3A_47 = arith.constant 0 : i32
    %dma_start3A_48 = arith.constant 0 : i32
    %dma_start3A_49 = tpu.memref_slice %arg9[%dma_start3A_47, %dma_start3A_48] : memref<512x32xf32, #tpu.memory_space<vmem>> -> memref<128x32xf32, #tpu.memory_space<vmem>>
    %dma_start3A_50 = arith.constant 0 : i32
    %dma_start3A_51 = tpu.memref_slice %arg7[%dma_start3A_45, %dma_start3A_50] : memref<4x128xi32, #tpu.memory_space<vmem>> -> memref<1x128xi32, #tpu.memory_space<vmem>>
    %dma_start3A_52 = tpu.memref_squeeze %dma_start3A_51 : memref<1x128xi32, #tpu.memory_space<vmem>> -> memref<128xi32, #tpu.memory_space<vmem>>
    %dma_start3A_53 = arith.constant 0 : i32
    %dma_start3A_54 = arith.constant 0 : i32
    %dma_start3A_55 = tpu.memref_slice %arg4[%dma_start3A_53, %dma_start3A_54] : memref<1000000x32xf32, #tpu.memory_space<hbm>> -> memref<1000000x32xf32, #tpu.memory_space<hbm>>
    %dma_start3A_56 = tpu.memref_slice %arg13[%dma_start3A_46] : memref<4x!tpu.dma_semaphore, #tpu.memory_space<semaphore_mem>> -> memref<1x!tpu.dma_semaphore, #tpu.memory_space<semaphore_mem>>
    %dma_start3A_57 = tpu.memref_squeeze %dma_start3A_56 : memref<1x!tpu.dma_semaphore, #tpu.memory_space<semaphore_mem>> -> memref<!tpu.dma_semaphore, #tpu.memory_space<semaphore_mem>>
    tpu.enqueue_indirect_dma source(%dma_start3A_55 : memref<1000000x32xf32, #tpu.memory_space<hbm>>) target(%dma_start3A_49 : memref<128x32xf32, #tpu.memory_space<vmem>>) offsets(%dma_start3A_52 : memref<128xi32, #tpu.memory_space<vmem>>) semaphore(%dma_start3A_57 : memref<!tpu.dma_semaphore, #tpu.memory_space<semaphore_mem>>)
    %dma_start3A_58 = arith.constant 0 : i32
    %dma_start3A_59 = arith.constant 0 : i32
    %dma_start3A_60 = arith.constant 0 : i32
    %dma_start3A_61 = arith.constant 0 : i32
    %dma_start3A_62 = tpu.memref_slice %arg10[%dma_start3A_60, %dma_start3A_61] : memref<512x32xf32, #tpu.memory_space<vmem>> -> memref<128x32xf32, #tpu.memory_space<vmem>>
    %dma_start3A_63 = arith.constant 0 : i32
    %dma_start3A_64 = tpu.memref_slice %arg8[%dma_start3A_58, %dma_start3A_63] : memref<4x128xi32, #tpu.memory_space<vmem>> -> memref<1x128xi32, #tpu.memory_space<vmem>>
    %dma_start3A_65 = tpu.memref_squeeze %dma_start3A_64 : memref<1x128xi32, #tpu.memory_space<vmem>> -> memref<128xi32, #tpu.memory_space<vmem>>
    %dma_start3A_66 = arith.constant 0 : i32
    %dma_start3A_67 = arith.constant 0 : i32
    %dma_start3A_68 = tpu.memref_slice %arg5[%dma_start3A_66, %dma_start3A_67] : memref<1000000x32xf32, #tpu.memory_space<hbm>> -> memref<1000000x32xf32, #tpu.memory_space<hbm>>
    %dma_start3A_69 = tpu.memref_slice %arg13[%dma_start3A_59] : memref<4x!tpu.dma_semaphore, #tpu.memory_space<semaphore_mem>> -> memref<1x!tpu.dma_semaphore, #tpu.memory_space<semaphore_mem>>
    %dma_start3A_70 = tpu.memref_squeeze %dma_start3A_69 : memref<1x!tpu.dma_semaphore, #tpu.memory_space<semaphore_mem>> -> memref<!tpu.dma_semaphore, #tpu.memory_space<semaphore_mem>>
    tpu.enqueue_indirect_dma source(%dma_start3A_68 : memref<1000000x32xf32, #tpu.memory_space<hbm>>) target(%dma_start3A_62 : memref<128x32xf32, #tpu.memory_space<vmem>>) offsets(%dma_start3A_65 : memref<128xi32, #tpu.memory_space<vmem>>) semaphore(%dma_start3A_70 : memref<!tpu.dma_semaphore, #tpu.memory_space<semaphore_mem>>)
    %dma_start3A_71 = arith.constant 1 : i32
    %dma_start3A_72 = arith.constant 1 : i32
    %dma_start3A_73 = arith.constant 128 : i32
    %dma_start3A_74 = arith.constant 0 : i32
    %dma_start3A_75 = tpu.memref_slice %arg9[%dma_start3A_73, %dma_start3A_74] : memref<512x32xf32, #tpu.memory_space<vmem>> -> memref<128x32xf32, #tpu.memory_space<vmem>>
    %dma_start3A_76 = arith.constant 0 : i32
    %dma_start3A_77 = tpu.memref_slice %arg7[%dma_start3A_71, %dma_start3A_76] : memref<4x128xi32, #tpu.memory_space<vmem>> -> memref<1x128xi32, #tpu.memory_space<vmem>>
    %dma_start3A_78 = tpu.memref_squeeze %dma_start3A_77 : memref<1x128xi32, #tpu.memory_space<vmem>> -> memref<128xi32, #tpu.memory_space<vmem>>
    %dma_start3A_79 = arith.constant 0 : i32
    %dma_start3A_80 = arith.constant 0 : i32
    %dma_start3A_81 = tpu.memref_slice %arg4[%dma_start3A_79, %dma_start3A_80] : memref<1000000x32xf32, #tpu.memory_space<hbm>> -> memref<1000000x32xf32, #tpu.memory_space<hbm>>
    %dma_start3A_82 = tpu.memref_slice %arg13[%dma_start3A_72] : memref<4x!tpu.dma_semaphore, #tpu.memory_space<semaphore_mem>> -> memref<1x!tpu.dma_semaphore, #tpu.memory_space<semaphore_mem>>
    %dma_start3A_83 = tpu.memref_squeeze %dma_start3A_82 : memref<1x!tpu.dma_semaphore, #tpu.memory_space<semaphore_mem>> -> memref<!tpu.dma_semaphore, #tpu.memory_space<semaphore_mem>>
    tpu.enqueue_indirect_dma source(%dma_start3A_81 : memref<1000000x32xf32, #tpu.memory_space<hbm>>) target(%dma_start3A_75 : memref<128x32xf32, #tpu.memory_space<vmem>>) offsets(%dma_start3A_78 : memref<128xi32, #tpu.memory_space<vmem>>) semaphore(%dma_start3A_83 : memref<!tpu.dma_semaphore, #tpu.memory_space<semaphore_mem>>)
    %dma_start3A_84 = arith.constant 1 : i32
    %dma_start3A_85 = arith.constant 1 : i32
    %dma_start3A_86 = arith.constant 128 : i32
    %dma_start3A_87 = arith.constant 0 : i32
    %dma_start3A_88 = tpu.memref_slice %arg10[%dma_start3A_86, %dma_start3A_87] : memref<512x32xf32, #tpu.memory_space<vmem>> -> memref<128x32xf32, #tpu.memory_space<vmem>>
    %dma_start3A_89 = arith.constant 0 : i32
    %dma_start3A_90 = tpu.memref_slice %arg8[%dma_start3A_84, %dma_start3A_89] : memref<4x128xi32, #tpu.memory_space<vmem>> -> memref<1x128xi32, #tpu.memory_space<vmem>>
    %dma_start3A_91 = tpu.memref_squeeze %dma_start3A_90 : memref<1x128xi32, #tpu.memory_space<vmem>> -> memref<128xi32, #tpu.memory_space<vmem>>
    %dma_start3A_92 = arith.constant 0 : i32
    %dma_start3A_93 = arith.constant 0 : i32
    %dma_start3A_94 = tpu.memref_slice %arg5[%dma_start3A_92, %dma_start3A_93] : memref<1000000x32xf32, #tpu.memory_space<hbm>> -> memref<1000000x32xf32, #tpu.memory_space<hbm>>
    %dma_start3A_95 = tpu.memref_slice %arg13[%dma_start3A_85] : memref<4x!tpu.dma_semaphore, #tpu.memory_space<semaphore_mem>> -> memref<1x!tpu.dma_semaphore, #tpu.memory_space<semaphore_mem>>
    %dma_start3A_96 = tpu.memref_squeeze %dma_start3A_95 : memref<1x!tpu.dma_semaphore, #tpu.memory_space<semaphore_mem>> -> memref<!tpu.dma_semaphore, #tpu.memory_space<semaphore_mem>>
    tpu.enqueue_indirect_dma source(%dma_start3A_94 : memref<1000000x32xf32, #tpu.memory_space<hbm>>) target(%dma_start3A_88 : memref<128x32xf32, #tpu.memory_space<vmem>>) offsets(%dma_start3A_91 : memref<128xi32, #tpu.memory_space<vmem>>) semaphore(%dma_start3A_96 : memref<!tpu.dma_semaphore, #tpu.memory_space<semaphore_mem>>)
    %dma_start3A_97 = arith.constant 2 : i32
    %dma_start3A_98 = arith.constant 2 : i32
    %dma_start3A_99 = arith.constant 256 : i32
    %dma_start3A_100 = arith.constant 0 : i32
    %dma_start3A_101 = tpu.memref_slice %arg9[%dma_start3A_99, %dma_start3A_100] : memref<512x32xf32, #tpu.memory_space<vmem>> -> memref<128x32xf32, #tpu.memory_space<vmem>>
    %dma_start3A_102 = arith.constant 0 : i32
    %dma_start3A_103 = tpu.memref_slice %arg7[%dma_start3A_97, %dma_start3A_102] : memref<4x128xi32, #tpu.memory_space<vmem>> -> memref<1x128xi32, #tpu.memory_space<vmem>>
    %dma_start3A_104 = tpu.memref_squeeze %dma_start3A_103 : memref<1x128xi32, #tpu.memory_space<vmem>> -> memref<128xi32, #tpu.memory_space<vmem>>
    %dma_start3A_105 = arith.constant 0 : i32
    %dma_start3A_106 = arith.constant 0 : i32
    %dma_start3A_107 = tpu.memref_slice %arg4[%dma_start3A_105, %dma_start3A_106] : memref<1000000x32xf32, #tpu.memory_space<hbm>> -> memref<1000000x32xf32, #tpu.memory_space<hbm>>
    %dma_start3A_108 = tpu.memref_slice %arg13[%dma_start3A_98] : memref<4x!tpu.dma_semaphore, #tpu.memory_space<semaphore_mem>> -> memref<1x!tpu.dma_semaphore, #tpu.memory_space<semaphore_mem>>
    %dma_start3A_109 = tpu.memref_squeeze %dma_start3A_108 : memref<1x!tpu.dma_semaphore, #tpu.memory_space<semaphore_mem>> -> memref<!tpu.dma_semaphore, #tpu.memory_space<semaphore_mem>>
    tpu.enqueue_indirect_dma source(%dma_start3A_107 : memref<1000000x32xf32, #tpu.memory_space<hbm>>) target(%dma_start3A_101 : memref<128x32xf32, #tpu.memory_space<vmem>>) offsets(%dma_start3A_104 : memref<128xi32, #tpu.memory_space<vmem>>) semaphore(%dma_start3A_109 : memref<!tpu.dma_semaphore, #tpu.memory_space<semaphore_mem>>)
    %dma_start3A_110 = arith.constant 2 : i32
    %dma_start3A_111 = arith.constant 2 : i32
    %dma_start3A_112 = arith.constant 256 : i32
    %dma_start3A_113 = arith.constant 0 : i32
    %dma_start3A_114 = tpu.memref_slice %arg10[%dma_start3A_112, %dma_start3A_113] : memref<512x32xf32, #tpu.memory_space<vmem>> -> memref<128x32xf32, #tpu.memory_space<vmem>>
    %dma_start3A_115 = arith.constant 0 : i32
    %dma_start3A_116 = tpu.memref_slice %arg8[%dma_start3A_110, %dma_start3A_115] : memref<4x128xi32, #tpu.memory_space<vmem>> -> memref<1x128xi32, #tpu.memory_space<vmem>>
    %dma_start3A_117 = tpu.memref_squeeze %dma_start3A_116 : memref<1x128xi32, #tpu.memory_space<vmem>> -> memref<128xi32, #tpu.memory_space<vmem>>
    %dma_start3A_118 = arith.constant 0 : i32
    %dma_start3A_119 = arith.constant 0 : i32
    %dma_start3A_120 = tpu.memref_slice %arg5[%dma_start3A_118, %dma_start3A_119] : memref<1000000x32xf32, #tpu.memory_space<hbm>> -> memref<1000000x32xf32, #tpu.memory_space<hbm>>
    %dma_start3A_121 = tpu.memref_slice %arg13[%dma_start3A_111] : memref<4x!tpu.dma_semaphore, #tpu.memory_space<semaphore_mem>> -> memref<1x!tpu.dma_semaphore, #tpu.memory_space<semaphore_mem>>
    %dma_start3A_122 = tpu.memref_squeeze %dma_start3A_121 : memref<1x!tpu.dma_semaphore, #tpu.memory_space<semaphore_mem>> -> memref<!tpu.dma_semaphore, #tpu.memory_space<semaphore_mem>>
    tpu.enqueue_indirect_dma source(%dma_start3A_120 : memref<1000000x32xf32, #tpu.memory_space<hbm>>) target(%dma_start3A_114 : memref<128x32xf32, #tpu.memory_space<vmem>>) offsets(%dma_start3A_117 : memref<128xi32, #tpu.memory_space<vmem>>) semaphore(%dma_start3A_122 : memref<!tpu.dma_semaphore, #tpu.memory_space<semaphore_mem>>)
    %dma_start3A_123 = arith.constant 3 : i32
    %dma_start3A_124 = arith.constant 3 : i32
    %dma_start3A_125 = arith.constant 384 : i32
    %dma_start3A_126 = arith.constant 0 : i32
    %dma_start3A_127 = tpu.memref_slice %arg9[%dma_start3A_125, %dma_start3A_126] : memref<512x32xf32, #tpu.memory_space<vmem>> -> memref<128x32xf32, #tpu.memory_space<vmem>>
    %dma_start3A_128 = arith.constant 0 : i32
    %dma_start3A_129 = tpu.memref_slice %arg7[%dma_start3A_123, %dma_start3A_128] : memref<4x128xi32, #tpu.memory_space<vmem>> -> memref<1x128xi32, #tpu.memory_space<vmem>>
    %dma_start3A_130 = tpu.memref_squeeze %dma_start3A_129 : memref<1x128xi32, #tpu.memory_space<vmem>> -> memref<128xi32, #tpu.memory_space<vmem>>
    %dma_start3A_131 = arith.constant 0 : i32
    %dma_start3A_132 = arith.constant 0 : i32
    %dma_start3A_133 = tpu.memref_slice %arg4[%dma_start3A_131, %dma_start3A_132] : memref<1000000x32xf32, #tpu.memory_space<hbm>> -> memref<1000000x32xf32, #tpu.memory_space<hbm>>
    %dma_start3A_134 = tpu.memref_slice %arg13[%dma_start3A_124] : memref<4x!tpu.dma_semaphore, #tpu.memory_space<semaphore_mem>> -> memref<1x!tpu.dma_semaphore, #tpu.memory_space<semaphore_mem>>
    %dma_start3A_135 = tpu.memref_squeeze %dma_start3A_134 : memref<1x!tpu.dma_semaphore, #tpu.memory_space<semaphore_mem>> -> memref<!tpu.dma_semaphore, #tpu.memory_space<semaphore_mem>>
    tpu.enqueue_indirect_dma source(%dma_start3A_133 : memref<1000000x32xf32, #tpu.memory_space<hbm>>) target(%dma_start3A_127 : memref<128x32xf32, #tpu.memory_space<vmem>>) offsets(%dma_start3A_130 : memref<128xi32, #tpu.memory_space<vmem>>) semaphore(%dma_start3A_135 : memref<!tpu.dma_semaphore, #tpu.memory_space<semaphore_mem>>)
    %dma_start3A_136 = arith.constant 3 : i32
    %dma_start3A_137 = arith.constant 3 : i32
    %dma_start3A_138 = arith.constant 384 : i32
    %dma_start3A_139 = arith.constant 0 : i32
    %dma_start3A_140 = tpu.memref_slice %arg10[%dma_start3A_138, %dma_start3A_139] : memref<512x32xf32, #tpu.memory_space<vmem>> -> memref<128x32xf32, #tpu.memory_space<vmem>>
    %dma_start3A_141 = arith.constant 0 : i32
    %dma_start3A_142 = tpu.memref_slice %arg8[%dma_start3A_136, %dma_start3A_141] : memref<4x128xi32, #tpu.memory_space<vmem>> -> memref<1x128xi32, #tpu.memory_space<vmem>>
    %dma_start3A_143 = tpu.memref_squeeze %dma_start3A_142 : memref<1x128xi32, #tpu.memory_space<vmem>> -> memref<128xi32, #tpu.memory_space<vmem>>
    %dma_start3A_144 = arith.constant 0 : i32
    %dma_start3A_145 = arith.constant 0 : i32
    %dma_start3A_146 = tpu.memref_slice %arg5[%dma_start3A_144, %dma_start3A_145] : memref<1000000x32xf32, #tpu.memory_space<hbm>> -> memref<1000000x32xf32, #tpu.memory_space<hbm>>
    %dma_start3A_147 = tpu.memref_slice %arg13[%dma_start3A_137] : memref<4x!tpu.dma_semaphore, #tpu.memory_space<semaphore_mem>> -> memref<1x!tpu.dma_semaphore, #tpu.memory_space<semaphore_mem>>
    %dma_start3A_148 = tpu.memref_squeeze %dma_start3A_147 : memref<1x!tpu.dma_semaphore, #tpu.memory_space<semaphore_mem>> -> memref<!tpu.dma_semaphore, #tpu.memory_space<semaphore_mem>>
    tpu.enqueue_indirect_dma source(%dma_start3A_146 : memref<1000000x32xf32, #tpu.memory_space<hbm>>) target(%dma_start3A_140 : memref<128x32xf32, #tpu.memory_space<vmem>>) offsets(%dma_start3A_143 : memref<128xi32, #tpu.memory_space<vmem>>) semaphore(%dma_start3A_148 : memref<!tpu.dma_semaphore, #tpu.memory_space<semaphore_mem>>)
    %iota3A = tpu.iota {dimensions = array<i32: 0>} : vector<16xi32>
    %xor3A = arith.constant 8 : i32
    %xor3A_149 = vector.broadcast %xor3A : i32 to vector<16xi32>
    %xor3A_150 = arith.xori %iota3A, %xor3A_149 : vector<16xi32>
    %xor3A_151 = arith.constant 4 : i32
    %xor3A_152 = vector.broadcast %xor3A_151 : i32 to vector<16xi32>
    %xor3A_153 = arith.xori %iota3A, %xor3A_152 : vector<16xi32>
    %xor3A_154 = arith.constant 2 : i32
    %xor3A_155 = vector.broadcast %xor3A_154 : i32 to vector<16xi32>
    %xor3A_156 = arith.xori %iota3A, %xor3A_155 : vector<16xi32>
    %xor3A_157 = arith.constant 1 : i32
    %xor3A_158 = vector.broadcast %xor3A_157 : i32 to vector<16xi32>
    %xor3A_159 = arith.xori %iota3A, %xor3A_158 : vector<16xi32>
    %and3A = arith.constant 8 : i32
    %and3A_160 = vector.broadcast %and3A : i32 to vector<16xi32>
    %and3A_161 = arith.andi %iota3A, %and3A_160 : vector<16xi32>
    %eq3A = arith.constant 0 : i32
    %eq3A_162 = vector.broadcast %eq3A : i32 to vector<16xi32>
    %eq3A_163 = arith.cmpi eq, %and3A_161, %eq3A_162 : vector<16xi32>
    %and3A_164 = arith.constant 4 : i32
    %and3A_165 = vector.broadcast %and3A_164 : i32 to vector<16xi32>
    %and3A_166 = arith.andi %iota3A, %and3A_165 : vector<16xi32>
    %eq3A_167 = arith.constant 0 : i32
    %eq3A_168 = vector.broadcast %eq3A_167 : i32 to vector<16xi32>
    %eq3A_169 = arith.cmpi eq, %and3A_166, %eq3A_168 : vector<16xi32>
    %and3A_170 = arith.constant 2 : i32
    %and3A_171 = vector.broadcast %and3A_170 : i32 to vector<16xi32>
    %and3A_172 = arith.andi %iota3A, %and3A_171 : vector<16xi32>
    %eq3A_173 = arith.constant 0 : i32
    %eq3A_174 = vector.broadcast %eq3A_173 : i32 to vector<16xi32>
    %eq3A_175 = arith.cmpi eq, %and3A_172, %eq3A_174 : vector<16xi32>
    %and3A_176 = arith.constant 1 : i32
    %and3A_177 = vector.broadcast %and3A_176 : i32 to vector<16xi32>
    %and3A_178 = arith.andi %iota3A, %and3A_177 : vector<16xi32>
    %eq3A_179 = arith.constant 0 : i32
    %eq3A_180 = vector.broadcast %eq3A_179 : i32 to vector<16xi32>
    %eq3A_181 = arith.cmpi eq, %and3A_178, %eq3A_180 : vector<16xi32>
    %dma_wait3A_182 = arith.constant 0 : i32
    %dma_wait3A_183 = arith.constant 0 : i32
    %dma_wait3A_184 = arith.constant 0 : i32
    %dma_wait3A_185 = arith.constant 0 : i32
    %dma_wait3A_186 = tpu.memref_slice %arg9[%dma_wait3A_184, %dma_wait3A_185] : memref<512x32xf32, #tpu.memory_space<vmem>> -> memref<128x32xf32, #tpu.memory_space<vmem>>
    %dma_wait3A_187 = arith.constant 0 : i32
    %dma_wait3A_188 = tpu.memref_slice %arg7[%dma_wait3A_182, %dma_wait3A_187] : memref<4x128xi32, #tpu.memory_space<vmem>> -> memref<1x128xi32, #tpu.memory_space<vmem>>
    %dma_wait3A_189 = tpu.memref_squeeze %dma_wait3A_188 : memref<1x128xi32, #tpu.memory_space<vmem>> -> memref<128xi32, #tpu.memory_space<vmem>>
    %dma_wait3A_190 = arith.constant 0 : i32
    %dma_wait3A_191 = arith.constant 0 : i32
    %dma_wait3A_192 = tpu.memref_slice %arg4[%dma_wait3A_190, %dma_wait3A_191] : memref<1000000x32xf32, #tpu.memory_space<hbm>> -> memref<1000000x32xf32, #tpu.memory_space<hbm>>
    %dma_wait3A_193 = tpu.memref_slice %arg13[%dma_wait3A_183] : memref<4x!tpu.dma_semaphore, #tpu.memory_space<semaphore_mem>> -> memref<1x!tpu.dma_semaphore, #tpu.memory_space<semaphore_mem>>
    %dma_wait3A_194 = tpu.memref_squeeze %dma_wait3A_193 : memref<1x!tpu.dma_semaphore, #tpu.memory_space<semaphore_mem>> -> memref<!tpu.dma_semaphore, #tpu.memory_space<semaphore_mem>>
    tpu.wait_indirect_dma semaphore(%dma_wait3A_194 : memref<!tpu.dma_semaphore, #tpu.memory_space<semaphore_mem>>) src(%dma_wait3A_192 : memref<1000000x32xf32, #tpu.memory_space<hbm>>) dst(%dma_wait3A_186 : memref<128x32xf32, #tpu.memory_space<vmem>>)
    %dma_wait3A_195 = arith.constant 0 : i32
    %dma_wait3A_196 = arith.constant 0 : i32
    %dma_wait3A_197 = arith.constant 0 : i32
    %dma_wait3A_198 = arith.constant 0 : i32
    %dma_wait3A_199 = tpu.memref_slice %arg10[%dma_wait3A_197, %dma_wait3A_198] : memref<512x32xf32, #tpu.memory_space<vmem>> -> memref<128x32xf32, #tpu.memory_space<vmem>>
    %dma_wait3A_200 = arith.constant 0 : i32
    %dma_wait3A_201 = tpu.memref_slice %arg8[%dma_wait3A_195, %dma_wait3A_200] : memref<4x128xi32, #tpu.memory_space<vmem>> -> memref<1x128xi32, #tpu.memory_space<vmem>>
    %dma_wait3A_202 = tpu.memref_squeeze %dma_wait3A_201 : memref<1x128xi32, #tpu.memory_space<vmem>> -> memref<128xi32, #tpu.memory_space<vmem>>
    %dma_wait3A_203 = arith.constant 0 : i32
    %dma_wait3A_204 = arith.constant 0 : i32
    %dma_wait3A_205 = tpu.memref_slice %arg5[%dma_wait3A_203, %dma_wait3A_204] : memref<1000000x32xf32, #tpu.memory_space<hbm>> -> memref<1000000x32xf32, #tpu.memory_space<hbm>>
    %dma_wait3A_206 = tpu.memref_slice %arg13[%dma_wait3A_196] : memref<4x!tpu.dma_semaphore, #tpu.memory_space<semaphore_mem>> -> memref<1x!tpu.dma_semaphore, #tpu.memory_space<semaphore_mem>>
    %dma_wait3A_207 = tpu.memref_squeeze %dma_wait3A_206 : memref<1x!tpu.dma_semaphore, #tpu.memory_space<semaphore_mem>> -> memref<!tpu.dma_semaphore, #tpu.memory_space<semaphore_mem>>
    tpu.wait_indirect_dma semaphore(%dma_wait3A_207 : memref<!tpu.dma_semaphore, #tpu.memory_space<semaphore_mem>>) src(%dma_wait3A_205 : memref<1000000x32xf32, #tpu.memory_space<hbm>>) dst(%dma_wait3A_199 : memref<128x32xf32, #tpu.memory_space<vmem>>)
    %scan3A = arith.constant 0 : i32
    %scan3A_208 = arith.constant 0 : i32
    %scan3A_209 = arith.constant 8 : i32
    %scan3A_210 = arith.addi %scan3A_208, %scan3A_209 : i32
    %scan3A_211 = arith.constant 1 : i32
    scf.for %scan3A_309 = %scan3A_208 to %scan3A_210 step %scan3A_211  : i32 {
      %add3A_310 = arith.constant 0 : i32
      %add3A_311 = arith.addi %add3A_310, %scan3A_309 : i32
      %mul3A_312 = arith.constant 16 : i32
      %mul3A_313 = arith.muli %add3A_311, %mul3A_312 : i32
      %add3A_314 = arith.constant 0 : i32
      %add3A_315 = arith.addi %mul3A_313, %add3A_314 : i32
      %get3A = arith.index_cast %add3A_315 : i32 to index
      %get3A_316 = arith.constant 0 : index
      %get3A_317 = tpu.vector_load %arg9[%get3A, %get3A_316] {strides = array<i32>} : memref<512x32xf32, #tpu.memory_space<vmem>>, vector<1x16xf32>,
      %get3A_318 = vector.shape_cast %get3A_317 : vector<1x16xf32> to vector<16xf32>
      %get3A_319 = arith.index_cast %add3A_315 : i32 to index
      %get3A_320 = arith.constant 16 : index
      %get3A_321 = tpu.vector_load %arg9[%get3A_319, %get3A_320] {strides = array<i32>} : memref<512x32xf32, #tpu.memory_space<vmem>>, vector<1x16xf32>,
      %get3A_322 = vector.shape_cast %get3A_321 : vector<1x16xf32> to vector<16xf32>
      %get3A_323 = arith.index_cast %add3A_315 : i32 to index
      %get3A_324 = arith.constant 0 : index
      %get3A_325 = tpu.vector_load %arg10[%get3A_323, %get3A_324] {strides = array<i32>} : memref<512x32xf32, #tpu.memory_space<vmem>>, vector<1x16xf32>,
      %get3A_326 = vector.shape_cast %get3A_325 : vector<1x16xf32> to vector<16xf32>
      %get3A_327 = arith.index_cast %add3A_315 : i32 to index
      %get3A_328 = arith.constant 16 : index
      %get3A_329 = tpu.vector_load %arg10[%get3A_327, %get3A_328] {strides = array<i32>} : memref<512x32xf32, #tpu.memory_space<vmem>>, vector<1x16xf32>,
      %get3A_330 = vector.shape_cast %get3A_329 : vector<1x16xf32> to vector<16xf32>
      %mul3A_331 = arith.mulf %get3A_318, %get3A_326 : vector<16xf32>
      %mul3A_332 = arith.mulf %get3A_322, %get3A_330 : vector<16xf32>
      %add3A_333 = arith.addf %mul3A_331, %mul3A_332 : vector<16xf32>
      %lt3A = arith.constant 0 : i32
      %lt3A_334 = vector.broadcast %lt3A : i32 to vector<16xi32>
      %lt3A_335 = arith.cmpi slt, %xor3A_150, %lt3A_334 : vector<16xi32>
      %add3A_336 = arith.constant 16 : i32
      %add3A_337 = vector.broadcast %add3A_336 : i32 to vector<16xi32>
      %add3A_338 = arith.addi %xor3A_150, %add3A_337 : vector<16xi32>
      %select_n3A = arith.select %lt3A_335, %add3A_338, %xor3A_150 : vector<16xi1>, vector<16xi32>
      %reshape3A = vector.shape_cast %select_n3A : vector<16xi32> to vector<16x1xi32>
      %gather3A = vector.shape_cast %reshape3A : vector<16x1xi32> to vector<16xi32>
      %gather3A_339 = tpu.dynamic_gather %add3A_333[%gather3A] in [0] : vector<16xf32>, vector<16xi32> -> vector<16xf32>
      %add3A_340 = arith.addf %add3A_333, %gather3A_339 : vector<16xf32>
      %mul3A_341 = arith.constant 16 : i32
      %mul3A_342 = arith.muli %add3A_311, %mul3A_341 : i32
      %add3A_343 = arith.constant 8 : i32
      %add3A_344 = arith.addi %mul3A_342, %add3A_343 : i32
      %get3A_345 = arith.index_cast %add3A_344 : i32 to index
      %get3A_346 = arith.constant 0 : index
      %get3A_347 = tpu.vector_load %arg9[%get3A_345, %get3A_346] {strides = array<i32>} : memref<512x32xf32, #tpu.memory_space<vmem>>, vector<1x16xf32>,
      %get3A_348 = vector.shape_cast %get3A_347 : vector<1x16xf32> to vector<16xf32>
      %get3A_349 = arith.index_cast %add3A_344 : i32 to index
      %get3A_350 = arith.constant 16 : index
      %get3A_351 = tpu.vector_load %arg9[%get3A_349, %get3A_350] {strides = array<i32>} : memref<512x32xf32, #tpu.memory_space<vmem>>, vector<1x16xf32>,
      %get3A_352 = vector.shape_cast %get3A_351 : vector<1x16xf32> to vector<16xf32>
      %get3A_353 = arith.index_cast %add3A_344 : i32 to index
      %get3A_354 = arith.constant 0 : index
      %get3A_355 = tpu.vector_load %arg10[%get3A_353, %get3A_354] {strides = array<i32>} : memref<512x32xf32, #tpu.memory_space<vmem>>, vector<1x16xf32>,
      %get3A_356 = vector.shape_cast %get3A_355 : vector<1x16xf32> to vector<16xf32>
      %get3A_357 = arith.index_cast %add3A_344 : i32 to index
      %get3A_358 = arith.constant 16 : index
      %get3A_359 = tpu.vector_load %arg10[%get3A_357, %get3A_358] {strides = array<i32>} : memref<512x32xf32, #tpu.memory_space<vmem>>, vector<1x16xf32>,
      %get3A_360 = vector.shape_cast %get3A_359 : vector<1x16xf32> to vector<16xf32>
      %mul3A_361 = arith.mulf %get3A_348, %get3A_356 : vector<16xf32>
      %mul3A_362 = arith.mulf %get3A_352, %get3A_360 : vector<16xf32>
      %add3A_363 = arith.addf %mul3A_361, %mul3A_362 : vector<16xf32>
      %lt3A_364 = arith.constant 0 : i32
      %lt3A_365 = vector.broadcast %lt3A_364 : i32 to vector<16xi32>
      %lt3A_366 = arith.cmpi slt, %xor3A_150, %lt3A_365 : vector<16xi32>
      %add3A_367 = arith.constant 16 : i32
      %add3A_368 = vector.broadcast %add3A_367 : i32 to vector<16xi32>
      %add3A_369 = arith.addi %xor3A_150, %add3A_368 : vector<16xi32>
      %select_n3A_370 = arith.select %lt3A_366, %add3A_369, %xor3A_150 : vector<16xi1>, vector<16xi32>
      %reshape3A_371 = vector.shape_cast %select_n3A_370 : vector<16xi32> to vector<16x1xi32>
      %gather3A_372 = vector.shape_cast %reshape3A_371 : vector<16x1xi32> to vector<16xi32>
      %gather3A_373 = tpu.dynamic_gather %add3A_363[%gather3A_372] in [0] : vector<16xf32>, vector<16xi32> -> vector<16xf32>
      %add3A_374 = arith.addf %add3A_363, %gather3A_373 : vector<16xf32>
      %mul3A_375 = arith.constant 16 : i32
      %mul3A_376 = arith.muli %add3A_311, %mul3A_375 : i32
      %add3A_377 = arith.constant 4 : i32
      %add3A_378 = arith.addi %mul3A_376, %add3A_377 : i32
      %get3A_379 = arith.index_cast %add3A_378 : i32 to index
      %get3A_380 = arith.constant 0 : index
      %get3A_381 = tpu.vector_load %arg9[%get3A_379, %get3A_380] {strides = array<i32>} : memref<512x32xf32, #tpu.memory_space<vmem>>, vector<1x16xf32>,
      %get3A_382 = vector.shape_cast %get3A_381 : vector<1x16xf32> to vector<16xf32>
      %get3A_383 = arith.index_cast %add3A_378 : i32 to index
      %get3A_384 = arith.constant 16 : index
      %get3A_385 = tpu.vector_load %arg9[%get3A_383, %get3A_384] {strides = array<i32>} : memref<512x32xf32, #tpu.memory_space<vmem>>, vector<1x16xf32>,
      %get3A_386 = vector.shape_cast %get3A_385 : vector<1x16xf32> to vector<16xf32>
      %get3A_387 = arith.index_cast %add3A_378 : i32 to index
      %get3A_388 = arith.constant 0 : index
      %get3A_389 = tpu.vector_load %arg10[%get3A_387, %get3A_388] {strides = array<i32>} : memref<512x32xf32, #tpu.memory_space<vmem>>, vector<1x16xf32>,
      %get3A_390 = vector.shape_cast %get3A_389 : vector<1x16xf32> to vector<16xf32>
      %get3A_391 = arith.index_cast %add3A_378 : i32 to index
      %get3A_392 = arith.constant 16 : index
      %get3A_393 = tpu.vector_load %arg10[%get3A_391, %get3A_392] {strides = array<i32>} : memref<512x32xf32, #tpu.memory_space<vmem>>, vector<1x16xf32>,
      %get3A_394 = vector.shape_cast %get3A_393 : vector<1x16xf32> to vector<16xf32>
      %mul3A_395 = arith.mulf %get3A_382, %get3A_390 : vector<16xf32>
      %mul3A_396 = arith.mulf %get3A_386, %get3A_394 : vector<16xf32>
      %add3A_397 = arith.addf %mul3A_395, %mul3A_396 : vector<16xf32>
      %lt3A_398 = arith.constant 0 : i32
      %lt3A_399 = vector.broadcast %lt3A_398 : i32 to vector<16xi32>
      %lt3A_400 = arith.cmpi slt, %xor3A_150, %lt3A_399 : vector<16xi32>
      %add3A_401 = arith.constant 16 : i32
      %add3A_402 = vector.broadcast %add3A_401 : i32 to vector<16xi32>
      %add3A_403 = arith.addi %xor3A_150, %add3A_402 : vector<16xi32>
      %select_n3A_404 = arith.select %lt3A_400, %add3A_403, %xor3A_150 : vector<16xi1>, vector<16xi32>
      %reshape3A_405 = vector.shape_cast %select_n3A_404 : vector<16xi32> to vector<16x1xi32>
      %gather3A_406 = vector.shape_cast %reshape3A_405 : vector<16x1xi32> to vector<16xi32>
      %gather3A_407 = tpu.dynamic_gather %add3A_397[%gather3A_406] in [0] : vector<16xf32>, vector<16xi32> -> vector<16xf32>
      %add3A_408 = arith.addf %add3A_397, %gather3A_407 : vector<16xf32>
      %mul3A_409 = arith.constant 16 : i32
      %mul3A_410 = arith.muli %add3A_311, %mul3A_409 : i32
      %add3A_411 = arith.constant 12 : i32
      %add3A_412 = arith.addi %mul3A_410, %add3A_411 : i32
      %get3A_413 = arith.index_cast %add3A_412 : i32 to index
      %get3A_414 = arith.constant 0 : index
      %get3A_415 = tpu.vector_load %arg9[%get3A_413, %get3A_414] {strides = array<i32>} : memref<512x32xf32, #tpu.memory_space<vmem>>, vector<1x16xf32>,
      %get3A_416 = vector.shape_cast %get3A_415 : vector<1x16xf32> to vector<16xf32>
      %get3A_417 = arith.index_cast %add3A_412 : i32 to index
      %get3A_418 = arith.constant 16 : index
      %get3A_419 = tpu.vector_load %arg9[%get3A_417, %get3A_418] {strides = array<i32>} : memref<512x32xf32, #tpu.memory_space<vmem>>, vector<1x16xf32>,
      %get3A_420 = vector.shape_cast %get3A_419 : vector<1x16xf32> to vector<16xf32>
      %get3A_421 = arith.index_cast %add3A_412 : i32 to index
      %get3A_422 = arith.constant 0 : index
      %get3A_423 = tpu.vector_load %arg10[%get3A_421, %get3A_422] {strides = array<i32>} : memref<512x32xf32, #tpu.memory_space<vmem>>, vector<1x16xf32>,
      %get3A_424 = vector.shape_cast %get3A_423 : vector<1x16xf32> to vector<16xf32>
      %get3A_425 = arith.index_cast %add3A_412 : i32 to index
      %get3A_426 = arith.constant 16 : index
      %get3A_427 = tpu.vector_load %arg10[%get3A_425, %get3A_426] {strides = array<i32>} : memref<512x32xf32, #tpu.memory_space<vmem>>, vector<1x16xf32>,
      %get3A_428 = vector.shape_cast %get3A_427 : vector<1x16xf32> to vector<16xf32>
      %mul3A_429 = arith.mulf %get3A_416, %get3A_424 : vector<16xf32>
      %mul3A_430 = arith.mulf %get3A_420, %get3A_428 : vector<16xf32>
      %add3A_431 = arith.addf %mul3A_429, %mul3A_430 : vector<16xf32>
      %lt3A_432 = arith.constant 0 : i32
      %lt3A_433 = vector.broadcast %lt3A_432 : i32 to vector<16xi32>
      %lt3A_434 = arith.cmpi slt, %xor3A_150, %lt3A_433 : vector<16xi32>
      %add3A_435 = arith.constant 16 : i32
      %add3A_436 = vector.broadcast %add3A_435 : i32 to vector<16xi32>
      %add3A_437 = arith.addi %xor3A_150, %add3A_436 : vector<16xi32>
      %select_n3A_438 = arith.select %lt3A_434, %add3A_437, %xor3A_150 : vector<16xi1>, vector<16xi32>
      %reshape3A_439 = vector.shape_cast %select_n3A_438 : vector<16xi32> to vector<16x1xi32>
      %gather3A_440 = vector.shape_cast %reshape3A_439 : vector<16x1xi32> to vector<16xi32>
      %gather3A_441 = tpu.dynamic_gather %add3A_431[%gather3A_440] in [0] : vector<16xf32>, vector<16xi32> -> vector<16xf32>
      %add3A_442 = arith.addf %add3A_431, %gather3A_441 : vector<16xf32>
      %mul3A_443 = arith.constant 16 : i32
      %mul3A_444 = arith.muli %add3A_311, %mul3A_443 : i32
      %add3A_445 = arith.constant 2 : i32
      %add3A_446 = arith.addi %mul3A_444, %add3A_445 : i32
      %get3A_447 = arith.index_cast %add3A_446 : i32 to index
      %get3A_448 = arith.constant 0 : index
      %get3A_449 = tpu.vector_load %arg9[%get3A_447, %get3A_448] {strides = array<i32>} : memref<512x32xf32, #tpu.memory_space<vmem>>, vector<1x16xf32>,
      %get3A_450 = vector.shape_cast %get3A_449 : vector<1x16xf32> to vector<16xf32>
      %get3A_451 = arith.index_cast %add3A_446 : i32 to index
      %get3A_452 = arith.constant 16 : index
      %get3A_453 = tpu.vector_load %arg9[%get3A_451, %get3A_452] {strides = array<i32>} : memref<512x32xf32, #tpu.memory_space<vmem>>, vector<1x16xf32>,
      %get3A_454 = vector.shape_cast %get3A_453 : vector<1x16xf32> to vector<16xf32>
      %get3A_455 = arith.index_cast %add3A_446 : i32 to index
      %get3A_456 = arith.constant 0 : index
      %get3A_457 = tpu.vector_load %arg10[%get3A_455, %get3A_456] {strides = array<i32>} : memref<512x32xf32, #tpu.memory_space<vmem>>, vector<1x16xf32>,
      %get3A_458 = vector.shape_cast %get3A_457 : vector<1x16xf32> to vector<16xf32>
      %get3A_459 = arith.index_cast %add3A_446 : i32 to index
      %get3A_460 = arith.constant 16 : index
      %get3A_461 = tpu.vector_load %arg10[%get3A_459, %get3A_460] {strides = array<i32>} : memref<512x32xf32, #tpu.memory_space<vmem>>, vector<1x16xf32>,
      %get3A_462 = vector.shape_cast %get3A_461 : vector<1x16xf32> to vector<16xf32>
      %mul3A_463 = arith.mulf %get3A_450, %get3A_458 : vector<16xf32>
      %mul3A_464 = arith.mulf %get3A_454, %get3A_462 : vector<16xf32>
      %add3A_465 = arith.addf %mul3A_463, %mul3A_464 : vector<16xf32>
      %lt3A_466 = arith.constant 0 : i32
      %lt3A_467 = vector.broadcast %lt3A_466 : i32 to vector<16xi32>
      %lt3A_468 = arith.cmpi slt, %xor3A_150, %lt3A_467 : vector<16xi32>
      %add3A_469 = arith.constant 16 : i32
      %add3A_470 = vector.broadcast %add3A_469 : i32 to vector<16xi32>
      %add3A_471 = arith.addi %xor3A_150, %add3A_470 : vector<16xi32>
      %select_n3A_472 = arith.select %lt3A_468, %add3A_471, %xor3A_150 : vector<16xi1>, vector<16xi32>
      %reshape3A_473 = vector.shape_cast %select_n3A_472 : vector<16xi32> to vector<16x1xi32>
      %gather3A_474 = vector.shape_cast %reshape3A_473 : vector<16x1xi32> to vector<16xi32>
      %gather3A_475 = tpu.dynamic_gather %add3A_465[%gather3A_474] in [0] : vector<16xf32>, vector<16xi32> -> vector<16xf32>
      %add3A_476 = arith.addf %add3A_465, %gather3A_475 : vector<16xf32>
      %mul3A_477 = arith.constant 16 : i32
      %mul3A_478 = arith.muli %add3A_311, %mul3A_477 : i32
      %add3A_479 = arith.constant 10 : i32
      %add3A_480 = arith.addi %mul3A_478, %add3A_479 : i32
      %get3A_481 = arith.index_cast %add3A_480 : i32 to index
      %get3A_482 = arith.constant 0 : index
      %get3A_483 = tpu.vector_load %arg9[%get3A_481, %get3A_482] {strides = array<i32>} : memref<512x32xf32, #tpu.memory_space<vmem>>, vector<1x16xf32>,
      %get3A_484 = vector.shape_cast %get3A_483 : vector<1x16xf32> to vector<16xf32>
      %get3A_485 = arith.index_cast %add3A_480 : i32 to index
      %get3A_486 = arith.constant 16 : index
      %get3A_487 = tpu.vector_load %arg9[%get3A_485, %get3A_486] {strides = array<i32>} : memref<512x32xf32, #tpu.memory_space<vmem>>, vector<1x16xf32>,
      %get3A_488 = vector.shape_cast %get3A_487 : vector<1x16xf32> to vector<16xf32>
      %get3A_489 = arith.index_cast %add3A_480 : i32 to index
      %get3A_490 = arith.constant 0 : index
      %get3A_491 = tpu.vector_load %arg10[%get3A_489, %get3A_490] {strides = array<i32>} : memref<512x32xf32, #tpu.memory_space<vmem>>, vector<1x16xf32>,
      %get3A_492 = vector.shape_cast %get3A_491 : vector<1x16xf32> to vector<16xf32>
      %get3A_493 = arith.index_cast %add3A_480 : i32 to index
      %get3A_494 = arith.constant 16 : index
      %get3A_495 = tpu.vector_load %arg10[%get3A_493, %get3A_494] {strides = array<i32>} : memref<512x32xf32, #tpu.memory_space<vmem>>, vector<1x16xf32>,
      %get3A_496 = vector.shape_cast %get3A_495 : vector<1x16xf32> to vector<16xf32>
      %mul3A_497 = arith.mulf %get3A_484, %get3A_492 : vector<16xf32>
      %mul3A_498 = arith.mulf %get3A_488, %get3A_496 : vector<16xf32>
      %add3A_499 = arith.addf %mul3A_497, %mul3A_498 : vector<16xf32>
      %lt3A_500 = arith.constant 0 : i32
      %lt3A_501 = vector.broadcast %lt3A_500 : i32 to vector<16xi32>
      %lt3A_502 = arith.cmpi slt, %xor3A_150, %lt3A_501 : vector<16xi32>
      %add3A_503 = arith.constant 16 : i32
      %add3A_504 = vector.broadcast %add3A_503 : i32 to vector<16xi32>
      %add3A_505 = arith.addi %xor3A_150, %add3A_504 : vector<16xi32>
      %select_n3A_506 = arith.select %lt3A_502, %add3A_505, %xor3A_150 : vector<16xi1>, vector<16xi32>
      %reshape3A_507 = vector.shape_cast %select_n3A_506 : vector<16xi32> to vector<16x1xi32>
      %gather3A_508 = vector.shape_cast %reshape3A_507 : vector<16x1xi32> to vector<16xi32>
      %gather3A_509 = tpu.dynamic_gather %add3A_499[%gather3A_508] in [0] : vector<16xf32>, vector<16xi32> -> vector<16xf32>
      %add3A_510 = arith.addf %add3A_499, %gather3A_509 : vector<16xf32>
      %mul3A_511 = arith.constant 16 : i32
      %mul3A_512 = arith.muli %add3A_311, %mul3A_511 : i32
      %add3A_513 = arith.constant 6 : i32
      %add3A_514 = arith.addi %mul3A_512, %add3A_513 : i32
      %get3A_515 = arith.index_cast %add3A_514 : i32 to index
      %get3A_516 = arith.constant 0 : index
      %get3A_517 = tpu.vector_load %arg9[%get3A_515, %get3A_516] {strides = array<i32>} : memref<512x32xf32, #tpu.memory_space<vmem>>, vector<1x16xf32>,
      %get3A_518 = vector.shape_cast %get3A_517 : vector<1x16xf32> to vector<16xf32>
      %get3A_519 = arith.index_cast %add3A_514 : i32 to index
      %get3A_520 = arith.constant 16 : index
      %get3A_521 = tpu.vector_load %arg9[%get3A_519, %get3A_520] {strides = array<i32>} : memref<512x32xf32, #tpu.memory_space<vmem>>, vector<1x16xf32>,
      %get3A_522 = vector.shape_cast %get3A_521 : vector<1x16xf32> to vector<16xf32>
      %get3A_523 = arith.index_cast %add3A_514 : i32 to index
      %get3A_524 = arith.constant 0 : index
      %get3A_525 = tpu.vector_load %arg10[%get3A_523, %get3A_524] {strides = array<i32>} : memref<512x32xf32, #tpu.memory_space<vmem>>, vector<1x16xf32>,
      %get3A_526 = vector.shape_cast %get3A_525 : vector<1x16xf32> to vector<16xf32>
      %get3A_527 = arith.index_cast %add3A_514 : i32 to index
      %get3A_528 = arith.constant 16 : index
      %get3A_529 = tpu.vector_load %arg10[%get3A_527, %get3A_528] {strides = array<i32>} : memref<512x32xf32, #tpu.memory_space<vmem>>, vector<1x16xf32>,
      %get3A_530 = vector.shape_cast %get3A_529 : vector<1x16xf32> to vector<16xf32>
      %mul3A_531 = arith.mulf %get3A_518, %get3A_526 : vector<16xf32>
      %mul3A_532 = arith.mulf %get3A_522, %get3A_530 : vector<16xf32>
      %add3A_533 = arith.addf %mul3A_531, %mul3A_532 : vector<16xf32>
      %lt3A_534 = arith.constant 0 : i32
      %lt3A_535 = vector.broadcast %lt3A_534 : i32 to vector<16xi32>
      %lt3A_536 = arith.cmpi slt, %xor3A_150, %lt3A_535 : vector<16xi32>
      %add3A_537 = arith.constant 16 : i32
      %add3A_538 = vector.broadcast %add3A_537 : i32 to vector<16xi32>
      %add3A_539 = arith.addi %xor3A_150, %add3A_538 : vector<16xi32>
      %select_n3A_540 = arith.select %lt3A_536, %add3A_539, %xor3A_150 : vector<16xi1>, vector<16xi32>
      %reshape3A_541 = vector.shape_cast %select_n3A_540 : vector<16xi32> to vector<16x1xi32>
      %gather3A_542 = vector.shape_cast %reshape3A_541 : vector<16x1xi32> to vector<16xi32>
      %gather3A_543 = tpu.dynamic_gather %add3A_533[%gather3A_542] in [0] : vector<16xf32>, vector<16xi32> -> vector<16xf32>
      %add3A_544 = arith.addf %add3A_533, %gather3A_543 : vector<16xf32>
      %mul3A_545 = arith.constant 16 : i32
      %mul3A_546 = arith.muli %add3A_311, %mul3A_545 : i32
      %add3A_547 = arith.constant 14 : i32
      %add3A_548 = arith.addi %mul3A_546, %add3A_547 : i32
      %get3A_549 = arith.index_cast %add3A_548 : i32 to index
      %get3A_550 = arith.constant 0 : index
      %get3A_551 = tpu.vector_load %arg9[%get3A_549, %get3A_550] {strides = array<i32>} : memref<512x32xf32, #tpu.memory_space<vmem>>, vector<1x16xf32>,
      %get3A_552 = vector.shape_cast %get3A_551 : vector<1x16xf32> to vector<16xf32>
      %get3A_553 = arith.index_cast %add3A_548 : i32 to index
      %get3A_554 = arith.constant 16 : index
      %get3A_555 = tpu.vector_load %arg9[%get3A_553, %get3A_554] {strides = array<i32>} : memref<512x32xf32, #tpu.memory_space<vmem>>, vector<1x16xf32>,
      %get3A_556 = vector.shape_cast %get3A_555 : vector<1x16xf32> to vector<16xf32>
      %get3A_557 = arith.index_cast %add3A_548 : i32 to index
      %get3A_558 = arith.constant 0 : index
      %get3A_559 = tpu.vector_load %arg10[%get3A_557, %get3A_558] {strides = array<i32>} : memref<512x32xf32, #tpu.memory_space<vmem>>, vector<1x16xf32>,
      %get3A_560 = vector.shape_cast %get3A_559 : vector<1x16xf32> to vector<16xf32>
      %get3A_561 = arith.index_cast %add3A_548 : i32 to index
      %get3A_562 = arith.constant 16 : index
      %get3A_563 = tpu.vector_load %arg10[%get3A_561, %get3A_562] {strides = array<i32>} : memref<512x32xf32, #tpu.memory_space<vmem>>, vector<1x16xf32>,
      %get3A_564 = vector.shape_cast %get3A_563 : vector<1x16xf32> to vector<16xf32>
      %mul3A_565 = arith.mulf %get3A_552, %get3A_560 : vector<16xf32>
      %mul3A_566 = arith.mulf %get3A_556, %get3A_564 : vector<16xf32>
      %add3A_567 = arith.addf %mul3A_565, %mul3A_566 : vector<16xf32>
      %lt3A_568 = arith.constant 0 : i32
      %lt3A_569 = vector.broadcast %lt3A_568 : i32 to vector<16xi32>
      %lt3A_570 = arith.cmpi slt, %xor3A_150, %lt3A_569 : vector<16xi32>
      %add3A_571 = arith.constant 16 : i32
      %add3A_572 = vector.broadcast %add3A_571 : i32 to vector<16xi32>
      %add3A_573 = arith.addi %xor3A_150, %add3A_572 : vector<16xi32>
      %select_n3A_574 = arith.select %lt3A_570, %add3A_573, %xor3A_150 : vector<16xi1>, vector<16xi32>
      %reshape3A_575 = vector.shape_cast %select_n3A_574 : vector<16xi32> to vector<16x1xi32>
      %gather3A_576 = vector.shape_cast %reshape3A_575 : vector<16x1xi32> to vector<16xi32>
      %gather3A_577 = tpu.dynamic_gather %add3A_567[%gather3A_576] in [0] : vector<16xf32>, vector<16xi32> -> vector<16xf32>
      %add3A_578 = arith.addf %add3A_567, %gather3A_577 : vector<16xf32>
      %mul3A_579 = arith.constant 16 : i32
      %mul3A_580 = arith.muli %add3A_311, %mul3A_579 : i32
      %add3A_581 = arith.constant 1 : i32
      %add3A_582 = arith.addi %mul3A_580, %add3A_581 : i32
      %get3A_583 = arith.index_cast %add3A_582 : i32 to index
      %get3A_584 = arith.constant 0 : index
      %get3A_585 = tpu.vector_load %arg9[%get3A_583, %get3A_584] {strides = array<i32>} : memref<512x32xf32, #tpu.memory_space<vmem>>, vector<1x16xf32>,
      %get3A_586 = vector.shape_cast %get3A_585 : vector<1x16xf32> to vector<16xf32>
      %get3A_587 = arith.index_cast %add3A_582 : i32 to index
      %get3A_588 = arith.constant 16 : index
      %get3A_589 = tpu.vector_load %arg9[%get3A_587, %get3A_588] {strides = array<i32>} : memref<512x32xf32, #tpu.memory_space<vmem>>, vector<1x16xf32>,
      %get3A_590 = vector.shape_cast %get3A_589 : vector<1x16xf32> to vector<16xf32>
      %get3A_591 = arith.index_cast %add3A_582 : i32 to index
      %get3A_592 = arith.constant 0 : index
      %get3A_593 = tpu.vector_load %arg10[%get3A_591, %get3A_592] {strides = array<i32>} : memref<512x32xf32, #tpu.memory_space<vmem>>, vector<1x16xf32>,
      %get3A_594 = vector.shape_cast %get3A_593 : vector<1x16xf32> to vector<16xf32>
      %get3A_595 = arith.index_cast %add3A_582 : i32 to index
      %get3A_596 = arith.constant 16 : index
      %get3A_597 = tpu.vector_load %arg10[%get3A_595, %get3A_596] {strides = array<i32>} : memref<512x32xf32, #tpu.memory_space<vmem>>, vector<1x16xf32>,
      %get3A_598 = vector.shape_cast %get3A_597 : vector<1x16xf32> to vector<16xf32>
      %mul3A_599 = arith.mulf %get3A_586, %get3A_594 : vector<16xf32>
      %mul3A_600 = arith.mulf %get3A_590, %get3A_598 : vector<16xf32>
      %add3A_601 = arith.addf %mul3A_599, %mul3A_600 : vector<16xf32>
      %lt3A_602 = arith.constant 0 : i32
      %lt3A_603 = vector.broadcast %lt3A_602 : i32 to vector<16xi32>
      %lt3A_604 = arith.cmpi slt, %xor3A_150, %lt3A_603 : vector<16xi32>
      %add3A_605 = arith.constant 16 : i32
      %add3A_606 = vector.broadcast %add3A_605 : i32 to vector<16xi32>
      %add3A_607 = arith.addi %xor3A_150, %add3A_606 : vector<16xi32>
      %select_n3A_608 = arith.select %lt3A_604, %add3A_607, %xor3A_150 : vector<16xi1>, vector<16xi32>
      %reshape3A_609 = vector.shape_cast %select_n3A_608 : vector<16xi32> to vector<16x1xi32>
      %gather3A_610 = vector.shape_cast %reshape3A_609 : vector<16x1xi32> to vector<16xi32>
      %gather3A_611 = tpu.dynamic_gather %add3A_601[%gather3A_610] in [0] : vector<16xf32>, vector<16xi32> -> vector<16xf32>
      %add3A_612 = arith.addf %add3A_601, %gather3A_611 : vector<16xf32>
      %mul3A_613 = arith.constant 16 : i32
      %mul3A_614 = arith.muli %add3A_311, %mul3A_613 : i32
      %add3A_615 = arith.constant 9 : i32
      %add3A_616 = arith.addi %mul3A_614, %add3A_615 : i32
      %get3A_617 = arith.index_cast %add3A_616 : i32 to index
      %get3A_618 = arith.constant 0 : index
      %get3A_619 = tpu.vector_load %arg9[%get3A_617, %get3A_618] {strides = array<i32>} : memref<512x32xf32, #tpu.memory_space<vmem>>, vector<1x16xf32>,
      %get3A_620 = vector.shape_cast %get3A_619 : vector<1x16xf32> to vector<16xf32>
      %get3A_621 = arith.index_cast %add3A_616 : i32 to index
      %get3A_622 = arith.constant 16 : index
      %get3A_623 = tpu.vector_load %arg9[%get3A_621, %get3A_622] {strides = array<i32>} : memref<512x32xf32, #tpu.memory_space<vmem>>, vector<1x16xf32>,
      %get3A_624 = vector.shape_cast %get3A_623 : vector<1x16xf32> to vector<16xf32>
      %get3A_625 = arith.index_cast %add3A_616 : i32 to index
      %get3A_626 = arith.constant 0 : index
      %get3A_627 = tpu.vector_load %arg10[%get3A_625, %get3A_626] {strides = array<i32>} : memref<512x32xf32, #tpu.memory_space<vmem>>, vector<1x16xf32>,
      %get3A_628 = vector.shape_cast %get3A_627 : vector<1x16xf32> to vector<16xf32>
      %get3A_629 = arith.index_cast %add3A_616 : i32 to index
      %get3A_630 = arith.constant 16 : index
      %get3A_631 = tpu.vector_load %arg10[%get3A_629, %get3A_630] {strides = array<i32>} : memref<512x32xf32, #tpu.memory_space<vmem>>, vector<1x16xf32>,
      %get3A_632 = vector.shape_cast %get3A_631 : vector<1x16xf32> to vector<16xf32>
      %mul3A_633 = arith.mulf %get3A_620, %get3A_628 : vector<16xf32>
      %mul3A_634 = arith.mulf %get3A_624, %get3A_632 : vector<16xf32>
      %add3A_635 = arith.addf %mul3A_633, %mul3A_634 : vector<16xf32>
      %lt3A_636 = arith.constant 0 : i32
      %lt3A_637 = vector.broadcast %lt3A_636 : i32 to vector<16xi32>
      %lt3A_638 = arith.cmpi slt, %xor3A_150, %lt3A_637 : vector<16xi32>
      %add3A_639 = arith.constant 16 : i32
      %add3A_640 = vector.broadcast %add3A_639 : i32 to vector<16xi32>
      %add3A_641 = arith.addi %xor3A_150, %add3A_640 : vector<16xi32>
      %select_n3A_642 = arith.select %lt3A_638, %add3A_641, %xor3A_150 : vector<16xi1>, vector<16xi32>
      %reshape3A_643 = vector.shape_cast %select_n3A_642 : vector<16xi32> to vector<16x1xi32>
      %gather3A_644 = vector.shape_cast %reshape3A_643 : vector<16x1xi32> to vector<16xi32>
      %gather3A_645 = tpu.dynamic_gather %add3A_635[%gather3A_644] in [0] : vector<16xf32>, vector<16xi32> -> vector<16xf32>
      %add3A_646 = arith.addf %add3A_635, %gather3A_645 : vector<16xf32>
      %mul3A_647 = arith.constant 16 : i32
      %mul3A_648 = arith.muli %add3A_311, %mul3A_647 : i32
      %add3A_649 = arith.constant 5 : i32
      %add3A_650 = arith.addi %mul3A_648, %add3A_649 : i32
      %get3A_651 = arith.index_cast %add3A_650 : i32 to index
      %get3A_652 = arith.constant 0 : index
      %get3A_653 = tpu.vector_load %arg9[%get3A_651, %get3A_652] {strides = array<i32>} : memref<512x32xf32, #tpu.memory_space<vmem>>, vector<1x16xf32>,
      %get3A_654 = vector.shape_cast %get3A_653 : vector<1x16xf32> to vector<16xf32>
      %get3A_655 = arith.index_cast %add3A_650 : i32 to index
      %get3A_656 = arith.constant 16 : index
      %get3A_657 = tpu.vector_load %arg9[%get3A_655, %get3A_656] {strides = array<i32>} : memref<512x32xf32, #tpu.memory_space<vmem>>, vector<1x16xf32>,
      %get3A_658 = vector.shape_cast %get3A_657 : vector<1x16xf32> to vector<16xf32>
      %get3A_659 = arith.index_cast %add3A_650 : i32 to index
      %get3A_660 = arith.constant 0 : index
      %get3A_661 = tpu.vector_load %arg10[%get3A_659, %get3A_660] {strides = array<i32>} : memref<512x32xf32, #tpu.memory_space<vmem>>, vector<1x16xf32>,
      %get3A_662 = vector.shape_cast %get3A_661 : vector<1x16xf32> to vector<16xf32>
      %get3A_663 = arith.index_cast %add3A_650 : i32 to index
      %get3A_664 = arith.constant 16 : index
      %get3A_665 = tpu.vector_load %arg10[%get3A_663, %get3A_664] {strides = array<i32>} : memref<512x32xf32, #tpu.memory_space<vmem>>, vector<1x16xf32>,
      %get3A_666 = vector.shape_cast %get3A_665 : vector<1x16xf32> to vector<16xf32>
      %mul3A_667 = arith.mulf %get3A_654, %get3A_662 : vector<16xf32>
      %mul3A_668 = arith.mulf %get3A_658, %get3A_666 : vector<16xf32>
      %add3A_669 = arith.addf %mul3A_667, %mul3A_668 : vector<16xf32>
      %lt3A_670 = arith.constant 0 : i32
      %lt3A_671 = vector.broadcast %lt3A_670 : i32 to vector<16xi32>
      %lt3A_672 = arith.cmpi slt, %xor3A_150, %lt3A_671 : vector<16xi32>
      %add3A_673 = arith.constant 16 : i32
      %add3A_674 = vector.broadcast %add3A_673 : i32 to vector<16xi32>
      %add3A_675 = arith.addi %xor3A_150, %add3A_674 : vector<16xi32>
      %select_n3A_676 = arith.select %lt3A_672, %add3A_675, %xor3A_150 : vector<16xi1>, vector<16xi32>
      %reshape3A_677 = vector.shape_cast %select_n3A_676 : vector<16xi32> to vector<16x1xi32>
      %gather3A_678 = vector.shape_cast %reshape3A_677 : vector<16x1xi32> to vector<16xi32>
      %gather3A_679 = tpu.dynamic_gather %add3A_669[%gather3A_678] in [0] : vector<16xf32>, vector<16xi32> -> vector<16xf32>
      %add3A_680 = arith.addf %add3A_669, %gather3A_679 : vector<16xf32>
      %mul3A_681 = arith.constant 16 : i32
      %mul3A_682 = arith.muli %add3A_311, %mul3A_681 : i32
      %add3A_683 = arith.constant 13 : i32
      %add3A_684 = arith.addi %mul3A_682, %add3A_683 : i32
      %get3A_685 = arith.index_cast %add3A_684 : i32 to index
      %get3A_686 = arith.constant 0 : index
      %get3A_687 = tpu.vector_load %arg9[%get3A_685, %get3A_686] {strides = array<i32>} : memref<512x32xf32, #tpu.memory_space<vmem>>, vector<1x16xf32>,
      %get3A_688 = vector.shape_cast %get3A_687 : vector<1x16xf32> to vector<16xf32>
      %get3A_689 = arith.index_cast %add3A_684 : i32 to index
      %get3A_690 = arith.constant 16 : index
      %get3A_691 = tpu.vector_load %arg9[%get3A_689, %get3A_690] {strides = array<i32>} : memref<512x32xf32, #tpu.memory_space<vmem>>, vector<1x16xf32>,
      %get3A_692 = vector.shape_cast %get3A_691 : vector<1x16xf32> to vector<16xf32>
      %get3A_693 = arith.index_cast %add3A_684 : i32 to index
      %get3A_694 = arith.constant 0 : index
      %get3A_695 = tpu.vector_load %arg10[%get3A_693, %get3A_694] {strides = array<i32>} : memref<512x32xf32, #tpu.memory_space<vmem>>, vector<1x16xf32>,
      %get3A_696 = vector.shape_cast %get3A_695 : vector<1x16xf32> to vector<16xf32>
      %get3A_697 = arith.index_cast %add3A_684 : i32 to index
      %get3A_698 = arith.constant 16 : index
      %get3A_699 = tpu.vector_load %arg10[%get3A_697, %get3A_698] {strides = array<i32>} : memref<512x32xf32, #tpu.memory_space<vmem>>, vector<1x16xf32>,
      %get3A_700 = vector.shape_cast %get3A_699 : vector<1x16xf32> to vector<16xf32>
      %mul3A_701 = arith.mulf %get3A_688, %get3A_696 : vector<16xf32>
      %mul3A_702 = arith.mulf %get3A_692, %get3A_700 : vector<16xf32>
      %add3A_703 = arith.addf %mul3A_701, %mul3A_702 : vector<16xf32>
      %lt3A_704 = arith.constant 0 : i32
      %lt3A_705 = vector.broadcast %lt3A_704 : i32 to vector<16xi32>
      %lt3A_706 = arith.cmpi slt, %xor3A_150, %lt3A_705 : vector<16xi32>
      %add3A_707 = arith.constant 16 : i32
      %add3A_708 = vector.broadcast %add3A_707 : i32 to vector<16xi32>
      %add3A_709 = arith.addi %xor3A_150, %add3A_708 : vector<16xi32>
      %select_n3A_710 = arith.select %lt3A_706, %add3A_709, %xor3A_150 : vector<16xi1>, vector<16xi32>
      %reshape3A_711 = vector.shape_cast %select_n3A_710 : vector<16xi32> to vector<16x1xi32>
      %gather3A_712 = vector.shape_cast %reshape3A_711 : vector<16x1xi32> to vector<16xi32>
      %gather3A_713 = tpu.dynamic_gather %add3A_703[%gather3A_712] in [0] : vector<16xf32>, vector<16xi32> -> vector<16xf32>
      %add3A_714 = arith.addf %add3A_703, %gather3A_713 : vector<16xf32>
      %mul3A_715 = arith.constant 16 : i32
      %mul3A_716 = arith.muli %add3A_311, %mul3A_715 : i32
      %add3A_717 = arith.constant 3 : i32
      %add3A_718 = arith.addi %mul3A_716, %add3A_717 : i32
      %get3A_719 = arith.index_cast %add3A_718 : i32 to index
      %get3A_720 = arith.constant 0 : index
      %get3A_721 = tpu.vector_load %arg9[%get3A_719, %get3A_720] {strides = array<i32>} : memref<512x32xf32, #tpu.memory_space<vmem>>, vector<1x16xf32>,
      %get3A_722 = vector.shape_cast %get3A_721 : vector<1x16xf32> to vector<16xf32>
      %get3A_723 = arith.index_cast %add3A_718 : i32 to index
      %get3A_724 = arith.constant 16 : index
      %get3A_725 = tpu.vector_load %arg9[%get3A_723, %get3A_724] {strides = array<i32>} : memref<512x32xf32, #tpu.memory_space<vmem>>, vector<1x16xf32>,
      %get3A_726 = vector.shape_cast %get3A_725 : vector<1x16xf32> to vector<16xf32>
      %get3A_727 = arith.index_cast %add3A_718 : i32 to index
      %get3A_728 = arith.constant 0 : index
      %get3A_729 = tpu.vector_load %arg10[%get3A_727, %get3A_728] {strides = array<i32>} : memref<512x32xf32, #tpu.memory_space<vmem>>, vector<1x16xf32>,
      %get3A_730 = vector.shape_cast %get3A_729 : vector<1x16xf32> to vector<16xf32>
      %get3A_731 = arith.index_cast %add3A_718 : i32 to index
      %get3A_732 = arith.constant 16 : index
      %get3A_733 = tpu.vector_load %arg10[%get3A_731, %get3A_732] {strides = array<i32>} : memref<512x32xf32, #tpu.memory_space<vmem>>, vector<1x16xf32>,
      %get3A_734 = vector.shape_cast %get3A_733 : vector<1x16xf32> to vector<16xf32>
      %mul3A_735 = arith.mulf %get3A_722, %get3A_730 : vector<16xf32>
      %mul3A_736 = arith.mulf %get3A_726, %get3A_734 : vector<16xf32>
      %add3A_737 = arith.addf %mul3A_735, %mul3A_736 : vector<16xf32>
      %lt3A_738 = arith.constant 0 : i32
      %lt3A_739 = vector.broadcast %lt3A_738 : i32 to vector<16xi32>
      %lt3A_740 = arith.cmpi slt, %xor3A_150, %lt3A_739 : vector<16xi32>
      %add3A_741 = arith.constant 16 : i32
      %add3A_742 = vector.broadcast %add3A_741 : i32 to vector<16xi32>
      %add3A_743 = arith.addi %xor3A_150, %add3A_742 : vector<16xi32>
      %select_n3A_744 = arith.select %lt3A_740, %add3A_743, %xor3A_150 : vector<16xi1>, vector<16xi32>
      %reshape3A_745 = vector.shape_cast %select_n3A_744 : vector<16xi32> to vector<16x1xi32>
      %gather3A_746 = vector.shape_cast %reshape3A_745 : vector<16x1xi32> to vector<16xi32>
      %gather3A_747 = tpu.dynamic_gather %add3A_737[%gather3A_746] in [0] : vector<16xf32>, vector<16xi32> -> vector<16xf32>
      %add3A_748 = arith.addf %add3A_737, %gather3A_747 : vector<16xf32>
      %mul3A_749 = arith.constant 16 : i32
      %mul3A_750 = arith.muli %add3A_311, %mul3A_749 : i32
      %add3A_751 = arith.constant 11 : i32
      %add3A_752 = arith.addi %mul3A_750, %add3A_751 : i32
      %get3A_753 = arith.index_cast %add3A_752 : i32 to index
      %get3A_754 = arith.constant 0 : index
      %get3A_755 = tpu.vector_load %arg9[%get3A_753, %get3A_754] {strides = array<i32>} : memref<512x32xf32, #tpu.memory_space<vmem>>, vector<1x16xf32>,
      %get3A_756 = vector.shape_cast %get3A_755 : vector<1x16xf32> to vector<16xf32>
      %get3A_757 = arith.index_cast %add3A_752 : i32 to index
      %get3A_758 = arith.constant 16 : index
      %get3A_759 = tpu.vector_load %arg9[%get3A_757, %get3A_758] {strides = array<i32>} : memref<512x32xf32, #tpu.memory_space<vmem>>, vector<1x16xf32>,
      %get3A_760 = vector.shape_cast %get3A_759 : vector<1x16xf32> to vector<16xf32>
      %get3A_761 = arith.index_cast %add3A_752 : i32 to index
      %get3A_762 = arith.constant 0 : index
      %get3A_763 = tpu.vector_load %arg10[%get3A_761, %get3A_762] {strides = array<i32>} : memref<512x32xf32, #tpu.memory_space<vmem>>, vector<1x16xf32>,
      %get3A_764 = vector.shape_cast %get3A_763 : vector<1x16xf32> to vector<16xf32>
      %get3A_765 = arith.index_cast %add3A_752 : i32 to index
      %get3A_766 = arith.constant 16 : index
      %get3A_767 = tpu.vector_load %arg10[%get3A_765, %get3A_766] {strides = array<i32>} : memref<512x32xf32, #tpu.memory_space<vmem>>, vector<1x16xf32>,
      %get3A_768 = vector.shape_cast %get3A_767 : vector<1x16xf32> to vector<16xf32>
      %mul3A_769 = arith.mulf %get3A_756, %get3A_764 : vector<16xf32>
      %mul3A_770 = arith.mulf %get3A_760, %get3A_768 : vector<16xf32>
      %add3A_771 = arith.addf %mul3A_769, %mul3A_770 : vector<16xf32>
      %lt3A_772 = arith.constant 0 : i32
      %lt3A_773 = vector.broadcast %lt3A_772 : i32 to vector<16xi32>
      %lt3A_774 = arith.cmpi slt, %xor3A_150, %lt3A_773 : vector<16xi32>
      %add3A_775 = arith.constant 16 : i32
      %add3A_776 = vector.broadcast %add3A_775 : i32 to vector<16xi32>
      %add3A_777 = arith.addi %xor3A_150, %add3A_776 : vector<16xi32>
      %select_n3A_778 = arith.select %lt3A_774, %add3A_777, %xor3A_150 : vector<16xi1>, vector<16xi32>
      %reshape3A_779 = vector.shape_cast %select_n3A_778 : vector<16xi32> to vector<16x1xi32>
      %gather3A_780 = vector.shape_cast %reshape3A_779 : vector<16x1xi32> to vector<16xi32>
      %gather3A_781 = tpu.dynamic_gather %add3A_771[%gather3A_780] in [0] : vector<16xf32>, vector<16xi32> -> vector<16xf32>
      %add3A_782 = arith.addf %add3A_771, %gather3A_781 : vector<16xf32>
      %mul3A_783 = arith.constant 16 : i32
      %mul3A_784 = arith.muli %add3A_311, %mul3A_783 : i32
      %add3A_785 = arith.constant 7 : i32
      %add3A_786 = arith.addi %mul3A_784, %add3A_785 : i32
      %get3A_787 = arith.index_cast %add3A_786 : i32 to index
      %get3A_788 = arith.constant 0 : index
      %get3A_789 = tpu.vector_load %arg9[%get3A_787, %get3A_788] {strides = array<i32>} : memref<512x32xf32, #tpu.memory_space<vmem>>, vector<1x16xf32>,
      %get3A_790 = vector.shape_cast %get3A_789 : vector<1x16xf32> to vector<16xf32>
      %get3A_791 = arith.index_cast %add3A_786 : i32 to index
      %get3A_792 = arith.constant 16 : index
      %get3A_793 = tpu.vector_load %arg9[%get3A_791, %get3A_792] {strides = array<i32>} : memref<512x32xf32, #tpu.memory_space<vmem>>, vector<1x16xf32>,
      %get3A_794 = vector.shape_cast %get3A_793 : vector<1x16xf32> to vector<16xf32>
      %get3A_795 = arith.index_cast %add3A_786 : i32 to index
      %get3A_796 = arith.constant 0 : index
      %get3A_797 = tpu.vector_load %arg10[%get3A_795, %get3A_796] {strides = array<i32>} : memref<512x32xf32, #tpu.memory_space<vmem>>, vector<1x16xf32>,
      %get3A_798 = vector.shape_cast %get3A_797 : vector<1x16xf32> to vector<16xf32>
      %get3A_799 = arith.index_cast %add3A_786 : i32 to index
      %get3A_800 = arith.constant 16 : index
      %get3A_801 = tpu.vector_load %arg10[%get3A_799, %get3A_800] {strides = array<i32>} : memref<512x32xf32, #tpu.memory_space<vmem>>, vector<1x16xf32>,
      %get3A_802 = vector.shape_cast %get3A_801 : vector<1x16xf32> to vector<16xf32>
      %mul3A_803 = arith.mulf %get3A_790, %get3A_798 : vector<16xf32>
      %mul3A_804 = arith.mulf %get3A_794, %get3A_802 : vector<16xf32>
      %add3A_805 = arith.addf %mul3A_803, %mul3A_804 : vector<16xf32>
      %lt3A_806 = arith.constant 0 : i32
      %lt3A_807 = vector.broadcast %lt3A_806 : i32 to vector<16xi32>
      %lt3A_808 = arith.cmpi slt, %xor3A_150, %lt3A_807 : vector<16xi32>
      %add3A_809 = arith.constant 16 : i32
      %add3A_810 = vector.broadcast %add3A_809 : i32 to vector<16xi32>
      %add3A_811 = arith.addi %xor3A_150, %add3A_810 : vector<16xi32>
      %select_n3A_812 = arith.select %lt3A_808, %add3A_811, %xor3A_150 : vector<16xi1>, vector<16xi32>
      %reshape3A_813 = vector.shape_cast %select_n3A_812 : vector<16xi32> to vector<16x1xi32>
      %gather3A_814 = vector.shape_cast %reshape3A_813 : vector<16x1xi32> to vector<16xi32>
      %gather3A_815 = tpu.dynamic_gather %add3A_805[%gather3A_814] in [0] : vector<16xf32>, vector<16xi32> -> vector<16xf32>
      %add3A_816 = arith.addf %add3A_805, %gather3A_815 : vector<16xf32>
      %mul3A_817 = arith.constant 16 : i32
      %mul3A_818 = arith.muli %add3A_311, %mul3A_817 : i32
      %add3A_819 = arith.constant 15 : i32
      %add3A_820 = arith.addi %mul3A_818, %add3A_819 : i32
      %get3A_821 = arith.index_cast %add3A_820 : i32 to index
      %get3A_822 = arith.constant 0 : index
      %get3A_823 = tpu.vector_load %arg9[%get3A_821, %get3A_822] {strides = array<i32>} : memref<512x32xf32, #tpu.memory_space<vmem>>, vector<1x16xf32>,
      %get3A_824 = vector.shape_cast %get3A_823 : vector<1x16xf32> to vector<16xf32>
      %get3A_825 = arith.index_cast %add3A_820 : i32 to index
      %get3A_826 = arith.constant 16 : index
      %get3A_827 = tpu.vector_load %arg9[%get3A_825, %get3A_826] {strides = array<i32>} : memref<512x32xf32, #tpu.memory_space<vmem>>, vector<1x16xf32>,
      %get3A_828 = vector.shape_cast %get3A_827 : vector<1x16xf32> to vector<16xf32>
      %get3A_829 = arith.index_cast %add3A_820 : i32 to index
      %get3A_830 = arith.constant 0 : index
      %get3A_831 = tpu.vector_load %arg10[%get3A_829, %get3A_830] {strides = array<i32>} : memref<512x32xf32, #tpu.memory_space<vmem>>, vector<1x16xf32>,
      %get3A_832 = vector.shape_cast %get3A_831 : vector<1x16xf32> to vector<16xf32>
      %get3A_833 = arith.index_cast %add3A_820 : i32 to index
      %get3A_834 = arith.constant 16 : index
      %get3A_835 = tpu.vector_load %arg10[%get3A_833, %get3A_834] {strides = array<i32>} : memref<512x32xf32, #tpu.memory_space<vmem>>, vector<1x16xf32>,
      %get3A_836 = vector.shape_cast %get3A_835 : vector<1x16xf32> to vector<16xf32>
      %mul3A_837 = arith.mulf %get3A_824, %get3A_832 : vector<16xf32>
      %mul3A_838 = arith.mulf %get3A_828, %get3A_836 : vector<16xf32>
      %add3A_839 = arith.addf %mul3A_837, %mul3A_838 : vector<16xf32>
      %lt3A_840 = arith.constant 0 : i32
      %lt3A_841 = vector.broadcast %lt3A_840 : i32 to vector<16xi32>
      %lt3A_842 = arith.cmpi slt, %xor3A_150, %lt3A_841 : vector<16xi32>
      %add3A_843 = arith.constant 16 : i32
      %add3A_844 = vector.broadcast %add3A_843 : i32 to vector<16xi32>
      %add3A_845 = arith.addi %xor3A_150, %add3A_844 : vector<16xi32>
      %select_n3A_846 = arith.select %lt3A_842, %add3A_845, %xor3A_150 : vector<16xi1>, vector<16xi32>
      %reshape3A_847 = vector.shape_cast %select_n3A_846 : vector<16xi32> to vector<16x1xi32>
      %gather3A_848 = vector.shape_cast %reshape3A_847 : vector<16x1xi32> to vector<16xi32>
      %gather3A_849 = tpu.dynamic_gather %add3A_839[%gather3A_848] in [0] : vector<16xf32>, vector<16xi32> -> vector<16xf32>
      %add3A_850 = arith.addf %add3A_839, %gather3A_849 : vector<16xf32>
      %select_n3A_851 = arith.select %eq3A_163, %add3A_340, %add3A_374 : vector<16xi1>, vector<16xf32>
      %select_n3A_852 = arith.select %eq3A_163, %add3A_408, %add3A_442 : vector<16xi1>, vector<16xf32>
      %select_n3A_853 = arith.select %eq3A_163, %add3A_476, %add3A_510 : vector<16xi1>, vector<16xf32>
      %select_n3A_854 = arith.select %eq3A_163, %add3A_544, %add3A_578 : vector<16xi1>, vector<16xf32>
      %select_n3A_855 = arith.select %eq3A_163, %add3A_612, %add3A_646 : vector<16xi1>, vector<16xf32>
      %select_n3A_856 = arith.select %eq3A_163, %add3A_680, %add3A_714 : vector<16xi1>, vector<16xf32>
      %select_n3A_857 = arith.select %eq3A_163, %add3A_748, %add3A_782 : vector<16xi1>, vector<16xf32>
      %select_n3A_858 = arith.select %eq3A_163, %add3A_816, %add3A_850 : vector<16xi1>, vector<16xf32>
      %lt3A_859 = arith.constant 0 : i32
      %lt3A_860 = vector.broadcast %lt3A_859 : i32 to vector<16xi32>
      %lt3A_861 = arith.cmpi slt, %xor3A_153, %lt3A_860 : vector<16xi32>
      %add3A_862 = arith.constant 16 : i32
      %add3A_863 = vector.broadcast %add3A_862 : i32 to vector<16xi32>
      %add3A_864 = arith.addi %xor3A_153, %add3A_863 : vector<16xi32>
      %select_n3A_865 = arith.select %lt3A_861, %add3A_864, %xor3A_153 : vector<16xi1>, vector<16xi32>
      %reshape3A_866 = vector.shape_cast %select_n3A_865 : vector<16xi32> to vector<16x1xi32>
      %gather3A_867 = vector.shape_cast %reshape3A_866 : vector<16x1xi32> to vector<16xi32>
      %gather3A_868 = tpu.dynamic_gather %select_n3A_851[%gather3A_867] in [0] : vector<16xf32>, vector<16xi32> -> vector<16xf32>
      %add3A_869 = arith.addf %select_n3A_851, %gather3A_868 : vector<16xf32>
      %lt3A_870 = arith.constant 0 : i32
      %lt3A_871 = vector.broadcast %lt3A_870 : i32 to vector<16xi32>
      %lt3A_872 = arith.cmpi slt, %xor3A_153, %lt3A_871 : vector<16xi32>
      %add3A_873 = arith.constant 16 : i32
      %add3A_874 = vector.broadcast %add3A_873 : i32 to vector<16xi32>
      %add3A_875 = arith.addi %xor3A_153, %add3A_874 : vector<16xi32>
      %select_n3A_876 = arith.select %lt3A_872, %add3A_875, %xor3A_153 : vector<16xi1>, vector<16xi32>
      %reshape3A_877 = vector.shape_cast %select_n3A_876 : vector<16xi32> to vector<16x1xi32>
      %gather3A_878 = vector.shape_cast %reshape3A_877 : vector<16x1xi32> to vector<16xi32>
      %gather3A_879 = tpu.dynamic_gather %select_n3A_852[%gather3A_878] in [0] : vector<16xf32>, vector<16xi32> -> vector<16xf32>
      %add3A_880 = arith.addf %select_n3A_852, %gather3A_879 : vector<16xf32>
      %lt3A_881 = arith.constant 0 : i32
      %lt3A_882 = vector.broadcast %lt3A_881 : i32 to vector<16xi32>
      %lt3A_883 = arith.cmpi slt, %xor3A_153, %lt3A_882 : vector<16xi32>
      %add3A_884 = arith.constant 16 : i32
      %add3A_885 = vector.broadcast %add3A_884 : i32 to vector<16xi32>
      %add3A_886 = arith.addi %xor3A_153, %add3A_885 : vector<16xi32>
      %select_n3A_887 = arith.select %lt3A_883, %add3A_886, %xor3A_153 : vector<16xi1>, vector<16xi32>
      %reshape3A_888 = vector.shape_cast %select_n3A_887 : vector<16xi32> to vector<16x1xi32>
      %gather3A_889 = vector.shape_cast %reshape3A_888 : vector<16x1xi32> to vector<16xi32>
      %gather3A_890 = tpu.dynamic_gather %select_n3A_853[%gather3A_889] in [0] : vector<16xf32>, vector<16xi32> -> vector<16xf32>
      %add3A_891 = arith.addf %select_n3A_853, %gather3A_890 : vector<16xf32>
      %lt3A_892 = arith.constant 0 : i32
      %lt3A_893 = vector.broadcast %lt3A_892 : i32 to vector<16xi32>
      %lt3A_894 = arith.cmpi slt, %xor3A_153, %lt3A_893 : vector<16xi32>
      %add3A_895 = arith.constant 16 : i32
      %add3A_896 = vector.broadcast %add3A_895 : i32 to vector<16xi32>
      %add3A_897 = arith.addi %xor3A_153, %add3A_896 : vector<16xi32>
      %select_n3A_898 = arith.select %lt3A_894, %add3A_897, %xor3A_153 : vector<16xi1>, vector<16xi32>
      %reshape3A_899 = vector.shape_cast %select_n3A_898 : vector<16xi32> to vector<16x1xi32>
      %gather3A_900 = vector.shape_cast %reshape3A_899 : vector<16x1xi32> to vector<16xi32>
      %gather3A_901 = tpu.dynamic_gather %select_n3A_854[%gather3A_900] in [0] : vector<16xf32>, vector<16xi32> -> vector<16xf32>
      %add3A_902 = arith.addf %select_n3A_854, %gather3A_901 : vector<16xf32>
      %lt3A_903 = arith.constant 0 : i32
      %lt3A_904 = vector.broadcast %lt3A_903 : i32 to vector<16xi32>
      %lt3A_905 = arith.cmpi slt, %xor3A_153, %lt3A_904 : vector<16xi32>
      %add3A_906 = arith.constant 16 : i32
      %add3A_907 = vector.broadcast %add3A_906 : i32 to vector<16xi32>
      %add3A_908 = arith.addi %xor3A_153, %add3A_907 : vector<16xi32>
      %select_n3A_909 = arith.select %lt3A_905, %add3A_908, %xor3A_153 : vector<16xi1>, vector<16xi32>
      %reshape3A_910 = vector.shape_cast %select_n3A_909 : vector<16xi32> to vector<16x1xi32>
      %gather3A_911 = vector.shape_cast %reshape3A_910 : vector<16x1xi32> to vector<16xi32>
      %gather3A_912 = tpu.dynamic_gather %select_n3A_855[%gather3A_911] in [0] : vector<16xf32>, vector<16xi32> -> vector<16xf32>
      %add3A_913 = arith.addf %select_n3A_855, %gather3A_912 : vector<16xf32>
      %lt3A_914 = arith.constant 0 : i32
      %lt3A_915 = vector.broadcast %lt3A_914 : i32 to vector<16xi32>
      %lt3A_916 = arith.cmpi slt, %xor3A_153, %lt3A_915 : vector<16xi32>
      %add3A_917 = arith.constant 16 : i32
      %add3A_918 = vector.broadcast %add3A_917 : i32 to vector<16xi32>
      %add3A_919 = arith.addi %xor3A_153, %add3A_918 : vector<16xi32>
      %select_n3A_920 = arith.select %lt3A_916, %add3A_919, %xor3A_153 : vector<16xi1>, vector<16xi32>
      %reshape3A_921 = vector.shape_cast %select_n3A_920 : vector<16xi32> to vector<16x1xi32>
      %gather3A_922 = vector.shape_cast %reshape3A_921 : vector<16x1xi32> to vector<16xi32>
      %gather3A_923 = tpu.dynamic_gather %select_n3A_856[%gather3A_922] in [0] : vector<16xf32>, vector<16xi32> -> vector<16xf32>
      %add3A_924 = arith.addf %select_n3A_856, %gather3A_923 : vector<16xf32>
      %lt3A_925 = arith.constant 0 : i32
      %lt3A_926 = vector.broadcast %lt3A_925 : i32 to vector<16xi32>
      %lt3A_927 = arith.cmpi slt, %xor3A_153, %lt3A_926 : vector<16xi32>
      %add3A_928 = arith.constant 16 : i32
      %add3A_929 = vector.broadcast %add3A_928 : i32 to vector<16xi32>
      %add3A_930 = arith.addi %xor3A_153, %add3A_929 : vector<16xi32>
      %select_n3A_931 = arith.select %lt3A_927, %add3A_930, %xor3A_153 : vector<16xi1>, vector<16xi32>
      %reshape3A_932 = vector.shape_cast %select_n3A_931 : vector<16xi32> to vector<16x1xi32>
      %gather3A_933 = vector.shape_cast %reshape3A_932 : vector<16x1xi32> to vector<16xi32>
      %gather3A_934 = tpu.dynamic_gather %select_n3A_857[%gather3A_933] in [0] : vector<16xf32>, vector<16xi32> -> vector<16xf32>
      %add3A_935 = arith.addf %select_n3A_857, %gather3A_934 : vector<16xf32>
      %lt3A_936 = arith.constant 0 : i32
      %lt3A_937 = vector.broadcast %lt3A_936 : i32 to vector<16xi32>
      %lt3A_938 = arith.cmpi slt, %xor3A_153, %lt3A_937 : vector<16xi32>
      %add3A_939 = arith.constant 16 : i32
      %add3A_940 = vector.broadcast %add3A_939 : i32 to vector<16xi32>
      %add3A_941 = arith.addi %xor3A_153, %add3A_940 : vector<16xi32>
      %select_n3A_942 = arith.select %lt3A_938, %add3A_941, %xor3A_153 : vector<16xi1>, vector<16xi32>
      %reshape3A_943 = vector.shape_cast %select_n3A_942 : vector<16xi32> to vector<16x1xi32>
      %gather3A_944 = vector.shape_cast %reshape3A_943 : vector<16x1xi32> to vector<16xi32>
      %gather3A_945 = tpu.dynamic_gather %select_n3A_858[%gather3A_944] in [0] : vector<16xf32>, vector<16xi32> -> vector<16xf32>
      %add3A_946 = arith.addf %select_n3A_858, %gather3A_945 : vector<16xf32>
      %select_n3A_947 = arith.select %eq3A_169, %add3A_869, %add3A_880 : vector<16xi1>, vector<16xf32>
      %select_n3A_948 = arith.select %eq3A_169, %add3A_891, %add3A_902 : vector<16xi1>, vector<16xf32>
      %select_n3A_949 = arith.select %eq3A_169, %add3A_913, %add3A_924 : vector<16xi1>, vector<16xf32>
      %select_n3A_950 = arith.select %eq3A_169, %add3A_935, %add3A_946 : vector<16xi1>, vector<16xf32>
      %lt3A_951 = arith.constant 0 : i32
      %lt3A_952 = vector.broadcast %lt3A_951 : i32 to vector<16xi32>
      %lt3A_953 = arith.cmpi slt, %xor3A_156, %lt3A_952 : vector<16xi32>
      %add3A_954 = arith.constant 16 : i32
      %add3A_955 = vector.broadcast %add3A_954 : i32 to vector<16xi32>
      %add3A_956 = arith.addi %xor3A_156, %add3A_955 : vector<16xi32>
      %select_n3A_957 = arith.select %lt3A_953, %add3A_956, %xor3A_156 : vector<16xi1>, vector<16xi32>
      %reshape3A_958 = vector.shape_cast %select_n3A_957 : vector<16xi32> to vector<16x1xi32>
      %gather3A_959 = vector.shape_cast %reshape3A_958 : vector<16x1xi32> to vector<16xi32>
      %gather3A_960 = tpu.dynamic_gather %select_n3A_947[%gather3A_959] in [0] : vector<16xf32>, vector<16xi32> -> vector<16xf32>
      %add3A_961 = arith.addf %select_n3A_947, %gather3A_960 : vector<16xf32>
      %lt3A_962 = arith.constant 0 : i32
      %lt3A_963 = vector.broadcast %lt3A_962 : i32 to vector<16xi32>
      %lt3A_964 = arith.cmpi slt, %xor3A_156, %lt3A_963 : vector<16xi32>
      %add3A_965 = arith.constant 16 : i32
      %add3A_966 = vector.broadcast %add3A_965 : i32 to vector<16xi32>
      %add3A_967 = arith.addi %xor3A_156, %add3A_966 : vector<16xi32>
      %select_n3A_968 = arith.select %lt3A_964, %add3A_967, %xor3A_156 : vector<16xi1>, vector<16xi32>
      %reshape3A_969 = vector.shape_cast %select_n3A_968 : vector<16xi32> to vector<16x1xi32>
      %gather3A_970 = vector.shape_cast %reshape3A_969 : vector<16x1xi32> to vector<16xi32>
      %gather3A_971 = tpu.dynamic_gather %select_n3A_948[%gather3A_970] in [0] : vector<16xf32>, vector<16xi32> -> vector<16xf32>
      %add3A_972 = arith.addf %select_n3A_948, %gather3A_971 : vector<16xf32>
      %lt3A_973 = arith.constant 0 : i32
      %lt3A_974 = vector.broadcast %lt3A_973 : i32 to vector<16xi32>
      %lt3A_975 = arith.cmpi slt, %xor3A_156, %lt3A_974 : vector<16xi32>
      %add3A_976 = arith.constant 16 : i32
      %add3A_977 = vector.broadcast %add3A_976 : i32 to vector<16xi32>
      %add3A_978 = arith.addi %xor3A_156, %add3A_977 : vector<16xi32>
      %select_n3A_979 = arith.select %lt3A_975, %add3A_978, %xor3A_156 : vector<16xi1>, vector<16xi32>
      %reshape3A_980 = vector.shape_cast %select_n3A_979 : vector<16xi32> to vector<16x1xi32>
      %gather3A_981 = vector.shape_cast %reshape3A_980 : vector<16x1xi32> to vector<16xi32>
      %gather3A_982 = tpu.dynamic_gather %select_n3A_949[%gather3A_981] in [0] : vector<16xf32>, vector<16xi32> -> vector<16xf32>
      %add3A_983 = arith.addf %select_n3A_949, %gather3A_982 : vector<16xf32>
      %lt3A_984 = arith.constant 0 : i32
      %lt3A_985 = vector.broadcast %lt3A_984 : i32 to vector<16xi32>
      %lt3A_986 = arith.cmpi slt, %xor3A_156, %lt3A_985 : vector<16xi32>
      %add3A_987 = arith.constant 16 : i32
      %add3A_988 = vector.broadcast %add3A_987 : i32 to vector<16xi32>
      %add3A_989 = arith.addi %xor3A_156, %add3A_988 : vector<16xi32>
      %select_n3A_990 = arith.select %lt3A_986, %add3A_989, %xor3A_156 : vector<16xi1>, vector<16xi32>
      %reshape3A_991 = vector.shape_cast %select_n3A_990 : vector<16xi32> to vector<16x1xi32>
      %gather3A_992 = vector.shape_cast %reshape3A_991 : vector<16x1xi32> to vector<16xi32>
      %gather3A_993 = tpu.dynamic_gather %select_n3A_950[%gather3A_992] in [0] : vector<16xf32>, vector<16xi32> -> vector<16xf32>
      %add3A_994 = arith.addf %select_n3A_950, %gather3A_993 : vector<16xf32>
      %select_n3A_995 = arith.select %eq3A_175, %add3A_961, %add3A_972 : vector<16xi1>, vector<16xf32>
      %select_n3A_996 = arith.select %eq3A_175, %add3A_983, %add3A_994 : vector<16xi1>, vector<16xf32>
      %lt3A_997 = arith.constant 0 : i32
      %lt3A_998 = vector.broadcast %lt3A_997 : i32 to vector<16xi32>
      %lt3A_999 = arith.cmpi slt, %xor3A_159, %lt3A_998 : vector<16xi32>
      %add3A_1000 = arith.constant 16 : i32
      %add3A_1001 = vector.broadcast %add3A_1000 : i32 to vector<16xi32>
      %add3A_1002 = arith.addi %xor3A_159, %add3A_1001 : vector<16xi32>
      %select_n3A_1003 = arith.select %lt3A_999, %add3A_1002, %xor3A_159 : vector<16xi1>, vector<16xi32>
      %reshape3A_1004 = vector.shape_cast %select_n3A_1003 : vector<16xi32> to vector<16x1xi32>
      %gather3A_1005 = vector.shape_cast %reshape3A_1004 : vector<16x1xi32> to vector<16xi32>
      %gather3A_1006 = tpu.dynamic_gather %select_n3A_995[%gather3A_1005] in [0] : vector<16xf32>, vector<16xi32> -> vector<16xf32>
      %add3A_1007 = arith.addf %select_n3A_995, %gather3A_1006 : vector<16xf32>
      %lt3A_1008 = arith.constant 0 : i32
      %lt3A_1009 = vector.broadcast %lt3A_1008 : i32 to vector<16xi32>
      %lt3A_1010 = arith.cmpi slt, %xor3A_159, %lt3A_1009 : vector<16xi32>
      %add3A_1011 = arith.constant 16 : i32
      %add3A_1012 = vector.broadcast %add3A_1011 : i32 to vector<16xi32>
      %add3A_1013 = arith.addi %xor3A_159, %add3A_1012 : vector<16xi32>
      %select_n3A_1014 = arith.select %lt3A_1010, %add3A_1013, %xor3A_159 : vector<16xi1>, vector<16xi32>
      %reshape3A_1015 = vector.shape_cast %select_n3A_1014 : vector<16xi32> to vector<16x1xi32>
      %gather3A_1016 = vector.shape_cast %reshape3A_1015 : vector<16x1xi32> to vector<16xi32>
      %gather3A_1017 = tpu.dynamic_gather %select_n3A_996[%gather3A_1016] in [0] : vector<16xf32>, vector<16xi32> -> vector<16xf32>
      %add3A_1018 = arith.addf %select_n3A_996, %gather3A_1017 : vector<16xf32>
      %select_n3A_1019 = arith.select %eq3A_181, %add3A_1007, %add3A_1018 : vector<16xi1>, vector<16xf32>
      %mul3A_1020 = arith.constant 16 : i32
      %mul3A_1021 = arith.muli %add3A_311, %mul3A_1020 : i32
      %swap3A = arith.index_cast %mul3A_1021 : i32 to index
      %swap3A_1022 = tpu.vector_load %arg11[%swap3A] {strides = array<i32>} : memref<512xf32, #tpu.memory_space<vmem>>, vector<16xf32>,
      %swap3A_1023 = vector.shape_cast %swap3A_1022 : vector<16xf32> to vector<16xf32>
      %swap3A_1024 = vector.shape_cast %select_n3A_1019 : vector<16xf32> to vector<16xf32>
      tpu.vector_store %arg11[%swap3A], %swap3A_1024 {strides = array<i32>} : memref<512xf32, #tpu.memory_space<vmem>>, vector<16xf32>,
    }
    %scan3A_212 = arith.constant 8 : i32
    %dma_wait3A_213 = arith.constant 1 : i32
    %dma_wait3A_214 = arith.constant 1 : i32
    %dma_wait3A_215 = arith.constant 128 : i32
    %dma_wait3A_216 = arith.constant 0 : i32
    %dma_wait3A_217 = tpu.memref_slice %arg9[%dma_wait3A_215, %dma_wait3A_216] : memref<512x32xf32, #tpu.memory_space<vmem>> -> memref<128x32xf32, #tpu.memory_space<vmem>>
    %dma_wait3A_218 = arith.constant 0 : i32
    %dma_wait3A_219 = tpu.memref_slice %arg7[%dma_wait3A_213, %dma_wait3A_218] : memref<4x128xi32, #tpu.memory_space<vmem>> -> memref<1x128xi32, #tpu.memory_space<vmem>>
    %dma_wait3A_220 = tpu.memref_squeeze %dma_wait3A_219 : memref<1x128xi32, #tpu.memory_space<vmem>> -> memref<128xi32, #tpu.memory_space<vmem>>
    %dma_wait3A_221 = arith.constant 0 : i32
    %dma_wait3A_222 = arith.constant 0 : i32
    %dma_wait3A_223 = tpu.memref_slice %arg4[%dma_wait3A_221, %dma_wait3A_222] : memref<1000000x32xf32, #tpu.memory_space<hbm>> -> memref<1000000x32xf32, #tpu.memory_space<hbm>>
    %dma_wait3A_224 = tpu.memref_slice %arg13[%dma_wait3A_214] : memref<4x!tpu.dma_semaphore, #tpu.memory_space<semaphore_mem>> -> memref<1x!tpu.dma_semaphore, #tpu.memory_space<semaphore_mem>>
    %dma_wait3A_225 = tpu.memref_squeeze %dma_wait3A_224 : memref<1x!tpu.dma_semaphore, #tpu.memory_space<semaphore_mem>> -> memref<!tpu.dma_semaphore, #tpu.memory_space<semaphore_mem>>
    tpu.wait_indirect_dma semaphore(%dma_wait3A_225 : memref<!tpu.dma_semaphore, #tpu.memory_space<semaphore_mem>>) src(%dma_wait3A_223 : memref<1000000x32xf32, #tpu.memory_space<hbm>>) dst(%dma_wait3A_217 : memref<128x32xf32, #tpu.memory_space<vmem>>)
    %dma_wait3A_226 = arith.constant 1 : i32
    %dma_wait3A_227 = arith.constant 1 : i32
    %dma_wait3A_228 = arith.constant 128 : i32
    %dma_wait3A_229 = arith.constant 0 : i32
    %dma_wait3A_230 = tpu.memref_slice %arg10[%dma_wait3A_228, %dma_wait3A_229] : memref<512x32xf32, #tpu.memory_space<vmem>> -> memref<128x32xf32, #tpu.memory_space<vmem>>
    %dma_wait3A_231 = arith.constant 0 : i32
    %dma_wait3A_232 = tpu.memref_slice %arg8[%dma_wait3A_226, %dma_wait3A_231] : memref<4x128xi32, #tpu.memory_space<vmem>> -> memref<1x128xi32, #tpu.memory_space<vmem>>
    %dma_wait3A_233 = tpu.memref_squeeze %dma_wait3A_232 : memref<1x128xi32, #tpu.memory_space<vmem>> -> memref<128xi32, #tpu.memory_space<vmem>>
    %dma_wait3A_234 = arith.constant 0 : i32
    %dma_wait3A_235 = arith.constant 0 : i32
    %dma_wait3A_236 = tpu.memref_slice %arg5[%dma_wait3A_234, %dma_wait3A_235] : memref<1000000x32xf32, #tpu.memory_space<hbm>> -> memref<1000000x32xf32, #tpu.memory_space<hbm>>
    %dma_wait3A_237 = tpu.memref_slice %arg13[%dma_wait3A_227] : memref<4x!tpu.dma_semaphore, #tpu.memory_space<semaphore_mem>> -> memref<1x!tpu.dma_semaphore, #tpu.memory_space<semaphore_mem>>
    %dma_wait3A_238 = tpu.memref_squeeze %dma_wait3A_237 : memref<1x!tpu.dma_semaphore, #tpu.memory_space<semaphore_mem>> -> memref<!tpu.dma_semaphore, #tpu.memory_space<semaphore_mem>>
    tpu.wait_indirect_dma semaphore(%dma_wait3A_238 : memref<!tpu.dma_semaphore, #tpu.memory_space<semaphore_mem>>) src(%dma_wait3A_236 : memref<1000000x32xf32, #tpu.memory_space<hbm>>) dst(%dma_wait3A_230 : memref<128x32xf32, #tpu.memory_space<vmem>>)
    %scan3A_239 = arith.constant 0 : i32
    %scan3A_240 = arith.constant 0 : i32
    %scan3A_241 = arith.constant 8 : i32
    %scan3A_242 = arith.addi %scan3A_240, %scan3A_241 : i32
    %scan3A_243 = arith.constant 1 : i32
    scf.for %scan3A_309 = %scan3A_240 to %scan3A_242 step %scan3A_243  : i32 {
      %add3A_310 = arith.constant 8 : i32
      %add3A_311 = arith.addi %add3A_310, %scan3A_309 : i32
      %mul3A_312 = arith.constant 16 : i32
      %mul3A_313 = arith.muli %add3A_311, %mul3A_312 : i32
      %add3A_314 = arith.constant 0 : i32
      %add3A_315 = arith.addi %mul3A_313, %add3A_314 : i32
      %get3A = arith.index_cast %add3A_315 : i32 to index
      %get3A_316 = arith.constant 0 : index
      %get3A_317 = tpu.vector_load %arg9[%get3A, %get3A_316] {strides = array<i32>} : memref<512x32xf32, #tpu.memory_space<vmem>>, vector<1x16xf32>,
      %get3A_318 = vector.shape_cast %get3A_317 : vector<1x16xf32> to vector<16xf32>
      %get3A_319 = arith.index_cast %add3A_315 : i32 to index
      %get3A_320 = arith.constant 16 : index
      %get3A_321 = tpu.vector_load %arg9[%get3A_319, %get3A_320] {strides = array<i32>} : memref<512x32xf32, #tpu.memory_space<vmem>>, vector<1x16xf32>,
      %get3A_322 = vector.shape_cast %get3A_321 : vector<1x16xf32> to vector<16xf32>
      %get3A_323 = arith.index_cast %add3A_315 : i32 to index
      %get3A_324 = arith.constant 0 : index
      %get3A_325 = tpu.vector_load %arg10[%get3A_323, %get3A_324] {strides = array<i32>} : memref<512x32xf32, #tpu.memory_space<vmem>>, vector<1x16xf32>,
      %get3A_326 = vector.shape_cast %get3A_325 : vector<1x16xf32> to vector<16xf32>
      %get3A_327 = arith.index_cast %add3A_315 : i32 to index
      %get3A_328 = arith.constant 16 : index
      %get3A_329 = tpu.vector_load %arg10[%get3A_327, %get3A_328] {strides = array<i32>} : memref<512x32xf32, #tpu.memory_space<vmem>>, vector<1x16xf32>,
      %get3A_330 = vector.shape_cast %get3A_329 : vector<1x16xf32> to vector<16xf32>
      %mul3A_331 = arith.mulf %get3A_318, %get3A_326 : vector<16xf32>
      %mul3A_332 = arith.mulf %get3A_322, %get3A_330 : vector<16xf32>
      %add3A_333 = arith.addf %mul3A_331, %mul3A_332 : vector<16xf32>
      %lt3A = arith.constant 0 : i32
      %lt3A_334 = vector.broadcast %lt3A : i32 to vector<16xi32>
      %lt3A_335 = arith.cmpi slt, %xor3A_150, %lt3A_334 : vector<16xi32>
      %add3A_336 = arith.constant 16 : i32
      %add3A_337 = vector.broadcast %add3A_336 : i32 to vector<16xi32>
      %add3A_338 = arith.addi %xor3A_150, %add3A_337 : vector<16xi32>
      %select_n3A = arith.select %lt3A_335, %add3A_338, %xor3A_150 : vector<16xi1>, vector<16xi32>
      %reshape3A = vector.shape_cast %select_n3A : vector<16xi32> to vector<16x1xi32>
      %gather3A = vector.shape_cast %reshape3A : vector<16x1xi32> to vector<16xi32>
      %gather3A_339 = tpu.dynamic_gather %add3A_333[%gather3A] in [0] : vector<16xf32>, vector<16xi32> -> vector<16xf32>
      %add3A_340 = arith.addf %add3A_333, %gather3A_339 : vector<16xf32>
      %mul3A_341 = arith.constant 16 : i32
      %mul3A_342 = arith.muli %add3A_311, %mul3A_341 : i32
      %add3A_343 = arith.constant 8 : i32
      %add3A_344 = arith.addi %mul3A_342, %add3A_343 : i32
      %get3A_345 = arith.index_cast %add3A_344 : i32 to index
      %get3A_346 = arith.constant 0 : index
      %get3A_347 = tpu.vector_load %arg9[%get3A_345, %get3A_346] {strides = array<i32>} : memref<512x32xf32, #tpu.memory_space<vmem>>, vector<1x16xf32>,
      %get3A_348 = vector.shape_cast %get3A_347 : vector<1x16xf32> to vector<16xf32>
      %get3A_349 = arith.index_cast %add3A_344 : i32 to index
      %get3A_350 = arith.constant 16 : index
      %get3A_351 = tpu.vector_load %arg9[%get3A_349, %get3A_350] {strides = array<i32>} : memref<512x32xf32, #tpu.memory_space<vmem>>, vector<1x16xf32>,
      %get3A_352 = vector.shape_cast %get3A_351 : vector<1x16xf32> to vector<16xf32>
      %get3A_353 = arith.index_cast %add3A_344 : i32 to index
      %get3A_354 = arith.constant 0 : index
      %get3A_355 = tpu.vector_load %arg10[%get3A_353, %get3A_354] {strides = array<i32>} : memref<512x32xf32, #tpu.memory_space<vmem>>, vector<1x16xf32>,
      %get3A_356 = vector.shape_cast %get3A_355 : vector<1x16xf32> to vector<16xf32>
      %get3A_357 = arith.index_cast %add3A_344 : i32 to index
      %get3A_358 = arith.constant 16 : index
      %get3A_359 = tpu.vector_load %arg10[%get3A_357, %get3A_358] {strides = array<i32>} : memref<512x32xf32, #tpu.memory_space<vmem>>, vector<1x16xf32>,
      %get3A_360 = vector.shape_cast %get3A_359 : vector<1x16xf32> to vector<16xf32>
      %mul3A_361 = arith.mulf %get3A_348, %get3A_356 : vector<16xf32>
      %mul3A_362 = arith.mulf %get3A_352, %get3A_360 : vector<16xf32>
      %add3A_363 = arith.addf %mul3A_361, %mul3A_362 : vector<16xf32>
      %lt3A_364 = arith.constant 0 : i32
      %lt3A_365 = vector.broadcast %lt3A_364 : i32 to vector<16xi32>
      %lt3A_366 = arith.cmpi slt, %xor3A_150, %lt3A_365 : vector<16xi32>
      %add3A_367 = arith.constant 16 : i32
      %add3A_368 = vector.broadcast %add3A_367 : i32 to vector<16xi32>
      %add3A_369 = arith.addi %xor3A_150, %add3A_368 : vector<16xi32>
      %select_n3A_370 = arith.select %lt3A_366, %add3A_369, %xor3A_150 : vector<16xi1>, vector<16xi32>
      %reshape3A_371 = vector.shape_cast %select_n3A_370 : vector<16xi32> to vector<16x1xi32>
      %gather3A_372 = vector.shape_cast %reshape3A_371 : vector<16x1xi32> to vector<16xi32>
      %gather3A_373 = tpu.dynamic_gather %add3A_363[%gather3A_372] in [0] : vector<16xf32>, vector<16xi32> -> vector<16xf32>
      %add3A_374 = arith.addf %add3A_363, %gather3A_373 : vector<16xf32>
      %mul3A_375 = arith.constant 16 : i32
      %mul3A_376 = arith.muli %add3A_311, %mul3A_375 : i32
      %add3A_377 = arith.constant 4 : i32
      %add3A_378 = arith.addi %mul3A_376, %add3A_377 : i32
      %get3A_379 = arith.index_cast %add3A_378 : i32 to index
      %get3A_380 = arith.constant 0 : index
      %get3A_381 = tpu.vector_load %arg9[%get3A_379, %get3A_380] {strides = array<i32>} : memref<512x32xf32, #tpu.memory_space<vmem>>, vector<1x16xf32>,
      %get3A_382 = vector.shape_cast %get3A_381 : vector<1x16xf32> to vector<16xf32>
      %get3A_383 = arith.index_cast %add3A_378 : i32 to index
      %get3A_384 = arith.constant 16 : index
      %get3A_385 = tpu.vector_load %arg9[%get3A_383, %get3A_384] {strides = array<i32>} : memref<512x32xf32, #tpu.memory_space<vmem>>, vector<1x16xf32>,
      %get3A_386 = vector.shape_cast %get3A_385 : vector<1x16xf32> to vector<16xf32>
      %get3A_387 = arith.index_cast %add3A_378 : i32 to index
      %get3A_388 = arith.constant 0 : index
      %get3A_389 = tpu.vector_load %arg10[%get3A_387, %get3A_388] {strides = array<i32>} : memref<512x32xf32, #tpu.memory_space<vmem>>, vector<1x16xf32>,
      %get3A_390 = vector.shape_cast %get3A_389 : vector<1x16xf32> to vector<16xf32>
      %get3A_391 = arith.index_cast %add3A_378 : i32 to index
      %get3A_392 = arith.constant 16 : index
      %get3A_393 = tpu.vector_load %arg10[%get3A_391, %get3A_392] {strides = array<i32>} : memref<512x32xf32, #tpu.memory_space<vmem>>, vector<1x16xf32>,
      %get3A_394 = vector.shape_cast %get3A_393 : vector<1x16xf32> to vector<16xf32>
      %mul3A_395 = arith.mulf %get3A_382, %get3A_390 : vector<16xf32>
      %mul3A_396 = arith.mulf %get3A_386, %get3A_394 : vector<16xf32>
      %add3A_397 = arith.addf %mul3A_395, %mul3A_396 : vector<16xf32>
      %lt3A_398 = arith.constant 0 : i32
      %lt3A_399 = vector.broadcast %lt3A_398 : i32 to vector<16xi32>
      %lt3A_400 = arith.cmpi slt, %xor3A_150, %lt3A_399 : vector<16xi32>
      %add3A_401 = arith.constant 16 : i32
      %add3A_402 = vector.broadcast %add3A_401 : i32 to vector<16xi32>
      %add3A_403 = arith.addi %xor3A_150, %add3A_402 : vector<16xi32>
      %select_n3A_404 = arith.select %lt3A_400, %add3A_403, %xor3A_150 : vector<16xi1>, vector<16xi32>
      %reshape3A_405 = vector.shape_cast %select_n3A_404 : vector<16xi32> to vector<16x1xi32>
      %gather3A_406 = vector.shape_cast %reshape3A_405 : vector<16x1xi32> to vector<16xi32>
      %gather3A_407 = tpu.dynamic_gather %add3A_397[%gather3A_406] in [0] : vector<16xf32>, vector<16xi32> -> vector<16xf32>
      %add3A_408 = arith.addf %add3A_397, %gather3A_407 : vector<16xf32>
      %mul3A_409 = arith.constant 16 : i32
      %mul3A_410 = arith.muli %add3A_311, %mul3A_409 : i32
      %add3A_411 = arith.constant 12 : i32
      %add3A_412 = arith.addi %mul3A_410, %add3A_411 : i32
      %get3A_413 = arith.index_cast %add3A_412 : i32 to index
      %get3A_414 = arith.constant 0 : index
      %get3A_415 = tpu.vector_load %arg9[%get3A_413, %get3A_414] {strides = array<i32>} : memref<512x32xf32, #tpu.memory_space<vmem>>, vector<1x16xf32>,
      %get3A_416 = vector.shape_cast %get3A_415 : vector<1x16xf32> to vector<16xf32>
      %get3A_417 = arith.index_cast %add3A_412 : i32 to index
      %get3A_418 = arith.constant 16 : index
      %get3A_419 = tpu.vector_load %arg9[%get3A_417, %get3A_418] {strides = array<i32>} : memref<512x32xf32, #tpu.memory_space<vmem>>, vector<1x16xf32>,
      %get3A_420 = vector.shape_cast %get3A_419 : vector<1x16xf32> to vector<16xf32>
      %get3A_421 = arith.index_cast %add3A_412 : i32 to index
      %get3A_422 = arith.constant 0 : index
      %get3A_423 = tpu.vector_load %arg10[%get3A_421, %get3A_422] {strides = array<i32>} : memref<512x32xf32, #tpu.memory_space<vmem>>, vector<1x16xf32>,
      %get3A_424 = vector.shape_cast %get3A_423 : vector<1x16xf32> to vector<16xf32>
      %get3A_425 = arith.index_cast %add3A_412 : i32 to index
      %get3A_426 = arith.constant 16 : index
      %get3A_427 = tpu.vector_load %arg10[%get3A_425, %get3A_426] {strides = array<i32>} : memref<512x32xf32, #tpu.memory_space<vmem>>, vector<1x16xf32>,
      %get3A_428 = vector.shape_cast %get3A_427 : vector<1x16xf32> to vector<16xf32>
      %mul3A_429 = arith.mulf %get3A_416, %get3A_424 : vector<16xf32>
      %mul3A_430 = arith.mulf %get3A_420, %get3A_428 : vector<16xf32>
      %add3A_431 = arith.addf %mul3A_429, %mul3A_430 : vector<16xf32>
      %lt3A_432 = arith.constant 0 : i32
      %lt3A_433 = vector.broadcast %lt3A_432 : i32 to vector<16xi32>
      %lt3A_434 = arith.cmpi slt, %xor3A_150, %lt3A_433 : vector<16xi32>
      %add3A_435 = arith.constant 16 : i32
      %add3A_436 = vector.broadcast %add3A_435 : i32 to vector<16xi32>
      %add3A_437 = arith.addi %xor3A_150, %add3A_436 : vector<16xi32>
      %select_n3A_438 = arith.select %lt3A_434, %add3A_437, %xor3A_150 : vector<16xi1>, vector<16xi32>
      %reshape3A_439 = vector.shape_cast %select_n3A_438 : vector<16xi32> to vector<16x1xi32>
      %gather3A_440 = vector.shape_cast %reshape3A_439 : vector<16x1xi32> to vector<16xi32>
      %gather3A_441 = tpu.dynamic_gather %add3A_431[%gather3A_440] in [0] : vector<16xf32>, vector<16xi32> -> vector<16xf32>
      %add3A_442 = arith.addf %add3A_431, %gather3A_441 : vector<16xf32>
      %mul3A_443 = arith.constant 16 : i32
      %mul3A_444 = arith.muli %add3A_311, %mul3A_443 : i32
      %add3A_445 = arith.constant 2 : i32
      %add3A_446 = arith.addi %mul3A_444, %add3A_445 : i32
      %get3A_447 = arith.index_cast %add3A_446 : i32 to index
      %get3A_448 = arith.constant 0 : index
      %get3A_449 = tpu.vector_load %arg9[%get3A_447, %get3A_448] {strides = array<i32>} : memref<512x32xf32, #tpu.memory_space<vmem>>, vector<1x16xf32>,
      %get3A_450 = vector.shape_cast %get3A_449 : vector<1x16xf32> to vector<16xf32>
      %get3A_451 = arith.index_cast %add3A_446 : i32 to index
      %get3A_452 = arith.constant 16 : index
      %get3A_453 = tpu.vector_load %arg9[%get3A_451, %get3A_452] {strides = array<i32>} : memref<512x32xf32, #tpu.memory_space<vmem>>, vector<1x16xf32>,
      %get3A_454 = vector.shape_cast %get3A_453 : vector<1x16xf32> to vector<16xf32>
      %get3A_455 = arith.index_cast %add3A_446 : i32 to index
      %get3A_456 = arith.constant 0 : index
      %get3A_457 = tpu.vector_load %arg10[%get3A_455, %get3A_456] {strides = array<i32>} : memref<512x32xf32, #tpu.memory_space<vmem>>, vector<1x16xf32>,
      %get3A_458 = vector.shape_cast %get3A_457 : vector<1x16xf32> to vector<16xf32>
      %get3A_459 = arith.index_cast %add3A_446 : i32 to index
      %get3A_460 = arith.constant 16 : index
      %get3A_461 = tpu.vector_load %arg10[%get3A_459, %get3A_460] {strides = array<i32>} : memref<512x32xf32, #tpu.memory_space<vmem>>, vector<1x16xf32>,
      %get3A_462 = vector.shape_cast %get3A_461 : vector<1x16xf32> to vector<16xf32>
      %mul3A_463 = arith.mulf %get3A_450, %get3A_458 : vector<16xf32>
      %mul3A_464 = arith.mulf %get3A_454, %get3A_462 : vector<16xf32>
      %add3A_465 = arith.addf %mul3A_463, %mul3A_464 : vector<16xf32>
      %lt3A_466 = arith.constant 0 : i32
      %lt3A_467 = vector.broadcast %lt3A_466 : i32 to vector<16xi32>
      %lt3A_468 = arith.cmpi slt, %xor3A_150, %lt3A_467 : vector<16xi32>
      %add3A_469 = arith.constant 16 : i32
      %add3A_470 = vector.broadcast %add3A_469 : i32 to vector<16xi32>
      %add3A_471 = arith.addi %xor3A_150, %add3A_470 : vector<16xi32>
      %select_n3A_472 = arith.select %lt3A_468, %add3A_471, %xor3A_150 : vector<16xi1>, vector<16xi32>
      %reshape3A_473 = vector.shape_cast %select_n3A_472 : vector<16xi32> to vector<16x1xi32>
      %gather3A_474 = vector.shape_cast %reshape3A_473 : vector<16x1xi32> to vector<16xi32>
      %gather3A_475 = tpu.dynamic_gather %add3A_465[%gather3A_474] in [0] : vector<16xf32>, vector<16xi32> -> vector<16xf32>
      %add3A_476 = arith.addf %add3A_465, %gather3A_475 : vector<16xf32>
      %mul3A_477 = arith.constant 16 : i32
      %mul3A_478 = arith.muli %add3A_311, %mul3A_477 : i32
      %add3A_479 = arith.constant 10 : i32
      %add3A_480 = arith.addi %mul3A_478, %add3A_479 : i32
      %get3A_481 = arith.index_cast %add3A_480 : i32 to index
      %get3A_482 = arith.constant 0 : index
      %get3A_483 = tpu.vector_load %arg9[%get3A_481, %get3A_482] {strides = array<i32>} : memref<512x32xf32, #tpu.memory_space<vmem>>, vector<1x16xf32>,
      %get3A_484 = vector.shape_cast %get3A_483 : vector<1x16xf32> to vector<16xf32>
      %get3A_485 = arith.index_cast %add3A_480 : i32 to index
      %get3A_486 = arith.constant 16 : index
      %get3A_487 = tpu.vector_load %arg9[%get3A_485, %get3A_486] {strides = array<i32>} : memref<512x32xf32, #tpu.memory_space<vmem>>, vector<1x16xf32>,
      %get3A_488 = vector.shape_cast %get3A_487 : vector<1x16xf32> to vector<16xf32>
      %get3A_489 = arith.index_cast %add3A_480 : i32 to index
      %get3A_490 = arith.constant 0 : index
      %get3A_491 = tpu.vector_load %arg10[%get3A_489, %get3A_490] {strides = array<i32>} : memref<512x32xf32, #tpu.memory_space<vmem>>, vector<1x16xf32>,
      %get3A_492 = vector.shape_cast %get3A_491 : vector<1x16xf32> to vector<16xf32>
      %get3A_493 = arith.index_cast %add3A_480 : i32 to index
      %get3A_494 = arith.constant 16 : index
      %get3A_495 = tpu.vector_load %arg10[%get3A_493, %get3A_494] {strides = array<i32>} : memref<512x32xf32, #tpu.memory_space<vmem>>, vector<1x16xf32>,
      %get3A_496 = vector.shape_cast %get3A_495 : vector<1x16xf32> to vector<16xf32>
      %mul3A_497 = arith.mulf %get3A_484, %get3A_492 : vector<16xf32>
      %mul3A_498 = arith.mulf %get3A_488, %get3A_496 : vector<16xf32>
      %add3A_499 = arith.addf %mul3A_497, %mul3A_498 : vector<16xf32>
      %lt3A_500 = arith.constant 0 : i32
      %lt3A_501 = vector.broadcast %lt3A_500 : i32 to vector<16xi32>
      %lt3A_502 = arith.cmpi slt, %xor3A_150, %lt3A_501 : vector<16xi32>
      %add3A_503 = arith.constant 16 : i32
      %add3A_504 = vector.broadcast %add3A_503 : i32 to vector<16xi32>
      %add3A_505 = arith.addi %xor3A_150, %add3A_504 : vector<16xi32>
      %select_n3A_506 = arith.select %lt3A_502, %add3A_505, %xor3A_150 : vector<16xi1>, vector<16xi32>
      %reshape3A_507 = vector.shape_cast %select_n3A_506 : vector<16xi32> to vector<16x1xi32>
      %gather3A_508 = vector.shape_cast %reshape3A_507 : vector<16x1xi32> to vector<16xi32>
      %gather3A_509 = tpu.dynamic_gather %add3A_499[%gather3A_508] in [0] : vector<16xf32>, vector<16xi32> -> vector<16xf32>
      %add3A_510 = arith.addf %add3A_499, %gather3A_509 : vector<16xf32>
      %mul3A_511 = arith.constant 16 : i32
      %mul3A_512 = arith.muli %add3A_311, %mul3A_511 : i32
      %add3A_513 = arith.constant 6 : i32
      %add3A_514 = arith.addi %mul3A_512, %add3A_513 : i32
      %get3A_515 = arith.index_cast %add3A_514 : i32 to index
      %get3A_516 = arith.constant 0 : index
      %get3A_517 = tpu.vector_load %arg9[%get3A_515, %get3A_516] {strides = array<i32>} : memref<512x32xf32, #tpu.memory_space<vmem>>, vector<1x16xf32>,
      %get3A_518 = vector.shape_cast %get3A_517 : vector<1x16xf32> to vector<16xf32>
      %get3A_519 = arith.index_cast %add3A_514 : i32 to index
      %get3A_520 = arith.constant 16 : index
      %get3A_521 = tpu.vector_load %arg9[%get3A_519, %get3A_520] {strides = array<i32>} : memref<512x32xf32, #tpu.memory_space<vmem>>, vector<1x16xf32>,
      %get3A_522 = vector.shape_cast %get3A_521 : vector<1x16xf32> to vector<16xf32>
      %get3A_523 = arith.index_cast %add3A_514 : i32 to index
      %get3A_524 = arith.constant 0 : index
      %get3A_525 = tpu.vector_load %arg10[%get3A_523, %get3A_524] {strides = array<i32>} : memref<512x32xf32, #tpu.memory_space<vmem>>, vector<1x16xf32>,
      %get3A_526 = vector.shape_cast %get3A_525 : vector<1x16xf32> to vector<16xf32>
      %get3A_527 = arith.index_cast %add3A_514 : i32 to index
      %get3A_528 = arith.constant 16 : index
      %get3A_529 = tpu.vector_load %arg10[%get3A_527, %get3A_528] {strides = array<i32>} : memref<512x32xf32, #tpu.memory_space<vmem>>, vector<1x16xf32>,
      %get3A_530 = vector.shape_cast %get3A_529 : vector<1x16xf32> to vector<16xf32>
      %mul3A_531 = arith.mulf %get3A_518, %get3A_526 : vector<16xf32>
      %mul3A_532 = arith.mulf %get3A_522, %get3A_530 : vector<16xf32>
      %add3A_533 = arith.addf %mul3A_531, %mul3A_532 : vector<16xf32>
      %lt3A_534 = arith.constant 0 : i32
      %lt3A_535 = vector.broadcast %lt3A_534 : i32 to vector<16xi32>
      %lt3A_536 = arith.cmpi slt, %xor3A_150, %lt3A_535 : vector<16xi32>
      %add3A_537 = arith.constant 16 : i32
      %add3A_538 = vector.broadcast %add3A_537 : i32 to vector<16xi32>
      %add3A_539 = arith.addi %xor3A_150, %add3A_538 : vector<16xi32>
      %select_n3A_540 = arith.select %lt3A_536, %add3A_539, %xor3A_150 : vector<16xi1>, vector<16xi32>
      %reshape3A_541 = vector.shape_cast %select_n3A_540 : vector<16xi32> to vector<16x1xi32>
      %gather3A_542 = vector.shape_cast %reshape3A_541 : vector<16x1xi32> to vector<16xi32>
      %gather3A_543 = tpu.dynamic_gather %add3A_533[%gather3A_542] in [0] : vector<16xf32>, vector<16xi32> -> vector<16xf32>
      %add3A_544 = arith.addf %add3A_533, %gather3A_543 : vector<16xf32>
      %mul3A_545 = arith.constant 16 : i32
      %mul3A_546 = arith.muli %add3A_311, %mul3A_545 : i32
      %add3A_547 = arith.constant 14 : i32
      %add3A_548 = arith.addi %mul3A_546, %add3A_547 : i32
      %get3A_549 = arith.index_cast %add3A_548 : i32 to index
      %get3A_550 = arith.constant 0 : index
      %get3A_551 = tpu.vector_load %arg9[%get3A_549, %get3A_550] {strides = array<i32>} : memref<512x32xf32, #tpu.memory_space<vmem>>, vector<1x16xf32>,
      %get3A_552 = vector.shape_cast %get3A_551 : vector<1x16xf32> to vector<16xf32>
      %get3A_553 = arith.index_cast %add3A_548 : i32 to index
      %get3A_554 = arith.constant 16 : index
      %get3A_555 = tpu.vector_load %arg9[%get3A_553, %get3A_554] {strides = array<i32>} : memref<512x32xf32, #tpu.memory_space<vmem>>, vector<1x16xf32>,
      %get3A_556 = vector.shape_cast %get3A_555 : vector<1x16xf32> to vector<16xf32>
      %get3A_557 = arith.index_cast %add3A_548 : i32 to index
      %get3A_558 = arith.constant 0 : index
      %get3A_559 = tpu.vector_load %arg10[%get3A_557, %get3A_558] {strides = array<i32>} : memref<512x32xf32, #tpu.memory_space<vmem>>, vector<1x16xf32>,
      %get3A_560 = vector.shape_cast %get3A_559 : vector<1x16xf32> to vector<16xf32>
      %get3A_561 = arith.index_cast %add3A_548 : i32 to index
      %get3A_562 = arith.constant 16 : index
      %get3A_563 = tpu.vector_load %arg10[%get3A_561, %get3A_562] {strides = array<i32>} : memref<512x32xf32, #tpu.memory_space<vmem>>, vector<1x16xf32>,
      %get3A_564 = vector.shape_cast %get3A_563 : vector<1x16xf32> to vector<16xf32>
      %mul3A_565 = arith.mulf %get3A_552, %get3A_560 : vector<16xf32>
      %mul3A_566 = arith.mulf %get3A_556, %get3A_564 : vector<16xf32>
      %add3A_567 = arith.addf %mul3A_565, %mul3A_566 : vector<16xf32>
      %lt3A_568 = arith.constant 0 : i32
      %lt3A_569 = vector.broadcast %lt3A_568 : i32 to vector<16xi32>
      %lt3A_570 = arith.cmpi slt, %xor3A_150, %lt3A_569 : vector<16xi32>
      %add3A_571 = arith.constant 16 : i32
      %add3A_572 = vector.broadcast %add3A_571 : i32 to vector<16xi32>
      %add3A_573 = arith.addi %xor3A_150, %add3A_572 : vector<16xi32>
      %select_n3A_574 = arith.select %lt3A_570, %add3A_573, %xor3A_150 : vector<16xi1>, vector<16xi32>
      %reshape3A_575 = vector.shape_cast %select_n3A_574 : vector<16xi32> to vector<16x1xi32>
      %gather3A_576 = vector.shape_cast %reshape3A_575 : vector<16x1xi32> to vector<16xi32>
      %gather3A_577 = tpu.dynamic_gather %add3A_567[%gather3A_576] in [0] : vector<16xf32>, vector<16xi32> -> vector<16xf32>
      %add3A_578 = arith.addf %add3A_567, %gather3A_577 : vector<16xf32>
      %mul3A_579 = arith.constant 16 : i32
      %mul3A_580 = arith.muli %add3A_311, %mul3A_579 : i32
      %add3A_581 = arith.constant 1 : i32
      %add3A_582 = arith.addi %mul3A_580, %add3A_581 : i32
      %get3A_583 = arith.index_cast %add3A_582 : i32 to index
      %get3A_584 = arith.constant 0 : index
      %get3A_585 = tpu.vector_load %arg9[%get3A_583, %get3A_584] {strides = array<i32>} : memref<512x32xf32, #tpu.memory_space<vmem>>, vector<1x16xf32>,
      %get3A_586 = vector.shape_cast %get3A_585 : vector<1x16xf32> to vector<16xf32>
      %get3A_587 = arith.index_cast %add3A_582 : i32 to index
      %get3A_588 = arith.constant 16 : index
      %get3A_589 = tpu.vector_load %arg9[%get3A_587, %get3A_588] {strides = array<i32>} : memref<512x32xf32, #tpu.memory_space<vmem>>, vector<1x16xf32>,
      %get3A_590 = vector.shape_cast %get3A_589 : vector<1x16xf32> to vector<16xf32>
      %get3A_591 = arith.index_cast %add3A_582 : i32 to index
      %get3A_592 = arith.constant 0 : index
      %get3A_593 = tpu.vector_load %arg10[%get3A_591, %get3A_592] {strides = array<i32>} : memref<512x32xf32, #tpu.memory_space<vmem>>, vector<1x16xf32>,
      %get3A_594 = vector.shape_cast %get3A_593 : vector<1x16xf32> to vector<16xf32>
      %get3A_595 = arith.index_cast %add3A_582 : i32 to index
      %get3A_596 = arith.constant 16 : index
      %get3A_597 = tpu.vector_load %arg10[%get3A_595, %get3A_596] {strides = array<i32>} : memref<512x32xf32, #tpu.memory_space<vmem>>, vector<1x16xf32>,
      %get3A_598 = vector.shape_cast %get3A_597 : vector<1x16xf32> to vector<16xf32>
      %mul3A_599 = arith.mulf %get3A_586, %get3A_594 : vector<16xf32>
      %mul3A_600 = arith.mulf %get3A_590, %get3A_598 : vector<16xf32>
      %add3A_601 = arith.addf %mul3A_599, %mul3A_600 : vector<16xf32>
      %lt3A_602 = arith.constant 0 : i32
      %lt3A_603 = vector.broadcast %lt3A_602 : i32 to vector<16xi32>
      %lt3A_604 = arith.cmpi slt, %xor3A_150, %lt3A_603 : vector<16xi32>
      %add3A_605 = arith.constant 16 : i32
      %add3A_606 = vector.broadcast %add3A_605 : i32 to vector<16xi32>
      %add3A_607 = arith.addi %xor3A_150, %add3A_606 : vector<16xi32>
      %select_n3A_608 = arith.select %lt3A_604, %add3A_607, %xor3A_150 : vector<16xi1>, vector<16xi32>
      %reshape3A_609 = vector.shape_cast %select_n3A_608 : vector<16xi32> to vector<16x1xi32>
      %gather3A_610 = vector.shape_cast %reshape3A_609 : vector<16x1xi32> to vector<16xi32>
      %gather3A_611 = tpu.dynamic_gather %add3A_601[%gather3A_610] in [0] : vector<16xf32>, vector<16xi32> -> vector<16xf32>
      %add3A_612 = arith.addf %add3A_601, %gather3A_611 : vector<16xf32>
      %mul3A_613 = arith.constant 16 : i32
      %mul3A_614 = arith.muli %add3A_311, %mul3A_613 : i32
      %add3A_615 = arith.constant 9 : i32
      %add3A_616 = arith.addi %mul3A_614, %add3A_615 : i32
      %get3A_617 = arith.index_cast %add3A_616 : i32 to index
      %get3A_618 = arith.constant 0 : index
      %get3A_619 = tpu.vector_load %arg9[%get3A_617, %get3A_618] {strides = array<i32>} : memref<512x32xf32, #tpu.memory_space<vmem>>, vector<1x16xf32>,
      %get3A_620 = vector.shape_cast %get3A_619 : vector<1x16xf32> to vector<16xf32>
      %get3A_621 = arith.index_cast %add3A_616 : i32 to index
      %get3A_622 = arith.constant 16 : index
      %get3A_623 = tpu.vector_load %arg9[%get3A_621, %get3A_622] {strides = array<i32>} : memref<512x32xf32, #tpu.memory_space<vmem>>, vector<1x16xf32>,
      %get3A_624 = vector.shape_cast %get3A_623 : vector<1x16xf32> to vector<16xf32>
      %get3A_625 = arith.index_cast %add3A_616 : i32 to index
      %get3A_626 = arith.constant 0 : index
      %get3A_627 = tpu.vector_load %arg10[%get3A_625, %get3A_626] {strides = array<i32>} : memref<512x32xf32, #tpu.memory_space<vmem>>, vector<1x16xf32>,
      %get3A_628 = vector.shape_cast %get3A_627 : vector<1x16xf32> to vector<16xf32>
      %get3A_629 = arith.index_cast %add3A_616 : i32 to index
      %get3A_630 = arith.constant 16 : index
      %get3A_631 = tpu.vector_load %arg10[%get3A_629, %get3A_630] {strides = array<i32>} : memref<512x32xf32, #tpu.memory_space<vmem>>, vector<1x16xf32>,
      %get3A_632 = vector.shape_cast %get3A_631 : vector<1x16xf32> to vector<16xf32>
      %mul3A_633 = arith.mulf %get3A_620, %get3A_628 : vector<16xf32>
      %mul3A_634 = arith.mulf %get3A_624, %get3A_632 : vector<16xf32>
      %add3A_635 = arith.addf %mul3A_633, %mul3A_634 : vector<16xf32>
      %lt3A_636 = arith.constant 0 : i32
      %lt3A_637 = vector.broadcast %lt3A_636 : i32 to vector<16xi32>
      %lt3A_638 = arith.cmpi slt, %xor3A_150, %lt3A_637 : vector<16xi32>
      %add3A_639 = arith.constant 16 : i32
      %add3A_640 = vector.broadcast %add3A_639 : i32 to vector<16xi32>
      %add3A_641 = arith.addi %xor3A_150, %add3A_640 : vector<16xi32>
      %select_n3A_642 = arith.select %lt3A_638, %add3A_641, %xor3A_150 : vector<16xi1>, vector<16xi32>
      %reshape3A_643 = vector.shape_cast %select_n3A_642 : vector<16xi32> to vector<16x1xi32>
      %gather3A_644 = vector.shape_cast %reshape3A_643 : vector<16x1xi32> to vector<16xi32>
      %gather3A_645 = tpu.dynamic_gather %add3A_635[%gather3A_644] in [0] : vector<16xf32>, vector<16xi32> -> vector<16xf32>
      %add3A_646 = arith.addf %add3A_635, %gather3A_645 : vector<16xf32>
      %mul3A_647 = arith.constant 16 : i32
      %mul3A_648 = arith.muli %add3A_311, %mul3A_647 : i32
      %add3A_649 = arith.constant 5 : i32
      %add3A_650 = arith.addi %mul3A_648, %add3A_649 : i32
      %get3A_651 = arith.index_cast %add3A_650 : i32 to index
      %get3A_652 = arith.constant 0 : index
      %get3A_653 = tpu.vector_load %arg9[%get3A_651, %get3A_652] {strides = array<i32>} : memref<512x32xf32, #tpu.memory_space<vmem>>, vector<1x16xf32>,
      %get3A_654 = vector.shape_cast %get3A_653 : vector<1x16xf32> to vector<16xf32>
      %get3A_655 = arith.index_cast %add3A_650 : i32 to index
      %get3A_656 = arith.constant 16 : index
      %get3A_657 = tpu.vector_load %arg9[%get3A_655, %get3A_656] {strides = array<i32>} : memref<512x32xf32, #tpu.memory_space<vmem>>, vector<1x16xf32>,
      %get3A_658 = vector.shape_cast %get3A_657 : vector<1x16xf32> to vector<16xf32>
      %get3A_659 = arith.index_cast %add3A_650 : i32 to index
      %get3A_660 = arith.constant 0 : index
      %get3A_661 = tpu.vector_load %arg10[%get3A_659, %get3A_660] {strides = array<i32>} : memref<512x32xf32, #tpu.memory_space<vmem>>, vector<1x16xf32>,
      %get3A_662 = vector.shape_cast %get3A_661 : vector<1x16xf32> to vector<16xf32>
      %get3A_663 = arith.index_cast %add3A_650 : i32 to index
      %get3A_664 = arith.constant 16 : index
      %get3A_665 = tpu.vector_load %arg10[%get3A_663, %get3A_664] {strides = array<i32>} : memref<512x32xf32, #tpu.memory_space<vmem>>, vector<1x16xf32>,
      %get3A_666 = vector.shape_cast %get3A_665 : vector<1x16xf32> to vector<16xf32>
      %mul3A_667 = arith.mulf %get3A_654, %get3A_662 : vector<16xf32>
      %mul3A_668 = arith.mulf %get3A_658, %get3A_666 : vector<16xf32>
      %add3A_669 = arith.addf %mul3A_667, %mul3A_668 : vector<16xf32>
      %lt3A_670 = arith.constant 0 : i32
      %lt3A_671 = vector.broadcast %lt3A_670 : i32 to vector<16xi32>
      %lt3A_672 = arith.cmpi slt, %xor3A_150, %lt3A_671 : vector<16xi32>
      %add3A_673 = arith.constant 16 : i32
      %add3A_674 = vector.broadcast %add3A_673 : i32 to vector<16xi32>
      %add3A_675 = arith.addi %xor3A_150, %add3A_674 : vector<16xi32>
      %select_n3A_676 = arith.select %lt3A_672, %add3A_675, %xor3A_150 : vector<16xi1>, vector<16xi32>
      %reshape3A_677 = vector.shape_cast %select_n3A_676 : vector<16xi32> to vector<16x1xi32>
      %gather3A_678 = vector.shape_cast %reshape3A_677 : vector<16x1xi32> to vector<16xi32>
      %gather3A_679 = tpu.dynamic_gather %add3A_669[%gather3A_678] in [0] : vector<16xf32>, vector<16xi32> -> vector<16xf32>
      %add3A_680 = arith.addf %add3A_669, %gather3A_679 : vector<16xf32>
      %mul3A_681 = arith.constant 16 : i32
      %mul3A_682 = arith.muli %add3A_311, %mul3A_681 : i32
      %add3A_683 = arith.constant 13 : i32
      %add3A_684 = arith.addi %mul3A_682, %add3A_683 : i32
      %get3A_685 = arith.index_cast %add3A_684 : i32 to index
      %get3A_686 = arith.constant 0 : index
      %get3A_687 = tpu.vector_load %arg9[%get3A_685, %get3A_686] {strides = array<i32>} : memref<512x32xf32, #tpu.memory_space<vmem>>, vector<1x16xf32>,
      %get3A_688 = vector.shape_cast %get3A_687 : vector<1x16xf32> to vector<16xf32>
      %get3A_689 = arith.index_cast %add3A_684 : i32 to index
      %get3A_690 = arith.constant 16 : index
      %get3A_691 = tpu.vector_load %arg9[%get3A_689, %get3A_690] {strides = array<i32>} : memref<512x32xf32, #tpu.memory_space<vmem>>, vector<1x16xf32>,
      %get3A_692 = vector.shape_cast %get3A_691 : vector<1x16xf32> to vector<16xf32>
      %get3A_693 = arith.index_cast %add3A_684 : i32 to index
      %get3A_694 = arith.constant 0 : index
      %get3A_695 = tpu.vector_load %arg10[%get3A_693, %get3A_694] {strides = array<i32>} : memref<512x32xf32, #tpu.memory_space<vmem>>, vector<1x16xf32>,
      %get3A_696 = vector.shape_cast %get3A_695 : vector<1x16xf32> to vector<16xf32>
      %get3A_697 = arith.index_cast %add3A_684 : i32 to index
      %get3A_698 = arith.constant 16 : index
      %get3A_699 = tpu.vector_load %arg10[%get3A_697, %get3A_698] {strides = array<i32>} : memref<512x32xf32, #tpu.memory_space<vmem>>, vector<1x16xf32>,
      %get3A_700 = vector.shape_cast %get3A_699 : vector<1x16xf32> to vector<16xf32>
      %mul3A_701 = arith.mulf %get3A_688, %get3A_696 : vector<16xf32>
      %mul3A_702 = arith.mulf %get3A_692, %get3A_700 : vector<16xf32>
      %add3A_703 = arith.addf %mul3A_701, %mul3A_702 : vector<16xf32>
      %lt3A_704 = arith.constant 0 : i32
      %lt3A_705 = vector.broadcast %lt3A_704 : i32 to vector<16xi32>
      %lt3A_706 = arith.cmpi slt, %xor3A_150, %lt3A_705 : vector<16xi32>
      %add3A_707 = arith.constant 16 : i32
      %add3A_708 = vector.broadcast %add3A_707 : i32 to vector<16xi32>
      %add3A_709 = arith.addi %xor3A_150, %add3A_708 : vector<16xi32>
      %select_n3A_710 = arith.select %lt3A_706, %add3A_709, %xor3A_150 : vector<16xi1>, vector<16xi32>
      %reshape3A_711 = vector.shape_cast %select_n3A_710 : vector<16xi32> to vector<16x1xi32>
      %gather3A_712 = vector.shape_cast %reshape3A_711 : vector<16x1xi32> to vector<16xi32>
      %gather3A_713 = tpu.dynamic_gather %add3A_703[%gather3A_712] in [0] : vector<16xf32>, vector<16xi32> -> vector<16xf32>
      %add3A_714 = arith.addf %add3A_703, %gather3A_713 : vector<16xf32>
      %mul3A_715 = arith.constant 16 : i32
      %mul3A_716 = arith.muli %add3A_311, %mul3A_715 : i32
      %add3A_717 = arith.constant 3 : i32
      %add3A_718 = arith.addi %mul3A_716, %add3A_717 : i32
      %get3A_719 = arith.index_cast %add3A_718 : i32 to index
      %get3A_720 = arith.constant 0 : index
      %get3A_721 = tpu.vector_load %arg9[%get3A_719, %get3A_720] {strides = array<i32>} : memref<512x32xf32, #tpu.memory_space<vmem>>, vector<1x16xf32>,
      %get3A_722 = vector.shape_cast %get3A_721 : vector<1x16xf32> to vector<16xf32>
      %get3A_723 = arith.index_cast %add3A_718 : i32 to index
      %get3A_724 = arith.constant 16 : index
      %get3A_725 = tpu.vector_load %arg9[%get3A_723, %get3A_724] {strides = array<i32>} : memref<512x32xf32, #tpu.memory_space<vmem>>, vector<1x16xf32>,
      %get3A_726 = vector.shape_cast %get3A_725 : vector<1x16xf32> to vector<16xf32>
      %get3A_727 = arith.index_cast %add3A_718 : i32 to index
      %get3A_728 = arith.constant 0 : index
      %get3A_729 = tpu.vector_load %arg10[%get3A_727, %get3A_728] {strides = array<i32>} : memref<512x32xf32, #tpu.memory_space<vmem>>, vector<1x16xf32>,
      %get3A_730 = vector.shape_cast %get3A_729 : vector<1x16xf32> to vector<16xf32>
      %get3A_731 = arith.index_cast %add3A_718 : i32 to index
      %get3A_732 = arith.constant 16 : index
      %get3A_733 = tpu.vector_load %arg10[%get3A_731, %get3A_732] {strides = array<i32>} : memref<512x32xf32, #tpu.memory_space<vmem>>, vector<1x16xf32>,
      %get3A_734 = vector.shape_cast %get3A_733 : vector<1x16xf32> to vector<16xf32>
      %mul3A_735 = arith.mulf %get3A_722, %get3A_730 : vector<16xf32>
      %mul3A_736 = arith.mulf %get3A_726, %get3A_734 : vector<16xf32>
      %add3A_737 = arith.addf %mul3A_735, %mul3A_736 : vector<16xf32>
      %lt3A_738 = arith.constant 0 : i32
      %lt3A_739 = vector.broadcast %lt3A_738 : i32 to vector<16xi32>
      %lt3A_740 = arith.cmpi slt, %xor3A_150, %lt3A_739 : vector<16xi32>
      %add3A_741 = arith.constant 16 : i32
      %add3A_742 = vector.broadcast %add3A_741 : i32 to vector<16xi32>
      %add3A_743 = arith.addi %xor3A_150, %add3A_742 : vector<16xi32>
      %select_n3A_744 = arith.select %lt3A_740, %add3A_743, %xor3A_150 : vector<16xi1>, vector<16xi32>
      %reshape3A_745 = vector.shape_cast %select_n3A_744 : vector<16xi32> to vector<16x1xi32>
      %gather3A_746 = vector.shape_cast %reshape3A_745 : vector<16x1xi32> to vector<16xi32>
      %gather3A_747 = tpu.dynamic_gather %add3A_737[%gather3A_746] in [0] : vector<16xf32>, vector<16xi32> -> vector<16xf32>
      %add3A_748 = arith.addf %add3A_737, %gather3A_747 : vector<16xf32>
      %mul3A_749 = arith.constant 16 : i32
      %mul3A_750 = arith.muli %add3A_311, %mul3A_749 : i32
      %add3A_751 = arith.constant 11 : i32
      %add3A_752 = arith.addi %mul3A_750, %add3A_751 : i32
      %get3A_753 = arith.index_cast %add3A_752 : i32 to index
      %get3A_754 = arith.constant 0 : index
      %get3A_755 = tpu.vector_load %arg9[%get3A_753, %get3A_754] {strides = array<i32>} : memref<512x32xf32, #tpu.memory_space<vmem>>, vector<1x16xf32>,
      %get3A_756 = vector.shape_cast %get3A_755 : vector<1x16xf32> to vector<16xf32>
      %get3A_757 = arith.index_cast %add3A_752 : i32 to index
      %get3A_758 = arith.constant 16 : index
      %get3A_759 = tpu.vector_load %arg9[%get3A_757, %get3A_758] {strides = array<i32>} : memref<512x32xf32, #tpu.memory_space<vmem>>, vector<1x16xf32>,
      %get3A_760 = vector.shape_cast %get3A_759 : vector<1x16xf32> to vector<16xf32>
      %get3A_761 = arith.index_cast %add3A_752 : i32 to index
      %get3A_762 = arith.constant 0 : index
      %get3A_763 = tpu.vector_load %arg10[%get3A_761, %get3A_762] {strides = array<i32>} : memref<512x32xf32, #tpu.memory_space<vmem>>, vector<1x16xf32>,
      %get3A_764 = vector.shape_cast %get3A_763 : vector<1x16xf32> to vector<16xf32>
      %get3A_765 = arith.index_cast %add3A_752 : i32 to index
      %get3A_766 = arith.constant 16 : index
      %get3A_767 = tpu.vector_load %arg10[%get3A_765, %get3A_766] {strides = array<i32>} : memref<512x32xf32, #tpu.memory_space<vmem>>, vector<1x16xf32>,
      %get3A_768 = vector.shape_cast %get3A_767 : vector<1x16xf32> to vector<16xf32>
      %mul3A_769 = arith.mulf %get3A_756, %get3A_764 : vector<16xf32>
      %mul3A_770 = arith.mulf %get3A_760, %get3A_768 : vector<16xf32>
      %add3A_771 = arith.addf %mul3A_769, %mul3A_770 : vector<16xf32>
      %lt3A_772 = arith.constant 0 : i32
      %lt3A_773 = vector.broadcast %lt3A_772 : i32 to vector<16xi32>
      %lt3A_774 = arith.cmpi slt, %xor3A_150, %lt3A_773 : vector<16xi32>
      %add3A_775 = arith.constant 16 : i32
      %add3A_776 = vector.broadcast %add3A_775 : i32 to vector<16xi32>
      %add3A_777 = arith.addi %xor3A_150, %add3A_776 : vector<16xi32>
      %select_n3A_778 = arith.select %lt3A_774, %add3A_777, %xor3A_150 : vector<16xi1>, vector<16xi32>
      %reshape3A_779 = vector.shape_cast %select_n3A_778 : vector<16xi32> to vector<16x1xi32>
      %gather3A_780 = vector.shape_cast %reshape3A_779 : vector<16x1xi32> to vector<16xi32>
      %gather3A_781 = tpu.dynamic_gather %add3A_771[%gather3A_780] in [0] : vector<16xf32>, vector<16xi32> -> vector<16xf32>
      %add3A_782 = arith.addf %add3A_771, %gather3A_781 : vector<16xf32>
      %mul3A_783 = arith.constant 16 : i32
      %mul3A_784 = arith.muli %add3A_311, %mul3A_783 : i32
      %add3A_785 = arith.constant 7 : i32
      %add3A_786 = arith.addi %mul3A_784, %add3A_785 : i32
      %get3A_787 = arith.index_cast %add3A_786 : i32 to index
      %get3A_788 = arith.constant 0 : index
      %get3A_789 = tpu.vector_load %arg9[%get3A_787, %get3A_788] {strides = array<i32>} : memref<512x32xf32, #tpu.memory_space<vmem>>, vector<1x16xf32>,
      %get3A_790 = vector.shape_cast %get3A_789 : vector<1x16xf32> to vector<16xf32>
      %get3A_791 = arith.index_cast %add3A_786 : i32 to index
      %get3A_792 = arith.constant 16 : index
      %get3A_793 = tpu.vector_load %arg9[%get3A_791, %get3A_792] {strides = array<i32>} : memref<512x32xf32, #tpu.memory_space<vmem>>, vector<1x16xf32>,
      %get3A_794 = vector.shape_cast %get3A_793 : vector<1x16xf32> to vector<16xf32>
      %get3A_795 = arith.index_cast %add3A_786 : i32 to index
      %get3A_796 = arith.constant 0 : index
      %get3A_797 = tpu.vector_load %arg10[%get3A_795, %get3A_796] {strides = array<i32>} : memref<512x32xf32, #tpu.memory_space<vmem>>, vector<1x16xf32>,
      %get3A_798 = vector.shape_cast %get3A_797 : vector<1x16xf32> to vector<16xf32>
      %get3A_799 = arith.index_cast %add3A_786 : i32 to index
      %get3A_800 = arith.constant 16 : index
      %get3A_801 = tpu.vector_load %arg10[%get3A_799, %get3A_800] {strides = array<i32>} : memref<512x32xf32, #tpu.memory_space<vmem>>, vector<1x16xf32>,
      %get3A_802 = vector.shape_cast %get3A_801 : vector<1x16xf32> to vector<16xf32>
      %mul3A_803 = arith.mulf %get3A_790, %get3A_798 : vector<16xf32>
      %mul3A_804 = arith.mulf %get3A_794, %get3A_802 : vector<16xf32>
      %add3A_805 = arith.addf %mul3A_803, %mul3A_804 : vector<16xf32>
      %lt3A_806 = arith.constant 0 : i32
      %lt3A_807 = vector.broadcast %lt3A_806 : i32 to vector<16xi32>
      %lt3A_808 = arith.cmpi slt, %xor3A_150, %lt3A_807 : vector<16xi32>
      %add3A_809 = arith.constant 16 : i32
      %add3A_810 = vector.broadcast %add3A_809 : i32 to vector<16xi32>
      %add3A_811 = arith.addi %xor3A_150, %add3A_810 : vector<16xi32>
      %select_n3A_812 = arith.select %lt3A_808, %add3A_811, %xor3A_150 : vector<16xi1>, vector<16xi32>
      %reshape3A_813 = vector.shape_cast %select_n3A_812 : vector<16xi32> to vector<16x1xi32>
      %gather3A_814 = vector.shape_cast %reshape3A_813 : vector<16x1xi32> to vector<16xi32>
      %gather3A_815 = tpu.dynamic_gather %add3A_805[%gather3A_814] in [0] : vector<16xf32>, vector<16xi32> -> vector<16xf32>
      %add3A_816 = arith.addf %add3A_805, %gather3A_815 : vector<16xf32>
      %mul3A_817 = arith.constant 16 : i32
      %mul3A_818 = arith.muli %add3A_311, %mul3A_817 : i32
      %add3A_819 = arith.constant 15 : i32
      %add3A_820 = arith.addi %mul3A_818, %add3A_819 : i32
      %get3A_821 = arith.index_cast %add3A_820 : i32 to index
      %get3A_822 = arith.constant 0 : index
      %get3A_823 = tpu.vector_load %arg9[%get3A_821, %get3A_822] {strides = array<i32>} : memref<512x32xf32, #tpu.memory_space<vmem>>, vector<1x16xf32>,
      %get3A_824 = vector.shape_cast %get3A_823 : vector<1x16xf32> to vector<16xf32>
      %get3A_825 = arith.index_cast %add3A_820 : i32 to index
      %get3A_826 = arith.constant 16 : index
      %get3A_827 = tpu.vector_load %arg9[%get3A_825, %get3A_826] {strides = array<i32>} : memref<512x32xf32, #tpu.memory_space<vmem>>, vector<1x16xf32>,
      %get3A_828 = vector.shape_cast %get3A_827 : vector<1x16xf32> to vector<16xf32>
      %get3A_829 = arith.index_cast %add3A_820 : i32 to index
      %get3A_830 = arith.constant 0 : index
      %get3A_831 = tpu.vector_load %arg10[%get3A_829, %get3A_830] {strides = array<i32>} : memref<512x32xf32, #tpu.memory_space<vmem>>, vector<1x16xf32>,
      %get3A_832 = vector.shape_cast %get3A_831 : vector<1x16xf32> to vector<16xf32>
      %get3A_833 = arith.index_cast %add3A_820 : i32 to index
      %get3A_834 = arith.constant 16 : index
      %get3A_835 = tpu.vector_load %arg10[%get3A_833, %get3A_834] {strides = array<i32>} : memref<512x32xf32, #tpu.memory_space<vmem>>, vector<1x16xf32>,
      %get3A_836 = vector.shape_cast %get3A_835 : vector<1x16xf32> to vector<16xf32>
      %mul3A_837 = arith.mulf %get3A_824, %get3A_832 : vector<16xf32>
      %mul3A_838 = arith.mulf %get3A_828, %get3A_836 : vector<16xf32>
      %add3A_839 = arith.addf %mul3A_837, %mul3A_838 : vector<16xf32>
      %lt3A_840 = arith.constant 0 : i32
      %lt3A_841 = vector.broadcast %lt3A_840 : i32 to vector<16xi32>
      %lt3A_842 = arith.cmpi slt, %xor3A_150, %lt3A_841 : vector<16xi32>
      %add3A_843 = arith.constant 16 : i32
      %add3A_844 = vector.broadcast %add3A_843 : i32 to vector<16xi32>
      %add3A_845 = arith.addi %xor3A_150, %add3A_844 : vector<16xi32>
      %select_n3A_846 = arith.select %lt3A_842, %add3A_845, %xor3A_150 : vector<16xi1>, vector<16xi32>
      %reshape3A_847 = vector.shape_cast %select_n3A_846 : vector<16xi32> to vector<16x1xi32>
      %gather3A_848 = vector.shape_cast %reshape3A_847 : vector<16x1xi32> to vector<16xi32>
      %gather3A_849 = tpu.dynamic_gather %add3A_839[%gather3A_848] in [0] : vector<16xf32>, vector<16xi32> -> vector<16xf32>
      %add3A_850 = arith.addf %add3A_839, %gather3A_849 : vector<16xf32>
      %select_n3A_851 = arith.select %eq3A_163, %add3A_340, %add3A_374 : vector<16xi1>, vector<16xf32>
      %select_n3A_852 = arith.select %eq3A_163, %add3A_408, %add3A_442 : vector<16xi1>, vector<16xf32>
      %select_n3A_853 = arith.select %eq3A_163, %add3A_476, %add3A_510 : vector<16xi1>, vector<16xf32>
      %select_n3A_854 = arith.select %eq3A_163, %add3A_544, %add3A_578 : vector<16xi1>, vector<16xf32>
      %select_n3A_855 = arith.select %eq3A_163, %add3A_612, %add3A_646 : vector<16xi1>, vector<16xf32>
      %select_n3A_856 = arith.select %eq3A_163, %add3A_680, %add3A_714 : vector<16xi1>, vector<16xf32>
      %select_n3A_857 = arith.select %eq3A_163, %add3A_748, %add3A_782 : vector<16xi1>, vector<16xf32>
      %select_n3A_858 = arith.select %eq3A_163, %add3A_816, %add3A_850 : vector<16xi1>, vector<16xf32>
      %lt3A_859 = arith.constant 0 : i32
      %lt3A_860 = vector.broadcast %lt3A_859 : i32 to vector<16xi32>
      %lt3A_861 = arith.cmpi slt, %xor3A_153, %lt3A_860 : vector<16xi32>
      %add3A_862 = arith.constant 16 : i32
      %add3A_863 = vector.broadcast %add3A_862 : i32 to vector<16xi32>
      %add3A_864 = arith.addi %xor3A_153, %add3A_863 : vector<16xi32>
      %select_n3A_865 = arith.select %lt3A_861, %add3A_864, %xor3A_153 : vector<16xi1>, vector<16xi32>
      %reshape3A_866 = vector.shape_cast %select_n3A_865 : vector<16xi32> to vector<16x1xi32>
      %gather3A_867 = vector.shape_cast %reshape3A_866 : vector<16x1xi32> to vector<16xi32>
      %gather3A_868 = tpu.dynamic_gather %select_n3A_851[%gather3A_867] in [0] : vector<16xf32>, vector<16xi32> -> vector<16xf32>
      %add3A_869 = arith.addf %select_n3A_851, %gather3A_868 : vector<16xf32>
      %lt3A_870 = arith.constant 0 : i32
      %lt3A_871 = vector.broadcast %lt3A_870 : i32 to vector<16xi32>
      %lt3A_872 = arith.cmpi slt, %xor3A_153, %lt3A_871 : vector<16xi32>
      %add3A_873 = arith.constant 16 : i32
      %add3A_874 = vector.broadcast %add3A_873 : i32 to vector<16xi32>
      %add3A_875 = arith.addi %xor3A_153, %add3A_874 : vector<16xi32>
      %select_n3A_876 = arith.select %lt3A_872, %add3A_875, %xor3A_153 : vector<16xi1>, vector<16xi32>
      %reshape3A_877 = vector.shape_cast %select_n3A_876 : vector<16xi32> to vector<16x1xi32>
      %gather3A_878 = vector.shape_cast %reshape3A_877 : vector<16x1xi32> to vector<16xi32>
      %gather3A_879 = tpu.dynamic_gather %select_n3A_852[%gather3A_878] in [0] : vector<16xf32>, vector<16xi32> -> vector<16xf32>
      %add3A_880 = arith.addf %select_n3A_852, %gather3A_879 : vector<16xf32>
      %lt3A_881 = arith.constant 0 : i32
      %lt3A_882 = vector.broadcast %lt3A_881 : i32 to vector<16xi32>
      %lt3A_883 = arith.cmpi slt, %xor3A_153, %lt3A_882 : vector<16xi32>
      %add3A_884 = arith.constant 16 : i32
      %add3A_885 = vector.broadcast %add3A_884 : i32 to vector<16xi32>
      %add3A_886 = arith.addi %xor3A_153, %add3A_885 : vector<16xi32>
      %select_n3A_887 = arith.select %lt3A_883, %add3A_886, %xor3A_153 : vector<16xi1>, vector<16xi32>
      %reshape3A_888 = vector.shape_cast %select_n3A_887 : vector<16xi32> to vector<16x1xi32>
      %gather3A_889 = vector.shape_cast %reshape3A_888 : vector<16x1xi32> to vector<16xi32>
      %gather3A_890 = tpu.dynamic_gather %select_n3A_853[%gather3A_889] in [0] : vector<16xf32>, vector<16xi32> -> vector<16xf32>
      %add3A_891 = arith.addf %select_n3A_853, %gather3A_890 : vector<16xf32>
      %lt3A_892 = arith.constant 0 : i32
      %lt3A_893 = vector.broadcast %lt3A_892 : i32 to vector<16xi32>
      %lt3A_894 = arith.cmpi slt, %xor3A_153, %lt3A_893 : vector<16xi32>
      %add3A_895 = arith.constant 16 : i32
      %add3A_896 = vector.broadcast %add3A_895 : i32 to vector<16xi32>
      %add3A_897 = arith.addi %xor3A_153, %add3A_896 : vector<16xi32>
      %select_n3A_898 = arith.select %lt3A_894, %add3A_897, %xor3A_153 : vector<16xi1>, vector<16xi32>
      %reshape3A_899 = vector.shape_cast %select_n3A_898 : vector<16xi32> to vector<16x1xi32>
      %gather3A_900 = vector.shape_cast %reshape3A_899 : vector<16x1xi32> to vector<16xi32>
      %gather3A_901 = tpu.dynamic_gather %select_n3A_854[%gather3A_900] in [0] : vector<16xf32>, vector<16xi32> -> vector<16xf32>
      %add3A_902 = arith.addf %select_n3A_854, %gather3A_901 : vector<16xf32>
      %lt3A_903 = arith.constant 0 : i32
      %lt3A_904 = vector.broadcast %lt3A_903 : i32 to vector<16xi32>
      %lt3A_905 = arith.cmpi slt, %xor3A_153, %lt3A_904 : vector<16xi32>
      %add3A_906 = arith.constant 16 : i32
      %add3A_907 = vector.broadcast %add3A_906 : i32 to vector<16xi32>
      %add3A_908 = arith.addi %xor3A_153, %add3A_907 : vector<16xi32>
      %select_n3A_909 = arith.select %lt3A_905, %add3A_908, %xor3A_153 : vector<16xi1>, vector<16xi32>
      %reshape3A_910 = vector.shape_cast %select_n3A_909 : vector<16xi32> to vector<16x1xi32>
      %gather3A_911 = vector.shape_cast %reshape3A_910 : vector<16x1xi32> to vector<16xi32>
      %gather3A_912 = tpu.dynamic_gather %select_n3A_855[%gather3A_911] in [0] : vector<16xf32>, vector<16xi32> -> vector<16xf32>
      %add3A_913 = arith.addf %select_n3A_855, %gather3A_912 : vector<16xf32>
      %lt3A_914 = arith.constant 0 : i32
      %lt3A_915 = vector.broadcast %lt3A_914 : i32 to vector<16xi32>
      %lt3A_916 = arith.cmpi slt, %xor3A_153, %lt3A_915 : vector<16xi32>
      %add3A_917 = arith.constant 16 : i32
      %add3A_918 = vector.broadcast %add3A_917 : i32 to vector<16xi32>
      %add3A_919 = arith.addi %xor3A_153, %add3A_918 : vector<16xi32>
      %select_n3A_920 = arith.select %lt3A_916, %add3A_919, %xor3A_153 : vector<16xi1>, vector<16xi32>
      %reshape3A_921 = vector.shape_cast %select_n3A_920 : vector<16xi32> to vector<16x1xi32>
      %gather3A_922 = vector.shape_cast %reshape3A_921 : vector<16x1xi32> to vector<16xi32>
      %gather3A_923 = tpu.dynamic_gather %select_n3A_856[%gather3A_922] in [0] : vector<16xf32>, vector<16xi32> -> vector<16xf32>
      %add3A_924 = arith.addf %select_n3A_856, %gather3A_923 : vector<16xf32>
      %lt3A_925 = arith.constant 0 : i32
      %lt3A_926 = vector.broadcast %lt3A_925 : i32 to vector<16xi32>
      %lt3A_927 = arith.cmpi slt, %xor3A_153, %lt3A_926 : vector<16xi32>
      %add3A_928 = arith.constant 16 : i32
      %add3A_929 = vector.broadcast %add3A_928 : i32 to vector<16xi32>
      %add3A_930 = arith.addi %xor3A_153, %add3A_929 : vector<16xi32>
      %select_n3A_931 = arith.select %lt3A_927, %add3A_930, %xor3A_153 : vector<16xi1>, vector<16xi32>
      %reshape3A_932 = vector.shape_cast %select_n3A_931 : vector<16xi32> to vector<16x1xi32>
      %gather3A_933 = vector.shape_cast %reshape3A_932 : vector<16x1xi32> to vector<16xi32>
      %gather3A_934 = tpu.dynamic_gather %select_n3A_857[%gather3A_933] in [0] : vector<16xf32>, vector<16xi32> -> vector<16xf32>
      %add3A_935 = arith.addf %select_n3A_857, %gather3A_934 : vector<16xf32>
      %lt3A_936 = arith.constant 0 : i32
      %lt3A_937 = vector.broadcast %lt3A_936 : i32 to vector<16xi32>
      %lt3A_938 = arith.cmpi slt, %xor3A_153, %lt3A_937 : vector<16xi32>
      %add3A_939 = arith.constant 16 : i32
      %add3A_940 = vector.broadcast %add3A_939 : i32 to vector<16xi32>
      %add3A_941 = arith.addi %xor3A_153, %add3A_940 : vector<16xi32>
      %select_n3A_942 = arith.select %lt3A_938, %add3A_941, %xor3A_153 : vector<16xi1>, vector<16xi32>
      %reshape3A_943 = vector.shape_cast %select_n3A_942 : vector<16xi32> to vector<16x1xi32>
      %gather3A_944 = vector.shape_cast %reshape3A_943 : vector<16x1xi32> to vector<16xi32>
      %gather3A_945 = tpu.dynamic_gather %select_n3A_858[%gather3A_944] in [0] : vector<16xf32>, vector<16xi32> -> vector<16xf32>
      %add3A_946 = arith.addf %select_n3A_858, %gather3A_945 : vector<16xf32>
      %select_n3A_947 = arith.select %eq3A_169, %add3A_869, %add3A_880 : vector<16xi1>, vector<16xf32>
      %select_n3A_948 = arith.select %eq3A_169, %add3A_891, %add3A_902 : vector<16xi1>, vector<16xf32>
      %select_n3A_949 = arith.select %eq3A_169, %add3A_913, %add3A_924 : vector<16xi1>, vector<16xf32>
      %select_n3A_950 = arith.select %eq3A_169, %add3A_935, %add3A_946 : vector<16xi1>, vector<16xf32>
      %lt3A_951 = arith.constant 0 : i32
      %lt3A_952 = vector.broadcast %lt3A_951 : i32 to vector<16xi32>
      %lt3A_953 = arith.cmpi slt, %xor3A_156, %lt3A_952 : vector<16xi32>
      %add3A_954 = arith.constant 16 : i32
      %add3A_955 = vector.broadcast %add3A_954 : i32 to vector<16xi32>
      %add3A_956 = arith.addi %xor3A_156, %add3A_955 : vector<16xi32>
      %select_n3A_957 = arith.select %lt3A_953, %add3A_956, %xor3A_156 : vector<16xi1>, vector<16xi32>
      %reshape3A_958 = vector.shape_cast %select_n3A_957 : vector<16xi32> to vector<16x1xi32>
      %gather3A_959 = vector.shape_cast %reshape3A_958 : vector<16x1xi32> to vector<16xi32>
      %gather3A_960 = tpu.dynamic_gather %select_n3A_947[%gather3A_959] in [0] : vector<16xf32>, vector<16xi32> -> vector<16xf32>
      %add3A_961 = arith.addf %select_n3A_947, %gather3A_960 : vector<16xf32>
      %lt3A_962 = arith.constant 0 : i32
      %lt3A_963 = vector.broadcast %lt3A_962 : i32 to vector<16xi32>
      %lt3A_964 = arith.cmpi slt, %xor3A_156, %lt3A_963 : vector<16xi32>
      %add3A_965 = arith.constant 16 : i32
      %add3A_966 = vector.broadcast %add3A_965 : i32 to vector<16xi32>
      %add3A_967 = arith.addi %xor3A_156, %add3A_966 : vector<16xi32>
      %select_n3A_968 = arith.select %lt3A_964, %add3A_967, %xor3A_156 : vector<16xi1>, vector<16xi32>
      %reshape3A_969 = vector.shape_cast %select_n3A_968 : vector<16xi32> to vector<16x1xi32>
      %gather3A_970 = vector.shape_cast %reshape3A_969 : vector<16x1xi32> to vector<16xi32>
      %gather3A_971 = tpu.dynamic_gather %select_n3A_948[%gather3A_970] in [0] : vector<16xf32>, vector<16xi32> -> vector<16xf32>
      %add3A_972 = arith.addf %select_n3A_948, %gather3A_971 : vector<16xf32>
      %lt3A_973 = arith.constant 0 : i32
      %lt3A_974 = vector.broadcast %lt3A_973 : i32 to vector<16xi32>
      %lt3A_975 = arith.cmpi slt, %xor3A_156, %lt3A_974 : vector<16xi32>
      %add3A_976 = arith.constant 16 : i32
      %add3A_977 = vector.broadcast %add3A_976 : i32 to vector<16xi32>
      %add3A_978 = arith.addi %xor3A_156, %add3A_977 : vector<16xi32>
      %select_n3A_979 = arith.select %lt3A_975, %add3A_978, %xor3A_156 : vector<16xi1>, vector<16xi32>
      %reshape3A_980 = vector.shape_cast %select_n3A_979 : vector<16xi32> to vector<16x1xi32>
      %gather3A_981 = vector.shape_cast %reshape3A_980 : vector<16x1xi32> to vector<16xi32>
      %gather3A_982 = tpu.dynamic_gather %select_n3A_949[%gather3A_981] in [0] : vector<16xf32>, vector<16xi32> -> vector<16xf32>
      %add3A_983 = arith.addf %select_n3A_949, %gather3A_982 : vector<16xf32>
      %lt3A_984 = arith.constant 0 : i32
      %lt3A_985 = vector.broadcast %lt3A_984 : i32 to vector<16xi32>
      %lt3A_986 = arith.cmpi slt, %xor3A_156, %lt3A_985 : vector<16xi32>
      %add3A_987 = arith.constant 16 : i32
      %add3A_988 = vector.broadcast %add3A_987 : i32 to vector<16xi32>
      %add3A_989 = arith.addi %xor3A_156, %add3A_988 : vector<16xi32>
      %select_n3A_990 = arith.select %lt3A_986, %add3A_989, %xor3A_156 : vector<16xi1>, vector<16xi32>
      %reshape3A_991 = vector.shape_cast %select_n3A_990 : vector<16xi32> to vector<16x1xi32>
      %gather3A_992 = vector.shape_cast %reshape3A_991 : vector<16x1xi32> to vector<16xi32>
      %gather3A_993 = tpu.dynamic_gather %select_n3A_950[%gather3A_992] in [0] : vector<16xf32>, vector<16xi32> -> vector<16xf32>
      %add3A_994 = arith.addf %select_n3A_950, %gather3A_993 : vector<16xf32>
      %select_n3A_995 = arith.select %eq3A_175, %add3A_961, %add3A_972 : vector<16xi1>, vector<16xf32>
      %select_n3A_996 = arith.select %eq3A_175, %add3A_983, %add3A_994 : vector<16xi1>, vector<16xf32>
      %lt3A_997 = arith.constant 0 : i32
      %lt3A_998 = vector.broadcast %lt3A_997 : i32 to vector<16xi32>
      %lt3A_999 = arith.cmpi slt, %xor3A_159, %lt3A_998 : vector<16xi32>
      %add3A_1000 = arith.constant 16 : i32
      %add3A_1001 = vector.broadcast %add3A_1000 : i32 to vector<16xi32>
      %add3A_1002 = arith.addi %xor3A_159, %add3A_1001 : vector<16xi32>
      %select_n3A_1003 = arith.select %lt3A_999, %add3A_1002, %xor3A_159 : vector<16xi1>, vector<16xi32>
      %reshape3A_1004 = vector.shape_cast %select_n3A_1003 : vector<16xi32> to vector<16x1xi32>
      %gather3A_1005 = vector.shape_cast %reshape3A_1004 : vector<16x1xi32> to vector<16xi32>
      %gather3A_1006 = tpu.dynamic_gather %select_n3A_995[%gather3A_1005] in [0] : vector<16xf32>, vector<16xi32> -> vector<16xf32>
      %add3A_1007 = arith.addf %select_n3A_995, %gather3A_1006 : vector<16xf32>
      %lt3A_1008 = arith.constant 0 : i32
      %lt3A_1009 = vector.broadcast %lt3A_1008 : i32 to vector<16xi32>
      %lt3A_1010 = arith.cmpi slt, %xor3A_159, %lt3A_1009 : vector<16xi32>
      %add3A_1011 = arith.constant 16 : i32
      %add3A_1012 = vector.broadcast %add3A_1011 : i32 to vector<16xi32>
      %add3A_1013 = arith.addi %xor3A_159, %add3A_1012 : vector<16xi32>
      %select_n3A_1014 = arith.select %lt3A_1010, %add3A_1013, %xor3A_159 : vector<16xi1>, vector<16xi32>
      %reshape3A_1015 = vector.shape_cast %select_n3A_1014 : vector<16xi32> to vector<16x1xi32>
      %gather3A_1016 = vector.shape_cast %reshape3A_1015 : vector<16x1xi32> to vector<16xi32>
      %gather3A_1017 = tpu.dynamic_gather %select_n3A_996[%gather3A_1016] in [0] : vector<16xf32>, vector<16xi32> -> vector<16xf32>
      %add3A_1018 = arith.addf %select_n3A_996, %gather3A_1017 : vector<16xf32>
      %select_n3A_1019 = arith.select %eq3A_181, %add3A_1007, %add3A_1018 : vector<16xi1>, vector<16xf32>
      %mul3A_1020 = arith.constant 16 : i32
      %mul3A_1021 = arith.muli %add3A_311, %mul3A_1020 : i32
      %swap3A = arith.index_cast %mul3A_1021 : i32 to index
      %swap3A_1022 = tpu.vector_load %arg11[%swap3A] {strides = array<i32>} : memref<512xf32, #tpu.memory_space<vmem>>, vector<16xf32>,
      %swap3A_1023 = vector.shape_cast %swap3A_1022 : vector<16xf32> to vector<16xf32>
      %swap3A_1024 = vector.shape_cast %select_n3A_1019 : vector<16xf32> to vector<16xf32>
      tpu.vector_store %arg11[%swap3A], %swap3A_1024 {strides = array<i32>} : memref<512xf32, #tpu.memory_space<vmem>>, vector<16xf32>,
    }
    %scan3A_244 = arith.constant 8 : i32
    %dma_wait3A_245 = arith.constant 2 : i32
    %dma_wait3A_246 = arith.constant 2 : i32
    %dma_wait3A_247 = arith.constant 256 : i32
    %dma_wait3A_248 = arith.constant 0 : i32
    %dma_wait3A_249 = tpu.memref_slice %arg9[%dma_wait3A_247, %dma_wait3A_248] : memref<512x32xf32, #tpu.memory_space<vmem>> -> memref<128x32xf32, #tpu.memory_space<vmem>>
    %dma_wait3A_250 = arith.constant 0 : i32
    %dma_wait3A_251 = tpu.memref_slice %arg7[%dma_wait3A_245, %dma_wait3A_250] : memref<4x128xi32, #tpu.memory_space<vmem>> -> memref<1x128xi32, #tpu.memory_space<vmem>>
    %dma_wait3A_252 = tpu.memref_squeeze %dma_wait3A_251 : memref<1x128xi32, #tpu.memory_space<vmem>> -> memref<128xi32, #tpu.memory_space<vmem>>
    %dma_wait3A_253 = arith.constant 0 : i32
    %dma_wait3A_254 = arith.constant 0 : i32
    %dma_wait3A_255 = tpu.memref_slice %arg4[%dma_wait3A_253, %dma_wait3A_254] : memref<1000000x32xf32, #tpu.memory_space<hbm>> -> memref<1000000x32xf32, #tpu.memory_space<hbm>>
    %dma_wait3A_256 = tpu.memref_slice %arg13[%dma_wait3A_246] : memref<4x!tpu.dma_semaphore, #tpu.memory_space<semaphore_mem>> -> memref<1x!tpu.dma_semaphore, #tpu.memory_space<semaphore_mem>>
    %dma_wait3A_257 = tpu.memref_squeeze %dma_wait3A_256 : memref<1x!tpu.dma_semaphore, #tpu.memory_space<semaphore_mem>> -> memref<!tpu.dma_semaphore, #tpu.memory_space<semaphore_mem>>
    tpu.wait_indirect_dma semaphore(%dma_wait3A_257 : memref<!tpu.dma_semaphore, #tpu.memory_space<semaphore_mem>>) src(%dma_wait3A_255 : memref<1000000x32xf32, #tpu.memory_space<hbm>>) dst(%dma_wait3A_249 : memref<128x32xf32, #tpu.memory_space<vmem>>)
    %dma_wait3A_258 = arith.constant 2 : i32
    %dma_wait3A_259 = arith.constant 2 : i32
    %dma_wait3A_260 = arith.constant 256 : i32
    %dma_wait3A_261 = arith.constant 0 : i32
    %dma_wait3A_262 = tpu.memref_slice %arg10[%dma_wait3A_260, %dma_wait3A_261] : memref<512x32xf32, #tpu.memory_space<vmem>> -> memref<128x32xf32, #tpu.memory_space<vmem>>
    %dma_wait3A_263 = arith.constant 0 : i32
    %dma_wait3A_264 = tpu.memref_slice %arg8[%dma_wait3A_258, %dma_wait3A_263] : memref<4x128xi32, #tpu.memory_space<vmem>> -> memref<1x128xi32, #tpu.memory_space<vmem>>
    %dma_wait3A_265 = tpu.memref_squeeze %dma_wait3A_264 : memref<1x128xi32, #tpu.memory_space<vmem>> -> memref<128xi32, #tpu.memory_space<vmem>>
    %dma_wait3A_266 = arith.constant 0 : i32
    %dma_wait3A_267 = arith.constant 0 : i32
    %dma_wait3A_268 = tpu.memref_slice %arg5[%dma_wait3A_266, %dma_wait3A_267] : memref<1000000x32xf32, #tpu.memory_space<hbm>> -> memref<1000000x32xf32, #tpu.memory_space<hbm>>
    %dma_wait3A_269 = tpu.memref_slice %arg13[%dma_wait3A_259] : memref<4x!tpu.dma_semaphore, #tpu.memory_space<semaphore_mem>> -> memref<1x!tpu.dma_semaphore, #tpu.memory_space<semaphore_mem>>
    %dma_wait3A_270 = tpu.memref_squeeze %dma_wait3A_269 : memref<1x!tpu.dma_semaphore, #tpu.memory_space<semaphore_mem>> -> memref<!tpu.dma_semaphore, #tpu.memory_space<semaphore_mem>>
    tpu.wait_indirect_dma semaphore(%dma_wait3A_270 : memref<!tpu.dma_semaphore, #tpu.memory_space<semaphore_mem>>) src(%dma_wait3A_268 : memref<1000000x32xf32, #tpu.memory_space<hbm>>) dst(%dma_wait3A_262 : memref<128x32xf32, #tpu.memory_space<vmem>>)
    %scan3A_271 = arith.constant 0 : i32
    %scan3A_272 = arith.constant 0 : i32
    %scan3A_273 = arith.constant 8 : i32
    %scan3A_274 = arith.addi %scan3A_272, %scan3A_273 : i32
    %scan3A_275 = arith.constant 1 : i32
    scf.for %scan3A_309 = %scan3A_272 to %scan3A_274 step %scan3A_275  : i32 {
      %add3A_310 = arith.constant 16 : i32
      %add3A_311 = arith.addi %add3A_310, %scan3A_309 : i32
      %mul3A_312 = arith.constant 16 : i32
      %mul3A_313 = arith.muli %add3A_311, %mul3A_312 : i32
      %add3A_314 = arith.constant 0 : i32
      %add3A_315 = arith.addi %mul3A_313, %add3A_314 : i32
      %get3A = arith.index_cast %add3A_315 : i32 to index
      %get3A_316 = arith.constant 0 : index
      %get3A_317 = tpu.vector_load %arg9[%get3A, %get3A_316] {strides = array<i32>} : memref<512x32xf32, #tpu.memory_space<vmem>>, vector<1x16xf32>,
      %get3A_318 = vector.shape_cast %get3A_317 : vector<1x16xf32> to vector<16xf32>
      %get3A_319 = arith.index_cast %add3A_315 : i32 to index
      %get3A_320 = arith.constant 16 : index
      %get3A_321 = tpu.vector_load %arg9[%get3A_319, %get3A_320] {strides = array<i32>} : memref<512x32xf32, #tpu.memory_space<vmem>>, vector<1x16xf32>,
      %get3A_322 = vector.shape_cast %get3A_321 : vector<1x16xf32> to vector<16xf32>
      %get3A_323 = arith.index_cast %add3A_315 : i32 to index
      %get3A_324 = arith.constant 0 : index
      %get3A_325 = tpu.vector_load %arg10[%get3A_323, %get3A_324] {strides = array<i32>} : memref<512x32xf32, #tpu.memory_space<vmem>>, vector<1x16xf32>,
      %get3A_326 = vector.shape_cast %get3A_325 : vector<1x16xf32> to vector<16xf32>
      %get3A_327 = arith.index_cast %add3A_315 : i32 to index
      %get3A_328 = arith.constant 16 : index
      %get3A_329 = tpu.vector_load %arg10[%get3A_327, %get3A_328] {strides = array<i32>} : memref<512x32xf32, #tpu.memory_space<vmem>>, vector<1x16xf32>,
      %get3A_330 = vector.shape_cast %get3A_329 : vector<1x16xf32> to vector<16xf32>
      %mul3A_331 = arith.mulf %get3A_318, %get3A_326 : vector<16xf32>
      %mul3A_332 = arith.mulf %get3A_322, %get3A_330 : vector<16xf32>
      %add3A_333 = arith.addf %mul3A_331, %mul3A_332 : vector<16xf32>
      %lt3A = arith.constant 0 : i32
      %lt3A_334 = vector.broadcast %lt3A : i32 to vector<16xi32>
      %lt3A_335 = arith.cmpi slt, %xor3A_150, %lt3A_334 : vector<16xi32>
      %add3A_336 = arith.constant 16 : i32
      %add3A_337 = vector.broadcast %add3A_336 : i32 to vector<16xi32>
      %add3A_338 = arith.addi %xor3A_150, %add3A_337 : vector<16xi32>
      %select_n3A = arith.select %lt3A_335, %add3A_338, %xor3A_150 : vector<16xi1>, vector<16xi32>
      %reshape3A = vector.shape_cast %select_n3A : vector<16xi32> to vector<16x1xi32>
      %gather3A = vector.shape_cast %reshape3A : vector<16x1xi32> to vector<16xi32>
      %gather3A_339 = tpu.dynamic_gather %add3A_333[%gather3A] in [0] : vector<16xf32>, vector<16xi32> -> vector<16xf32>
      %add3A_340 = arith.addf %add3A_333, %gather3A_339 : vector<16xf32>
      %mul3A_341 = arith.constant 16 : i32
      %mul3A_342 = arith.muli %add3A_311, %mul3A_341 : i32
      %add3A_343 = arith.constant 8 : i32
      %add3A_344 = arith.addi %mul3A_342, %add3A_343 : i32
      %get3A_345 = arith.index_cast %add3A_344 : i32 to index
      %get3A_346 = arith.constant 0 : index
      %get3A_347 = tpu.vector_load %arg9[%get3A_345, %get3A_346] {strides = array<i32>} : memref<512x32xf32, #tpu.memory_space<vmem>>, vector<1x16xf32>,
      %get3A_348 = vector.shape_cast %get3A_347 : vector<1x16xf32> to vector<16xf32>
      %get3A_349 = arith.index_cast %add3A_344 : i32 to index
      %get3A_350 = arith.constant 16 : index
      %get3A_351 = tpu.vector_load %arg9[%get3A_349, %get3A_350] {strides = array<i32>} : memref<512x32xf32, #tpu.memory_space<vmem>>, vector<1x16xf32>,
      %get3A_352 = vector.shape_cast %get3A_351 : vector<1x16xf32> to vector<16xf32>
      %get3A_353 = arith.index_cast %add3A_344 : i32 to index
      %get3A_354 = arith.constant 0 : index
      %get3A_355 = tpu.vector_load %arg10[%get3A_353, %get3A_354] {strides = array<i32>} : memref<512x32xf32, #tpu.memory_space<vmem>>, vector<1x16xf32>,
      %get3A_356 = vector.shape_cast %get3A_355 : vector<1x16xf32> to vector<16xf32>
      %get3A_357 = arith.index_cast %add3A_344 : i32 to index
      %get3A_358 = arith.constant 16 : index
      %get3A_359 = tpu.vector_load %arg10[%get3A_357, %get3A_358] {strides = array<i32>} : memref<512x32xf32, #tpu.memory_space<vmem>>, vector<1x16xf32>,
      %get3A_360 = vector.shape_cast %get3A_359 : vector<1x16xf32> to vector<16xf32>
      %mul3A_361 = arith.mulf %get3A_348, %get3A_356 : vector<16xf32>
      %mul3A_362 = arith.mulf %get3A_352, %get3A_360 : vector<16xf32>
      %add3A_363 = arith.addf %mul3A_361, %mul3A_362 : vector<16xf32>
      %lt3A_364 = arith.constant 0 : i32
      %lt3A_365 = vector.broadcast %lt3A_364 : i32 to vector<16xi32>
      %lt3A_366 = arith.cmpi slt, %xor3A_150, %lt3A_365 : vector<16xi32>
      %add3A_367 = arith.constant 16 : i32
      %add3A_368 = vector.broadcast %add3A_367 : i32 to vector<16xi32>
      %add3A_369 = arith.addi %xor3A_150, %add3A_368 : vector<16xi32>
      %select_n3A_370 = arith.select %lt3A_366, %add3A_369, %xor3A_150 : vector<16xi1>, vector<16xi32>
      %reshape3A_371 = vector.shape_cast %select_n3A_370 : vector<16xi32> to vector<16x1xi32>
      %gather3A_372 = vector.shape_cast %reshape3A_371 : vector<16x1xi32> to vector<16xi32>
      %gather3A_373 = tpu.dynamic_gather %add3A_363[%gather3A_372] in [0] : vector<16xf32>, vector<16xi32> -> vector<16xf32>
      %add3A_374 = arith.addf %add3A_363, %gather3A_373 : vector<16xf32>
      %mul3A_375 = arith.constant 16 : i32
      %mul3A_376 = arith.muli %add3A_311, %mul3A_375 : i32
      %add3A_377 = arith.constant 4 : i32
      %add3A_378 = arith.addi %mul3A_376, %add3A_377 : i32
      %get3A_379 = arith.index_cast %add3A_378 : i32 to index
      %get3A_380 = arith.constant 0 : index
      %get3A_381 = tpu.vector_load %arg9[%get3A_379, %get3A_380] {strides = array<i32>} : memref<512x32xf32, #tpu.memory_space<vmem>>, vector<1x16xf32>,
      %get3A_382 = vector.shape_cast %get3A_381 : vector<1x16xf32> to vector<16xf32>
      %get3A_383 = arith.index_cast %add3A_378 : i32 to index
      %get3A_384 = arith.constant 16 : index
      %get3A_385 = tpu.vector_load %arg9[%get3A_383, %get3A_384] {strides = array<i32>} : memref<512x32xf32, #tpu.memory_space<vmem>>, vector<1x16xf32>,
      %get3A_386 = vector.shape_cast %get3A_385 : vector<1x16xf32> to vector<16xf32>
      %get3A_387 = arith.index_cast %add3A_378 : i32 to index
      %get3A_388 = arith.constant 0 : index
      %get3A_389 = tpu.vector_load %arg10[%get3A_387, %get3A_388] {strides = array<i32>} : memref<512x32xf32, #tpu.memory_space<vmem>>, vector<1x16xf32>,
      %get3A_390 = vector.shape_cast %get3A_389 : vector<1x16xf32> to vector<16xf32>
      %get3A_391 = arith.index_cast %add3A_378 : i32 to index
      %get3A_392 = arith.constant 16 : index
      %get3A_393 = tpu.vector_load %arg10[%get3A_391, %get3A_392] {strides = array<i32>} : memref<512x32xf32, #tpu.memory_space<vmem>>, vector<1x16xf32>,
      %get3A_394 = vector.shape_cast %get3A_393 : vector<1x16xf32> to vector<16xf32>
      %mul3A_395 = arith.mulf %get3A_382, %get3A_390 : vector<16xf32>
      %mul3A_396 = arith.mulf %get3A_386, %get3A_394 : vector<16xf32>
      %add3A_397 = arith.addf %mul3A_395, %mul3A_396 : vector<16xf32>
      %lt3A_398 = arith.constant 0 : i32
      %lt3A_399 = vector.broadcast %lt3A_398 : i32 to vector<16xi32>
      %lt3A_400 = arith.cmpi slt, %xor3A_150, %lt3A_399 : vector<16xi32>
      %add3A_401 = arith.constant 16 : i32
      %add3A_402 = vector.broadcast %add3A_401 : i32 to vector<16xi32>
      %add3A_403 = arith.addi %xor3A_150, %add3A_402 : vector<16xi32>
      %select_n3A_404 = arith.select %lt3A_400, %add3A_403, %xor3A_150 : vector<16xi1>, vector<16xi32>
      %reshape3A_405 = vector.shape_cast %select_n3A_404 : vector<16xi32> to vector<16x1xi32>
      %gather3A_406 = vector.shape_cast %reshape3A_405 : vector<16x1xi32> to vector<16xi32>
      %gather3A_407 = tpu.dynamic_gather %add3A_397[%gather3A_406] in [0] : vector<16xf32>, vector<16xi32> -> vector<16xf32>
      %add3A_408 = arith.addf %add3A_397, %gather3A_407 : vector<16xf32>
      %mul3A_409 = arith.constant 16 : i32
      %mul3A_410 = arith.muli %add3A_311, %mul3A_409 : i32
      %add3A_411 = arith.constant 12 : i32
      %add3A_412 = arith.addi %mul3A_410, %add3A_411 : i32
      %get3A_413 = arith.index_cast %add3A_412 : i32 to index
      %get3A_414 = arith.constant 0 : index
      %get3A_415 = tpu.vector_load %arg9[%get3A_413, %get3A_414] {strides = array<i32>} : memref<512x32xf32, #tpu.memory_space<vmem>>, vector<1x16xf32>,
      %get3A_416 = vector.shape_cast %get3A_415 : vector<1x16xf32> to vector<16xf32>
      %get3A_417 = arith.index_cast %add3A_412 : i32 to index
      %get3A_418 = arith.constant 16 : index
      %get3A_419 = tpu.vector_load %arg9[%get3A_417, %get3A_418] {strides = array<i32>} : memref<512x32xf32, #tpu.memory_space<vmem>>, vector<1x16xf32>,
      %get3A_420 = vector.shape_cast %get3A_419 : vector<1x16xf32> to vector<16xf32>
      %get3A_421 = arith.index_cast %add3A_412 : i32 to index
      %get3A_422 = arith.constant 0 : index
      %get3A_423 = tpu.vector_load %arg10[%get3A_421, %get3A_422] {strides = array<i32>} : memref<512x32xf32, #tpu.memory_space<vmem>>, vector<1x16xf32>,
      %get3A_424 = vector.shape_cast %get3A_423 : vector<1x16xf32> to vector<16xf32>
      %get3A_425 = arith.index_cast %add3A_412 : i32 to index
      %get3A_426 = arith.constant 16 : index
      %get3A_427 = tpu.vector_load %arg10[%get3A_425, %get3A_426] {strides = array<i32>} : memref<512x32xf32, #tpu.memory_space<vmem>>, vector<1x16xf32>,
      %get3A_428 = vector.shape_cast %get3A_427 : vector<1x16xf32> to vector<16xf32>
      %mul3A_429 = arith.mulf %get3A_416, %get3A_424 : vector<16xf32>
      %mul3A_430 = arith.mulf %get3A_420, %get3A_428 : vector<16xf32>
      %add3A_431 = arith.addf %mul3A_429, %mul3A_430 : vector<16xf32>
      %lt3A_432 = arith.constant 0 : i32
      %lt3A_433 = vector.broadcast %lt3A_432 : i32 to vector<16xi32>
      %lt3A_434 = arith.cmpi slt, %xor3A_150, %lt3A_433 : vector<16xi32>
      %add3A_435 = arith.constant 16 : i32
      %add3A_436 = vector.broadcast %add3A_435 : i32 to vector<16xi32>
      %add3A_437 = arith.addi %xor3A_150, %add3A_436 : vector<16xi32>
      %select_n3A_438 = arith.select %lt3A_434, %add3A_437, %xor3A_150 : vector<16xi1>, vector<16xi32>
      %reshape3A_439 = vector.shape_cast %select_n3A_438 : vector<16xi32> to vector<16x1xi32>
      %gather3A_440 = vector.shape_cast %reshape3A_439 : vector<16x1xi32> to vector<16xi32>
      %gather3A_441 = tpu.dynamic_gather %add3A_431[%gather3A_440] in [0] : vector<16xf32>, vector<16xi32> -> vector<16xf32>
      %add3A_442 = arith.addf %add3A_431, %gather3A_441 : vector<16xf32>
      %mul3A_443 = arith.constant 16 : i32
      %mul3A_444 = arith.muli %add3A_311, %mul3A_443 : i32
      %add3A_445 = arith.constant 2 : i32
      %add3A_446 = arith.addi %mul3A_444, %add3A_445 : i32
      %get3A_447 = arith.index_cast %add3A_446 : i32 to index
      %get3A_448 = arith.constant 0 : index
      %get3A_449 = tpu.vector_load %arg9[%get3A_447, %get3A_448] {strides = array<i32>} : memref<512x32xf32, #tpu.memory_space<vmem>>, vector<1x16xf32>,
      %get3A_450 = vector.shape_cast %get3A_449 : vector<1x16xf32> to vector<16xf32>
      %get3A_451 = arith.index_cast %add3A_446 : i32 to index
      %get3A_452 = arith.constant 16 : index
      %get3A_453 = tpu.vector_load %arg9[%get3A_451, %get3A_452] {strides = array<i32>} : memref<512x32xf32, #tpu.memory_space<vmem>>, vector<1x16xf32>,
      %get3A_454 = vector.shape_cast %get3A_453 : vector<1x16xf32> to vector<16xf32>
      %get3A_455 = arith.index_cast %add3A_446 : i32 to index
      %get3A_456 = arith.constant 0 : index
      %get3A_457 = tpu.vector_load %arg10[%get3A_455, %get3A_456] {strides = array<i32>} : memref<512x32xf32, #tpu.memory_space<vmem>>, vector<1x16xf32>,
      %get3A_458 = vector.shape_cast %get3A_457 : vector<1x16xf32> to vector<16xf32>
      %get3A_459 = arith.index_cast %add3A_446 : i32 to index
      %get3A_460 = arith.constant 16 : index
      %get3A_461 = tpu.vector_load %arg10[%get3A_459, %get3A_460] {strides = array<i32>} : memref<512x32xf32, #tpu.memory_space<vmem>>, vector<1x16xf32>,
      %get3A_462 = vector.shape_cast %get3A_461 : vector<1x16xf32> to vector<16xf32>
      %mul3A_463 = arith.mulf %get3A_450, %get3A_458 : vector<16xf32>
      %mul3A_464 = arith.mulf %get3A_454, %get3A_462 : vector<16xf32>
      %add3A_465 = arith.addf %mul3A_463, %mul3A_464 : vector<16xf32>
      %lt3A_466 = arith.constant 0 : i32
      %lt3A_467 = vector.broadcast %lt3A_466 : i32 to vector<16xi32>
      %lt3A_468 = arith.cmpi slt, %xor3A_150, %lt3A_467 : vector<16xi32>
      %add3A_469 = arith.constant 16 : i32
      %add3A_470 = vector.broadcast %add3A_469 : i32 to vector<16xi32>
      %add3A_471 = arith.addi %xor3A_150, %add3A_470 : vector<16xi32>
      %select_n3A_472 = arith.select %lt3A_468, %add3A_471, %xor3A_150 : vector<16xi1>, vector<16xi32>
      %reshape3A_473 = vector.shape_cast %select_n3A_472 : vector<16xi32> to vector<16x1xi32>
      %gather3A_474 = vector.shape_cast %reshape3A_473 : vector<16x1xi32> to vector<16xi32>
      %gather3A_475 = tpu.dynamic_gather %add3A_465[%gather3A_474] in [0] : vector<16xf32>, vector<16xi32> -> vector<16xf32>
      %add3A_476 = arith.addf %add3A_465, %gather3A_475 : vector<16xf32>
      %mul3A_477 = arith.constant 16 : i32
      %mul3A_478 = arith.muli %add3A_311, %mul3A_477 : i32
      %add3A_479 = arith.constant 10 : i32
      %add3A_480 = arith.addi %mul3A_478, %add3A_479 : i32
      %get3A_481 = arith.index_cast %add3A_480 : i32 to index
      %get3A_482 = arith.constant 0 : index
      %get3A_483 = tpu.vector_load %arg9[%get3A_481, %get3A_482] {strides = array<i32>} : memref<512x32xf32, #tpu.memory_space<vmem>>, vector<1x16xf32>,
      %get3A_484 = vector.shape_cast %get3A_483 : vector<1x16xf32> to vector<16xf32>
      %get3A_485 = arith.index_cast %add3A_480 : i32 to index
      %get3A_486 = arith.constant 16 : index
      %get3A_487 = tpu.vector_load %arg9[%get3A_485, %get3A_486] {strides = array<i32>} : memref<512x32xf32, #tpu.memory_space<vmem>>, vector<1x16xf32>,
      %get3A_488 = vector.shape_cast %get3A_487 : vector<1x16xf32> to vector<16xf32>
      %get3A_489 = arith.index_cast %add3A_480 : i32 to index
      %get3A_490 = arith.constant 0 : index
      %get3A_491 = tpu.vector_load %arg10[%get3A_489, %get3A_490] {strides = array<i32>} : memref<512x32xf32, #tpu.memory_space<vmem>>, vector<1x16xf32>,
      %get3A_492 = vector.shape_cast %get3A_491 : vector<1x16xf32> to vector<16xf32>
      %get3A_493 = arith.index_cast %add3A_480 : i32 to index
      %get3A_494 = arith.constant 16 : index
      %get3A_495 = tpu.vector_load %arg10[%get3A_493, %get3A_494] {strides = array<i32>} : memref<512x32xf32, #tpu.memory_space<vmem>>, vector<1x16xf32>,
      %get3A_496 = vector.shape_cast %get3A_495 : vector<1x16xf32> to vector<16xf32>
      %mul3A_497 = arith.mulf %get3A_484, %get3A_492 : vector<16xf32>
      %mul3A_498 = arith.mulf %get3A_488, %get3A_496 : vector<16xf32>
      %add3A_499 = arith.addf %mul3A_497, %mul3A_498 : vector<16xf32>
      %lt3A_500 = arith.constant 0 : i32
      %lt3A_501 = vector.broadcast %lt3A_500 : i32 to vector<16xi32>
      %lt3A_502 = arith.cmpi slt, %xor3A_150, %lt3A_501 : vector<16xi32>
      %add3A_503 = arith.constant 16 : i32
      %add3A_504 = vector.broadcast %add3A_503 : i32 to vector<16xi32>
      %add3A_505 = arith.addi %xor3A_150, %add3A_504 : vector<16xi32>
      %select_n3A_506 = arith.select %lt3A_502, %add3A_505, %xor3A_150 : vector<16xi1>, vector<16xi32>
      %reshape3A_507 = vector.shape_cast %select_n3A_506 : vector<16xi32> to vector<16x1xi32>
      %gather3A_508 = vector.shape_cast %reshape3A_507 : vector<16x1xi32> to vector<16xi32>
      %gather3A_509 = tpu.dynamic_gather %add3A_499[%gather3A_508] in [0] : vector<16xf32>, vector<16xi32> -> vector<16xf32>
      %add3A_510 = arith.addf %add3A_499, %gather3A_509 : vector<16xf32>
      %mul3A_511 = arith.constant 16 : i32
      %mul3A_512 = arith.muli %add3A_311, %mul3A_511 : i32
      %add3A_513 = arith.constant 6 : i32
      %add3A_514 = arith.addi %mul3A_512, %add3A_513 : i32
      %get3A_515 = arith.index_cast %add3A_514 : i32 to index
      %get3A_516 = arith.constant 0 : index
      %get3A_517 = tpu.vector_load %arg9[%get3A_515, %get3A_516] {strides = array<i32>} : memref<512x32xf32, #tpu.memory_space<vmem>>, vector<1x16xf32>,
      %get3A_518 = vector.shape_cast %get3A_517 : vector<1x16xf32> to vector<16xf32>
      %get3A_519 = arith.index_cast %add3A_514 : i32 to index
      %get3A_520 = arith.constant 16 : index
      %get3A_521 = tpu.vector_load %arg9[%get3A_519, %get3A_520] {strides = array<i32>} : memref<512x32xf32, #tpu.memory_space<vmem>>, vector<1x16xf32>,
      %get3A_522 = vector.shape_cast %get3A_521 : vector<1x16xf32> to vector<16xf32>
      %get3A_523 = arith.index_cast %add3A_514 : i32 to index
      %get3A_524 = arith.constant 0 : index
      %get3A_525 = tpu.vector_load %arg10[%get3A_523, %get3A_524] {strides = array<i32>} : memref<512x32xf32, #tpu.memory_space<vmem>>, vector<1x16xf32>,
      %get3A_526 = vector.shape_cast %get3A_525 : vector<1x16xf32> to vector<16xf32>
      %get3A_527 = arith.index_cast %add3A_514 : i32 to index
      %get3A_528 = arith.constant 16 : index
      %get3A_529 = tpu.vector_load %arg10[%get3A_527, %get3A_528] {strides = array<i32>} : memref<512x32xf32, #tpu.memory_space<vmem>>, vector<1x16xf32>,
      %get3A_530 = vector.shape_cast %get3A_529 : vector<1x16xf32> to vector<16xf32>
      %mul3A_531 = arith.mulf %get3A_518, %get3A_526 : vector<16xf32>
      %mul3A_532 = arith.mulf %get3A_522, %get3A_530 : vector<16xf32>
      %add3A_533 = arith.addf %mul3A_531, %mul3A_532 : vector<16xf32>
      %lt3A_534 = arith.constant 0 : i32
      %lt3A_535 = vector.broadcast %lt3A_534 : i32 to vector<16xi32>
      %lt3A_536 = arith.cmpi slt, %xor3A_150, %lt3A_535 : vector<16xi32>
      %add3A_537 = arith.constant 16 : i32
      %add3A_538 = vector.broadcast %add3A_537 : i32 to vector<16xi32>
      %add3A_539 = arith.addi %xor3A_150, %add3A_538 : vector<16xi32>
      %select_n3A_540 = arith.select %lt3A_536, %add3A_539, %xor3A_150 : vector<16xi1>, vector<16xi32>
      %reshape3A_541 = vector.shape_cast %select_n3A_540 : vector<16xi32> to vector<16x1xi32>
      %gather3A_542 = vector.shape_cast %reshape3A_541 : vector<16x1xi32> to vector<16xi32>
      %gather3A_543 = tpu.dynamic_gather %add3A_533[%gather3A_542] in [0] : vector<16xf32>, vector<16xi32> -> vector<16xf32>
      %add3A_544 = arith.addf %add3A_533, %gather3A_543 : vector<16xf32>
      %mul3A_545 = arith.constant 16 : i32
      %mul3A_546 = arith.muli %add3A_311, %mul3A_545 : i32
      %add3A_547 = arith.constant 14 : i32
      %add3A_548 = arith.addi %mul3A_546, %add3A_547 : i32
      %get3A_549 = arith.index_cast %add3A_548 : i32 to index
      %get3A_550 = arith.constant 0 : index
      %get3A_551 = tpu.vector_load %arg9[%get3A_549, %get3A_550] {strides = array<i32>} : memref<512x32xf32, #tpu.memory_space<vmem>>, vector<1x16xf32>,
      %get3A_552 = vector.shape_cast %get3A_551 : vector<1x16xf32> to vector<16xf32>
      %get3A_553 = arith.index_cast %add3A_548 : i32 to index
      %get3A_554 = arith.constant 16 : index
      %get3A_555 = tpu.vector_load %arg9[%get3A_553, %get3A_554] {strides = array<i32>} : memref<512x32xf32, #tpu.memory_space<vmem>>, vector<1x16xf32>,
      %get3A_556 = vector.shape_cast %get3A_555 : vector<1x16xf32> to vector<16xf32>
      %get3A_557 = arith.index_cast %add3A_548 : i32 to index
      %get3A_558 = arith.constant 0 : index
      %get3A_559 = tpu.vector_load %arg10[%get3A_557, %get3A_558] {strides = array<i32>} : memref<512x32xf32, #tpu.memory_space<vmem>>, vector<1x16xf32>,
      %get3A_560 = vector.shape_cast %get3A_559 : vector<1x16xf32> to vector<16xf32>
      %get3A_561 = arith.index_cast %add3A_548 : i32 to index
      %get3A_562 = arith.constant 16 : index
      %get3A_563 = tpu.vector_load %arg10[%get3A_561, %get3A_562] {strides = array<i32>} : memref<512x32xf32, #tpu.memory_space<vmem>>, vector<1x16xf32>,
      %get3A_564 = vector.shape_cast %get3A_563 : vector<1x16xf32> to vector<16xf32>
      %mul3A_565 = arith.mulf %get3A_552, %get3A_560 : vector<16xf32>
      %mul3A_566 = arith.mulf %get3A_556, %get3A_564 : vector<16xf32>
      %add3A_567 = arith.addf %mul3A_565, %mul3A_566 : vector<16xf32>
      %lt3A_568 = arith.constant 0 : i32
      %lt3A_569 = vector.broadcast %lt3A_568 : i32 to vector<16xi32>
      %lt3A_570 = arith.cmpi slt, %xor3A_150, %lt3A_569 : vector<16xi32>
      %add3A_571 = arith.constant 16 : i32
      %add3A_572 = vector.broadcast %add3A_571 : i32 to vector<16xi32>
      %add3A_573 = arith.addi %xor3A_150, %add3A_572 : vector<16xi32>
      %select_n3A_574 = arith.select %lt3A_570, %add3A_573, %xor3A_150 : vector<16xi1>, vector<16xi32>
      %reshape3A_575 = vector.shape_cast %select_n3A_574 : vector<16xi32> to vector<16x1xi32>
      %gather3A_576 = vector.shape_cast %reshape3A_575 : vector<16x1xi32> to vector<16xi32>
      %gather3A_577 = tpu.dynamic_gather %add3A_567[%gather3A_576] in [0] : vector<16xf32>, vector<16xi32> -> vector<16xf32>
      %add3A_578 = arith.addf %add3A_567, %gather3A_577 : vector<16xf32>
      %mul3A_579 = arith.constant 16 : i32
      %mul3A_580 = arith.muli %add3A_311, %mul3A_579 : i32
      %add3A_581 = arith.constant 1 : i32
      %add3A_582 = arith.addi %mul3A_580, %add3A_581 : i32
      %get3A_583 = arith.index_cast %add3A_582 : i32 to index
      %get3A_584 = arith.constant 0 : index
      %get3A_585 = tpu.vector_load %arg9[%get3A_583, %get3A_584] {strides = array<i32>} : memref<512x32xf32, #tpu.memory_space<vmem>>, vector<1x16xf32>,
      %get3A_586 = vector.shape_cast %get3A_585 : vector<1x16xf32> to vector<16xf32>
      %get3A_587 = arith.index_cast %add3A_582 : i32 to index
      %get3A_588 = arith.constant 16 : index
      %get3A_589 = tpu.vector_load %arg9[%get3A_587, %get3A_588] {strides = array<i32>} : memref<512x32xf32, #tpu.memory_space<vmem>>, vector<1x16xf32>,
      %get3A_590 = vector.shape_cast %get3A_589 : vector<1x16xf32> to vector<16xf32>
      %get3A_591 = arith.index_cast %add3A_582 : i32 to index
      %get3A_592 = arith.constant 0 : index
      %get3A_593 = tpu.vector_load %arg10[%get3A_591, %get3A_592] {strides = array<i32>} : memref<512x32xf32, #tpu.memory_space<vmem>>, vector<1x16xf32>,
      %get3A_594 = vector.shape_cast %get3A_593 : vector<1x16xf32> to vector<16xf32>
      %get3A_595 = arith.index_cast %add3A_582 : i32 to index
      %get3A_596 = arith.constant 16 : index
      %get3A_597 = tpu.vector_load %arg10[%get3A_595, %get3A_596] {strides = array<i32>} : memref<512x32xf32, #tpu.memory_space<vmem>>, vector<1x16xf32>,
      %get3A_598 = vector.shape_cast %get3A_597 : vector<1x16xf32> to vector<16xf32>
      %mul3A_599 = arith.mulf %get3A_586, %get3A_594 : vector<16xf32>
      %mul3A_600 = arith.mulf %get3A_590, %get3A_598 : vector<16xf32>
      %add3A_601 = arith.addf %mul3A_599, %mul3A_600 : vector<16xf32>
      %lt3A_602 = arith.constant 0 : i32
      %lt3A_603 = vector.broadcast %lt3A_602 : i32 to vector<16xi32>
      %lt3A_604 = arith.cmpi slt, %xor3A_150, %lt3A_603 : vector<16xi32>
      %add3A_605 = arith.constant 16 : i32
      %add3A_606 = vector.broadcast %add3A_605 : i32 to vector<16xi32>
      %add3A_607 = arith.addi %xor3A_150, %add3A_606 : vector<16xi32>
      %select_n3A_608 = arith.select %lt3A_604, %add3A_607, %xor3A_150 : vector<16xi1>, vector<16xi32>
      %reshape3A_609 = vector.shape_cast %select_n3A_608 : vector<16xi32> to vector<16x1xi32>
      %gather3A_610 = vector.shape_cast %reshape3A_609 : vector<16x1xi32> to vector<16xi32>
      %gather3A_611 = tpu.dynamic_gather %add3A_601[%gather3A_610] in [0] : vector<16xf32>, vector<16xi32> -> vector<16xf32>
      %add3A_612 = arith.addf %add3A_601, %gather3A_611 : vector<16xf32>
      %mul3A_613 = arith.constant 16 : i32
      %mul3A_614 = arith.muli %add3A_311, %mul3A_613 : i32
      %add3A_615 = arith.constant 9 : i32
      %add3A_616 = arith.addi %mul3A_614, %add3A_615 : i32
      %get3A_617 = arith.index_cast %add3A_616 : i32 to index
      %get3A_618 = arith.constant 0 : index
      %get3A_619 = tpu.vector_load %arg9[%get3A_617, %get3A_618] {strides = array<i32>} : memref<512x32xf32, #tpu.memory_space<vmem>>, vector<1x16xf32>,
      %get3A_620 = vector.shape_cast %get3A_619 : vector<1x16xf32> to vector<16xf32>
      %get3A_621 = arith.index_cast %add3A_616 : i32 to index
      %get3A_622 = arith.constant 16 : index
      %get3A_623 = tpu.vector_load %arg9[%get3A_621, %get3A_622] {strides = array<i32>} : memref<512x32xf32, #tpu.memory_space<vmem>>, vector<1x16xf32>,
      %get3A_624 = vector.shape_cast %get3A_623 : vector<1x16xf32> to vector<16xf32>
      %get3A_625 = arith.index_cast %add3A_616 : i32 to index
      %get3A_626 = arith.constant 0 : index
      %get3A_627 = tpu.vector_load %arg10[%get3A_625, %get3A_626] {strides = array<i32>} : memref<512x32xf32, #tpu.memory_space<vmem>>, vector<1x16xf32>,
      %get3A_628 = vector.shape_cast %get3A_627 : vector<1x16xf32> to vector<16xf32>
      %get3A_629 = arith.index_cast %add3A_616 : i32 to index
      %get3A_630 = arith.constant 16 : index
      %get3A_631 = tpu.vector_load %arg10[%get3A_629, %get3A_630] {strides = array<i32>} : memref<512x32xf32, #tpu.memory_space<vmem>>, vector<1x16xf32>,
      %get3A_632 = vector.shape_cast %get3A_631 : vector<1x16xf32> to vector<16xf32>
      %mul3A_633 = arith.mulf %get3A_620, %get3A_628 : vector<16xf32>
      %mul3A_634 = arith.mulf %get3A_624, %get3A_632 : vector<16xf32>
      %add3A_635 = arith.addf %mul3A_633, %mul3A_634 : vector<16xf32>
      %lt3A_636 = arith.constant 0 : i32
      %lt3A_637 = vector.broadcast %lt3A_636 : i32 to vector<16xi32>
      %lt3A_638 = arith.cmpi slt, %xor3A_150, %lt3A_637 : vector<16xi32>
      %add3A_639 = arith.constant 16 : i32
      %add3A_640 = vector.broadcast %add3A_639 : i32 to vector<16xi32>
      %add3A_641 = arith.addi %xor3A_150, %add3A_640 : vector<16xi32>
      %select_n3A_642 = arith.select %lt3A_638, %add3A_641, %xor3A_150 : vector<16xi1>, vector<16xi32>
      %reshape3A_643 = vector.shape_cast %select_n3A_642 : vector<16xi32> to vector<16x1xi32>
      %gather3A_644 = vector.shape_cast %reshape3A_643 : vector<16x1xi32> to vector<16xi32>
      %gather3A_645 = tpu.dynamic_gather %add3A_635[%gather3A_644] in [0] : vector<16xf32>, vector<16xi32> -> vector<16xf32>
      %add3A_646 = arith.addf %add3A_635, %gather3A_645 : vector<16xf32>
      %mul3A_647 = arith.constant 16 : i32
      %mul3A_648 = arith.muli %add3A_311, %mul3A_647 : i32
      %add3A_649 = arith.constant 5 : i32
      %add3A_650 = arith.addi %mul3A_648, %add3A_649 : i32
      %get3A_651 = arith.index_cast %add3A_650 : i32 to index
      %get3A_652 = arith.constant 0 : index
      %get3A_653 = tpu.vector_load %arg9[%get3A_651, %get3A_652] {strides = array<i32>} : memref<512x32xf32, #tpu.memory_space<vmem>>, vector<1x16xf32>,
      %get3A_654 = vector.shape_cast %get3A_653 : vector<1x16xf32> to vector<16xf32>
      %get3A_655 = arith.index_cast %add3A_650 : i32 to index
      %get3A_656 = arith.constant 16 : index
      %get3A_657 = tpu.vector_load %arg9[%get3A_655, %get3A_656] {strides = array<i32>} : memref<512x32xf32, #tpu.memory_space<vmem>>, vector<1x16xf32>,
      %get3A_658 = vector.shape_cast %get3A_657 : vector<1x16xf32> to vector<16xf32>
      %get3A_659 = arith.index_cast %add3A_650 : i32 to index
      %get3A_660 = arith.constant 0 : index
      %get3A_661 = tpu.vector_load %arg10[%get3A_659, %get3A_660] {strides = array<i32>} : memref<512x32xf32, #tpu.memory_space<vmem>>, vector<1x16xf32>,
      %get3A_662 = vector.shape_cast %get3A_661 : vector<1x16xf32> to vector<16xf32>
      %get3A_663 = arith.index_cast %add3A_650 : i32 to index
      %get3A_664 = arith.constant 16 : index
      %get3A_665 = tpu.vector_load %arg10[%get3A_663, %get3A_664] {strides = array<i32>} : memref<512x32xf32, #tpu.memory_space<vmem>>, vector<1x16xf32>,
      %get3A_666 = vector.shape_cast %get3A_665 : vector<1x16xf32> to vector<16xf32>
      %mul3A_667 = arith.mulf %get3A_654, %get3A_662 : vector<16xf32>
      %mul3A_668 = arith.mulf %get3A_658, %get3A_666 : vector<16xf32>
      %add3A_669 = arith.addf %mul3A_667, %mul3A_668 : vector<16xf32>
      %lt3A_670 = arith.constant 0 : i32
      %lt3A_671 = vector.broadcast %lt3A_670 : i32 to vector<16xi32>
      %lt3A_672 = arith.cmpi slt, %xor3A_150, %lt3A_671 : vector<16xi32>
      %add3A_673 = arith.constant 16 : i32
      %add3A_674 = vector.broadcast %add3A_673 : i32 to vector<16xi32>
      %add3A_675 = arith.addi %xor3A_150, %add3A_674 : vector<16xi32>
      %select_n3A_676 = arith.select %lt3A_672, %add3A_675, %xor3A_150 : vector<16xi1>, vector<16xi32>
      %reshape3A_677 = vector.shape_cast %select_n3A_676 : vector<16xi32> to vector<16x1xi32>
      %gather3A_678 = vector.shape_cast %reshape3A_677 : vector<16x1xi32> to vector<16xi32>
      %gather3A_679 = tpu.dynamic_gather %add3A_669[%gather3A_678] in [0] : vector<16xf32>, vector<16xi32> -> vector<16xf32>
      %add3A_680 = arith.addf %add3A_669, %gather3A_679 : vector<16xf32>
      %mul3A_681 = arith.constant 16 : i32
      %mul3A_682 = arith.muli %add3A_311, %mul3A_681 : i32
      %add3A_683 = arith.constant 13 : i32
      %add3A_684 = arith.addi %mul3A_682, %add3A_683 : i32
      %get3A_685 = arith.index_cast %add3A_684 : i32 to index
      %get3A_686 = arith.constant 0 : index
      %get3A_687 = tpu.vector_load %arg9[%get3A_685, %get3A_686] {strides = array<i32>} : memref<512x32xf32, #tpu.memory_space<vmem>>, vector<1x16xf32>,
      %get3A_688 = vector.shape_cast %get3A_687 : vector<1x16xf32> to vector<16xf32>
      %get3A_689 = arith.index_cast %add3A_684 : i32 to index
      %get3A_690 = arith.constant 16 : index
      %get3A_691 = tpu.vector_load %arg9[%get3A_689, %get3A_690] {strides = array<i32>} : memref<512x32xf32, #tpu.memory_space<vmem>>, vector<1x16xf32>,
      %get3A_692 = vector.shape_cast %get3A_691 : vector<1x16xf32> to vector<16xf32>
      %get3A_693 = arith.index_cast %add3A_684 : i32 to index
      %get3A_694 = arith.constant 0 : index
      %get3A_695 = tpu.vector_load %arg10[%get3A_693, %get3A_694] {strides = array<i32>} : memref<512x32xf32, #tpu.memory_space<vmem>>, vector<1x16xf32>,
      %get3A_696 = vector.shape_cast %get3A_695 : vector<1x16xf32> to vector<16xf32>
      %get3A_697 = arith.index_cast %add3A_684 : i32 to index
      %get3A_698 = arith.constant 16 : index
      %get3A_699 = tpu.vector_load %arg10[%get3A_697, %get3A_698] {strides = array<i32>} : memref<512x32xf32, #tpu.memory_space<vmem>>, vector<1x16xf32>,
      %get3A_700 = vector.shape_cast %get3A_699 : vector<1x16xf32> to vector<16xf32>
      %mul3A_701 = arith.mulf %get3A_688, %get3A_696 : vector<16xf32>
      %mul3A_702 = arith.mulf %get3A_692, %get3A_700 : vector<16xf32>
      %add3A_703 = arith.addf %mul3A_701, %mul3A_702 : vector<16xf32>
      %lt3A_704 = arith.constant 0 : i32
      %lt3A_705 = vector.broadcast %lt3A_704 : i32 to vector<16xi32>
      %lt3A_706 = arith.cmpi slt, %xor3A_150, %lt3A_705 : vector<16xi32>
      %add3A_707 = arith.constant 16 : i32
      %add3A_708 = vector.broadcast %add3A_707 : i32 to vector<16xi32>
      %add3A_709 = arith.addi %xor3A_150, %add3A_708 : vector<16xi32>
      %select_n3A_710 = arith.select %lt3A_706, %add3A_709, %xor3A_150 : vector<16xi1>, vector<16xi32>
      %reshape3A_711 = vector.shape_cast %select_n3A_710 : vector<16xi32> to vector<16x1xi32>
      %gather3A_712 = vector.shape_cast %reshape3A_711 : vector<16x1xi32> to vector<16xi32>
      %gather3A_713 = tpu.dynamic_gather %add3A_703[%gather3A_712] in [0] : vector<16xf32>, vector<16xi32> -> vector<16xf32>
      %add3A_714 = arith.addf %add3A_703, %gather3A_713 : vector<16xf32>
      %mul3A_715 = arith.constant 16 : i32
      %mul3A_716 = arith.muli %add3A_311, %mul3A_715 : i32
      %add3A_717 = arith.constant 3 : i32
      %add3A_718 = arith.addi %mul3A_716, %add3A_717 : i32
      %get3A_719 = arith.index_cast %add3A_718 : i32 to index
      %get3A_720 = arith.constant 0 : index
      %get3A_721 = tpu.vector_load %arg9[%get3A_719, %get3A_720] {strides = array<i32>} : memref<512x32xf32, #tpu.memory_space<vmem>>, vector<1x16xf32>,
      %get3A_722 = vector.shape_cast %get3A_721 : vector<1x16xf32> to vector<16xf32>
      %get3A_723 = arith.index_cast %add3A_718 : i32 to index
      %get3A_724 = arith.constant 16 : index
      %get3A_725 = tpu.vector_load %arg9[%get3A_723, %get3A_724] {strides = array<i32>} : memref<512x32xf32, #tpu.memory_space<vmem>>, vector<1x16xf32>,
      %get3A_726 = vector.shape_cast %get3A_725 : vector<1x16xf32> to vector<16xf32>
      %get3A_727 = arith.index_cast %add3A_718 : i32 to index
      %get3A_728 = arith.constant 0 : index
      %get3A_729 = tpu.vector_load %arg10[%get3A_727, %get3A_728] {strides = array<i32>} : memref<512x32xf32, #tpu.memory_space<vmem>>, vector<1x16xf32>,
      %get3A_730 = vector.shape_cast %get3A_729 : vector<1x16xf32> to vector<16xf32>
      %get3A_731 = arith.index_cast %add3A_718 : i32 to index
      %get3A_732 = arith.constant 16 : index
      %get3A_733 = tpu.vector_load %arg10[%get3A_731, %get3A_732] {strides = array<i32>} : memref<512x32xf32, #tpu.memory_space<vmem>>, vector<1x16xf32>,
      %get3A_734 = vector.shape_cast %get3A_733 : vector<1x16xf32> to vector<16xf32>
      %mul3A_735 = arith.mulf %get3A_722, %get3A_730 : vector<16xf32>
      %mul3A_736 = arith.mulf %get3A_726, %get3A_734 : vector<16xf32>
      %add3A_737 = arith.addf %mul3A_735, %mul3A_736 : vector<16xf32>
      %lt3A_738 = arith.constant 0 : i32
      %lt3A_739 = vector.broadcast %lt3A_738 : i32 to vector<16xi32>
      %lt3A_740 = arith.cmpi slt, %xor3A_150, %lt3A_739 : vector<16xi32>
      %add3A_741 = arith.constant 16 : i32
      %add3A_742 = vector.broadcast %add3A_741 : i32 to vector<16xi32>
      %add3A_743 = arith.addi %xor3A_150, %add3A_742 : vector<16xi32>
      %select_n3A_744 = arith.select %lt3A_740, %add3A_743, %xor3A_150 : vector<16xi1>, vector<16xi32>
      %reshape3A_745 = vector.shape_cast %select_n3A_744 : vector<16xi32> to vector<16x1xi32>
      %gather3A_746 = vector.shape_cast %reshape3A_745 : vector<16x1xi32> to vector<16xi32>
      %gather3A_747 = tpu.dynamic_gather %add3A_737[%gather3A_746] in [0] : vector<16xf32>, vector<16xi32> -> vector<16xf32>
      %add3A_748 = arith.addf %add3A_737, %gather3A_747 : vector<16xf32>
      %mul3A_749 = arith.constant 16 : i32
      %mul3A_750 = arith.muli %add3A_311, %mul3A_749 : i32
      %add3A_751 = arith.constant 11 : i32
      %add3A_752 = arith.addi %mul3A_750, %add3A_751 : i32
      %get3A_753 = arith.index_cast %add3A_752 : i32 to index
      %get3A_754 = arith.constant 0 : index
      %get3A_755 = tpu.vector_load %arg9[%get3A_753, %get3A_754] {strides = array<i32>} : memref<512x32xf32, #tpu.memory_space<vmem>>, vector<1x16xf32>,
      %get3A_756 = vector.shape_cast %get3A_755 : vector<1x16xf32> to vector<16xf32>
      %get3A_757 = arith.index_cast %add3A_752 : i32 to index
      %get3A_758 = arith.constant 16 : index
      %get3A_759 = tpu.vector_load %arg9[%get3A_757, %get3A_758] {strides = array<i32>} : memref<512x32xf32, #tpu.memory_space<vmem>>, vector<1x16xf32>,
      %get3A_760 = vector.shape_cast %get3A_759 : vector<1x16xf32> to vector<16xf32>
      %get3A_761 = arith.index_cast %add3A_752 : i32 to index
      %get3A_762 = arith.constant 0 : index
      %get3A_763 = tpu.vector_load %arg10[%get3A_761, %get3A_762] {strides = array<i32>} : memref<512x32xf32, #tpu.memory_space<vmem>>, vector<1x16xf32>,
      %get3A_764 = vector.shape_cast %get3A_763 : vector<1x16xf32> to vector<16xf32>
      %get3A_765 = arith.index_cast %add3A_752 : i32 to index
      %get3A_766 = arith.constant 16 : index
      %get3A_767 = tpu.vector_load %arg10[%get3A_765, %get3A_766] {strides = array<i32>} : memref<512x32xf32, #tpu.memory_space<vmem>>, vector<1x16xf32>,
      %get3A_768 = vector.shape_cast %get3A_767 : vector<1x16xf32> to vector<16xf32>
      %mul3A_769 = arith.mulf %get3A_756, %get3A_764 : vector<16xf32>
      %mul3A_770 = arith.mulf %get3A_760, %get3A_768 : vector<16xf32>
      %add3A_771 = arith.addf %mul3A_769, %mul3A_770 : vector<16xf32>
      %lt3A_772 = arith.constant 0 : i32
      %lt3A_773 = vector.broadcast %lt3A_772 : i32 to vector<16xi32>
      %lt3A_774 = arith.cmpi slt, %xor3A_150, %lt3A_773 : vector<16xi32>
      %add3A_775 = arith.constant 16 : i32
      %add3A_776 = vector.broadcast %add3A_775 : i32 to vector<16xi32>
      %add3A_777 = arith.addi %xor3A_150, %add3A_776 : vector<16xi32>
      %select_n3A_778 = arith.select %lt3A_774, %add3A_777, %xor3A_150 : vector<16xi1>, vector<16xi32>
      %reshape3A_779 = vector.shape_cast %select_n3A_778 : vector<16xi32> to vector<16x1xi32>
      %gather3A_780 = vector.shape_cast %reshape3A_779 : vector<16x1xi32> to vector<16xi32>
      %gather3A_781 = tpu.dynamic_gather %add3A_771[%gather3A_780] in [0] : vector<16xf32>, vector<16xi32> -> vector<16xf32>
      %add3A_782 = arith.addf %add3A_771, %gather3A_781 : vector<16xf32>
      %mul3A_783 = arith.constant 16 : i32
      %mul3A_784 = arith.muli %add3A_311, %mul3A_783 : i32
      %add3A_785 = arith.constant 7 : i32
      %add3A_786 = arith.addi %mul3A_784, %add3A_785 : i32
      %get3A_787 = arith.index_cast %add3A_786 : i32 to index
      %get3A_788 = arith.constant 0 : index
      %get3A_789 = tpu.vector_load %arg9[%get3A_787, %get3A_788] {strides = array<i32>} : memref<512x32xf32, #tpu.memory_space<vmem>>, vector<1x16xf32>,
      %get3A_790 = vector.shape_cast %get3A_789 : vector<1x16xf32> to vector<16xf32>
      %get3A_791 = arith.index_cast %add3A_786 : i32 to index
      %get3A_792 = arith.constant 16 : index
      %get3A_793 = tpu.vector_load %arg9[%get3A_791, %get3A_792] {strides = array<i32>} : memref<512x32xf32, #tpu.memory_space<vmem>>, vector<1x16xf32>,
      %get3A_794 = vector.shape_cast %get3A_793 : vector<1x16xf32> to vector<16xf32>
      %get3A_795 = arith.index_cast %add3A_786 : i32 to index
      %get3A_796 = arith.constant 0 : index
      %get3A_797 = tpu.vector_load %arg10[%get3A_795, %get3A_796] {strides = array<i32>} : memref<512x32xf32, #tpu.memory_space<vmem>>, vector<1x16xf32>,
      %get3A_798 = vector.shape_cast %get3A_797 : vector<1x16xf32> to vector<16xf32>
      %get3A_799 = arith.index_cast %add3A_786 : i32 to index
      %get3A_800 = arith.constant 16 : index
      %get3A_801 = tpu.vector_load %arg10[%get3A_799, %get3A_800] {strides = array<i32>} : memref<512x32xf32, #tpu.memory_space<vmem>>, vector<1x16xf32>,
      %get3A_802 = vector.shape_cast %get3A_801 : vector<1x16xf32> to vector<16xf32>
      %mul3A_803 = arith.mulf %get3A_790, %get3A_798 : vector<16xf32>
      %mul3A_804 = arith.mulf %get3A_794, %get3A_802 : vector<16xf32>
      %add3A_805 = arith.addf %mul3A_803, %mul3A_804 : vector<16xf32>
      %lt3A_806 = arith.constant 0 : i32
      %lt3A_807 = vector.broadcast %lt3A_806 : i32 to vector<16xi32>
      %lt3A_808 = arith.cmpi slt, %xor3A_150, %lt3A_807 : vector<16xi32>
      %add3A_809 = arith.constant 16 : i32
      %add3A_810 = vector.broadcast %add3A_809 : i32 to vector<16xi32>
      %add3A_811 = arith.addi %xor3A_150, %add3A_810 : vector<16xi32>
      %select_n3A_812 = arith.select %lt3A_808, %add3A_811, %xor3A_150 : vector<16xi1>, vector<16xi32>
      %reshape3A_813 = vector.shape_cast %select_n3A_812 : vector<16xi32> to vector<16x1xi32>
      %gather3A_814 = vector.shape_cast %reshape3A_813 : vector<16x1xi32> to vector<16xi32>
      %gather3A_815 = tpu.dynamic_gather %add3A_805[%gather3A_814] in [0] : vector<16xf32>, vector<16xi32> -> vector<16xf32>
      %add3A_816 = arith.addf %add3A_805, %gather3A_815 : vector<16xf32>
      %mul3A_817 = arith.constant 16 : i32
      %mul3A_818 = arith.muli %add3A_311, %mul3A_817 : i32
      %add3A_819 = arith.constant 15 : i32
      %add3A_820 = arith.addi %mul3A_818, %add3A_819 : i32
      %get3A_821 = arith.index_cast %add3A_820 : i32 to index
      %get3A_822 = arith.constant 0 : index
      %get3A_823 = tpu.vector_load %arg9[%get3A_821, %get3A_822] {strides = array<i32>} : memref<512x32xf32, #tpu.memory_space<vmem>>, vector<1x16xf32>,
      %get3A_824 = vector.shape_cast %get3A_823 : vector<1x16xf32> to vector<16xf32>
      %get3A_825 = arith.index_cast %add3A_820 : i32 to index
      %get3A_826 = arith.constant 16 : index
      %get3A_827 = tpu.vector_load %arg9[%get3A_825, %get3A_826] {strides = array<i32>} : memref<512x32xf32, #tpu.memory_space<vmem>>, vector<1x16xf32>,
      %get3A_828 = vector.shape_cast %get3A_827 : vector<1x16xf32> to vector<16xf32>
      %get3A_829 = arith.index_cast %add3A_820 : i32 to index
      %get3A_830 = arith.constant 0 : index
      %get3A_831 = tpu.vector_load %arg10[%get3A_829, %get3A_830] {strides = array<i32>} : memref<512x32xf32, #tpu.memory_space<vmem>>, vector<1x16xf32>,
      %get3A_832 = vector.shape_cast %get3A_831 : vector<1x16xf32> to vector<16xf32>
      %get3A_833 = arith.index_cast %add3A_820 : i32 to index
      %get3A_834 = arith.constant 16 : index
      %get3A_835 = tpu.vector_load %arg10[%get3A_833, %get3A_834] {strides = array<i32>} : memref<512x32xf32, #tpu.memory_space<vmem>>, vector<1x16xf32>,
      %get3A_836 = vector.shape_cast %get3A_835 : vector<1x16xf32> to vector<16xf32>
      %mul3A_837 = arith.mulf %get3A_824, %get3A_832 : vector<16xf32>
      %mul3A_838 = arith.mulf %get3A_828, %get3A_836 : vector<16xf32>
      %add3A_839 = arith.addf %mul3A_837, %mul3A_838 : vector<16xf32>
      %lt3A_840 = arith.constant 0 : i32
      %lt3A_841 = vector.broadcast %lt3A_840 : i32 to vector<16xi32>
      %lt3A_842 = arith.cmpi slt, %xor3A_150, %lt3A_841 : vector<16xi32>
      %add3A_843 = arith.constant 16 : i32
      %add3A_844 = vector.broadcast %add3A_843 : i32 to vector<16xi32>
      %add3A_845 = arith.addi %xor3A_150, %add3A_844 : vector<16xi32>
      %select_n3A_846 = arith.select %lt3A_842, %add3A_845, %xor3A_150 : vector<16xi1>, vector<16xi32>
      %reshape3A_847 = vector.shape_cast %select_n3A_846 : vector<16xi32> to vector<16x1xi32>
      %gather3A_848 = vector.shape_cast %reshape3A_847 : vector<16x1xi32> to vector<16xi32>
      %gather3A_849 = tpu.dynamic_gather %add3A_839[%gather3A_848] in [0] : vector<16xf32>, vector<16xi32> -> vector<16xf32>
      %add3A_850 = arith.addf %add3A_839, %gather3A_849 : vector<16xf32>
      %select_n3A_851 = arith.select %eq3A_163, %add3A_340, %add3A_374 : vector<16xi1>, vector<16xf32>
      %select_n3A_852 = arith.select %eq3A_163, %add3A_408, %add3A_442 : vector<16xi1>, vector<16xf32>
      %select_n3A_853 = arith.select %eq3A_163, %add3A_476, %add3A_510 : vector<16xi1>, vector<16xf32>
      %select_n3A_854 = arith.select %eq3A_163, %add3A_544, %add3A_578 : vector<16xi1>, vector<16xf32>
      %select_n3A_855 = arith.select %eq3A_163, %add3A_612, %add3A_646 : vector<16xi1>, vector<16xf32>
      %select_n3A_856 = arith.select %eq3A_163, %add3A_680, %add3A_714 : vector<16xi1>, vector<16xf32>
      %select_n3A_857 = arith.select %eq3A_163, %add3A_748, %add3A_782 : vector<16xi1>, vector<16xf32>
      %select_n3A_858 = arith.select %eq3A_163, %add3A_816, %add3A_850 : vector<16xi1>, vector<16xf32>
      %lt3A_859 = arith.constant 0 : i32
      %lt3A_860 = vector.broadcast %lt3A_859 : i32 to vector<16xi32>
      %lt3A_861 = arith.cmpi slt, %xor3A_153, %lt3A_860 : vector<16xi32>
      %add3A_862 = arith.constant 16 : i32
      %add3A_863 = vector.broadcast %add3A_862 : i32 to vector<16xi32>
      %add3A_864 = arith.addi %xor3A_153, %add3A_863 : vector<16xi32>
      %select_n3A_865 = arith.select %lt3A_861, %add3A_864, %xor3A_153 : vector<16xi1>, vector<16xi32>
      %reshape3A_866 = vector.shape_cast %select_n3A_865 : vector<16xi32> to vector<16x1xi32>
      %gather3A_867 = vector.shape_cast %reshape3A_866 : vector<16x1xi32> to vector<16xi32>
      %gather3A_868 = tpu.dynamic_gather %select_n3A_851[%gather3A_867] in [0] : vector<16xf32>, vector<16xi32> -> vector<16xf32>
      %add3A_869 = arith.addf %select_n3A_851, %gather3A_868 : vector<16xf32>
      %lt3A_870 = arith.constant 0 : i32
      %lt3A_871 = vector.broadcast %lt3A_870 : i32 to vector<16xi32>
      %lt3A_872 = arith.cmpi slt, %xor3A_153, %lt3A_871 : vector<16xi32>
      %add3A_873 = arith.constant 16 : i32
      %add3A_874 = vector.broadcast %add3A_873 : i32 to vector<16xi32>
      %add3A_875 = arith.addi %xor3A_153, %add3A_874 : vector<16xi32>
      %select_n3A_876 = arith.select %lt3A_872, %add3A_875, %xor3A_153 : vector<16xi1>, vector<16xi32>
      %reshape3A_877 = vector.shape_cast %select_n3A_876 : vector<16xi32> to vector<16x1xi32>
      %gather3A_878 = vector.shape_cast %reshape3A_877 : vector<16x1xi32> to vector<16xi32>
      %gather3A_879 = tpu.dynamic_gather %select_n3A_852[%gather3A_878] in [0] : vector<16xf32>, vector<16xi32> -> vector<16xf32>
      %add3A_880 = arith.addf %select_n3A_852, %gather3A_879 : vector<16xf32>
      %lt3A_881 = arith.constant 0 : i32
      %lt3A_882 = vector.broadcast %lt3A_881 : i32 to vector<16xi32>
      %lt3A_883 = arith.cmpi slt, %xor3A_153, %lt3A_882 : vector<16xi32>
      %add3A_884 = arith.constant 16 : i32
      %add3A_885 = vector.broadcast %add3A_884 : i32 to vector<16xi32>
      %add3A_886 = arith.addi %xor3A_153, %add3A_885 : vector<16xi32>
      %select_n3A_887 = arith.select %lt3A_883, %add3A_886, %xor3A_153 : vector<16xi1>, vector<16xi32>
      %reshape3A_888 = vector.shape_cast %select_n3A_887 : vector<16xi32> to vector<16x1xi32>
      %gather3A_889 = vector.shape_cast %reshape3A_888 : vector<16x1xi32> to vector<16xi32>
      %gather3A_890 = tpu.dynamic_gather %select_n3A_853[%gather3A_889] in [0] : vector<16xf32>, vector<16xi32> -> vector<16xf32>
      %add3A_891 = arith.addf %select_n3A_853, %gather3A_890 : vector<16xf32>
      %lt3A_892 = arith.constant 0 : i32
      %lt3A_893 = vector.broadcast %lt3A_892 : i32 to vector<16xi32>
      %lt3A_894 = arith.cmpi slt, %xor3A_153, %lt3A_893 : vector<16xi32>
      %add3A_895 = arith.constant 16 : i32
      %add3A_896 = vector.broadcast %add3A_895 : i32 to vector<16xi32>
      %add3A_897 = arith.addi %xor3A_153, %add3A_896 : vector<16xi32>
      %select_n3A_898 = arith.select %lt3A_894, %add3A_897, %xor3A_153 : vector<16xi1>, vector<16xi32>
      %reshape3A_899 = vector.shape_cast %select_n3A_898 : vector<16xi32> to vector<16x1xi32>
      %gather3A_900 = vector.shape_cast %reshape3A_899 : vector<16x1xi32> to vector<16xi32>
      %gather3A_901 = tpu.dynamic_gather %select_n3A_854[%gather3A_900] in [0] : vector<16xf32>, vector<16xi32> -> vector<16xf32>
      %add3A_902 = arith.addf %select_n3A_854, %gather3A_901 : vector<16xf32>
      %lt3A_903 = arith.constant 0 : i32
      %lt3A_904 = vector.broadcast %lt3A_903 : i32 to vector<16xi32>
      %lt3A_905 = arith.cmpi slt, %xor3A_153, %lt3A_904 : vector<16xi32>
      %add3A_906 = arith.constant 16 : i32
      %add3A_907 = vector.broadcast %add3A_906 : i32 to vector<16xi32>
      %add3A_908 = arith.addi %xor3A_153, %add3A_907 : vector<16xi32>
      %select_n3A_909 = arith.select %lt3A_905, %add3A_908, %xor3A_153 : vector<16xi1>, vector<16xi32>
      %reshape3A_910 = vector.shape_cast %select_n3A_909 : vector<16xi32> to vector<16x1xi32>
      %gather3A_911 = vector.shape_cast %reshape3A_910 : vector<16x1xi32> to vector<16xi32>
      %gather3A_912 = tpu.dynamic_gather %select_n3A_855[%gather3A_911] in [0] : vector<16xf32>, vector<16xi32> -> vector<16xf32>
      %add3A_913 = arith.addf %select_n3A_855, %gather3A_912 : vector<16xf32>
      %lt3A_914 = arith.constant 0 : i32
      %lt3A_915 = vector.broadcast %lt3A_914 : i32 to vector<16xi32>
      %lt3A_916 = arith.cmpi slt, %xor3A_153, %lt3A_915 : vector<16xi32>
      %add3A_917 = arith.constant 16 : i32
      %add3A_918 = vector.broadcast %add3A_917 : i32 to vector<16xi32>
      %add3A_919 = arith.addi %xor3A_153, %add3A_918 : vector<16xi32>
      %select_n3A_920 = arith.select %lt3A_916, %add3A_919, %xor3A_153 : vector<16xi1>, vector<16xi32>
      %reshape3A_921 = vector.shape_cast %select_n3A_920 : vector<16xi32> to vector<16x1xi32>
      %gather3A_922 = vector.shape_cast %reshape3A_921 : vector<16x1xi32> to vector<16xi32>
      %gather3A_923 = tpu.dynamic_gather %select_n3A_856[%gather3A_922] in [0] : vector<16xf32>, vector<16xi32> -> vector<16xf32>
      %add3A_924 = arith.addf %select_n3A_856, %gather3A_923 : vector<16xf32>
      %lt3A_925 = arith.constant 0 : i32
      %lt3A_926 = vector.broadcast %lt3A_925 : i32 to vector<16xi32>
      %lt3A_927 = arith.cmpi slt, %xor3A_153, %lt3A_926 : vector<16xi32>
      %add3A_928 = arith.constant 16 : i32
      %add3A_929 = vector.broadcast %add3A_928 : i32 to vector<16xi32>
      %add3A_930 = arith.addi %xor3A_153, %add3A_929 : vector<16xi32>
      %select_n3A_931 = arith.select %lt3A_927, %add3A_930, %xor3A_153 : vector<16xi1>, vector<16xi32>
      %reshape3A_932 = vector.shape_cast %select_n3A_931 : vector<16xi32> to vector<16x1xi32>
      %gather3A_933 = vector.shape_cast %reshape3A_932 : vector<16x1xi32> to vector<16xi32>
      %gather3A_934 = tpu.dynamic_gather %select_n3A_857[%gather3A_933] in [0] : vector<16xf32>, vector<16xi32> -> vector<16xf32>
      %add3A_935 = arith.addf %select_n3A_857, %gather3A_934 : vector<16xf32>
      %lt3A_936 = arith.constant 0 : i32
      %lt3A_937 = vector.broadcast %lt3A_936 : i32 to vector<16xi32>
      %lt3A_938 = arith.cmpi slt, %xor3A_153, %lt3A_937 : vector<16xi32>
      %add3A_939 = arith.constant 16 : i32
      %add3A_940 = vector.broadcast %add3A_939 : i32 to vector<16xi32>
      %add3A_941 = arith.addi %xor3A_153, %add3A_940 : vector<16xi32>
      %select_n3A_942 = arith.select %lt3A_938, %add3A_941, %xor3A_153 : vector<16xi1>, vector<16xi32>
      %reshape3A_943 = vector.shape_cast %select_n3A_942 : vector<16xi32> to vector<16x1xi32>
      %gather3A_944 = vector.shape_cast %reshape3A_943 : vector<16x1xi32> to vector<16xi32>
      %gather3A_945 = tpu.dynamic_gather %select_n3A_858[%gather3A_944] in [0] : vector<16xf32>, vector<16xi32> -> vector<16xf32>
      %add3A_946 = arith.addf %select_n3A_858, %gather3A_945 : vector<16xf32>
      %select_n3A_947 = arith.select %eq3A_169, %add3A_869, %add3A_880 : vector<16xi1>, vector<16xf32>
      %select_n3A_948 = arith.select %eq3A_169, %add3A_891, %add3A_902 : vector<16xi1>, vector<16xf32>
      %select_n3A_949 = arith.select %eq3A_169, %add3A_913, %add3A_924 : vector<16xi1>, vector<16xf32>
      %select_n3A_950 = arith.select %eq3A_169, %add3A_935, %add3A_946 : vector<16xi1>, vector<16xf32>
      %lt3A_951 = arith.constant 0 : i32
      %lt3A_952 = vector.broadcast %lt3A_951 : i32 to vector<16xi32>
      %lt3A_953 = arith.cmpi slt, %xor3A_156, %lt3A_952 : vector<16xi32>
      %add3A_954 = arith.constant 16 : i32
      %add3A_955 = vector.broadcast %add3A_954 : i32 to vector<16xi32>
      %add3A_956 = arith.addi %xor3A_156, %add3A_955 : vector<16xi32>
      %select_n3A_957 = arith.select %lt3A_953, %add3A_956, %xor3A_156 : vector<16xi1>, vector<16xi32>
      %reshape3A_958 = vector.shape_cast %select_n3A_957 : vector<16xi32> to vector<16x1xi32>
      %gather3A_959 = vector.shape_cast %reshape3A_958 : vector<16x1xi32> to vector<16xi32>
      %gather3A_960 = tpu.dynamic_gather %select_n3A_947[%gather3A_959] in [0] : vector<16xf32>, vector<16xi32> -> vector<16xf32>
      %add3A_961 = arith.addf %select_n3A_947, %gather3A_960 : vector<16xf32>
      %lt3A_962 = arith.constant 0 : i32
      %lt3A_963 = vector.broadcast %lt3A_962 : i32 to vector<16xi32>
      %lt3A_964 = arith.cmpi slt, %xor3A_156, %lt3A_963 : vector<16xi32>
      %add3A_965 = arith.constant 16 : i32
      %add3A_966 = vector.broadcast %add3A_965 : i32 to vector<16xi32>
      %add3A_967 = arith.addi %xor3A_156, %add3A_966 : vector<16xi32>
      %select_n3A_968 = arith.select %lt3A_964, %add3A_967, %xor3A_156 : vector<16xi1>, vector<16xi32>
      %reshape3A_969 = vector.shape_cast %select_n3A_968 : vector<16xi32> to vector<16x1xi32>
      %gather3A_970 = vector.shape_cast %reshape3A_969 : vector<16x1xi32> to vector<16xi32>
      %gather3A_971 = tpu.dynamic_gather %select_n3A_948[%gather3A_970] in [0] : vector<16xf32>, vector<16xi32> -> vector<16xf32>
      %add3A_972 = arith.addf %select_n3A_948, %gather3A_971 : vector<16xf32>
      %lt3A_973 = arith.constant 0 : i32
      %lt3A_974 = vector.broadcast %lt3A_973 : i32 to vector<16xi32>
      %lt3A_975 = arith.cmpi slt, %xor3A_156, %lt3A_974 : vector<16xi32>
      %add3A_976 = arith.constant 16 : i32
      %add3A_977 = vector.broadcast %add3A_976 : i32 to vector<16xi32>
      %add3A_978 = arith.addi %xor3A_156, %add3A_977 : vector<16xi32>
      %select_n3A_979 = arith.select %lt3A_975, %add3A_978, %xor3A_156 : vector<16xi1>, vector<16xi32>
      %reshape3A_980 = vector.shape_cast %select_n3A_979 : vector<16xi32> to vector<16x1xi32>
      %gather3A_981 = vector.shape_cast %reshape3A_980 : vector<16x1xi32> to vector<16xi32>
      %gather3A_982 = tpu.dynamic_gather %select_n3A_949[%gather3A_981] in [0] : vector<16xf32>, vector<16xi32> -> vector<16xf32>
      %add3A_983 = arith.addf %select_n3A_949, %gather3A_982 : vector<16xf32>
      %lt3A_984 = arith.constant 0 : i32
      %lt3A_985 = vector.broadcast %lt3A_984 : i32 to vector<16xi32>
      %lt3A_986 = arith.cmpi slt, %xor3A_156, %lt3A_985 : vector<16xi32>
      %add3A_987 = arith.constant 16 : i32
      %add3A_988 = vector.broadcast %add3A_987 : i32 to vector<16xi32>
      %add3A_989 = arith.addi %xor3A_156, %add3A_988 : vector<16xi32>
      %select_n3A_990 = arith.select %lt3A_986, %add3A_989, %xor3A_156 : vector<16xi1>, vector<16xi32>
      %reshape3A_991 = vector.shape_cast %select_n3A_990 : vector<16xi32> to vector<16x1xi32>
      %gather3A_992 = vector.shape_cast %reshape3A_991 : vector<16x1xi32> to vector<16xi32>
      %gather3A_993 = tpu.dynamic_gather %select_n3A_950[%gather3A_992] in [0] : vector<16xf32>, vector<16xi32> -> vector<16xf32>
      %add3A_994 = arith.addf %select_n3A_950, %gather3A_993 : vector<16xf32>
      %select_n3A_995 = arith.select %eq3A_175, %add3A_961, %add3A_972 : vector<16xi1>, vector<16xf32>
      %select_n3A_996 = arith.select %eq3A_175, %add3A_983, %add3A_994 : vector<16xi1>, vector<16xf32>
      %lt3A_997 = arith.constant 0 : i32
      %lt3A_998 = vector.broadcast %lt3A_997 : i32 to vector<16xi32>
      %lt3A_999 = arith.cmpi slt, %xor3A_159, %lt3A_998 : vector<16xi32>
      %add3A_1000 = arith.constant 16 : i32
      %add3A_1001 = vector.broadcast %add3A_1000 : i32 to vector<16xi32>
      %add3A_1002 = arith.addi %xor3A_159, %add3A_1001 : vector<16xi32>
      %select_n3A_1003 = arith.select %lt3A_999, %add3A_1002, %xor3A_159 : vector<16xi1>, vector<16xi32>
      %reshape3A_1004 = vector.shape_cast %select_n3A_1003 : vector<16xi32> to vector<16x1xi32>
      %gather3A_1005 = vector.shape_cast %reshape3A_1004 : vector<16x1xi32> to vector<16xi32>
      %gather3A_1006 = tpu.dynamic_gather %select_n3A_995[%gather3A_1005] in [0] : vector<16xf32>, vector<16xi32> -> vector<16xf32>
      %add3A_1007 = arith.addf %select_n3A_995, %gather3A_1006 : vector<16xf32>
      %lt3A_1008 = arith.constant 0 : i32
      %lt3A_1009 = vector.broadcast %lt3A_1008 : i32 to vector<16xi32>
      %lt3A_1010 = arith.cmpi slt, %xor3A_159, %lt3A_1009 : vector<16xi32>
      %add3A_1011 = arith.constant 16 : i32
      %add3A_1012 = vector.broadcast %add3A_1011 : i32 to vector<16xi32>
      %add3A_1013 = arith.addi %xor3A_159, %add3A_1012 : vector<16xi32>
      %select_n3A_1014 = arith.select %lt3A_1010, %add3A_1013, %xor3A_159 : vector<16xi1>, vector<16xi32>
      %reshape3A_1015 = vector.shape_cast %select_n3A_1014 : vector<16xi32> to vector<16x1xi32>
      %gather3A_1016 = vector.shape_cast %reshape3A_1015 : vector<16x1xi32> to vector<16xi32>
      %gather3A_1017 = tpu.dynamic_gather %select_n3A_996[%gather3A_1016] in [0] : vector<16xf32>, vector<16xi32> -> vector<16xf32>
      %add3A_1018 = arith.addf %select_n3A_996, %gather3A_1017 : vector<16xf32>
      %select_n3A_1019 = arith.select %eq3A_181, %add3A_1007, %add3A_1018 : vector<16xi1>, vector<16xf32>
      %mul3A_1020 = arith.constant 16 : i32
      %mul3A_1021 = arith.muli %add3A_311, %mul3A_1020 : i32
      %swap3A = arith.index_cast %mul3A_1021 : i32 to index
      %swap3A_1022 = tpu.vector_load %arg11[%swap3A] {strides = array<i32>} : memref<512xf32, #tpu.memory_space<vmem>>, vector<16xf32>,
      %swap3A_1023 = vector.shape_cast %swap3A_1022 : vector<16xf32> to vector<16xf32>
      %swap3A_1024 = vector.shape_cast %select_n3A_1019 : vector<16xf32> to vector<16xf32>
      tpu.vector_store %arg11[%swap3A], %swap3A_1024 {strides = array<i32>} : memref<512xf32, #tpu.memory_space<vmem>>, vector<16xf32>,
    }
    %scan3A_276 = arith.constant 8 : i32
    %dma_wait3A_277 = arith.constant 3 : i32
    %dma_wait3A_278 = arith.constant 3 : i32
    %dma_wait3A_279 = arith.constant 384 : i32
    %dma_wait3A_280 = arith.constant 0 : i32
    %dma_wait3A_281 = tpu.memref_slice %arg9[%dma_wait3A_279, %dma_wait3A_280] : memref<512x32xf32, #tpu.memory_space<vmem>> -> memref<128x32xf32, #tpu.memory_space<vmem>>
    %dma_wait3A_282 = arith.constant 0 : i32
    %dma_wait3A_283 = tpu.memref_slice %arg7[%dma_wait3A_277, %dma_wait3A_282] : memref<4x128xi32, #tpu.memory_space<vmem>> -> memref<1x128xi32, #tpu.memory_space<vmem>>
    %dma_wait3A_284 = tpu.memref_squeeze %dma_wait3A_283 : memref<1x128xi32, #tpu.memory_space<vmem>> -> memref<128xi32, #tpu.memory_space<vmem>>
    %dma_wait3A_285 = arith.constant 0 : i32
    %dma_wait3A_286 = arith.constant 0 : i32
    %dma_wait3A_287 = tpu.memref_slice %arg4[%dma_wait3A_285, %dma_wait3A_286] : memref<1000000x32xf32, #tpu.memory_space<hbm>> -> memref<1000000x32xf32, #tpu.memory_space<hbm>>
    %dma_wait3A_288 = tpu.memref_slice %arg13[%dma_wait3A_278] : memref<4x!tpu.dma_semaphore, #tpu.memory_space<semaphore_mem>> -> memref<1x!tpu.dma_semaphore, #tpu.memory_space<semaphore_mem>>
    %dma_wait3A_289 = tpu.memref_squeeze %dma_wait3A_288 : memref<1x!tpu.dma_semaphore, #tpu.memory_space<semaphore_mem>> -> memref<!tpu.dma_semaphore, #tpu.memory_space<semaphore_mem>>
    tpu.wait_indirect_dma semaphore(%dma_wait3A_289 : memref<!tpu.dma_semaphore, #tpu.memory_space<semaphore_mem>>) src(%dma_wait3A_287 : memref<1000000x32xf32, #tpu.memory_space<hbm>>) dst(%dma_wait3A_281 : memref<128x32xf32, #tpu.memory_space<vmem>>)
    %dma_wait3A_290 = arith.constant 3 : i32
    %dma_wait3A_291 = arith.constant 3 : i32
    %dma_wait3A_292 = arith.constant 384 : i32
    %dma_wait3A_293 = arith.constant 0 : i32
    %dma_wait3A_294 = tpu.memref_slice %arg10[%dma_wait3A_292, %dma_wait3A_293] : memref<512x32xf32, #tpu.memory_space<vmem>> -> memref<128x32xf32, #tpu.memory_space<vmem>>
    %dma_wait3A_295 = arith.constant 0 : i32
    %dma_wait3A_296 = tpu.memref_slice %arg8[%dma_wait3A_290, %dma_wait3A_295] : memref<4x128xi32, #tpu.memory_space<vmem>> -> memref<1x128xi32, #tpu.memory_space<vmem>>
    %dma_wait3A_297 = tpu.memref_squeeze %dma_wait3A_296 : memref<1x128xi32, #tpu.memory_space<vmem>> -> memref<128xi32, #tpu.memory_space<vmem>>
    %dma_wait3A_298 = arith.constant 0 : i32
    %dma_wait3A_299 = arith.constant 0 : i32
    %dma_wait3A_300 = tpu.memref_slice %arg5[%dma_wait3A_298, %dma_wait3A_299] : memref<1000000x32xf32, #tpu.memory_space<hbm>> -> memref<1000000x32xf32, #tpu.memory_space<hbm>>
    %dma_wait3A_301 = tpu.memref_slice %arg13[%dma_wait3A_291] : memref<4x!tpu.dma_semaphore, #tpu.memory_space<semaphore_mem>> -> memref<1x!tpu.dma_semaphore, #tpu.memory_space<semaphore_mem>>
    %dma_wait3A_302 = tpu.memref_squeeze %dma_wait3A_301 : memref<1x!tpu.dma_semaphore, #tpu.memory_space<semaphore_mem>> -> memref<!tpu.dma_semaphore, #tpu.memory_space<semaphore_mem>>
    tpu.wait_indirect_dma semaphore(%dma_wait3A_302 : memref<!tpu.dma_semaphore, #tpu.memory_space<semaphore_mem>>) src(%dma_wait3A_300 : memref<1000000x32xf32, #tpu.memory_space<hbm>>) dst(%dma_wait3A_294 : memref<128x32xf32, #tpu.memory_space<vmem>>)
    %scan3A_303 = arith.constant 0 : i32
    %scan3A_304 = arith.constant 0 : i32
    %scan3A_305 = arith.constant 8 : i32
    %scan3A_306 = arith.addi %scan3A_304, %scan3A_305 : i32
    %scan3A_307 = arith.constant 1 : i32
    scf.for %scan3A_309 = %scan3A_304 to %scan3A_306 step %scan3A_307  : i32 {
      %add3A_310 = arith.constant 24 : i32
      %add3A_311 = arith.addi %add3A_310, %scan3A_309 : i32
      %mul3A_312 = arith.constant 16 : i32
      %mul3A_313 = arith.muli %add3A_311, %mul3A_312 : i32
      %add3A_314 = arith.constant 0 : i32
      %add3A_315 = arith.addi %mul3A_313, %add3A_314 : i32
      %get3A = arith.index_cast %add3A_315 : i32 to index
      %get3A_316 = arith.constant 0 : index
      %get3A_317 = tpu.vector_load %arg9[%get3A, %get3A_316] {strides = array<i32>} : memref<512x32xf32, #tpu.memory_space<vmem>>, vector<1x16xf32>,
      %get3A_318 = vector.shape_cast %get3A_317 : vector<1x16xf32> to vector<16xf32>
      %get3A_319 = arith.index_cast %add3A_315 : i32 to index
      %get3A_320 = arith.constant 16 : index
      %get3A_321 = tpu.vector_load %arg9[%get3A_319, %get3A_320] {strides = array<i32>} : memref<512x32xf32, #tpu.memory_space<vmem>>, vector<1x16xf32>,
      %get3A_322 = vector.shape_cast %get3A_321 : vector<1x16xf32> to vector<16xf32>
      %get3A_323 = arith.index_cast %add3A_315 : i32 to index
      %get3A_324 = arith.constant 0 : index
      %get3A_325 = tpu.vector_load %arg10[%get3A_323, %get3A_324] {strides = array<i32>} : memref<512x32xf32, #tpu.memory_space<vmem>>, vector<1x16xf32>,
      %get3A_326 = vector.shape_cast %get3A_325 : vector<1x16xf32> to vector<16xf32>
      %get3A_327 = arith.index_cast %add3A_315 : i32 to index
      %get3A_328 = arith.constant 16 : index
      %get3A_329 = tpu.vector_load %arg10[%get3A_327, %get3A_328] {strides = array<i32>} : memref<512x32xf32, #tpu.memory_space<vmem>>, vector<1x16xf32>,
      %get3A_330 = vector.shape_cast %get3A_329 : vector<1x16xf32> to vector<16xf32>
      %mul3A_331 = arith.mulf %get3A_318, %get3A_326 : vector<16xf32>
      %mul3A_332 = arith.mulf %get3A_322, %get3A_330 : vector<16xf32>
      %add3A_333 = arith.addf %mul3A_331, %mul3A_332 : vector<16xf32>
      %lt3A = arith.constant 0 : i32
      %lt3A_334 = vector.broadcast %lt3A : i32 to vector<16xi32>
      %lt3A_335 = arith.cmpi slt, %xor3A_150, %lt3A_334 : vector<16xi32>
      %add3A_336 = arith.constant 16 : i32
      %add3A_337 = vector.broadcast %add3A_336 : i32 to vector<16xi32>
      %add3A_338 = arith.addi %xor3A_150, %add3A_337 : vector<16xi32>
      %select_n3A = arith.select %lt3A_335, %add3A_338, %xor3A_150 : vector<16xi1>, vector<16xi32>
      %reshape3A = vector.shape_cast %select_n3A : vector<16xi32> to vector<16x1xi32>
      %gather3A = vector.shape_cast %reshape3A : vector<16x1xi32> to vector<16xi32>
      %gather3A_339 = tpu.dynamic_gather %add3A_333[%gather3A] in [0] : vector<16xf32>, vector<16xi32> -> vector<16xf32>
      %add3A_340 = arith.addf %add3A_333, %gather3A_339 : vector<16xf32>
      %mul3A_341 = arith.constant 16 : i32
      %mul3A_342 = arith.muli %add3A_311, %mul3A_341 : i32
      %add3A_343 = arith.constant 8 : i32
      %add3A_344 = arith.addi %mul3A_342, %add3A_343 : i32
      %get3A_345 = arith.index_cast %add3A_344 : i32 to index
      %get3A_346 = arith.constant 0 : index
      %get3A_347 = tpu.vector_load %arg9[%get3A_345, %get3A_346] {strides = array<i32>} : memref<512x32xf32, #tpu.memory_space<vmem>>, vector<1x16xf32>,
      %get3A_348 = vector.shape_cast %get3A_347 : vector<1x16xf32> to vector<16xf32>
      %get3A_349 = arith.index_cast %add3A_344 : i32 to index
      %get3A_350 = arith.constant 16 : index
      %get3A_351 = tpu.vector_load %arg9[%get3A_349, %get3A_350] {strides = array<i32>} : memref<512x32xf32, #tpu.memory_space<vmem>>, vector<1x16xf32>,
      %get3A_352 = vector.shape_cast %get3A_351 : vector<1x16xf32> to vector<16xf32>
      %get3A_353 = arith.index_cast %add3A_344 : i32 to index
      %get3A_354 = arith.constant 0 : index
      %get3A_355 = tpu.vector_load %arg10[%get3A_353, %get3A_354] {strides = array<i32>} : memref<512x32xf32, #tpu.memory_space<vmem>>, vector<1x16xf32>,
      %get3A_356 = vector.shape_cast %get3A_355 : vector<1x16xf32> to vector<16xf32>
      %get3A_357 = arith.index_cast %add3A_344 : i32 to index
      %get3A_358 = arith.constant 16 : index
      %get3A_359 = tpu.vector_load %arg10[%get3A_357, %get3A_358] {strides = array<i32>} : memref<512x32xf32, #tpu.memory_space<vmem>>, vector<1x16xf32>,
      %get3A_360 = vector.shape_cast %get3A_359 : vector<1x16xf32> to vector<16xf32>
      %mul3A_361 = arith.mulf %get3A_348, %get3A_356 : vector<16xf32>
      %mul3A_362 = arith.mulf %get3A_352, %get3A_360 : vector<16xf32>
      %add3A_363 = arith.addf %mul3A_361, %mul3A_362 : vector<16xf32>
      %lt3A_364 = arith.constant 0 : i32
      %lt3A_365 = vector.broadcast %lt3A_364 : i32 to vector<16xi32>
      %lt3A_366 = arith.cmpi slt, %xor3A_150, %lt3A_365 : vector<16xi32>
      %add3A_367 = arith.constant 16 : i32
      %add3A_368 = vector.broadcast %add3A_367 : i32 to vector<16xi32>
      %add3A_369 = arith.addi %xor3A_150, %add3A_368 : vector<16xi32>
      %select_n3A_370 = arith.select %lt3A_366, %add3A_369, %xor3A_150 : vector<16xi1>, vector<16xi32>
      %reshape3A_371 = vector.shape_cast %select_n3A_370 : vector<16xi32> to vector<16x1xi32>
      %gather3A_372 = vector.shape_cast %reshape3A_371 : vector<16x1xi32> to vector<16xi32>
      %gather3A_373 = tpu.dynamic_gather %add3A_363[%gather3A_372] in [0] : vector<16xf32>, vector<16xi32> -> vector<16xf32>
      %add3A_374 = arith.addf %add3A_363, %gather3A_373 : vector<16xf32>
      %mul3A_375 = arith.constant 16 : i32
      %mul3A_376 = arith.muli %add3A_311, %mul3A_375 : i32
      %add3A_377 = arith.constant 4 : i32
      %add3A_378 = arith.addi %mul3A_376, %add3A_377 : i32
      %get3A_379 = arith.index_cast %add3A_378 : i32 to index
      %get3A_380 = arith.constant 0 : index
      %get3A_381 = tpu.vector_load %arg9[%get3A_379, %get3A_380] {strides = array<i32>} : memref<512x32xf32, #tpu.memory_space<vmem>>, vector<1x16xf32>,
      %get3A_382 = vector.shape_cast %get3A_381 : vector<1x16xf32> to vector<16xf32>
      %get3A_383 = arith.index_cast %add3A_378 : i32 to index
      %get3A_384 = arith.constant 16 : index
      %get3A_385 = tpu.vector_load %arg9[%get3A_383, %get3A_384] {strides = array<i32>} : memref<512x32xf32, #tpu.memory_space<vmem>>, vector<1x16xf32>,
      %get3A_386 = vector.shape_cast %get3A_385 : vector<1x16xf32> to vector<16xf32>
      %get3A_387 = arith.index_cast %add3A_378 : i32 to index
      %get3A_388 = arith.constant 0 : index
      %get3A_389 = tpu.vector_load %arg10[%get3A_387, %get3A_388] {strides = array<i32>} : memref<512x32xf32, #tpu.memory_space<vmem>>, vector<1x16xf32>,
      %get3A_390 = vector.shape_cast %get3A_389 : vector<1x16xf32> to vector<16xf32>
      %get3A_391 = arith.index_cast %add3A_378 : i32 to index
      %get3A_392 = arith.constant 16 : index
      %get3A_393 = tpu.vector_load %arg10[%get3A_391, %get3A_392] {strides = array<i32>} : memref<512x32xf32, #tpu.memory_space<vmem>>, vector<1x16xf32>,
      %get3A_394 = vector.shape_cast %get3A_393 : vector<1x16xf32> to vector<16xf32>
      %mul3A_395 = arith.mulf %get3A_382, %get3A_390 : vector<16xf32>
      %mul3A_396 = arith.mulf %get3A_386, %get3A_394 : vector<16xf32>
      %add3A_397 = arith.addf %mul3A_395, %mul3A_396 : vector<16xf32>
      %lt3A_398 = arith.constant 0 : i32
      %lt3A_399 = vector.broadcast %lt3A_398 : i32 to vector<16xi32>
      %lt3A_400 = arith.cmpi slt, %xor3A_150, %lt3A_399 : vector<16xi32>
      %add3A_401 = arith.constant 16 : i32
      %add3A_402 = vector.broadcast %add3A_401 : i32 to vector<16xi32>
      %add3A_403 = arith.addi %xor3A_150, %add3A_402 : vector<16xi32>
      %select_n3A_404 = arith.select %lt3A_400, %add3A_403, %xor3A_150 : vector<16xi1>, vector<16xi32>
      %reshape3A_405 = vector.shape_cast %select_n3A_404 : vector<16xi32> to vector<16x1xi32>
      %gather3A_406 = vector.shape_cast %reshape3A_405 : vector<16x1xi32> to vector<16xi32>
      %gather3A_407 = tpu.dynamic_gather %add3A_397[%gather3A_406] in [0] : vector<16xf32>, vector<16xi32> -> vector<16xf32>
      %add3A_408 = arith.addf %add3A_397, %gather3A_407 : vector<16xf32>
      %mul3A_409 = arith.constant 16 : i32
      %mul3A_410 = arith.muli %add3A_311, %mul3A_409 : i32
      %add3A_411 = arith.constant 12 : i32
      %add3A_412 = arith.addi %mul3A_410, %add3A_411 : i32
      %get3A_413 = arith.index_cast %add3A_412 : i32 to index
      %get3A_414 = arith.constant 0 : index
      %get3A_415 = tpu.vector_load %arg9[%get3A_413, %get3A_414] {strides = array<i32>} : memref<512x32xf32, #tpu.memory_space<vmem>>, vector<1x16xf32>,
      %get3A_416 = vector.shape_cast %get3A_415 : vector<1x16xf32> to vector<16xf32>
      %get3A_417 = arith.index_cast %add3A_412 : i32 to index
      %get3A_418 = arith.constant 16 : index
      %get3A_419 = tpu.vector_load %arg9[%get3A_417, %get3A_418] {strides = array<i32>} : memref<512x32xf32, #tpu.memory_space<vmem>>, vector<1x16xf32>,
      %get3A_420 = vector.shape_cast %get3A_419 : vector<1x16xf32> to vector<16xf32>
      %get3A_421 = arith.index_cast %add3A_412 : i32 to index
      %get3A_422 = arith.constant 0 : index
      %get3A_423 = tpu.vector_load %arg10[%get3A_421, %get3A_422] {strides = array<i32>} : memref<512x32xf32, #tpu.memory_space<vmem>>, vector<1x16xf32>,
      %get3A_424 = vector.shape_cast %get3A_423 : vector<1x16xf32> to vector<16xf32>
      %get3A_425 = arith.index_cast %add3A_412 : i32 to index
      %get3A_426 = arith.constant 16 : index
      %get3A_427 = tpu.vector_load %arg10[%get3A_425, %get3A_426] {strides = array<i32>} : memref<512x32xf32, #tpu.memory_space<vmem>>, vector<1x16xf32>,
      %get3A_428 = vector.shape_cast %get3A_427 : vector<1x16xf32> to vector<16xf32>
      %mul3A_429 = arith.mulf %get3A_416, %get3A_424 : vector<16xf32>
      %mul3A_430 = arith.mulf %get3A_420, %get3A_428 : vector<16xf32>
      %add3A_431 = arith.addf %mul3A_429, %mul3A_430 : vector<16xf32>
      %lt3A_432 = arith.constant 0 : i32
      %lt3A_433 = vector.broadcast %lt3A_432 : i32 to vector<16xi32>
      %lt3A_434 = arith.cmpi slt, %xor3A_150, %lt3A_433 : vector<16xi32>
      %add3A_435 = arith.constant 16 : i32
      %add3A_436 = vector.broadcast %add3A_435 : i32 to vector<16xi32>
      %add3A_437 = arith.addi %xor3A_150, %add3A_436 : vector<16xi32>
      %select_n3A_438 = arith.select %lt3A_434, %add3A_437, %xor3A_150 : vector<16xi1>, vector<16xi32>
      %reshape3A_439 = vector.shape_cast %select_n3A_438 : vector<16xi32> to vector<16x1xi32>
      %gather3A_440 = vector.shape_cast %reshape3A_439 : vector<16x1xi32> to vector<16xi32>
      %gather3A_441 = tpu.dynamic_gather %add3A_431[%gather3A_440] in [0] : vector<16xf32>, vector<16xi32> -> vector<16xf32>
      %add3A_442 = arith.addf %add3A_431, %gather3A_441 : vector<16xf32>
      %mul3A_443 = arith.constant 16 : i32
      %mul3A_444 = arith.muli %add3A_311, %mul3A_443 : i32
      %add3A_445 = arith.constant 2 : i32
      %add3A_446 = arith.addi %mul3A_444, %add3A_445 : i32
      %get3A_447 = arith.index_cast %add3A_446 : i32 to index
      %get3A_448 = arith.constant 0 : index
      %get3A_449 = tpu.vector_load %arg9[%get3A_447, %get3A_448] {strides = array<i32>} : memref<512x32xf32, #tpu.memory_space<vmem>>, vector<1x16xf32>,
      %get3A_450 = vector.shape_cast %get3A_449 : vector<1x16xf32> to vector<16xf32>
      %get3A_451 = arith.index_cast %add3A_446 : i32 to index
      %get3A_452 = arith.constant 16 : index
      %get3A_453 = tpu.vector_load %arg9[%get3A_451, %get3A_452] {strides = array<i32>} : memref<512x32xf32, #tpu.memory_space<vmem>>, vector<1x16xf32>,
      %get3A_454 = vector.shape_cast %get3A_453 : vector<1x16xf32> to vector<16xf32>
      %get3A_455 = arith.index_cast %add3A_446 : i32 to index
      %get3A_456 = arith.constant 0 : index
      %get3A_457 = tpu.vector_load %arg10[%get3A_455, %get3A_456] {strides = array<i32>} : memref<512x32xf32, #tpu.memory_space<vmem>>, vector<1x16xf32>,
      %get3A_458 = vector.shape_cast %get3A_457 : vector<1x16xf32> to vector<16xf32>
      %get3A_459 = arith.index_cast %add3A_446 : i32 to index
      %get3A_460 = arith.constant 16 : index
      %get3A_461 = tpu.vector_load %arg10[%get3A_459, %get3A_460] {strides = array<i32>} : memref<512x32xf32, #tpu.memory_space<vmem>>, vector<1x16xf32>,
      %get3A_462 = vector.shape_cast %get3A_461 : vector<1x16xf32> to vector<16xf32>
      %mul3A_463 = arith.mulf %get3A_450, %get3A_458 : vector<16xf32>
      %mul3A_464 = arith.mulf %get3A_454, %get3A_462 : vector<16xf32>
      %add3A_465 = arith.addf %mul3A_463, %mul3A_464 : vector<16xf32>
      %lt3A_466 = arith.constant 0 : i32
      %lt3A_467 = vector.broadcast %lt3A_466 : i32 to vector<16xi32>
      %lt3A_468 = arith.cmpi slt, %xor3A_150, %lt3A_467 : vector<16xi32>
      %add3A_469 = arith.constant 16 : i32
      %add3A_470 = vector.broadcast %add3A_469 : i32 to vector<16xi32>
      %add3A_471 = arith.addi %xor3A_150, %add3A_470 : vector<16xi32>
      %select_n3A_472 = arith.select %lt3A_468, %add3A_471, %xor3A_150 : vector<16xi1>, vector<16xi32>
      %reshape3A_473 = vector.shape_cast %select_n3A_472 : vector<16xi32> to vector<16x1xi32>
      %gather3A_474 = vector.shape_cast %reshape3A_473 : vector<16x1xi32> to vector<16xi32>
      %gather3A_475 = tpu.dynamic_gather %add3A_465[%gather3A_474] in [0] : vector<16xf32>, vector<16xi32> -> vector<16xf32>
      %add3A_476 = arith.addf %add3A_465, %gather3A_475 : vector<16xf32>
      %mul3A_477 = arith.constant 16 : i32
      %mul3A_478 = arith.muli %add3A_311, %mul3A_477 : i32
      %add3A_479 = arith.constant 10 : i32
      %add3A_480 = arith.addi %mul3A_478, %add3A_479 : i32
      %get3A_481 = arith.index_cast %add3A_480 : i32 to index
      %get3A_482 = arith.constant 0 : index
      %get3A_483 = tpu.vector_load %arg9[%get3A_481, %get3A_482] {strides = array<i32>} : memref<512x32xf32, #tpu.memory_space<vmem>>, vector<1x16xf32>,
      %get3A_484 = vector.shape_cast %get3A_483 : vector<1x16xf32> to vector<16xf32>
      %get3A_485 = arith.index_cast %add3A_480 : i32 to index
      %get3A_486 = arith.constant 16 : index
      %get3A_487 = tpu.vector_load %arg9[%get3A_485, %get3A_486] {strides = array<i32>} : memref<512x32xf32, #tpu.memory_space<vmem>>, vector<1x16xf32>,
      %get3A_488 = vector.shape_cast %get3A_487 : vector<1x16xf32> to vector<16xf32>
      %get3A_489 = arith.index_cast %add3A_480 : i32 to index
      %get3A_490 = arith.constant 0 : index
      %get3A_491 = tpu.vector_load %arg10[%get3A_489, %get3A_490] {strides = array<i32>} : memref<512x32xf32, #tpu.memory_space<vmem>>, vector<1x16xf32>,
      %get3A_492 = vector.shape_cast %get3A_491 : vector<1x16xf32> to vector<16xf32>
      %get3A_493 = arith.index_cast %add3A_480 : i32 to index
      %get3A_494 = arith.constant 16 : index
      %get3A_495 = tpu.vector_load %arg10[%get3A_493, %get3A_494] {strides = array<i32>} : memref<512x32xf32, #tpu.memory_space<vmem>>, vector<1x16xf32>,
      %get3A_496 = vector.shape_cast %get3A_495 : vector<1x16xf32> to vector<16xf32>
      %mul3A_497 = arith.mulf %get3A_484, %get3A_492 : vector<16xf32>
      %mul3A_498 = arith.mulf %get3A_488, %get3A_496 : vector<16xf32>
      %add3A_499 = arith.addf %mul3A_497, %mul3A_498 : vector<16xf32>
      %lt3A_500 = arith.constant 0 : i32
      %lt3A_501 = vector.broadcast %lt3A_500 : i32 to vector<16xi32>
      %lt3A_502 = arith.cmpi slt, %xor3A_150, %lt3A_501 : vector<16xi32>
      %add3A_503 = arith.constant 16 : i32
      %add3A_504 = vector.broadcast %add3A_503 : i32 to vector<16xi32>
      %add3A_505 = arith.addi %xor3A_150, %add3A_504 : vector<16xi32>
      %select_n3A_506 = arith.select %lt3A_502, %add3A_505, %xor3A_150 : vector<16xi1>, vector<16xi32>
      %reshape3A_507 = vector.shape_cast %select_n3A_506 : vector<16xi32> to vector<16x1xi32>
      %gather3A_508 = vector.shape_cast %reshape3A_507 : vector<16x1xi32> to vector<16xi32>
      %gather3A_509 = tpu.dynamic_gather %add3A_499[%gather3A_508] in [0] : vector<16xf32>, vector<16xi32> -> vector<16xf32>
      %add3A_510 = arith.addf %add3A_499, %gather3A_509 : vector<16xf32>
      %mul3A_511 = arith.constant 16 : i32
      %mul3A_512 = arith.muli %add3A_311, %mul3A_511 : i32
      %add3A_513 = arith.constant 6 : i32
      %add3A_514 = arith.addi %mul3A_512, %add3A_513 : i32
      %get3A_515 = arith.index_cast %add3A_514 : i32 to index
      %get3A_516 = arith.constant 0 : index
      %get3A_517 = tpu.vector_load %arg9[%get3A_515, %get3A_516] {strides = array<i32>} : memref<512x32xf32, #tpu.memory_space<vmem>>, vector<1x16xf32>,
      %get3A_518 = vector.shape_cast %get3A_517 : vector<1x16xf32> to vector<16xf32>
      %get3A_519 = arith.index_cast %add3A_514 : i32 to index
      %get3A_520 = arith.constant 16 : index
      %get3A_521 = tpu.vector_load %arg9[%get3A_519, %get3A_520] {strides = array<i32>} : memref<512x32xf32, #tpu.memory_space<vmem>>, vector<1x16xf32>,
      %get3A_522 = vector.shape_cast %get3A_521 : vector<1x16xf32> to vector<16xf32>
      %get3A_523 = arith.index_cast %add3A_514 : i32 to index
      %get3A_524 = arith.constant 0 : index
      %get3A_525 = tpu.vector_load %arg10[%get3A_523, %get3A_524] {strides = array<i32>} : memref<512x32xf32, #tpu.memory_space<vmem>>, vector<1x16xf32>,
      %get3A_526 = vector.shape_cast %get3A_525 : vector<1x16xf32> to vector<16xf32>
      %get3A_527 = arith.index_cast %add3A_514 : i32 to index
      %get3A_528 = arith.constant 16 : index
      %get3A_529 = tpu.vector_load %arg10[%get3A_527, %get3A_528] {strides = array<i32>} : memref<512x32xf32, #tpu.memory_space<vmem>>, vector<1x16xf32>,
      %get3A_530 = vector.shape_cast %get3A_529 : vector<1x16xf32> to vector<16xf32>
      %mul3A_531 = arith.mulf %get3A_518, %get3A_526 : vector<16xf32>
      %mul3A_532 = arith.mulf %get3A_522, %get3A_530 : vector<16xf32>
      %add3A_533 = arith.addf %mul3A_531, %mul3A_532 : vector<16xf32>
      %lt3A_534 = arith.constant 0 : i32
      %lt3A_535 = vector.broadcast %lt3A_534 : i32 to vector<16xi32>
      %lt3A_536 = arith.cmpi slt, %xor3A_150, %lt3A_535 : vector<16xi32>
      %add3A_537 = arith.constant 16 : i32
      %add3A_538 = vector.broadcast %add3A_537 : i32 to vector<16xi32>
      %add3A_539 = arith.addi %xor3A_150, %add3A_538 : vector<16xi32>
      %select_n3A_540 = arith.select %lt3A_536, %add3A_539, %xor3A_150 : vector<16xi1>, vector<16xi32>
      %reshape3A_541 = vector.shape_cast %select_n3A_540 : vector<16xi32> to vector<16x1xi32>
      %gather3A_542 = vector.shape_cast %reshape3A_541 : vector<16x1xi32> to vector<16xi32>
      %gather3A_543 = tpu.dynamic_gather %add3A_533[%gather3A_542] in [0] : vector<16xf32>, vector<16xi32> -> vector<16xf32>
      %add3A_544 = arith.addf %add3A_533, %gather3A_543 : vector<16xf32>
      %mul3A_545 = arith.constant 16 : i32
      %mul3A_546 = arith.muli %add3A_311, %mul3A_545 : i32
      %add3A_547 = arith.constant 14 : i32
      %add3A_548 = arith.addi %mul3A_546, %add3A_547 : i32
      %get3A_549 = arith.index_cast %add3A_548 : i32 to index
      %get3A_550 = arith.constant 0 : index
      %get3A_551 = tpu.vector_load %arg9[%get3A_549, %get3A_550] {strides = array<i32>} : memref<512x32xf32, #tpu.memory_space<vmem>>, vector<1x16xf32>,
      %get3A_552 = vector.shape_cast %get3A_551 : vector<1x16xf32> to vector<16xf32>
      %get3A_553 = arith.index_cast %add3A_548 : i32 to index
      %get3A_554 = arith.constant 16 : index
      %get3A_555 = tpu.vector_load %arg9[%get3A_553, %get3A_554] {strides = array<i32>} : memref<512x32xf32, #tpu.memory_space<vmem>>, vector<1x16xf32>,
      %get3A_556 = vector.shape_cast %get3A_555 : vector<1x16xf32> to vector<16xf32>
      %get3A_557 = arith.index_cast %add3A_548 : i32 to index
      %get3A_558 = arith.constant 0 : index
      %get3A_559 = tpu.vector_load %arg10[%get3A_557, %get3A_558] {strides = array<i32>} : memref<512x32xf32, #tpu.memory_space<vmem>>, vector<1x16xf32>,
      %get3A_560 = vector.shape_cast %get3A_559 : vector<1x16xf32> to vector<16xf32>
      %get3A_561 = arith.index_cast %add3A_548 : i32 to index
      %get3A_562 = arith.constant 16 : index
      %get3A_563 = tpu.vector_load %arg10[%get3A_561, %get3A_562] {strides = array<i32>} : memref<512x32xf32, #tpu.memory_space<vmem>>, vector<1x16xf32>,
      %get3A_564 = vector.shape_cast %get3A_563 : vector<1x16xf32> to vector<16xf32>
      %mul3A_565 = arith.mulf %get3A_552, %get3A_560 : vector<16xf32>
      %mul3A_566 = arith.mulf %get3A_556, %get3A_564 : vector<16xf32>
      %add3A_567 = arith.addf %mul3A_565, %mul3A_566 : vector<16xf32>
      %lt3A_568 = arith.constant 0 : i32
      %lt3A_569 = vector.broadcast %lt3A_568 : i32 to vector<16xi32>
      %lt3A_570 = arith.cmpi slt, %xor3A_150, %lt3A_569 : vector<16xi32>
      %add3A_571 = arith.constant 16 : i32
      %add3A_572 = vector.broadcast %add3A_571 : i32 to vector<16xi32>
      %add3A_573 = arith.addi %xor3A_150, %add3A_572 : vector<16xi32>
      %select_n3A_574 = arith.select %lt3A_570, %add3A_573, %xor3A_150 : vector<16xi1>, vector<16xi32>
      %reshape3A_575 = vector.shape_cast %select_n3A_574 : vector<16xi32> to vector<16x1xi32>
      %gather3A_576 = vector.shape_cast %reshape3A_575 : vector<16x1xi32> to vector<16xi32>
      %gather3A_577 = tpu.dynamic_gather %add3A_567[%gather3A_576] in [0] : vector<16xf32>, vector<16xi32> -> vector<16xf32>
      %add3A_578 = arith.addf %add3A_567, %gather3A_577 : vector<16xf32>
      %mul3A_579 = arith.constant 16 : i32
      %mul3A_580 = arith.muli %add3A_311, %mul3A_579 : i32
      %add3A_581 = arith.constant 1 : i32
      %add3A_582 = arith.addi %mul3A_580, %add3A_581 : i32
      %get3A_583 = arith.index_cast %add3A_582 : i32 to index
      %get3A_584 = arith.constant 0 : index
      %get3A_585 = tpu.vector_load %arg9[%get3A_583, %get3A_584] {strides = array<i32>} : memref<512x32xf32, #tpu.memory_space<vmem>>, vector<1x16xf32>,
      %get3A_586 = vector.shape_cast %get3A_585 : vector<1x16xf32> to vector<16xf32>
      %get3A_587 = arith.index_cast %add3A_582 : i32 to index
      %get3A_588 = arith.constant 16 : index
      %get3A_589 = tpu.vector_load %arg9[%get3A_587, %get3A_588] {strides = array<i32>} : memref<512x32xf32, #tpu.memory_space<vmem>>, vector<1x16xf32>,
      %get3A_590 = vector.shape_cast %get3A_589 : vector<1x16xf32> to vector<16xf32>
      %get3A_591 = arith.index_cast %add3A_582 : i32 to index
      %get3A_592 = arith.constant 0 : index
      %get3A_593 = tpu.vector_load %arg10[%get3A_591, %get3A_592] {strides = array<i32>} : memref<512x32xf32, #tpu.memory_space<vmem>>, vector<1x16xf32>,
      %get3A_594 = vector.shape_cast %get3A_593 : vector<1x16xf32> to vector<16xf32>
      %get3A_595 = arith.index_cast %add3A_582 : i32 to index
      %get3A_596 = arith.constant 16 : index
      %get3A_597 = tpu.vector_load %arg10[%get3A_595, %get3A_596] {strides = array<i32>} : memref<512x32xf32, #tpu.memory_space<vmem>>, vector<1x16xf32>,
      %get3A_598 = vector.shape_cast %get3A_597 : vector<1x16xf32> to vector<16xf32>
      %mul3A_599 = arith.mulf %get3A_586, %get3A_594 : vector<16xf32>
      %mul3A_600 = arith.mulf %get3A_590, %get3A_598 : vector<16xf32>
      %add3A_601 = arith.addf %mul3A_599, %mul3A_600 : vector<16xf32>
      %lt3A_602 = arith.constant 0 : i32
      %lt3A_603 = vector.broadcast %lt3A_602 : i32 to vector<16xi32>
      %lt3A_604 = arith.cmpi slt, %xor3A_150, %lt3A_603 : vector<16xi32>
      %add3A_605 = arith.constant 16 : i32
      %add3A_606 = vector.broadcast %add3A_605 : i32 to vector<16xi32>
      %add3A_607 = arith.addi %xor3A_150, %add3A_606 : vector<16xi32>
      %select_n3A_608 = arith.select %lt3A_604, %add3A_607, %xor3A_150 : vector<16xi1>, vector<16xi32>
      %reshape3A_609 = vector.shape_cast %select_n3A_608 : vector<16xi32> to vector<16x1xi32>
      %gather3A_610 = vector.shape_cast %reshape3A_609 : vector<16x1xi32> to vector<16xi32>
      %gather3A_611 = tpu.dynamic_gather %add3A_601[%gather3A_610] in [0] : vector<16xf32>, vector<16xi32> -> vector<16xf32>
      %add3A_612 = arith.addf %add3A_601, %gather3A_611 : vector<16xf32>
      %mul3A_613 = arith.constant 16 : i32
      %mul3A_614 = arith.muli %add3A_311, %mul3A_613 : i32
      %add3A_615 = arith.constant 9 : i32
      %add3A_616 = arith.addi %mul3A_614, %add3A_615 : i32
      %get3A_617 = arith.index_cast %add3A_616 : i32 to index
      %get3A_618 = arith.constant 0 : index
      %get3A_619 = tpu.vector_load %arg9[%get3A_617, %get3A_618] {strides = array<i32>} : memref<512x32xf32, #tpu.memory_space<vmem>>, vector<1x16xf32>,
      %get3A_620 = vector.shape_cast %get3A_619 : vector<1x16xf32> to vector<16xf32>
      %get3A_621 = arith.index_cast %add3A_616 : i32 to index
      %get3A_622 = arith.constant 16 : index
      %get3A_623 = tpu.vector_load %arg9[%get3A_621, %get3A_622] {strides = array<i32>} : memref<512x32xf32, #tpu.memory_space<vmem>>, vector<1x16xf32>,
      %get3A_624 = vector.shape_cast %get3A_623 : vector<1x16xf32> to vector<16xf32>
      %get3A_625 = arith.index_cast %add3A_616 : i32 to index
      %get3A_626 = arith.constant 0 : index
      %get3A_627 = tpu.vector_load %arg10[%get3A_625, %get3A_626] {strides = array<i32>} : memref<512x32xf32, #tpu.memory_space<vmem>>, vector<1x16xf32>,
      %get3A_628 = vector.shape_cast %get3A_627 : vector<1x16xf32> to vector<16xf32>
      %get3A_629 = arith.index_cast %add3A_616 : i32 to index
      %get3A_630 = arith.constant 16 : index
      %get3A_631 = tpu.vector_load %arg10[%get3A_629, %get3A_630] {strides = array<i32>} : memref<512x32xf32, #tpu.memory_space<vmem>>, vector<1x16xf32>,
      %get3A_632 = vector.shape_cast %get3A_631 : vector<1x16xf32> to vector<16xf32>
      %mul3A_633 = arith.mulf %get3A_620, %get3A_628 : vector<16xf32>
      %mul3A_634 = arith.mulf %get3A_624, %get3A_632 : vector<16xf32>
      %add3A_635 = arith.addf %mul3A_633, %mul3A_634 : vector<16xf32>
      %lt3A_636 = arith.constant 0 : i32
      %lt3A_637 = vector.broadcast %lt3A_636 : i32 to vector<16xi32>
      %lt3A_638 = arith.cmpi slt, %xor3A_150, %lt3A_637 : vector<16xi32>
      %add3A_639 = arith.constant 16 : i32
      %add3A_640 = vector.broadcast %add3A_639 : i32 to vector<16xi32>
      %add3A_641 = arith.addi %xor3A_150, %add3A_640 : vector<16xi32>
      %select_n3A_642 = arith.select %lt3A_638, %add3A_641, %xor3A_150 : vector<16xi1>, vector<16xi32>
      %reshape3A_643 = vector.shape_cast %select_n3A_642 : vector<16xi32> to vector<16x1xi32>
      %gather3A_644 = vector.shape_cast %reshape3A_643 : vector<16x1xi32> to vector<16xi32>
      %gather3A_645 = tpu.dynamic_gather %add3A_635[%gather3A_644] in [0] : vector<16xf32>, vector<16xi32> -> vector<16xf32>
      %add3A_646 = arith.addf %add3A_635, %gather3A_645 : vector<16xf32>
      %mul3A_647 = arith.constant 16 : i32
      %mul3A_648 = arith.muli %add3A_311, %mul3A_647 : i32
      %add3A_649 = arith.constant 5 : i32
      %add3A_650 = arith.addi %mul3A_648, %add3A_649 : i32
      %get3A_651 = arith.index_cast %add3A_650 : i32 to index
      %get3A_652 = arith.constant 0 : index
      %get3A_653 = tpu.vector_load %arg9[%get3A_651, %get3A_652] {strides = array<i32>} : memref<512x32xf32, #tpu.memory_space<vmem>>, vector<1x16xf32>,
      %get3A_654 = vector.shape_cast %get3A_653 : vector<1x16xf32> to vector<16xf32>
      %get3A_655 = arith.index_cast %add3A_650 : i32 to index
      %get3A_656 = arith.constant 16 : index
      %get3A_657 = tpu.vector_load %arg9[%get3A_655, %get3A_656] {strides = array<i32>} : memref<512x32xf32, #tpu.memory_space<vmem>>, vector<1x16xf32>,
      %get3A_658 = vector.shape_cast %get3A_657 : vector<1x16xf32> to vector<16xf32>
      %get3A_659 = arith.index_cast %add3A_650 : i32 to index
      %get3A_660 = arith.constant 0 : index
      %get3A_661 = tpu.vector_load %arg10[%get3A_659, %get3A_660] {strides = array<i32>} : memref<512x32xf32, #tpu.memory_space<vmem>>, vector<1x16xf32>,
      %get3A_662 = vector.shape_cast %get3A_661 : vector<1x16xf32> to vector<16xf32>
      %get3A_663 = arith.index_cast %add3A_650 : i32 to index
      %get3A_664 = arith.constant 16 : index
      %get3A_665 = tpu.vector_load %arg10[%get3A_663, %get3A_664] {strides = array<i32>} : memref<512x32xf32, #tpu.memory_space<vmem>>, vector<1x16xf32>,
      %get3A_666 = vector.shape_cast %get3A_665 : vector<1x16xf32> to vector<16xf32>
      %mul3A_667 = arith.mulf %get3A_654, %get3A_662 : vector<16xf32>
      %mul3A_668 = arith.mulf %get3A_658, %get3A_666 : vector<16xf32>
      %add3A_669 = arith.addf %mul3A_667, %mul3A_668 : vector<16xf32>
      %lt3A_670 = arith.constant 0 : i32
      %lt3A_671 = vector.broadcast %lt3A_670 : i32 to vector<16xi32>
      %lt3A_672 = arith.cmpi slt, %xor3A_150, %lt3A_671 : vector<16xi32>
      %add3A_673 = arith.constant 16 : i32
      %add3A_674 = vector.broadcast %add3A_673 : i32 to vector<16xi32>
      %add3A_675 = arith.addi %xor3A_150, %add3A_674 : vector<16xi32>
      %select_n3A_676 = arith.select %lt3A_672, %add3A_675, %xor3A_150 : vector<16xi1>, vector<16xi32>
      %reshape3A_677 = vector.shape_cast %select_n3A_676 : vector<16xi32> to vector<16x1xi32>
      %gather3A_678 = vector.shape_cast %reshape3A_677 : vector<16x1xi32> to vector<16xi32>
      %gather3A_679 = tpu.dynamic_gather %add3A_669[%gather3A_678] in [0] : vector<16xf32>, vector<16xi32> -> vector<16xf32>
      %add3A_680 = arith.addf %add3A_669, %gather3A_679 : vector<16xf32>
      %mul3A_681 = arith.constant 16 : i32
      %mul3A_682 = arith.muli %add3A_311, %mul3A_681 : i32
      %add3A_683 = arith.constant 13 : i32
      %add3A_684 = arith.addi %mul3A_682, %add3A_683 : i32
      %get3A_685 = arith.index_cast %add3A_684 : i32 to index
      %get3A_686 = arith.constant 0 : index
      %get3A_687 = tpu.vector_load %arg9[%get3A_685, %get3A_686] {strides = array<i32>} : memref<512x32xf32, #tpu.memory_space<vmem>>, vector<1x16xf32>,
      %get3A_688 = vector.shape_cast %get3A_687 : vector<1x16xf32> to vector<16xf32>
      %get3A_689 = arith.index_cast %add3A_684 : i32 to index
      %get3A_690 = arith.constant 16 : index
      %get3A_691 = tpu.vector_load %arg9[%get3A_689, %get3A_690] {strides = array<i32>} : memref<512x32xf32, #tpu.memory_space<vmem>>, vector<1x16xf32>,
      %get3A_692 = vector.shape_cast %get3A_691 : vector<1x16xf32> to vector<16xf32>
      %get3A_693 = arith.index_cast %add3A_684 : i32 to index
      %get3A_694 = arith.constant 0 : index
      %get3A_695 = tpu.vector_load %arg10[%get3A_693, %get3A_694] {strides = array<i32>} : memref<512x32xf32, #tpu.memory_space<vmem>>, vector<1x16xf32>,
      %get3A_696 = vector.shape_cast %get3A_695 : vector<1x16xf32> to vector<16xf32>
      %get3A_697 = arith.index_cast %add3A_684 : i32 to index
      %get3A_698 = arith.constant 16 : index
      %get3A_699 = tpu.vector_load %arg10[%get3A_697, %get3A_698] {strides = array<i32>} : memref<512x32xf32, #tpu.memory_space<vmem>>, vector<1x16xf32>,
      %get3A_700 = vector.shape_cast %get3A_699 : vector<1x16xf32> to vector<16xf32>
      %mul3A_701 = arith.mulf %get3A_688, %get3A_696 : vector<16xf32>
      %mul3A_702 = arith.mulf %get3A_692, %get3A_700 : vector<16xf32>
      %add3A_703 = arith.addf %mul3A_701, %mul3A_702 : vector<16xf32>
      %lt3A_704 = arith.constant 0 : i32
      %lt3A_705 = vector.broadcast %lt3A_704 : i32 to vector<16xi32>
      %lt3A_706 = arith.cmpi slt, %xor3A_150, %lt3A_705 : vector<16xi32>
      %add3A_707 = arith.constant 16 : i32
      %add3A_708 = vector.broadcast %add3A_707 : i32 to vector<16xi32>
      %add3A_709 = arith.addi %xor3A_150, %add3A_708 : vector<16xi32>
      %select_n3A_710 = arith.select %lt3A_706, %add3A_709, %xor3A_150 : vector<16xi1>, vector<16xi32>
      %reshape3A_711 = vector.shape_cast %select_n3A_710 : vector<16xi32> to vector<16x1xi32>
      %gather3A_712 = vector.shape_cast %reshape3A_711 : vector<16x1xi32> to vector<16xi32>
      %gather3A_713 = tpu.dynamic_gather %add3A_703[%gather3A_712] in [0] : vector<16xf32>, vector<16xi32> -> vector<16xf32>
      %add3A_714 = arith.addf %add3A_703, %gather3A_713 : vector<16xf32>
      %mul3A_715 = arith.constant 16 : i32
      %mul3A_716 = arith.muli %add3A_311, %mul3A_715 : i32
      %add3A_717 = arith.constant 3 : i32
      %add3A_718 = arith.addi %mul3A_716, %add3A_717 : i32
      %get3A_719 = arith.index_cast %add3A_718 : i32 to index
      %get3A_720 = arith.constant 0 : index
      %get3A_721 = tpu.vector_load %arg9[%get3A_719, %get3A_720] {strides = array<i32>} : memref<512x32xf32, #tpu.memory_space<vmem>>, vector<1x16xf32>,
      %get3A_722 = vector.shape_cast %get3A_721 : vector<1x16xf32> to vector<16xf32>
      %get3A_723 = arith.index_cast %add3A_718 : i32 to index
      %get3A_724 = arith.constant 16 : index
      %get3A_725 = tpu.vector_load %arg9[%get3A_723, %get3A_724] {strides = array<i32>} : memref<512x32xf32, #tpu.memory_space<vmem>>, vector<1x16xf32>,
      %get3A_726 = vector.shape_cast %get3A_725 : vector<1x16xf32> to vector<16xf32>
      %get3A_727 = arith.index_cast %add3A_718 : i32 to index
      %get3A_728 = arith.constant 0 : index
      %get3A_729 = tpu.vector_load %arg10[%get3A_727, %get3A_728] {strides = array<i32>} : memref<512x32xf32, #tpu.memory_space<vmem>>, vector<1x16xf32>,
      %get3A_730 = vector.shape_cast %get3A_729 : vector<1x16xf32> to vector<16xf32>
      %get3A_731 = arith.index_cast %add3A_718 : i32 to index
      %get3A_732 = arith.constant 16 : index
      %get3A_733 = tpu.vector_load %arg10[%get3A_731, %get3A_732] {strides = array<i32>} : memref<512x32xf32, #tpu.memory_space<vmem>>, vector<1x16xf32>,
      %get3A_734 = vector.shape_cast %get3A_733 : vector<1x16xf32> to vector<16xf32>
      %mul3A_735 = arith.mulf %get3A_722, %get3A_730 : vector<16xf32>
      %mul3A_736 = arith.mulf %get3A_726, %get3A_734 : vector<16xf32>
      %add3A_737 = arith.addf %mul3A_735, %mul3A_736 : vector<16xf32>
      %lt3A_738 = arith.constant 0 : i32
      %lt3A_739 = vector.broadcast %lt3A_738 : i32 to vector<16xi32>
      %lt3A_740 = arith.cmpi slt, %xor3A_150, %lt3A_739 : vector<16xi32>
      %add3A_741 = arith.constant 16 : i32
      %add3A_742 = vector.broadcast %add3A_741 : i32 to vector<16xi32>
      %add3A_743 = arith.addi %xor3A_150, %add3A_742 : vector<16xi32>
      %select_n3A_744 = arith.select %lt3A_740, %add3A_743, %xor3A_150 : vector<16xi1>, vector<16xi32>
      %reshape3A_745 = vector.shape_cast %select_n3A_744 : vector<16xi32> to vector<16x1xi32>
      %gather3A_746 = vector.shape_cast %reshape3A_745 : vector<16x1xi32> to vector<16xi32>
      %gather3A_747 = tpu.dynamic_gather %add3A_737[%gather3A_746] in [0] : vector<16xf32>, vector<16xi32> -> vector<16xf32>
      %add3A_748 = arith.addf %add3A_737, %gather3A_747 : vector<16xf32>
      %mul3A_749 = arith.constant 16 : i32
      %mul3A_750 = arith.muli %add3A_311, %mul3A_749 : i32
      %add3A_751 = arith.constant 11 : i32
      %add3A_752 = arith.addi %mul3A_750, %add3A_751 : i32
      %get3A_753 = arith.index_cast %add3A_752 : i32 to index
      %get3A_754 = arith.constant 0 : index
      %get3A_755 = tpu.vector_load %arg9[%get3A_753, %get3A_754] {strides = array<i32>} : memref<512x32xf32, #tpu.memory_space<vmem>>, vector<1x16xf32>,
      %get3A_756 = vector.shape_cast %get3A_755 : vector<1x16xf32> to vector<16xf32>
      %get3A_757 = arith.index_cast %add3A_752 : i32 to index
      %get3A_758 = arith.constant 16 : index
      %get3A_759 = tpu.vector_load %arg9[%get3A_757, %get3A_758] {strides = array<i32>} : memref<512x32xf32, #tpu.memory_space<vmem>>, vector<1x16xf32>,
      %get3A_760 = vector.shape_cast %get3A_759 : vector<1x16xf32> to vector<16xf32>
      %get3A_761 = arith.index_cast %add3A_752 : i32 to index
      %get3A_762 = arith.constant 0 : index
      %get3A_763 = tpu.vector_load %arg10[%get3A_761, %get3A_762] {strides = array<i32>} : memref<512x32xf32, #tpu.memory_space<vmem>>, vector<1x16xf32>,
      %get3A_764 = vector.shape_cast %get3A_763 : vector<1x16xf32> to vector<16xf32>
      %get3A_765 = arith.index_cast %add3A_752 : i32 to index
      %get3A_766 = arith.constant 16 : index
      %get3A_767 = tpu.vector_load %arg10[%get3A_765, %get3A_766] {strides = array<i32>} : memref<512x32xf32, #tpu.memory_space<vmem>>, vector<1x16xf32>,
      %get3A_768 = vector.shape_cast %get3A_767 : vector<1x16xf32> to vector<16xf32>
      %mul3A_769 = arith.mulf %get3A_756, %get3A_764 : vector<16xf32>
      %mul3A_770 = arith.mulf %get3A_760, %get3A_768 : vector<16xf32>
      %add3A_771 = arith.addf %mul3A_769, %mul3A_770 : vector<16xf32>
      %lt3A_772 = arith.constant 0 : i32
      %lt3A_773 = vector.broadcast %lt3A_772 : i32 to vector<16xi32>
      %lt3A_774 = arith.cmpi slt, %xor3A_150, %lt3A_773 : vector<16xi32>
      %add3A_775 = arith.constant 16 : i32
      %add3A_776 = vector.broadcast %add3A_775 : i32 to vector<16xi32>
      %add3A_777 = arith.addi %xor3A_150, %add3A_776 : vector<16xi32>
      %select_n3A_778 = arith.select %lt3A_774, %add3A_777, %xor3A_150 : vector<16xi1>, vector<16xi32>
      %reshape3A_779 = vector.shape_cast %select_n3A_778 : vector<16xi32> to vector<16x1xi32>
      %gather3A_780 = vector.shape_cast %reshape3A_779 : vector<16x1xi32> to vector<16xi32>
      %gather3A_781 = tpu.dynamic_gather %add3A_771[%gather3A_780] in [0] : vector<16xf32>, vector<16xi32> -> vector<16xf32>
      %add3A_782 = arith.addf %add3A_771, %gather3A_781 : vector<16xf32>
      %mul3A_783 = arith.constant 16 : i32
      %mul3A_784 = arith.muli %add3A_311, %mul3A_783 : i32
      %add3A_785 = arith.constant 7 : i32
      %add3A_786 = arith.addi %mul3A_784, %add3A_785 : i32
      %get3A_787 = arith.index_cast %add3A_786 : i32 to index
      %get3A_788 = arith.constant 0 : index
      %get3A_789 = tpu.vector_load %arg9[%get3A_787, %get3A_788] {strides = array<i32>} : memref<512x32xf32, #tpu.memory_space<vmem>>, vector<1x16xf32>,
      %get3A_790 = vector.shape_cast %get3A_789 : vector<1x16xf32> to vector<16xf32>
      %get3A_791 = arith.index_cast %add3A_786 : i32 to index
      %get3A_792 = arith.constant 16 : index
      %get3A_793 = tpu.vector_load %arg9[%get3A_791, %get3A_792] {strides = array<i32>} : memref<512x32xf32, #tpu.memory_space<vmem>>, vector<1x16xf32>,
      %get3A_794 = vector.shape_cast %get3A_793 : vector<1x16xf32> to vector<16xf32>
      %get3A_795 = arith.index_cast %add3A_786 : i32 to index
      %get3A_796 = arith.constant 0 : index
      %get3A_797 = tpu.vector_load %arg10[%get3A_795, %get3A_796] {strides = array<i32>} : memref<512x32xf32, #tpu.memory_space<vmem>>, vector<1x16xf32>,
      %get3A_798 = vector.shape_cast %get3A_797 : vector<1x16xf32> to vector<16xf32>
      %get3A_799 = arith.index_cast %add3A_786 : i32 to index
      %get3A_800 = arith.constant 16 : index
      %get3A_801 = tpu.vector_load %arg10[%get3A_799, %get3A_800] {strides = array<i32>} : memref<512x32xf32, #tpu.memory_space<vmem>>, vector<1x16xf32>,
      %get3A_802 = vector.shape_cast %get3A_801 : vector<1x16xf32> to vector<16xf32>
      %mul3A_803 = arith.mulf %get3A_790, %get3A_798 : vector<16xf32>
      %mul3A_804 = arith.mulf %get3A_794, %get3A_802 : vector<16xf32>
      %add3A_805 = arith.addf %mul3A_803, %mul3A_804 : vector<16xf32>
      %lt3A_806 = arith.constant 0 : i32
      %lt3A_807 = vector.broadcast %lt3A_806 : i32 to vector<16xi32>
      %lt3A_808 = arith.cmpi slt, %xor3A_150, %lt3A_807 : vector<16xi32>
      %add3A_809 = arith.constant 16 : i32
      %add3A_810 = vector.broadcast %add3A_809 : i32 to vector<16xi32>
      %add3A_811 = arith.addi %xor3A_150, %add3A_810 : vector<16xi32>
      %select_n3A_812 = arith.select %lt3A_808, %add3A_811, %xor3A_150 : vector<16xi1>, vector<16xi32>
      %reshape3A_813 = vector.shape_cast %select_n3A_812 : vector<16xi32> to vector<16x1xi32>
      %gather3A_814 = vector.shape_cast %reshape3A_813 : vector<16x1xi32> to vector<16xi32>
      %gather3A_815 = tpu.dynamic_gather %add3A_805[%gather3A_814] in [0] : vector<16xf32>, vector<16xi32> -> vector<16xf32>
      %add3A_816 = arith.addf %add3A_805, %gather3A_815 : vector<16xf32>
      %mul3A_817 = arith.constant 16 : i32
      %mul3A_818 = arith.muli %add3A_311, %mul3A_817 : i32
      %add3A_819 = arith.constant 15 : i32
      %add3A_820 = arith.addi %mul3A_818, %add3A_819 : i32
      %get3A_821 = arith.index_cast %add3A_820 : i32 to index
      %get3A_822 = arith.constant 0 : index
      %get3A_823 = tpu.vector_load %arg9[%get3A_821, %get3A_822] {strides = array<i32>} : memref<512x32xf32, #tpu.memory_space<vmem>>, vector<1x16xf32>,
      %get3A_824 = vector.shape_cast %get3A_823 : vector<1x16xf32> to vector<16xf32>
      %get3A_825 = arith.index_cast %add3A_820 : i32 to index
      %get3A_826 = arith.constant 16 : index
      %get3A_827 = tpu.vector_load %arg9[%get3A_825, %get3A_826] {strides = array<i32>} : memref<512x32xf32, #tpu.memory_space<vmem>>, vector<1x16xf32>,
      %get3A_828 = vector.shape_cast %get3A_827 : vector<1x16xf32> to vector<16xf32>
      %get3A_829 = arith.index_cast %add3A_820 : i32 to index
      %get3A_830 = arith.constant 0 : index
      %get3A_831 = tpu.vector_load %arg10[%get3A_829, %get3A_830] {strides = array<i32>} : memref<512x32xf32, #tpu.memory_space<vmem>>, vector<1x16xf32>,
      %get3A_832 = vector.shape_cast %get3A_831 : vector<1x16xf32> to vector<16xf32>
      %get3A_833 = arith.index_cast %add3A_820 : i32 to index
      %get3A_834 = arith.constant 16 : index
      %get3A_835 = tpu.vector_load %arg10[%get3A_833, %get3A_834] {strides = array<i32>} : memref<512x32xf32, #tpu.memory_space<vmem>>, vector<1x16xf32>,
      %get3A_836 = vector.shape_cast %get3A_835 : vector<1x16xf32> to vector<16xf32>
      %mul3A_837 = arith.mulf %get3A_824, %get3A_832 : vector<16xf32>
      %mul3A_838 = arith.mulf %get3A_828, %get3A_836 : vector<16xf32>
      %add3A_839 = arith.addf %mul3A_837, %mul3A_838 : vector<16xf32>
      %lt3A_840 = arith.constant 0 : i32
      %lt3A_841 = vector.broadcast %lt3A_840 : i32 to vector<16xi32>
      %lt3A_842 = arith.cmpi slt, %xor3A_150, %lt3A_841 : vector<16xi32>
      %add3A_843 = arith.constant 16 : i32
      %add3A_844 = vector.broadcast %add3A_843 : i32 to vector<16xi32>
      %add3A_845 = arith.addi %xor3A_150, %add3A_844 : vector<16xi32>
      %select_n3A_846 = arith.select %lt3A_842, %add3A_845, %xor3A_150 : vector<16xi1>, vector<16xi32>
      %reshape3A_847 = vector.shape_cast %select_n3A_846 : vector<16xi32> to vector<16x1xi32>
      %gather3A_848 = vector.shape_cast %reshape3A_847 : vector<16x1xi32> to vector<16xi32>
      %gather3A_849 = tpu.dynamic_gather %add3A_839[%gather3A_848] in [0] : vector<16xf32>, vector<16xi32> -> vector<16xf32>
      %add3A_850 = arith.addf %add3A_839, %gather3A_849 : vector<16xf32>
      %select_n3A_851 = arith.select %eq3A_163, %add3A_340, %add3A_374 : vector<16xi1>, vector<16xf32>
      %select_n3A_852 = arith.select %eq3A_163, %add3A_408, %add3A_442 : vector<16xi1>, vector<16xf32>
      %select_n3A_853 = arith.select %eq3A_163, %add3A_476, %add3A_510 : vector<16xi1>, vector<16xf32>
      %select_n3A_854 = arith.select %eq3A_163, %add3A_544, %add3A_578 : vector<16xi1>, vector<16xf32>
      %select_n3A_855 = arith.select %eq3A_163, %add3A_612, %add3A_646 : vector<16xi1>, vector<16xf32>
      %select_n3A_856 = arith.select %eq3A_163, %add3A_680, %add3A_714 : vector<16xi1>, vector<16xf32>
      %select_n3A_857 = arith.select %eq3A_163, %add3A_748, %add3A_782 : vector<16xi1>, vector<16xf32>
      %select_n3A_858 = arith.select %eq3A_163, %add3A_816, %add3A_850 : vector<16xi1>, vector<16xf32>
      %lt3A_859 = arith.constant 0 : i32
      %lt3A_860 = vector.broadcast %lt3A_859 : i32 to vector<16xi32>
      %lt3A_861 = arith.cmpi slt, %xor3A_153, %lt3A_860 : vector<16xi32>
      %add3A_862 = arith.constant 16 : i32
      %add3A_863 = vector.broadcast %add3A_862 : i32 to vector<16xi32>
      %add3A_864 = arith.addi %xor3A_153, %add3A_863 : vector<16xi32>
      %select_n3A_865 = arith.select %lt3A_861, %add3A_864, %xor3A_153 : vector<16xi1>, vector<16xi32>
      %reshape3A_866 = vector.shape_cast %select_n3A_865 : vector<16xi32> to vector<16x1xi32>
      %gather3A_867 = vector.shape_cast %reshape3A_866 : vector<16x1xi32> to vector<16xi32>
      %gather3A_868 = tpu.dynamic_gather %select_n3A_851[%gather3A_867] in [0] : vector<16xf32>, vector<16xi32> -> vector<16xf32>
      %add3A_869 = arith.addf %select_n3A_851, %gather3A_868 : vector<16xf32>
      %lt3A_870 = arith.constant 0 : i32
      %lt3A_871 = vector.broadcast %lt3A_870 : i32 to vector<16xi32>
      %lt3A_872 = arith.cmpi slt, %xor3A_153, %lt3A_871 : vector<16xi32>
      %add3A_873 = arith.constant 16 : i32
      %add3A_874 = vector.broadcast %add3A_873 : i32 to vector<16xi32>
      %add3A_875 = arith.addi %xor3A_153, %add3A_874 : vector<16xi32>
      %select_n3A_876 = arith.select %lt3A_872, %add3A_875, %xor3A_153 : vector<16xi1>, vector<16xi32>
      %reshape3A_877 = vector.shape_cast %select_n3A_876 : vector<16xi32> to vector<16x1xi32>
      %gather3A_878 = vector.shape_cast %reshape3A_877 : vector<16x1xi32> to vector<16xi32>
      %gather3A_879 = tpu.dynamic_gather %select_n3A_852[%gather3A_878] in [0] : vector<16xf32>, vector<16xi32> -> vector<16xf32>
      %add3A_880 = arith.addf %select_n3A_852, %gather3A_879 : vector<16xf32>
      %lt3A_881 = arith.constant 0 : i32
      %lt3A_882 = vector.broadcast %lt3A_881 : i32 to vector<16xi32>
      %lt3A_883 = arith.cmpi slt, %xor3A_153, %lt3A_882 : vector<16xi32>
      %add3A_884 = arith.constant 16 : i32
      %add3A_885 = vector.broadcast %add3A_884 : i32 to vector<16xi32>
      %add3A_886 = arith.addi %xor3A_153, %add3A_885 : vector<16xi32>
      %select_n3A_887 = arith.select %lt3A_883, %add3A_886, %xor3A_153 : vector<16xi1>, vector<16xi32>
      %reshape3A_888 = vector.shape_cast %select_n3A_887 : vector<16xi32> to vector<16x1xi32>
      %gather3A_889 = vector.shape_cast %reshape3A_888 : vector<16x1xi32> to vector<16xi32>
      %gather3A_890 = tpu.dynamic_gather %select_n3A_853[%gather3A_889] in [0] : vector<16xf32>, vector<16xi32> -> vector<16xf32>
      %add3A_891 = arith.addf %select_n3A_853, %gather3A_890 : vector<16xf32>
      %lt3A_892 = arith.constant 0 : i32
      %lt3A_893 = vector.broadcast %lt3A_892 : i32 to vector<16xi32>
      %lt3A_894 = arith.cmpi slt, %xor3A_153, %lt3A_893 : vector<16xi32>
      %add3A_895 = arith.constant 16 : i32
      %add3A_896 = vector.broadcast %add3A_895 : i32 to vector<16xi32>
      %add3A_897 = arith.addi %xor3A_153, %add3A_896 : vector<16xi32>
      %select_n3A_898 = arith.select %lt3A_894, %add3A_897, %xor3A_153 : vector<16xi1>, vector<16xi32>
      %reshape3A_899 = vector.shape_cast %select_n3A_898 : vector<16xi32> to vector<16x1xi32>
      %gather3A_900 = vector.shape_cast %reshape3A_899 : vector<16x1xi32> to vector<16xi32>
      %gather3A_901 = tpu.dynamic_gather %select_n3A_854[%gather3A_900] in [0] : vector<16xf32>, vector<16xi32> -> vector<16xf32>
      %add3A_902 = arith.addf %select_n3A_854, %gather3A_901 : vector<16xf32>
      %lt3A_903 = arith.constant 0 : i32
      %lt3A_904 = vector.broadcast %lt3A_903 : i32 to vector<16xi32>
      %lt3A_905 = arith.cmpi slt, %xor3A_153, %lt3A_904 : vector<16xi32>
      %add3A_906 = arith.constant 16 : i32
      %add3A_907 = vector.broadcast %add3A_906 : i32 to vector<16xi32>
      %add3A_908 = arith.addi %xor3A_153, %add3A_907 : vector<16xi32>
      %select_n3A_909 = arith.select %lt3A_905, %add3A_908, %xor3A_153 : vector<16xi1>, vector<16xi32>
      %reshape3A_910 = vector.shape_cast %select_n3A_909 : vector<16xi32> to vector<16x1xi32>
      %gather3A_911 = vector.shape_cast %reshape3A_910 : vector<16x1xi32> to vector<16xi32>
      %gather3A_912 = tpu.dynamic_gather %select_n3A_855[%gather3A_911] in [0] : vector<16xf32>, vector<16xi32> -> vector<16xf32>
      %add3A_913 = arith.addf %select_n3A_855, %gather3A_912 : vector<16xf32>
      %lt3A_914 = arith.constant 0 : i32
      %lt3A_915 = vector.broadcast %lt3A_914 : i32 to vector<16xi32>
      %lt3A_916 = arith.cmpi slt, %xor3A_153, %lt3A_915 : vector<16xi32>
      %add3A_917 = arith.constant 16 : i32
      %add3A_918 = vector.broadcast %add3A_917 : i32 to vector<16xi32>
      %add3A_919 = arith.addi %xor3A_153, %add3A_918 : vector<16xi32>
      %select_n3A_920 = arith.select %lt3A_916, %add3A_919, %xor3A_153 : vector<16xi1>, vector<16xi32>
      %reshape3A_921 = vector.shape_cast %select_n3A_920 : vector<16xi32> to vector<16x1xi32>
      %gather3A_922 = vector.shape_cast %reshape3A_921 : vector<16x1xi32> to vector<16xi32>
      %gather3A_923 = tpu.dynamic_gather %select_n3A_856[%gather3A_922] in [0] : vector<16xf32>, vector<16xi32> -> vector<16xf32>
      %add3A_924 = arith.addf %select_n3A_856, %gather3A_923 : vector<16xf32>
      %lt3A_925 = arith.constant 0 : i32
      %lt3A_926 = vector.broadcast %lt3A_925 : i32 to vector<16xi32>
      %lt3A_927 = arith.cmpi slt, %xor3A_153, %lt3A_926 : vector<16xi32>
      %add3A_928 = arith.constant 16 : i32
      %add3A_929 = vector.broadcast %add3A_928 : i32 to vector<16xi32>
      %add3A_930 = arith.addi %xor3A_153, %add3A_929 : vector<16xi32>
      %select_n3A_931 = arith.select %lt3A_927, %add3A_930, %xor3A_153 : vector<16xi1>, vector<16xi32>
      %reshape3A_932 = vector.shape_cast %select_n3A_931 : vector<16xi32> to vector<16x1xi32>
      %gather3A_933 = vector.shape_cast %reshape3A_932 : vector<16x1xi32> to vector<16xi32>
      %gather3A_934 = tpu.dynamic_gather %select_n3A_857[%gather3A_933] in [0] : vector<16xf32>, vector<16xi32> -> vector<16xf32>
      %add3A_935 = arith.addf %select_n3A_857, %gather3A_934 : vector<16xf32>
      %lt3A_936 = arith.constant 0 : i32
      %lt3A_937 = vector.broadcast %lt3A_936 : i32 to vector<16xi32>
      %lt3A_938 = arith.cmpi slt, %xor3A_153, %lt3A_937 : vector<16xi32>
      %add3A_939 = arith.constant 16 : i32
      %add3A_940 = vector.broadcast %add3A_939 : i32 to vector<16xi32>
      %add3A_941 = arith.addi %xor3A_153, %add3A_940 : vector<16xi32>
      %select_n3A_942 = arith.select %lt3A_938, %add3A_941, %xor3A_153 : vector<16xi1>, vector<16xi32>
      %reshape3A_943 = vector.shape_cast %select_n3A_942 : vector<16xi32> to vector<16x1xi32>
      %gather3A_944 = vector.shape_cast %reshape3A_943 : vector<16x1xi32> to vector<16xi32>
      %gather3A_945 = tpu.dynamic_gather %select_n3A_858[%gather3A_944] in [0] : vector<16xf32>, vector<16xi32> -> vector<16xf32>
      %add3A_946 = arith.addf %select_n3A_858, %gather3A_945 : vector<16xf32>
      %select_n3A_947 = arith.select %eq3A_169, %add3A_869, %add3A_880 : vector<16xi1>, vector<16xf32>
      %select_n3A_948 = arith.select %eq3A_169, %add3A_891, %add3A_902 : vector<16xi1>, vector<16xf32>
      %select_n3A_949 = arith.select %eq3A_169, %add3A_913, %add3A_924 : vector<16xi1>, vector<16xf32>
      %select_n3A_950 = arith.select %eq3A_169, %add3A_935, %add3A_946 : vector<16xi1>, vector<16xf32>
      %lt3A_951 = arith.constant 0 : i32
      %lt3A_952 = vector.broadcast %lt3A_951 : i32 to vector<16xi32>
      %lt3A_953 = arith.cmpi slt, %xor3A_156, %lt3A_952 : vector<16xi32>
      %add3A_954 = arith.constant 16 : i32
      %add3A_955 = vector.broadcast %add3A_954 : i32 to vector<16xi32>
      %add3A_956 = arith.addi %xor3A_156, %add3A_955 : vector<16xi32>
      %select_n3A_957 = arith.select %lt3A_953, %add3A_956, %xor3A_156 : vector<16xi1>, vector<16xi32>
      %reshape3A_958 = vector.shape_cast %select_n3A_957 : vector<16xi32> to vector<16x1xi32>
      %gather3A_959 = vector.shape_cast %reshape3A_958 : vector<16x1xi32> to vector<16xi32>
      %gather3A_960 = tpu.dynamic_gather %select_n3A_947[%gather3A_959] in [0] : vector<16xf32>, vector<16xi32> -> vector<16xf32>
      %add3A_961 = arith.addf %select_n3A_947, %gather3A_960 : vector<16xf32>
      %lt3A_962 = arith.constant 0 : i32
      %lt3A_963 = vector.broadcast %lt3A_962 : i32 to vector<16xi32>
      %lt3A_964 = arith.cmpi slt, %xor3A_156, %lt3A_963 : vector<16xi32>
      %add3A_965 = arith.constant 16 : i32
      %add3A_966 = vector.broadcast %add3A_965 : i32 to vector<16xi32>
      %add3A_967 = arith.addi %xor3A_156, %add3A_966 : vector<16xi32>
      %select_n3A_968 = arith.select %lt3A_964, %add3A_967, %xor3A_156 : vector<16xi1>, vector<16xi32>
      %reshape3A_969 = vector.shape_cast %select_n3A_968 : vector<16xi32> to vector<16x1xi32>
      %gather3A_970 = vector.shape_cast %reshape3A_969 : vector<16x1xi32> to vector<16xi32>
      %gather3A_971 = tpu.dynamic_gather %select_n3A_948[%gather3A_970] in [0] : vector<16xf32>, vector<16xi32> -> vector<16xf32>
      %add3A_972 = arith.addf %select_n3A_948, %gather3A_971 : vector<16xf32>
      %lt3A_973 = arith.constant 0 : i32
      %lt3A_974 = vector.broadcast %lt3A_973 : i32 to vector<16xi32>
      %lt3A_975 = arith.cmpi slt, %xor3A_156, %lt3A_974 : vector<16xi32>
      %add3A_976 = arith.constant 16 : i32
      %add3A_977 = vector.broadcast %add3A_976 : i32 to vector<16xi32>
      %add3A_978 = arith.addi %xor3A_156, %add3A_977 : vector<16xi32>
      %select_n3A_979 = arith.select %lt3A_975, %add3A_978, %xor3A_156 : vector<16xi1>, vector<16xi32>
      %reshape3A_980 = vector.shape_cast %select_n3A_979 : vector<16xi32> to vector<16x1xi32>
      %gather3A_981 = vector.shape_cast %reshape3A_980 : vector<16x1xi32> to vector<16xi32>
      %gather3A_982 = tpu.dynamic_gather %select_n3A_949[%gather3A_981] in [0] : vector<16xf32>, vector<16xi32> -> vector<16xf32>
      %add3A_983 = arith.addf %select_n3A_949, %gather3A_982 : vector<16xf32>
      %lt3A_984 = arith.constant 0 : i32
      %lt3A_985 = vector.broadcast %lt3A_984 : i32 to vector<16xi32>
      %lt3A_986 = arith.cmpi slt, %xor3A_156, %lt3A_985 : vector<16xi32>
      %add3A_987 = arith.constant 16 : i32
      %add3A_988 = vector.broadcast %add3A_987 : i32 to vector<16xi32>
      %add3A_989 = arith.addi %xor3A_156, %add3A_988 : vector<16xi32>
      %select_n3A_990 = arith.select %lt3A_986, %add3A_989, %xor3A_156 : vector<16xi1>, vector<16xi32>
      %reshape3A_991 = vector.shape_cast %select_n3A_990 : vector<16xi32> to vector<16x1xi32>
      %gather3A_992 = vector.shape_cast %reshape3A_991 : vector<16x1xi32> to vector<16xi32>
      %gather3A_993 = tpu.dynamic_gather %select_n3A_950[%gather3A_992] in [0] : vector<16xf32>, vector<16xi32> -> vector<16xf32>
      %add3A_994 = arith.addf %select_n3A_950, %gather3A_993 : vector<16xf32>
      %select_n3A_995 = arith.select %eq3A_175, %add3A_961, %add3A_972 : vector<16xi1>, vector<16xf32>
      %select_n3A_996 = arith.select %eq3A_175, %add3A_983, %add3A_994 : vector<16xi1>, vector<16xf32>
      %lt3A_997 = arith.constant 0 : i32
      %lt3A_998 = vector.broadcast %lt3A_997 : i32 to vector<16xi32>
      %lt3A_999 = arith.cmpi slt, %xor3A_159, %lt3A_998 : vector<16xi32>
      %add3A_1000 = arith.constant 16 : i32
      %add3A_1001 = vector.broadcast %add3A_1000 : i32 to vector<16xi32>
      %add3A_1002 = arith.addi %xor3A_159, %add3A_1001 : vector<16xi32>
      %select_n3A_1003 = arith.select %lt3A_999, %add3A_1002, %xor3A_159 : vector<16xi1>, vector<16xi32>
      %reshape3A_1004 = vector.shape_cast %select_n3A_1003 : vector<16xi32> to vector<16x1xi32>
      %gather3A_1005 = vector.shape_cast %reshape3A_1004 : vector<16x1xi32> to vector<16xi32>
      %gather3A_1006 = tpu.dynamic_gather %select_n3A_995[%gather3A_1005] in [0] : vector<16xf32>, vector<16xi32> -> vector<16xf32>
      %add3A_1007 = arith.addf %select_n3A_995, %gather3A_1006 : vector<16xf32>
      %lt3A_1008 = arith.constant 0 : i32
      %lt3A_1009 = vector.broadcast %lt3A_1008 : i32 to vector<16xi32>
      %lt3A_1010 = arith.cmpi slt, %xor3A_159, %lt3A_1009 : vector<16xi32>
      %add3A_1011 = arith.constant 16 : i32
      %add3A_1012 = vector.broadcast %add3A_1011 : i32 to vector<16xi32>
      %add3A_1013 = arith.addi %xor3A_159, %add3A_1012 : vector<16xi32>
      %select_n3A_1014 = arith.select %lt3A_1010, %add3A_1013, %xor3A_159 : vector<16xi1>, vector<16xi32>
      %reshape3A_1015 = vector.shape_cast %select_n3A_1014 : vector<16xi32> to vector<16x1xi32>
      %gather3A_1016 = vector.shape_cast %reshape3A_1015 : vector<16x1xi32> to vector<16xi32>
      %gather3A_1017 = tpu.dynamic_gather %select_n3A_996[%gather3A_1016] in [0] : vector<16xf32>, vector<16xi32> -> vector<16xf32>
      %add3A_1018 = arith.addf %select_n3A_996, %gather3A_1017 : vector<16xf32>
      %select_n3A_1019 = arith.select %eq3A_181, %add3A_1007, %add3A_1018 : vector<16xi1>, vector<16xf32>
      %mul3A_1020 = arith.constant 16 : i32
      %mul3A_1021 = arith.muli %add3A_311, %mul3A_1020 : i32
      %swap3A = arith.index_cast %mul3A_1021 : i32 to index
      %swap3A_1022 = tpu.vector_load %arg11[%swap3A] {strides = array<i32>} : memref<512xf32, #tpu.memory_space<vmem>>, vector<16xf32>,
      %swap3A_1023 = vector.shape_cast %swap3A_1022 : vector<16xf32> to vector<16xf32>
      %swap3A_1024 = vector.shape_cast %select_n3A_1019 : vector<16xf32> to vector<16xf32>
      tpu.vector_store %arg11[%swap3A], %swap3A_1024 {strides = array<i32>} : memref<512xf32, #tpu.memory_space<vmem>>, vector<16xf32>,
    }
    %scan3A_308 = arith.constant 8 : i32
    "tpu.region"() ({
      %run_scoped3A = tpu.sem_alloc : memref<!tpu.dma_semaphore, #tpu.memory_space<semaphore_mem>>
      %dma_start3A_309 = tpu.memref_slice %arg6[%mul3A_2] : memref<16384xf32, #tpu.memory_space<hbm>> -> memref<512xf32, #tpu.memory_space<hbm>>
      %dma_start3A_310 = tpu.memref_slice %arg6[%mul3A_2] : memref<16384xf32, #tpu.memory_space<hbm>> -> memref<512xf32, #tpu.memory_space<hbm>>
      tpu.enqueue_dma source(%arg11 : memref<512xf32, #tpu.memory_space<vmem>>) target(%dma_start3A_310 : memref<512xf32, #tpu.memory_space<hbm>>) target_semaphore(%run_scoped3A : memref<!tpu.dma_semaphore, #tpu.memory_space<semaphore_mem>>)
      %dma_wait3A_311 = tpu.memref_slice %arg6[%mul3A_2] : memref<16384xf32, #tpu.memory_space<hbm>> -> memref<512xf32, #tpu.memory_space<hbm>>
      %dma_wait3A_312 = tpu.memref_slice %arg6[%mul3A_2] : memref<16384xf32, #tpu.memory_space<hbm>> -> memref<512xf32, #tpu.memory_space<hbm>>
      tpu.wait_dma2 semaphore(%run_scoped3A : memref<!tpu.dma_semaphore, #tpu.memory_space<semaphore_mem>>) src(%arg11 : memref<512xf32, #tpu.memory_space<vmem>>) dst(%dma_wait3A_312 : memref<512xf32, #tpu.memory_space<hbm>>)
      tpu.yield
    }) : () -> ()
    return
  }
}

</mosaic_0001>

<sc_bundles>
// kernel: kernel.3.cloned.1.call-start
scs
__scs_entry_jumppad:
0x0: {  	(pc) =	sbr.rel $0x88, $3  }
0x1: {  	(tag) =	ssettag $0x0;
	lr =	simm.s32 $0x1  }
0x2: {  	[smem:$0x3F9D] =	sst lr;
	_ =	strace $0xD0000000  }
0x3: {  	_ = 	snop  }
0x4: {  	_ = 	snop  }
0x5: {  	_ = 	snop  }
0x6: {  	_ = 	snop  }
0x7: {  	_ = 	snop  }
__scs_overlays_trampoline_lowered:
0x8: {  	[smem:$0x3FAC] =	sst s0  }
0x9: {  	[smem:$0x3FAD] =	sst s1  }
0xa: {  	[smem:$0x3FAE] =	sst s2  }
0xb: {  	[smem:$0x3FAF] =	sst s3  }
0xc: {  	[smem:$0x3FB0] =	sst s4  }
0xd: {  	[smem:$0x3FB1] =	sst s5  }
0xe: {  	[smem:$0x3FB2] =	sst s6  }
0xf: {  	[smem:$0x3FB3] =	sst s7  }
0x10: {  	[smem:$0x3FB4] =	sst s8  }
0x11: {  	[smem:$0x3FB5] =	sst s9;
	s0 =	simm.s32 @!p0 $0x0  }
0x12: {  	s1 =	sld [smem:$0x3F9B];
	s0 =	simm.s32 @p0 $0x1  }
0x13: {  	[smem:$0x3FB6] =	sst s0;
	s0 =	simm.s32 @!p1 $0x0  }
0x14: {  	s2 =	sld [smem:$0x3F9A];
	s0 =	simm.s32 @p1 $0x1  }
0x15: {  	[smem:$0x3FB7] =	sst s0;
	s0 =	simm.s32 @!p2 $0x0  }
0x16: {  	s3 =	sld [smem:$0x3FDB];
	s0 =	simm.s32 @p2 $0x1  }
0x17: {  	s4 =	simm.s32 $0x1BF5;
	[smem:$0x3FB9] =	sst s0  }
0x18: {  	s0 =	sld [smem:$0x3F9C];
	_ =	swait.ge [sflag:s4], $0x0  }
0x19: {  	s7 =	sld [smem:$0x3F9D]  }
0x1a: {  	s8 =	sadd.s32 $0xFFFFE003, lr  }
0x1b: {  	s9 =	sadd.s32 $0xFFFFFEF7, lr;
	s5 =	simm.s32 $0xFFFFFFFF;
	p2 =	slt.u32 s8, $0xFFFFF086  }
0x1c: {  	p1 =	slt.u32 s9, $0xF7A;
	s5 =	simm.s32 @!p2 $0x0  }
0x1d: {  	s5 =	simm.s32 @p1 $0x1;
	p0 =	seq.s32 s7, s2  }
0x1e: {  	s7 =	smul.u32 @!p0 $0xF7A, s2;
	p2 =	seq.s32 @!p0 s5, $0x0  }
0x1f: {  	s9 =	smul.u32 $0xF7A, s1;
	s8 =	simm.s32 @!p0 $0x1BF5;
	p2 =	por !p2, p0  }
0x20: {  	[sflag:s8] =	ssyncset.s32 @!p0 $0xFFFFF086;
	s6 =	sadd.s32 @!p0 s3, s7;
	s7 =	simm.s32 @!p0 $0x108  }
0x21: {  	s3 =	sadd.s32 s3, s9;
	s6 =	sadd.s32 @!p0 $0x88, s6;
	s7 =	simm.s32 @p2 $0x1082  }
0x22: {  	[simem:s7], [sflag:s8] =	dma.local @!p0 [hbm:s6], $0xF7A  }
0x23: {  	s9 =	sor.u32 $0xD0000000, s2;
	s6 =	simm.s32 $0x108;
	_ =	swait.ge @!p0 [sflag:s8], $0x0  }
0x24: {  	s3 =	sadd.s32 $0x88, s3;
	s6 =	simm.s32 @!p1 $0x1082;
	[sflag:s4] =	ssyncset.s32 $0xFFFFF086  }
0x25: {  	[simem:s6], [sflag:s4] =	dma.local [hbm:s3], $0xF7A  }
0x26: {  	[smem:$0x3F9D] =	sst s1;
	(tag) =	ssettag s2;
	_ =	strace s9  }
0x27: {  	s1 =	sld [smem:$0x3FAD]  }
0x28: {  	s2 =	sld [smem:$0x3FAE]  }
0x29: {  	s4 =	sld [smem:$0x3FB0]  }
0x2a: {  	p0 =	seq.s32 s5, $0x0;
	s5 =	sld [smem:$0x3FB1]  }
0x2b: {  	s6 =	sld [smem:$0x3FB2]  }
0x2c: {  	s7 =	sld [smem:$0x3FB3]  }
0x2d: {  	s3 =	simm.s32 $0x108;
	s8 =	sld [smem:$0x3FB4]  }
0x2e: {  	s3 =	simm.s32 @!p0 $0x1082;
	s9 =	sld [smem:$0x3FB5]  }
0x2f: {  	lr =	sadd.s32 s0, s3;
	s0 =	sld [smem:$0x3FAC]  }
0x30: {  	s3 =	sld [smem:$0x3FAF]  }
0x31: {  	[smem:$0x3FB8] =	sst s10  }
0x32: {  	s10 =	sld [smem:$0x3FB6];
	_ =	sdelay $0x3  }
0x33: {  	p0 =	seq.s32 s10, $0x1;
	s10 =	sld [smem:$0x3FB8];
	_ =	sdelay $0x3  }
0x34: {  	[smem:$0x3FB8] =	sst s10  }
0x35: {  	s10 =	sld [smem:$0x3FB7];
	_ =	sdelay $0x3  }
0x36: {  	p1 =	seq.s32 s10, $0x1;
	s10 =	sld [smem:$0x3FB8];
	_ =	sdelay $0x3  }
0x37: {  	[smem:$0x3FB8] =	sst s10  }
0x38: {  	s10 =	sld [smem:$0x3FB9]  }
0x39: {  	_ = 	snop;
	(pc) =	sbr.ind lr, $3  }
0x3a: {  	_ = 	snop  }
0x3b: {  	_ = 	snop  }
0x3c: {  	p2 =	seq.s32 s10, $0x1;
	s10 =	sld [smem:$0x3FB8]  }
0x3d: {  	_ =	shalt  }
0x3e: {  	_ =	shalt  }
0x3f: {  	_ =	shalt  }
0x40: {  	_ =	shalt  }
0x41: {  	_ =	shalt  }
0x42: {  	_ =	shalt  }
0x43: {  	_ =	shalt  }
0x44: {  	_ =	shalt  }
0x45: {  	_ =	shalt  }
0x46: {  	_ =	shalt  }
0x47: {  	_ =	shalt  }
0x48: {  	_ =	shalt  }
0x49: {  	_ =	shalt  }
0x4a: {  	_ =	shalt  }
0x4b: {  	_ =	shalt  }
0x4c: {  	_ =	shalt  }
0x4d: {  	_ =	shalt  }
0x4e: {  	_ =	shalt  }
0x4f: {  	_ =	shalt  }
0x50: {  	_ =	shalt  }
0x51: {  	_ =	shalt  }
0x52: {  	_ =	shalt  }
0x53: {  	_ =	shalt  }
0x54: {  	_ =	shalt  }
0x55: {  	_ =	shalt  }
0x56: {  	_ =	shalt  }
0x57: {  	_ =	shalt  }
0x58: {  	_ =	shalt  }
0x59: {  	_ =	shalt  }
0x5a: {  	_ =	shalt  }
0x5b: {  	_ =	shalt  }
0x5c: {  	_ =	shalt  }
0x5d: {  	_ =	shalt  }
0x5e: {  	_ =	shalt  }
0x5f: {  	_ =	shalt  }
0x60: {  	_ =	shalt  }
0x61: {  	_ =	shalt  }
0x62: {  	_ =	shalt  }
0x63: {  	_ =	shalt  }
0x64: {  	_ =	shalt  }
0x65: {  	_ =	shalt  }
0x66: {  	_ =	shalt  }
0x67: {  	_ =	shalt  }
0x68: {  	_ =	shalt  }
0x69: {  	_ =	shalt  }
0x6a: {  	_ =	shalt  }
0x6b: {  	_ =	shalt  }
0x6c: {  	_ =	shalt  }
0x6d: {  	_ =	shalt  }
0x6e: {  	_ =	shalt  }
0x6f: {  	_ =	shalt  }
0x70: {  	_ =	shalt  }
0x71: {  	_ =	shalt  }
0x72: {  	_ =	shalt  }
0x73: {  	_ =	shalt  }
0x74: {  	_ =	shalt  }
0x75: {  	_ =	shalt  }
0x76: {  	_ =	shalt  }
0x77: {  	_ =	shalt  }
0x78: {  	_ =	shalt  }
0x79: {  	_ =	shalt  }
0x7a: {  	_ =	shalt  }
0x7b: {  	_ =	shalt  }
0x7c: {  	_ =	shalt  }
0x7d: {  	_ =	shalt  }
0x7e: {  	_ =	shalt  }
0x7f: {  	_ =	shalt  }
0x80: {  	_ =	shalt  }
0x81: {  	_ =	shalt  }
0x82: {  	_ =	shalt  }
0x83: {  	_ =	shalt  }
0x84: {  	_ =	shalt  }
0x85: {  	_ =	shalt  }
0x86: {  	_ =	shalt  }
0x87: {  	_ =	shalt  }
.Lfunc_end0:
.L_simem_size_0:
called_computation_lowered:
.L_overlay_start_0:
0x88: {  	s2 =	sld [smem:$0x3FD9]  }
0x89: {  	s3 =	sld [smem:$0x3FFE];
	_ =	sdelay $0x1  }
0x8a: {  	s1 =	srdreg.scid  }
0x8b: {  	s0 =	sand.u32 $0x1, s1  }
0x8c: {  	s17 =	sshll.u32 s0, $0xA;
	s2 =	sadd.s32 s3, s2  }
0x8d: {  	s2 =	sadd.s32 s2, s17  }
0x8e: {  	[smem:$0x3FC4] =	sst s2  }
0x8f: {  	_ = 	snop  }
0x90: {  	s2 =	sld [smem:$0x3FC9]  }
0x91: {  	s18 =	sld [smem:$0x3FC8]  }
0x92: {  	s4 =	sld [smem:$0x3FD0];
	(tm) =	ssettm $0x1  }
0x93: {  	s5 =	sld [smem:$0x3FFB];
	_ =	sdelay $0x3  }
0x94: {  	_ =	strace s5  }
0x95: {  	s5 =	sld [smem:$0x3FFC];
	_ =	sdelay $0x3  }
0x96: {  	_ =	strace s5  }
0x97: {  	s5 =	sld [smem:$0x3FFD];
	_ =	sdelay $0x3  }
0x98: {  	_ =	strace s5  }
0x99: {  	_ =	strace $0x8FFFFFFF  }
0x9a: {  	s19 =	sld [smem:$0x3FDB];
	_ =	sdelay $0x1  }
0x9b: {  	s6 =	simm.s32 $_scs_section_size  }
0x9c: {  	s7 =	simm.s32 $_size__tile_overlayer_lowered;
	s8 =	simm.s32 $_tile_overlayer_lowered  }
0x9d: {  	s22 =	simm.s32 $0x1BFF;
	s21 =	sshll.u32 s8, $0x1;
	s5 =	sadd.s32 s6, s19  }
0x9e: {  	s9 =	simm.s32 $0x0;
	s20 =	sshll.u32 s7, $0x1;
	s7 =	sadd.s32 s21, s5  }
0x9f: {  	[timem:s9], [sflag:s22] =	dma.local [hbm:s7], s20  }
0xa0: {  	_ =	swait.ge [sflag:s22], s20  }
0xa1: {  	s6 =	ssub.s32 $0x0, s20;
	[sflag:s22] =	ssyncset.done $0x0  }
0xa2: {  	[sflag:s22] =	ssyncadd.s32 s6;
	_ =	sdelay $0x1  }
0xa3: {  	s23 =	simm.s32 $0x1B8B  }
0xa4: {  	_ =	swait.ge [sflag:s23], $0x1  }
0xa5: {  	[sflag:s23] =	ssyncset.done $0x0  }
0xa6: {  	s25 =	simm.s32 $0x1B8E;
	s24 =	sld [smem:$0x3FFE];
	[sflag:s23] =	ssyncadd.s32 $0xFFFFFFFF  }
0xa7: {  	s26 =	simm.s32 $execute0_lowered;
	[smem:$0x3FD2] =	sst s25  }
0xa8: {  	s7 =	sshll.u32 s26, $0x1;
	_ =	strace $0x80000046;
	[dreg:$0x1] =	wrdreg $0xFFFFFFFF  }
0xa9: {  	s28 =	simm.s32 $_size_execute0_lowered;
	s5 =	sadd.s32 s5, s7;
	[dreg:$0x0] =	wrdreg $0x0  }
0xaa: {  	s7 =	sshll.u32 s28, $0x1;
	[dreg:$0x2] =	wrdreg s5  }
0xab: {  	[dreg:$0x3] =	wrdreg s7  }
0xac: {  	[dreg:$0x4] =	wrdreg $0xC0  }
0xad: {  	_ =	task [dreg:s9], $0x5FFFF  }
0xae: {  	[dreg:$0x1] =	wrdreg $0xFFFFFFFF  }
0xaf: {  	[dreg:$0x0] =	wrdreg $0x60  }
0xb0: {  	[dreg:$0x2] =	wrdreg s2  }
0xb1: {  	[dreg:$0x3] =	wrdreg s18  }
0xb2: {  	[dreg:$0x4] =	wrdreg s24  }
0xb3: {  	[dreg:$0x5] =	wrdreg s4  }
0xb4: {  	[dreg:$0x6] =	wrdreg $0x9  }
0xb5: {  	_ =	task.clear_ibuf [dreg:s9], $0x7FFFF;
	_ =	strace $0x90000046  }
0xb6: {  	s29 =	simm.s32 $0x9;
	_ =	strace $0x80000048  }
0xb7: {  	_ =	swait.ge [sflag:s29], $0x1  }
0xb8: {  	[sflag:s29] =	ssyncadd.s32 $0xFFFFFFFF  }
0xb9: {  	_ =	strace $0x90000048  }
0xba: {  	_ =	sfence  }
0xbb: {  	s30 =	sld [smem:$0x0];
	_ =	sdelay $0x2  }
0xbc: {  	s31 =	sshll.u32 s1, $0xD;
	s1 =	sshrl.u32 s1, $0x2  }
0xbd: {  	s3 =	sand.u32 $0x4000, s31;
	s1 =	sadd.s32 s1, s30  }
0xbe: {  	s0 =	sor.u32 s3, s0;
	s1 =	sshll.u32 s1, $0x11  }
0xbf: {  	s0 =	sor.u32 s1, s0  }
0xc0: {  	s0 =	sadd.s32 $0x8F2B, s0  }
0xc1: {  	[sflag:s0] =	ssyncadd.remote.s32 $0x1  }
0xc2: {  	_ =	sfence.sel $0xFFFF  }
0xc3: {  	[dreg:$0x0] =	wrdreg $0xFFFFFFFF;
	(pc) =	sbr.abs _section_cstart, $3  }
0xc4: {  	[dreg:$0x1] =	wrdreg $0xFFFFFFFF  }
0xc5: {  	_ =	task.clear_ibuf [dreg:s9], $0x2FFFF;
	_ =	strace $0x9FFFFFFF  }
0xc6: {  	(tm) =	ssettm $0x7FFFFFFF  }
0xc7: {  	_ =	shalt  }
tec
execute0_lowered:
.L_overlay_start_1:
0x0: {  	(tag) =	ssettag $0x1  }
0x1: {  	v0 =	vimm.s32 $0x76543210;
	v1 =	vimm.s32 $0xFEDCBA98;
	v2 =	vimm.s32 $0xBA98FEDC  }
0x2: {  	v3 =	vimm.s32 $0x32107654;
	v4 =	vimm.s32 $0xDCFE98BA;
	v5 =	vimm.s32 $0x54761032  }
0x3: {  	vm0 =	vcmask $0x2F20;
	vm1 =	vcmask $0xF00;
	vm2 =	vcmask $0x1710  }
0x4: {  	s0 =	rddreg [dreg:$0x0];
	vm3 =	vcmask $0x700;
	vm4 =	vcmask $0x300;
	v1 =	vunpack.c.l.s4.s8 v1  }
0x5: {  	s2 =	rddreg [dreg:$0x1];
	v0 =	vunpack.c.l.s4.s8 v0;
	v2 =	vunpack.c.l.s4.s8 v2;
	v3 =	vunpack.c.l.s4.s8 v3  }
0x6: {  	s4 =	rddreg [dreg:$0x2];
	v4 =	vunpack.c.l.s4.s8 v4;
	vm0 =	vmor vm1, vm0;
	v1 =	vunpack.c.0.s8.s32 v1  }
0x7: {  	s7 =	rddreg [dreg:$0x3];
	v0 =	vunpack.c.0.s8.s32 v0;
	v2 =	vunpack.c.0.s8.s32 v2;
	v3 =	vunpack.c.0.s8.s32 v3  }
0x8: {  	s1 =	simm.s32 $0x0;
	s3 =	srdreg.scid;
	s6 =	stileid.u32;
	vm1 =	vmor vm3, vm2;
	vm3 =	vcmask $0xB08;
	v1 =	vand.u32 $0xF, v1  }
0x9: {  	s10 =	simm.s32 $0x1;
	s11 =	simm.s32 $0x2;
	s12 =	simm.s32 $0x80;
	v0 =	vcombine.low v1, v0;
	v1 =	vcombine.low v3, v2;
	v2 =	vunpack.c.l.s4.s8 v5  }
0xa: {  	s16 =	simm.s32 $0x280;
	s17 =	simm.s32 $0x5400;
	s18 =	simm.s32 $0x100;
	vm2 =	vcmask $0x2720;
	vm3 =	vmor vm4, vm3  }
0xb: {  	s19 =	simm.s32 $0x2400;
	s20 =	simm.s32 $0x300;
	s21 =	simm.s32 $0x6400;
	vm4 =	vcmask $0x1310;
	v3 =	vunpack.c.0.s8.s32 v4;
	v2 =	vunpack.c.0.s8.s32 v2  }
0xc: {  	s22 =	simm.s32 $0x180;
	s23 =	simm.s32 $0x3400;
	s24 =	simm.s32 $0x380;
	vm1 =	vmor vm1, vm2;
	vm2 =	vcmask $0x3730;
	vm3 =	vmor vm3, vm4  }
0xd: {  	s25 =	simm.s32 $0x7400;
	s26 =	simm.s32 $0x3;
	s28 =	simm.s32 $0x4;
	v4 =	vimm.s32 $0x67452301;
	v2 =	vcombine.low v2, v3;
	v3 =	vimm.s32 $0xEFCDAB89  }
0xe: {  	s29 =	simm.s32 $0x5;
	s30 =	simm.s32 $0x6;
	s31 =	simm.s32 $0x8400;
	vm4 =	vcmask $0x1B18;
	v4 =	vunpack.c.l.s4.s8 v4;
	v3 =	vunpack.c.l.s4.s8 v3  }
0xf: {  	[smem:$0x7FF] =	sst s1;
	s3 =	sand.u32 $0x1, s3;
	s6 =	sshll.u32 s6, $0x7;
	vm1 =	vmor vm1, vm2;
	vm2 =	vmor vm3, vm4  }
0x10: {  	_ =	strace $0x80000047;
	s5 =	ssub.s32 $0x2, s3;
	s8 =	sshll.u32 s3, $0x6;
	vm3 =	vcmask $0x2320;
	v4 =	vunpack.c.0.s8.s32 v4;
	v3 =	vunpack.c.0.s8.s32 v3  }
0x11: {  	s3 =	sadd.s32 $0xF42800, s4;
	s9 =	sshrl.u32 s5, $0x1;
	s8 =	sor.u32 s8, s6;
	vm4 =	vcmask $0x2B28;
	vm3 =	vmor vm2, vm3;
	vm2 =	vmmov $0xff  }
0x12: {  	s4 =	sadd.s32 $0x1313200, s4;
	s9 =	ssub.s32 s5, s9;
	s5 =	sadd.s32 s0, s8;
	vm3 =	vmor vm3, vm4;
	vm4 =	vcmask $0x3330;
	v3 =	vcombine.low v4, v3  }
0x13: {  	s6 =	sadd.s32 s2, s8;
	s7 =	sadd.s32 s7, s8;
	s0 =	simm.s32 $0x7;
	vm3 =	vmor vm3, vm4;
	vm4 =	vcmask $0x3B38;
	v1 =	vand.u32 $0xF, v1  }
0x14: {  	s2 =	simm.s32 $0x0;
	s8 =	smax.u32 s9, $0x1;
	s9 =	simm.s32 $0x200;
	vm3 =	vmor vm3, vm4;
	v2 =	vand.u32 $0xF, v2;
	v3 =	vand.u32 $0xF, v3  }
.LBB2_1:
0x15: {  	[tilespmem:s1], [sflag:$0x1] =	stream.linear.gather [hbm4b:s5+s1], $0x200, $0x38;
	[tilespmem:$0x8600] =	vst v63  }
0x16: {  	_ = 	snop  }
0x17: {  	[tilespmem:s9], [sflag:$0x2] =	stream.linear.gather [hbm4b:s6+s1], $0x200, $0x38;
	[tilespmem:$0x8600] =	vst v63  }
0x18: {  	_ =	swait.ge [sflag:s10], $0x200  }
0x19: {  	[sflag:s10] =	ssyncset.done $0x0  }
0x1a: {  	[sflag:s10] =	ssyncadd.s32 $0xFFFFFE00  }
0x1b: {  	_ =	swait.ge [sflag:s11], $0x200  }
0x1c: {  	[sflag:s11] =	ssyncset.done $0x0  }
0x1d: {  	s13 =	simm.s32 $0x400;
	[sflag:s11] =	ssyncadd.s32 $0xFFFFFE00  }
0x1e: {  	[tilespmem:s13], [sflag:$0x3] =	stream.indirect.gather [hbm4b:s3+s12], $0x20, s1, s12, $0xb8;
	[tilespmem:$0x8600] =	vst v63  }
0x1f: {  	s15 =	simm.s32 $0x4400  }
0x20: {  	[tilespmem:s15], [sflag:$0x3] =	stream.indirect.gather [hbm4b:s4+s12], $0x20, s9, s12, $0xb8;
	[tilespmem:$0x8600] =	vst v63  }
0x21: {  	s14 =	simm.s32 $0x1400  }
0x22: {  	[tilespmem:s14], [sflag:$0x4] =	stream.indirect.gather [hbm4b:s3+s12], $0x20, s12, s12, $0xb8;
	[tilespmem:$0x8600] =	vst v63  }
0x23: {  	_ = 	snop  }
0x24: {  	[tilespmem:s17], [sflag:$0x4] =	stream.indirect.gather [hbm4b:s4+s12], $0x20, s16, s12, $0xb8;
	[tilespmem:$0x8600] =	vst v63  }
0x25: {  	_ = 	snop  }
0x26: {  	[tilespmem:s19], [sflag:$0x5] =	stream.indirect.gather [hbm4b:s3+s12], $0x20, s18, s12, $0xb8;
	[tilespmem:$0x8600] =	vst v63  }
0x27: {  	_ = 	snop  }
0x28: {  	[tilespmem:s21], [sflag:$0x5] =	stream.indirect.gather [hbm4b:s4+s12], $0x20, s20, s12, $0xb8;
	[tilespmem:$0x8600] =	vst v63  }
0x29: {  	_ = 	snop  }
0x2a: {  	[tilespmem:s23], [sflag:$0x6] =	stream.indirect.gather [hbm4b:s3+s12], $0x20, s22, s12, $0xb8;
	[tilespmem:$0x8600] =	vst v63  }
0x2b: {  	_ = 	snop  }
0x2c: {  	[tilespmem:s25], [sflag:$0x6] =	stream.indirect.gather [hbm4b:s4+s12], $0x20, s24, s12, $0xb8;
	[tilespmem:$0x8600] =	vst v63  }
0x2d: {  	_ =	swait.ge [sflag:s26], $0x1000  }
0x2e: {  	[sflag:s26] =	ssyncset.done $0x0  }
0x2f: {  	[sflag:s26] =	ssyncadd.s32 $0xFFFFF000  }
0x30: {  	_ =	swait.ge [sflag:s26], $0x1000  }
0x31: {  	[sflag:s26] =	ssyncset.done $0x0  }
0x32: {  	s15 =	simm.s32 $0x0;
	[sflag:s26] =	ssyncadd.s32 $0xFFFFF000  }
0x33: {  	v4 =	vld [tilespmem:s15+$0x4400]  }
0x34: {  	v5 =	vld [tilespmem:s15+$0x400]  }
0x35: {  	v6 =	vld [tilespmem:s15+$0x410]  }
0x36: {  	v7 =	vld [tilespmem:s15+$0x4410]  }
0x37: {  	v8 =	vld [tilespmem:s15+$0x500]  }
0x38: {  	v9 =	vld [tilespmem:s15+$0x4500]  }
0x39: {  	v10 =	vld [tilespmem:s15+$0x510]  }
0x3a: {  	v11 =	vld [tilespmem:s15+$0x4510]  }
0x3b: {  	v12 =	vld [tilespmem:s15+$0x480]  }
0x3c: {  	v13 =	vld [tilespmem:s15+$0x4480]  }
0x3d: {  	v14 =	vld [tilespmem:s15+$0x490]  }
0x3e: {  	v15 =	vld [tilespmem:s15+$0x4490]  }
0x3f: {  	v16 =	vld [tilespmem:s15+$0x580]  }
0x40: {  	v17 =	vld [tilespmem:s15+$0x4580]  }
0x41: {  	v18 =	vld [tilespmem:s15+$0x590]  }
0x42: {  	v19 =	vld [tilespmem:s15+$0x4590]  }
0x43: {  	v20 =	vld [tilespmem:s15+$0x440]  }
0x44: {  	v21 =	vld [tilespmem:s15+$0x4440]  }
0x45: {  	v22 =	vld [tilespmem:s15+$0x450]  }
0x46: {  	v23 =	vld [tilespmem:s15+$0x4450]  }
0x47: {  	v24 =	vld [tilespmem:s15+$0x540]  }
0x48: {  	v25 =	vld [tilespmem:s15+$0x4540]  }
0x49: {  	v26 =	vld [tilespmem:s15+$0x550]  }
0x4a: {  	v27 =	vld [tilespmem:s15+$0x4550]  }
0x4b: {  	v28 =	vld [tilespmem:s15+$0x4C0]  }
0x4c: {  	v29 =	vld [tilespmem:s15+$0x44C0]  }
0x4d: {  	v30 =	vld [tilespmem:s15+$0x4D0]  }
0x4e: {  	v31 =	vld [tilespmem:s15+$0x44D0]  }
0x4f: {  	v32 =	vld [tilespmem:s15+$0x5C0]  }
0x50: {  	v33 =	vld [tilespmem:s15+$0x45C0]  }
0x51: {  	v34 =	vld [tilespmem:s15+$0x5D0]  }
0x52: {  	v35 =	vld [tilespmem:s15+$0x45D0]  }
0x53: {  	v36 =	vld [tilespmem:s15+$0x420]  }
0x54: {  	v37 =	vld [tilespmem:s15+$0x4420]  }
0x55: {  	v38 =	vld [tilespmem:s15+$0x430]  }
0x56: {  	v39 =	vld [tilespmem:s15+$0x4430]  }
0x57: {  	v40 =	vld [tilespmem:s15+$0x520]  }
0x58: {  	v41 =	vld [tilespmem:s15+$0x4520]  }
0x59: {  	v42 =	vld [tilespmem:s15+$0x530]  }
0x5a: {  	v43 =	vld [tilespmem:s15+$0x4530]  }
0x5b: {  	v44 =	vld [tilespmem:s15+$0x4A0]  }
0x5c: {  	v51 =	vld [tilespmem:s15+$0x44E0]  }
0x5d: {  	v54 =	vld [tilespmem:s15+$0x4F0]  }
0x5e: {  	v56 =	vld [tilespmem:s15+$0x45E0];
	v4 =	vmul.f32 v4, v5;
	v5 =	vmul.f32 v7, v6  }
0x5f: {  	v6 =	vld [tilespmem:s15+$0x44A0];
	v7 =	vmul.f32 v9, v8;
	v8 =	vmul.f32 v11, v10  }
0x60: {  	v9 =	vld [tilespmem:s15+$0x4B0];
	v10 =	vmul.f32 v15, v14;
	v4 =	vadd.f32 v5, v4;
	v5 =	vmul.f32 v13, v12  }
0x61: {  	v11 =	vld [tilespmem:s15+$0x44B0];
	v7 =	vadd.f32 v8, v7;
	v8 =	vmul.f32 v17, v16;
	v12 =	vmul.f32 v19, v18  }
0x62: {  	v58 =	vld [tilespmem:s15+$0x5F0];
	v52 =	vmul.f32 v41, v40;
	v5 =	vadd.f32 v10, v5  }
0x63: {  	v53 =	vmul.f32 v43, v42;
	v13 =	vld [tilespmem:s15+$0x5A0];
	v14 =	vperm.xlane v4, v0;
	v8 =	vadd.f32 v12, v8  }
0x64: {  	v17 =	vld [tilespmem:s15+$0x45B0];
	v18 =	vmul.f32 v23, v22;
	v16 =	vperm.xlane v5, v0  }
0x65: {  	v10 =	vld [tilespmem:s15+$0x45A0];
	v15 =	vperm.xlane v7, v0;
	v4 =	vadd.f32 v4, v14;
	v14 =	vperm.xlane v8, v0  }
0x66: {  	v12 =	vld [tilespmem:s15+$0x5B0];
	v6 =	vmul.f32 v6, v44;
	v9 =	vmul.f32 v11, v9;
	v5 =	vadd.f32 v5, v16  }
0x67: {  	v11 =	vld [tilespmem:s15+$0x45F0];
	v16 =	vmul.f32 v21, v20;
	v8 =	vadd.f32 v8, v14;
	v14 =	vmul.f32 v25, v24  }
0x68: {  	v7 =	vadd.f32 v7, v15;
	v20 =	vmul.f32 v27, v26;
	v25 =	vld [tilespmem:s15+$0x570];
	v26 =	vmul.f32 v29, v28  }
0x69: {  	v27 =	vmul.f32 v31, v30;
	v28 =	vld [tilespmem:s15+$0x4570];
	v29 =	vmul.f32 v35, v34  }
0x6a: {  	v4 =	vsel vm2, v4, v7;
	v30 =	vld [tilespmem:s15+$0x4E0];
	v31 =	vmul.f32 v39, v38;
	v10 =	vmul.f32 v10, v13  }
0x6b: {  	v12 =	vmul.f32 v17, v12;
	v7 =	vadd.f32 v18, v16;
	v14 =	vadd.f32 v20, v14;
	v16 =	vld [tilespmem:s15+$0x560]  }
0x6c: {  	v5 =	vsel vm2, v5, v8;
	v8 =	vld [tilespmem:s15+$0x4560];
	v18 =	vperm.xlane v4, v1;
	v11 =	vmul.f32 v11, v58  }
0x6d: {  	v19 =	vld [tilespmem:s15+$0x4460];
	v6 =	vadd.f32 v9, v6;
	v20 =	vperm.xlane v5, v1;
	v23 =	vperm.xlane v7, v0  }
0x6e: {  	v22 =	vld [tilespmem:s15+$0x4470];
	v10 =	vadd.f32 v12, v10;
	v24 =	vperm.xlane v14, v0;
	v4 =	vadd.f32 v18, v4  }
0x6f: {  	v18 =	vadd.f32 v27, v26;
	v27 =	vld [tilespmem:s15+$0x5E0];
	v9 =	vmul.f32 v51, v30;
	v7 =	vadd.f32 v7, v23  }
0x70: {  	v15 =	vld [tilespmem:s15+$0x460];
	v23 =	vmul.f32 v33, v32;
	v14 =	vadd.f32 v14, v24;
	v24 =	vmul.f32 v37, v36  }
0x71: {  	v21 =	vld [tilespmem:s15+$0x470];
	v5 =	vadd.f32 v20, v5;
	v8 =	vmul.f32 v8, v16;
	v16 =	vmul.f32 v28, v25  }
0x72: {  	v26 =	vld [tilespmem:s15+$0x44F0];
	v23 =	vadd.f32 v29, v23;
	v7 =	vsel vm2, v7, v14;
	v14 =	vadd.f32 v31, v24  }
0x73: {  	v24 =	vadd.f32 v53, v52;
	v31 =	vperm.xlane v18, v0;
	v29 =	vperm.xlane v7, v1  }
0x74: {  	v12 =	vmul.f32 v56, v27;
	v8 =	vadd.f32 v16, v8;
	v20 =	vperm.xlane v14, v0  }
0x75: {  	v55 =	vperm.xlane v23, v0;
	v57 =	vperm.xlane v24, v0;
	v18 =	vadd.f32 v18, v31  }
0x76: {  	v7 =	vadd.f32 v29, v7;
	v13 =	vadd.f32 v14, v20;
	v14 =	vmul.f32 v19, v15  }
0x77: {  	v11 =	vadd.f32 v11, v12;
	v15 =	vmul.f32 v22, v21;
	v19 =	vmul.f32 v26, v54  }
0x78: {  	v16 =	vperm.xlane v8, v0;
	v23 =	vadd.f32 v23, v55;
	v17 =	vadd.f32 v24, v57  }
0x79: {  	v14 =	vadd.f32 v15, v14;
	v15 =	vperm.xlane v10, v0;
	v9 =	vadd.f32 v19, v9  }
0x7a: {  	v20 =	vperm.xlane v6, v0;
	v8 =	vadd.f32 v8, v16;
	v19 =	vperm.xlane v11, v0  }
0x7b: {  	v12 =	vperm.xlane v14, v0;
	v10 =	vadd.f32 v10, v15;
	v15 =	vperm.xlane v9, v0  }
0x7c: {  	v6 =	vadd.f32 v6, v20;
	v13 =	vsel vm2, v13, v17;
	v11 =	vadd.f32 v11, v19  }
0x7d: {  	v12 =	vadd.f32 v14, v12;
	v14 =	vsel vm2, v18, v23;
	v9 =	vadd.f32 v9, v15  }
0x7e: {  	v6 =	vsel vm2, v6, v10;
	v15 =	vperm.xlane v13, v1;
	v10 =	vperm.xlane v14, v1  }
0x7f: {  	v8 =	vsel vm2, v12, v8;
	v9 =	vsel vm2, v9, v11;
	v11 =	vperm.xlane v6, v1  }
0x80: {  	v10 =	vadd.f32 v10, v14;
	v12 =	vperm.xlane v8, v1;
	v14 =	vperm.xlane v9, v1  }
0x81: {  	v13 =	vadd.f32 v15, v13;
	v6 =	vadd.f32 v11, v6  }
0x82: {  	v4 =	vsel vm0, v4, v5;
	v8 =	vadd.f32 v12, v8;
	v9 =	vadd.f32 v14, v9  }
0x83: {  	v5 =	vsel vm0, v7, v10;
	v7 =	vperm.xlane v4, v2  }
0x84: {  	v6 =	vsel vm0, v13, v6;
	v8 =	vsel vm0, v8, v9;
	v9 =	vperm.xlane v5, v2  }
0x85: {  	v10 =	vperm.xlane v6, v2;
	v11 =	vperm.xlane v8, v2  }
0x86: {  	v4 =	vadd.f32 v7, v4;
	v5 =	vadd.f32 v9, v5  }
0x87: {  	v6 =	vadd.f32 v10, v6;
	v7 =	vadd.f32 v11, v8;
	_ =	sdelay $0x1  }
0x88: {  	v4 =	vsel vm1, v4, v5;
	v5 =	vsel vm1, v6, v7  }
0x89: {  	v6 =	vperm.xlane v4, v3;
	v7 =	vperm.xlane v5, v3;
	_ =	sdelay $0x1  }
0x8a: {  	v4 =	vadd.f32 v6, v4;
	v5 =	vadd.f32 v7, v5;
	_ =	sdelay $0x1  }
0x8b: {  	v4 =	vsel vm3, v4, v5  }
0x8c: {  	s14 =	simm.s32 $0x200;
	[tilespmem:s31+$0x0] =	vst v4  }
0x8d: {  	v5 =	vld [tilespmem:s14+$0x4400]  }
0x8e: {  	v6 =	vld [tilespmem:s14+$0x400]  }
0x8f: {  	v7 =	vld [tilespmem:s14+$0x410]  }
0x90: {  	v8 =	vld [tilespmem:s14+$0x4410]  }
0x91: {  	v9 =	vld [tilespmem:s14+$0x500]  }
0x92: {  	v10 =	vld [tilespmem:s14+$0x4500]  }
0x93: {  	v11 =	vld [tilespmem:s14+$0x510]  }
0x94: {  	v12 =	vld [tilespmem:s14+$0x4510]  }
0x95: {  	v13 =	vld [tilespmem:s14+$0x480]  }
0x96: {  	v14 =	vld [tilespmem:s14+$0x4480]  }
0x97: {  	v15 =	vld [tilespmem:s14+$0x490]  }
0x98: {  	v16 =	vld [tilespmem:s14+$0x4490]  }
0x99: {  	v17 =	vld [tilespmem:s14+$0x580]  }
0x9a: {  	v18 =	vld [tilespmem:s14+$0x4580]  }
0x9b: {  	v19 =	vld [tilespmem:s14+$0x590]  }
0x9c: {  	v20 =	vld [tilespmem:s14+$0x4590]  }
0x9d: {  	v21 =	vld [tilespmem:s14+$0x440]  }
0x9e: {  	v22 =	vld [tilespmem:s14+$0x4440]  }
0x9f: {  	v23 =	vld [tilespmem:s14+$0x450]  }
0xa0: {  	v24 =	vld [tilespmem:s14+$0x4450]  }
0xa1: {  	v25 =	vld [tilespmem:s14+$0x540]  }
0xa2: {  	v26 =	vld [tilespmem:s14+$0x4540]  }
0xa3: {  	v27 =	vld [tilespmem:s14+$0x550]  }
0xa4: {  	v28 =	vld [tilespmem:s14+$0x4550]  }
0xa5: {  	v29 =	vld [tilespmem:s14+$0x4C0]  }
0xa6: {  	v30 =	vld [tilespmem:s14+$0x44C0]  }
0xa7: {  	v31 =	vld [tilespmem:s14+$0x4D0]  }
0xa8: {  	v59 =	vld [tilespmem:s14+$0x44D0]  }
0xa9: {  	v60 =	vld [tilespmem:s14+$0x5C0]  }
0xaa: {  	v61 =	vld [tilespmem:s14+$0x45C0]  }
0xab: {  	v62 =	vld [tilespmem:s14+$0x5D0]  }
0xac: {  	v63 =	vld [tilespmem:s14+$0x45D0]  }
0xad: {  	v48 =	vld [tilespmem:s14+$0x420]  }
0xae: {  	v49 =	vld [tilespmem:s14+$0x4420]  }
0xaf: {  	v50 =	vld [tilespmem:s14+$0x430]  }
0xb0: {  	v51 =	vld [tilespmem:s14+$0x4430]  }
0xb1: {  	v52 =	vld [tilespmem:s14+$0x520]  }
0xb2: {  	v53 =	vld [tilespmem:s14+$0x4520]  }
0xb3: {  	v54 =	vld [tilespmem:s14+$0x530]  }
0xb4: {  	v55 =	vld [tilespmem:s14+$0x4530]  }
0xb5: {  	v4 =	vld [tilespmem:s14+$0x4A0]  }
0xb6: {  	v45 =	vmul.f32 v5, v6;
	v7 =	vmul.f32 v8, v7;
	v5 =	vld [tilespmem:s14+$0x44A0]  }
0xb7: {  	v8 =	vmul.f32 v10, v9;
	v9 =	vmul.f32 v12, v11;
	v6 =	vld [tilespmem:s14+$0x4B0]  }
0xb8: {  	v10 =	vmul.f32 v14, v13;
	v11 =	vmul.f32 v16, v15;
	v45 =	vadd.f32 v7, v45;
	v7 =	vld [tilespmem:s14+$0x44B0]  }
0xb9: {  	v9 =	vadd.f32 v9, v8;
	v8 =	vld [tilespmem:s14+$0x5A0]  }
0xba: {  	v12 =	vmul.f32 v18, v17;
	v13 =	vmul.f32 v20, v19;
	v14 =	vadd.f32 v11, v10;
	v10 =	vld [tilespmem:s14+$0x45A0]  }
0xbb: {  	v19 =	vmul.f32 v22, v21;
	v21 =	vmul.f32 v24, v23;
	v11 =	vld [tilespmem:s14+$0x5B0]  }
0xbc: {  	v22 =	vmul.f32 v26, v25;
	v23 =	vmul.f32 v28, v27;
	v17 =	vadd.f32 v13, v12;
	v12 =	vld [tilespmem:s14+$0x45B0]  }
0xbd: {  	v27 =	vmul.f32 v30, v29;
	v28 =	vmul.f32 v59, v31;
	v13 =	vld [tilespmem:s14+$0x460]  }
0xbe: {  	v24 =	vadd.f32 v23, v22;
	v22 =	vld [tilespmem:s14+$0x4570];
	v15 =	vperm.xlane v45, v0;
	v16 =	vperm.xlane v9, v0  }
0xbf: {  	v29 =	vmul.f32 v61, v60;
	v30 =	vmul.f32 v63, v62;
	v33 =	vadd.f32 v28, v27;
	v27 =	vld [tilespmem:s14+$0x5E0]  }
0xc0: {  	v28 =	vld [tilespmem:s14+$0x45E0];
	v18 =	vperm.xlane v14, v0;
	v15 =	vadd.f32 v45, v15;
	v9 =	vadd.f32 v9, v16  }
0xc1: {  	v31 =	vadd.f32 v30, v29;
	v30 =	vld [tilespmem:s14+$0x5F0];
	v25 =	vperm.xlane v24, v0  }
0xc2: {  	v20 =	vadd.f32 v14, v18;
	v14 =	vld [tilespmem:s14+$0x4460];
	v9 =	vsel vm2, v15, v9;
	v15 =	vadd.f32 v21, v19  }
0xc3: {  	v18 =	vld [tilespmem:s14+$0x4470]  }
0xc4: {  	v16 =	vperm.xlane v17, v0;
	v57 =	vadd.f32 v24, v25;
	v24 =	vld [tilespmem:s14+$0x44E0];
	v23 =	vperm.xlane v15, v0  }
0xc5: {  	v58 =	vmul.f32 v49, v48;
	v59 =	vmul.f32 v51, v50;
	v25 =	vld [tilespmem:s14+$0x4F0]  }
0xc6: {  	v60 =	vmul.f32 v53, v52;
	v16 =	vadd.f32 v17, v16;
	v17 =	vld [tilespmem:s14+$0x470];
	v15 =	vadd.f32 v15, v23  }
0xc7: {  	v61 =	vmul.f32 v55, v54;
	v32 =	vadd.f32 v59, v58;
	v37 =	vperm.xlane v33, v0;
	v19 =	vld [tilespmem:s14+$0x560]  }
0xc8: {  	v21 =	vld [tilespmem:s14+$0x570];
	v26 =	vperm.xlane v9, v1;
	v16 =	vsel vm2, v20, v16;
	v62 =	vsel vm2, v15, v57  }
0xc9: {  	v29 =	vadd.f32 v61, v60;
	v20 =	vld [tilespmem:s14+$0x4560];
	v56 =	vperm.xlane v16, v1;
	v63 =	vperm.xlane v62, v1  }
0xca: {  	v35 =	vperm.xlane v31, v0;
	v36 =	vperm.xlane v32, v0;
	v9 =	vadd.f32 v26, v9;
	v26 =	vld [tilespmem:s14+$0x44F0]  }
0xcb: {  	s13 =	simm.s32 $0x8400;
	s15 =	simm.s32 $0x1000;
	v34 =	vperm.xlane v29, v0;
	v23 =	vld [tilespmem:s14+$0x4E0];
	v15 =	vadd.f32 v56, v16;
	v16 =	vadd.f32 v63, v62  }
.LBB2_2:
0xcc: {  	p0 =	sne.s32 s15, $0x3800;
	v33 =	vadd.f32 v33, v37;
	v4 =	vmul.f32 v5, v4;
	v5 =	vmul.f32 v7, v6;
	v6 =	vld [tilespmem:s14+$0x45F0]  }
0xcd: {  	v7 =	vadd.f32 v31, v35;
	v8 =	vmul.f32 v10, v8;
	v10 =	vmul.f32 v12, v11  }
0xce: {  	v12 =	vmul.f32 v14, v13;
	v13 =	vmul.f32 v18, v17;
	v11 =	vadd.f32 v32, v36  }
0xcf: {  	v17 =	vmul.f32 v20, v19;
	v18 =	vmul.f32 v22, v21;
	v14 =	vadd.f32 v29, v34  }
0xd0: {  	v19 =	vmul.f32 v26, v25;
	v4 =	vadd.f32 v5, v4;
	v5 =	vmul.f32 v24, v23  }
0xd1: {  	v8 =	vadd.f32 v10, v8;
	v10 =	vmul.f32 v28, v27;
	v6 =	vmul.f32 v6, v30  }
0xd2: {  	v12 =	vadd.f32 v13, v12;
	v13 =	vadd.f32 v18, v17;
	v20 =	vperm.xlane v4, v0  }
0xd3: {  	v17 =	vperm.xlane v8, v0;
	v5 =	vadd.f32 v19, v5;
	v6 =	vadd.f32 v6, v10  }
0xd4: {  	v18 =	vperm.xlane v13, v0;
	v4 =	vadd.f32 v4, v20;
	v10 =	vperm.xlane v12, v0  }
0xd5: {  	v8 =	vadd.f32 v8, v17;
	v17 =	vperm.xlane v5, v0;
	v19 =	vperm.xlane v6, v0  }
0xd6: {  	v7 =	vsel vm2, v33, v7;
	v10 =	vadd.f32 v12, v10;
	v12 =	vadd.f32 v13, v18  }
0xd7: {  	v11 =	vsel vm2, v11, v14;
	v5 =	vadd.f32 v5, v17;
	v6 =	vadd.f32 v6, v19  }
0xd8: {  	v4 =	vsel vm2, v4, v8;
	v8 =	vperm.xlane v7, v1;
	v13 =	vperm.xlane v11, v1  }
0xd9: {  	v10 =	vsel vm2, v10, v12;
	v5 =	vsel vm2, v5, v6;
	v6 =	vperm.xlane v4, v1  }
0xda: {  	v7 =	vadd.f32 v8, v7;
	v8 =	vperm.xlane v10, v1;
	v12 =	vperm.xlane v5, v1  }
0xdb: {  	v11 =	vadd.f32 v13, v11;
	v4 =	vadd.f32 v6, v4  }
0xdc: {  	v6 =	vadd.f32 v8, v10;
	v8 =	vsel vm0, v9, v15;
	v5 =	vadd.f32 v12, v5  }
0xdd: {  	v7 =	vsel vm0, v16, v7;
	v9 =	vperm.xlane v8, v2  }
0xde: {  	v4 =	vsel vm0, v11, v4;
	v5 =	vsel vm0, v6, v5;
	v6 =	vperm.xlane v7, v2  }
0xdf: {  	v10 =	vperm.xlane v4, v2;
	v11 =	vperm.xlane v5, v2  }
0xe0: {  	v8 =	vadd.f32 v9, v8;
	v6 =	vadd.f32 v6, v7  }
0xe1: {  	v4 =	vadd.f32 v10, v4;
	v5 =	vadd.f32 v11, v5;
	_ =	sdelay $0x1  }
0xe2: {  	v6 =	vsel vm1, v8, v6;
	v4 =	vsel vm1, v4, v5  }
0xe3: {  	v5 =	vperm.xlane v6, v3;
	v7 =	vperm.xlane v4, v3;
	_ =	sdelay $0x1  }
0xe4: {  	v5 =	vadd.f32 v5, v6;
	v4 =	vadd.f32 v7, v4;
	_ =	sdelay $0x1  }
0xe5: {  	s13 =	sadd.s32 $0x10, s13;
	v4 =	vsel vm3, v5, v4  }
0xe6: {  	s14 =	sshra.s32 s15, $0x2;
	[tilespmem:s13+$0x0] =	vst v4  }
0xe7: {  	v5 =	vld [tilespmem:s14+$0x4400]  }
0xe8: {  	v6 =	vld [tilespmem:s14+$0x400]  }
0xe9: {  	v7 =	vld [tilespmem:s14+$0x410]  }
0xea: {  	v8 =	vld [tilespmem:s14+$0x4410]  }
0xeb: {  	v9 =	vld [tilespmem:s14+$0x500]  }
0xec: {  	v10 =	vld [tilespmem:s14+$0x4500]  }
0xed: {  	v11 =	vld [tilespmem:s14+$0x510]  }
0xee: {  	v12 =	vld [tilespmem:s14+$0x4510]  }
0xef: {  	v13 =	vld [tilespmem:s14+$0x480]  }
0xf0: {  	v14 =	vld [tilespmem:s14+$0x4480]  }
0xf1: {  	v15 =	vld [tilespmem:s14+$0x490]  }
0xf2: {  	v16 =	vld [tilespmem:s14+$0x4490]  }
0xf3: {  	v17 =	vld [tilespmem:s14+$0x580]  }
0xf4: {  	v18 =	vld [tilespmem:s14+$0x4580]  }
0xf5: {  	v19 =	vld [tilespmem:s14+$0x590]  }
0xf6: {  	v20 =	vld [tilespmem:s14+$0x4590]  }
0xf7: {  	v21 =	vld [tilespmem:s14+$0x440]  }
0xf8: {  	v22 =	vld [tilespmem:s14+$0x4440]  }
0xf9: {  	v23 =	vld [tilespmem:s14+$0x450]  }
0xfa: {  	v24 =	vld [tilespmem:s14+$0x4450]  }
0xfb: {  	v25 =	vld [tilespmem:s14+$0x540]  }
0xfc: {  	v26 =	vld [tilespmem:s14+$0x4540]  }
0xfd: {  	v27 =	vld [tilespmem:s14+$0x550]  }
0xfe: {  	v28 =	vld [tilespmem:s14+$0x4550]  }
0xff: {  	v29 =	vld [tilespmem:s14+$0x4C0]  }
0x100: {  	v30 =	vld [tilespmem:s14+$0x44C0]  }
0x101: {  	v31 =	vld [tilespmem:s14+$0x4D0]  }
0x102: {  	v32 =	vld [tilespmem:s14+$0x44D0]  }
0x103: {  	v33 =	vld [tilespmem:s14+$0x5C0]  }
0x104: {  	v34 =	vld [tilespmem:s14+$0x45C0]  }
0x105: {  	v35 =	vld [tilespmem:s14+$0x5D0]  }
0x106: {  	v36 =	vld [tilespmem:s14+$0x45D0]  }
0x107: {  	v37 =	vld [tilespmem:s14+$0x420]  }
0x108: {  	v38 =	vld [tilespmem:s14+$0x4420]  }
0x109: {  	v39 =	vld [tilespmem:s14+$0x430]  }
0x10a: {  	v40 =	vld [tilespmem:s14+$0x4430]  }
0x10b: {  	v41 =	vld [tilespmem:s14+$0x520]  }
0x10c: {  	v42 =	vld [tilespmem:s14+$0x4520]  }
0x10d: {  	v43 =	vld [tilespmem:s14+$0x530]  }
0x10e: {  	v44 =	vld [tilespmem:s14+$0x4530]  }
0x10f: {  	v4 =	vld [tilespmem:s14+$0x4A0]  }
0x110: {  	v45 =	vmul.f32 v5, v6;
	v7 =	vmul.f32 v8, v7;
	v5 =	vld [tilespmem:s14+$0x44A0]  }
0x111: {  	v8 =	vmul.f32 v10, v9;
	v9 =	vmul.f32 v12, v11;
	v6 =	vld [tilespmem:s14+$0x4B0]  }
0x112: {  	v45 =	vadd.f32 v7, v45;
	v10 =	vmul.f32 v14, v13;
	v11 =	vmul.f32 v16, v15;
	v7 =	vld [tilespmem:s14+$0x44B0]  }
0x113: {  	v9 =	vadd.f32 v9, v8;
	v12 =	vmul.f32 v18, v17;
	v13 =	vmul.f32 v20, v19;
	v8 =	vld [tilespmem:s14+$0x5A0]  }
0x114: {  	v14 =	vadd.f32 v11, v10;
	v10 =	vld [tilespmem:s14+$0x45A0]  }
0x115: {  	v15 =	vperm.xlane v45, v0;
	v16 =	vperm.xlane v9, v0;
	v17 =	vadd.f32 v13, v12;
	v11 =	vld [tilespmem:s14+$0x5B0]  }
0x116: {  	v18 =	vperm.xlane v14, v0;
	v12 =	vld [tilespmem:s14+$0x45B0]  }
0x117: {  	v15 =	vadd.f32 v45, v15;
	v9 =	vadd.f32 v9, v16;
	v16 =	vperm.xlane v17, v0;
	v13 =	vld [tilespmem:s14+$0x460]  }
0x118: {  	v20 =	vadd.f32 v14, v18;
	v19 =	vmul.f32 v22, v21;
	v21 =	vmul.f32 v24, v23;
	v14 =	vld [tilespmem:s14+$0x4460]  }
0x119: {  	v16 =	vadd.f32 v17, v16;
	v22 =	vmul.f32 v26, v25;
	v23 =	vmul.f32 v28, v27;
	v17 =	vld [tilespmem:s14+$0x470]  }
0x11a: {  	v9 =	vsel vm2, v15, v9;
	v18 =	vld [tilespmem:s14+$0x4470]  }
0x11b: {  	v15 =	vadd.f32 v21, v19;
	v16 =	vsel vm2, v20, v16;
	v24 =	vadd.f32 v23, v22;
	v19 =	vld [tilespmem:s14+$0x560]  }
0x11c: {  	v26 =	vperm.xlane v9, v1;
	v45 =	vperm.xlane v16, v1;
	v20 =	vld [tilespmem:s14+$0x4560]  }
0x11d: {  	v23 =	vperm.xlane v15, v0;
	v25 =	vperm.xlane v24, v0;
	v21 =	vld [tilespmem:s14+$0x570]  }
0x11e: {  	v27 =	vmul.f32 v30, v29;
	v28 =	vmul.f32 v32, v31;
	v22 =	vld [tilespmem:s14+$0x4570]  }
0x11f: {  	v15 =	vadd.f32 v15, v23;
	v29 =	vmul.f32 v34, v33;
	v30 =	vmul.f32 v36, v35;
	v23 =	vld [tilespmem:s14+$0x4E0]  }
0x120: {  	v32 =	vadd.f32 v24, v25;
	v34 =	vmul.f32 v38, v37;
	v35 =	vmul.f32 v40, v39;
	v24 =	vld [tilespmem:s14+$0x44E0]  }
.Ltmp0:
0x121: {  	v9 =	vadd.f32 v26, v9;
	v36 =	vmul.f32 v42, v41;
	v37 =	vmul.f32 v44, v43;
	v25 =	vld [tilespmem:s14+$0x4F0];
	(pc) =	sbr.rel @p0 .LBB2_2-.Ltmp0, $4  }
0x122: {  	v33 =	vadd.f32 v28, v27;
	v31 =	vadd.f32 v30, v29;
	v38 =	vsel vm2, v15, v32;
	v26 =	vld [tilespmem:s14+$0x44F0]  }
0x123: {  	v39 =	vperm.xlane v38, v1;
	v32 =	vadd.f32 v35, v34;
	v29 =	vadd.f32 v37, v36;
	v27 =	vld [tilespmem:s14+$0x5E0]  }
0x124: {  	v15 =	vadd.f32 v45, v16;
	v35 =	vperm.xlane v31, v0;
	v37 =	vperm.xlane v33, v0;
	v28 =	vld [tilespmem:s14+$0x45E0]  }
0x125: {  	s15 =	sadd.s32 $0x800, s15;
	v16 =	vadd.f32 v39, v38;
	v36 =	vperm.xlane v32, v0;
	v34 =	vperm.xlane v29, v0;
	v30 =	vld [tilespmem:s14+$0x5F0]  }
0x126: {  	v4 =	vmul.f32 v5, v4  }
0x127: {  	v5 =	vmul.f32 v7, v6;
	v6 =	vld [tilespmem:s14+$0x45F0];
	v8 =	vmul.f32 v10, v8  }
0x128: {  	v33 =	vadd.f32 v33, v37;
	v10 =	vmul.f32 v12, v11;
	v12 =	vmul.f32 v14, v13  }
0x129: {  	v7 =	vadd.f32 v31, v35;
	v13 =	vmul.f32 v18, v17;
	v17 =	vmul.f32 v20, v19  }
0x12a: {  	v18 =	vmul.f32 v22, v21;
	v11 =	vadd.f32 v32, v36;
	v19 =	vmul.f32 v26, v25  }
0x12b: {  	v4 =	vadd.f32 v5, v4;
	v5 =	vmul.f32 v24, v23;
	v8 =	vadd.f32 v10, v8  }
0x12c: {  	v12 =	vadd.f32 v13, v12;
	v10 =	vmul.f32 v28, v27;
	v6 =	vmul.f32 v6, v30  }
0x12d: {  	v13 =	vadd.f32 v18, v17;
	v17 =	vperm.xlane v8, v0;
	v5 =	vadd.f32 v19, v5  }
0x12e: {  	v14 =	vadd.f32 v29, v34;
	v20 =	vperm.xlane v4, v0;
	v6 =	vadd.f32 v6, v10  }
0x12f: {  	v8 =	vadd.f32 v8, v17;
	v17 =	vperm.xlane v5, v0;
	v10 =	vperm.xlane v12, v0  }
0x130: {  	v18 =	vperm.xlane v13, v0;
	v4 =	vadd.f32 v4, v20;
	v19 =	vperm.xlane v6, v0  }
0x131: {  	v7 =	vsel vm2, v33, v7;
	v5 =	vadd.f32 v5, v17;
	v10 =	vadd.f32 v12, v10  }
0x132: {  	v11 =	vsel vm2, v11, v14;
	v12 =	vadd.f32 v13, v18;
	v6 =	vadd.f32 v6, v19  }
0x133: {  	v4 =	vsel vm2, v4, v8;
	v8 =	vperm.xlane v7, v1;
	v13 =	vperm.xlane v11, v1  }
0x134: {  	v10 =	vsel vm2, v10, v12;
	v5 =	vsel vm2, v5, v6;
	v6 =	vperm.xlane v4, v1  }
0x135: {  	v7 =	vadd.f32 v8, v7;
	v8 =	vperm.xlane v10, v1;
	v12 =	vperm.xlane v5, v1  }
0x136: {  	v11 =	vadd.f32 v13, v11;
	v4 =	vadd.f32 v6, v4  }
0x137: {  	v6 =	vadd.f32 v8, v10;
	v8 =	vsel vm0, v9, v15;
	v5 =	vadd.f32 v12, v5  }
0x138: {  	v7 =	vsel vm0, v16, v7;
	v9 =	vperm.xlane v8, v2  }
0x139: {  	v4 =	vsel vm0, v11, v4;
	v5 =	vsel vm0, v6, v5;
	v6 =	vperm.xlane v7, v2  }
0x13a: {  	v10 =	vperm.xlane v4, v2;
	v11 =	vperm.xlane v5, v2  }
0x13b: {  	v8 =	vadd.f32 v9, v8;
	v6 =	vadd.f32 v6, v7  }
0x13c: {  	v4 =	vadd.f32 v10, v4;
	v5 =	vadd.f32 v11, v5;
	_ =	sdelay $0x1  }
0x13d: {  	v6 =	vsel vm1, v8, v6;
	v4 =	vsel vm1, v4, v5  }
0x13e: {  	v5 =	vperm.xlane v6, v3;
	v7 =	vperm.xlane v4, v3;
	_ =	sdelay $0x1  }
0x13f: {  	v5 =	vadd.f32 v5, v6;
	v4 =	vadd.f32 v7, v4;
	_ =	sdelay $0x1  }
0x140: {  	s13 =	sadd.s32 $0x10, s13;
	v4 =	vsel vm3, v5, v4  }
0x141: {  	[tilespmem:s13+$0x0] =	vst v4  }
0x142: {  	_ =	swait.ge [sflag:s28], $0x1000  }
0x143: {  	[sflag:s28] =	ssyncset.done $0x0  }
0x144: {  	[sflag:s28] =	ssyncadd.s32 $0xFFFFF000  }
0x145: {  	_ =	swait.ge [sflag:s28], $0x1000  }
0x146: {  	[sflag:s28] =	ssyncset.done $0x0  }
0x147: {  	s15 =	simm.s32 $0x0;
	[sflag:s28] =	ssyncadd.s32 $0xFFFFF000  }
0x148: {  	v4 =	vld [tilespmem:s15+$0x5400]  }
0x149: {  	v5 =	vld [tilespmem:s15+$0x1400]  }
0x14a: {  	v6 =	vld [tilespmem:s15+$0x1410]  }
0x14b: {  	v7 =	vld [tilespmem:s15+$0x5410]  }
0x14c: {  	v8 =	vld [tilespmem:s15+$0x1500]  }
0x14d: {  	v9 =	vld [tilespmem:s15+$0x5500]  }
0x14e: {  	v10 =	vld [tilespmem:s15+$0x1510]  }
0x14f: {  	v11 =	vld [tilespmem:s15+$0x5510]  }
0x150: {  	v12 =	vld [tilespmem:s15+$0x1480]  }
0x151: {  	v13 =	vld [tilespmem:s15+$0x5480]  }
0x152: {  	v14 =	vld [tilespmem:s15+$0x1490]  }
0x153: {  	v15 =	vld [tilespmem:s15+$0x5490]  }
0x154: {  	v16 =	vld [tilespmem:s15+$0x1580]  }
0x155: {  	v17 =	vld [tilespmem:s15+$0x5580]  }
0x156: {  	v18 =	vld [tilespmem:s15+$0x1590]  }
0x157: {  	v19 =	vld [tilespmem:s15+$0x5590]  }
0x158: {  	v20 =	vld [tilespmem:s15+$0x1440]  }
0x159: {  	v21 =	vld [tilespmem:s15+$0x5440]  }
0x15a: {  	v22 =	vld [tilespmem:s15+$0x1450]  }
0x15b: {  	v23 =	vld [tilespmem:s15+$0x5450]  }
0x15c: {  	v24 =	vld [tilespmem:s15+$0x1540]  }
0x15d: {  	v25 =	vld [tilespmem:s15+$0x5540]  }
0x15e: {  	v26 =	vld [tilespmem:s15+$0x1550]  }
0x15f: {  	v27 =	vld [tilespmem:s15+$0x5550]  }
0x160: {  	v28 =	vld [tilespmem:s15+$0x14C0]  }
0x161: {  	v29 =	vld [tilespmem:s15+$0x54C0]  }
0x162: {  	v30 =	vld [tilespmem:s15+$0x14D0]  }
0x163: {  	v31 =	vld [tilespmem:s15+$0x54D0]  }
0x164: {  	v61 =	vld [tilespmem:s15+$0x15C0]  }
0x165: {  	v62 =	vld [tilespmem:s15+$0x55C0]  }
0x166: {  	v63 =	vld [tilespmem:s15+$0x15D0]  }
0x167: {  	v48 =	vld [tilespmem:s15+$0x55D0]  }
0x168: {  	v49 =	vld [tilespmem:s15+$0x1420]  }
0x169: {  	v50 =	vld [tilespmem:s15+$0x5420]  }
0x16a: {  	v38 =	vld [tilespmem:s15+$0x1430]  }
0x16b: {  	v39 =	vld [tilespmem:s15+$0x5430]  }
0x16c: {  	v40 =	vld [tilespmem:s15+$0x1520]  }
0x16d: {  	v41 =	vld [tilespmem:s15+$0x5520]  }
0x16e: {  	v42 =	vld [tilespmem:s15+$0x1530]  }
0x16f: {  	v43 =	vld [tilespmem:s15+$0x5530]  }
0x170: {  	v44 =	vld [tilespmem:s15+$0x14A0]  }
0x171: {  	v51 =	vld [tilespmem:s15+$0x54E0]  }
0x172: {  	v54 =	vld [tilespmem:s15+$0x14F0]  }
0x173: {  	v56 =	vld [tilespmem:s15+$0x55E0];
	v4 =	vmul.f32 v4, v5;
	v5 =	vmul.f32 v7, v6  }
0x174: {  	v6 =	vld [tilespmem:s15+$0x54A0];
	v7 =	vmul.f32 v9, v8;
	v8 =	vmul.f32 v11, v10  }
0x175: {  	v9 =	vld [tilespmem:s15+$0x14B0];
	v10 =	vmul.f32 v15, v14;
	v4 =	vadd.f32 v5, v4;
	v5 =	vmul.f32 v13, v12  }
0x176: {  	v11 =	vld [tilespmem:s15+$0x54B0];
	v7 =	vadd.f32 v8, v7;
	v8 =	vmul.f32 v17, v16;
	v12 =	vmul.f32 v19, v18  }
0x177: {  	v58 =	vld [tilespmem:s15+$0x15F0];
	v52 =	vmul.f32 v41, v40;
	v5 =	vadd.f32 v10, v5  }
0x178: {  	v53 =	vmul.f32 v43, v42;
	v13 =	vld [tilespmem:s15+$0x15A0];
	v14 =	vperm.xlane v4, v0;
	v8 =	vadd.f32 v12, v8  }
0x179: {  	v17 =	vld [tilespmem:s15+$0x55B0];
	v18 =	vmul.f32 v23, v22;
	v16 =	vperm.xlane v5, v0  }
0x17a: {  	v10 =	vld [tilespmem:s15+$0x55A0];
	v15 =	vperm.xlane v7, v0;
	v4 =	vadd.f32 v4, v14;
	v14 =	vperm.xlane v8, v0  }
0x17b: {  	v12 =	vld [tilespmem:s15+$0x15B0];
	v6 =	vmul.f32 v6, v44;
	v9 =	vmul.f32 v11, v9;
	v5 =	vadd.f32 v5, v16  }
0x17c: {  	v11 =	vld [tilespmem:s15+$0x55F0];
	v16 =	vmul.f32 v21, v20;
	v8 =	vadd.f32 v8, v14;
	v14 =	vmul.f32 v25, v24  }
0x17d: {  	v7 =	vadd.f32 v7, v15;
	v20 =	vmul.f32 v27, v26;
	v25 =	vld [tilespmem:s15+$0x1570];
	v26 =	vmul.f32 v29, v28  }
0x17e: {  	v27 =	vmul.f32 v31, v30;
	v28 =	vld [tilespmem:s15+$0x5570];
	v29 =	vmul.f32 v48, v63  }
0x17f: {  	v4 =	vsel vm2, v4, v7;
	v30 =	vld [tilespmem:s15+$0x14E0];
	v31 =	vmul.f32 v39, v38;
	v10 =	vmul.f32 v10, v13  }
0x180: {  	v12 =	vmul.f32 v17, v12;
	v7 =	vadd.f32 v18, v16;
	v14 =	vadd.f32 v20, v14;
	v16 =	vld [tilespmem:s15+$0x1560]  }
0x181: {  	v5 =	vsel vm2, v5, v8;
	v8 =	vld [tilespmem:s15+$0x5560];
	v18 =	vperm.xlane v4, v1;
	v11 =	vmul.f32 v11, v58  }
0x182: {  	v19 =	vld [tilespmem:s15+$0x5460];
	v6 =	vadd.f32 v9, v6;
	v20 =	vperm.xlane v5, v1;
	v23 =	vperm.xlane v7, v0  }
0x183: {  	v22 =	vld [tilespmem:s15+$0x5470];
	v10 =	vadd.f32 v12, v10;
	v24 =	vperm.xlane v14, v0;
	v4 =	vadd.f32 v18, v4  }
0x184: {  	v18 =	vadd.f32 v27, v26;
	v27 =	vld [tilespmem:s15+$0x15E0];
	v9 =	vmul.f32 v51, v30;
	v7 =	vadd.f32 v7, v23  }
0x185: {  	v15 =	vld [tilespmem:s15+$0x1460];
	v23 =	vmul.f32 v62, v61;
	v14 =	vadd.f32 v14, v24;
	v24 =	vmul.f32 v50, v49  }
0x186: {  	v21 =	vld [tilespmem:s15+$0x1470];
	v5 =	vadd.f32 v20, v5;
	v8 =	vmul.f32 v8, v16;
	v16 =	vmul.f32 v28, v25  }
0x187: {  	v26 =	vld [tilespmem:s15+$0x54F0];
	v23 =	vadd.f32 v29, v23;
	v7 =	vsel vm2, v7, v14;
	v14 =	vadd.f32 v31, v24  }
0x188: {  	v24 =	vadd.f32 v53, v52;
	v31 =	vperm.xlane v18, v0;
	v29 =	vperm.xlane v7, v1  }
0x189: {  	v12 =	vmul.f32 v56, v27;
	v8 =	vadd.f32 v16, v8;
	v20 =	vperm.xlane v14, v0  }
0x18a: {  	v55 =	vperm.xlane v23, v0;
	v57 =	vperm.xlane v24, v0;
	v18 =	vadd.f32 v18, v31  }
0x18b: {  	v7 =	vadd.f32 v29, v7;
	v13 =	vadd.f32 v14, v20;
	v14 =	vmul.f32 v19, v15  }
0x18c: {  	v11 =	vadd.f32 v11, v12;
	v15 =	vmul.f32 v22, v21;
	v19 =	vmul.f32 v26, v54  }
0x18d: {  	v16 =	vperm.xlane v8, v0;
	v23 =	vadd.f32 v23, v55;
	v17 =	vadd.f32 v24, v57  }
0x18e: {  	v14 =	vadd.f32 v15, v14;
	v15 =	vperm.xlane v10, v0;
	v9 =	vadd.f32 v19, v9  }
0x18f: {  	v20 =	vperm.xlane v6, v0;
	v8 =	vadd.f32 v8, v16;
	v19 =	vperm.xlane v11, v0  }
0x190: {  	v12 =	vperm.xlane v14, v0;
	v10 =	vadd.f32 v10, v15;
	v15 =	vperm.xlane v9, v0  }
0x191: {  	v6 =	vadd.f32 v6, v20;
	v13 =	vsel vm2, v13, v17;
	v11 =	vadd.f32 v11, v19  }
0x192: {  	v12 =	vadd.f32 v14, v12;
	v14 =	vsel vm2, v18, v23;
	v9 =	vadd.f32 v9, v15  }
0x193: {  	v6 =	vsel vm2, v6, v10;
	v15 =	vperm.xlane v13, v1;
	v10 =	vperm.xlane v14, v1  }
0x194: {  	v8 =	vsel vm2, v12, v8;
	v9 =	vsel vm2, v9, v11;
	v11 =	vperm.xlane v6, v1  }
0x195: {  	v10 =	vadd.f32 v10, v14;
	v12 =	vperm.xlane v8, v1;
	v14 =	vperm.xlane v9, v1  }
0x196: {  	v13 =	vadd.f32 v15, v13;
	v6 =	vadd.f32 v11, v6  }
0x197: {  	v4 =	vsel vm0, v4, v5;
	v8 =	vadd.f32 v12, v8;
	v9 =	vadd.f32 v14, v9  }
0x198: {  	v5 =	vsel vm0, v7, v10;
	v7 =	vperm.xlane v4, v2  }
0x199: {  	v6 =	vsel vm0, v13, v6;
	v8 =	vsel vm0, v8, v9;
	v9 =	vperm.xlane v5, v2  }
0x19a: {  	v10 =	vperm.xlane v6, v2;
	v11 =	vperm.xlane v8, v2  }
0x19b: {  	v4 =	vadd.f32 v7, v4;
	v5 =	vadd.f32 v9, v5  }
0x19c: {  	v6 =	vadd.f32 v10, v6;
	v7 =	vadd.f32 v11, v8;
	_ =	sdelay $0x1  }
0x19d: {  	v4 =	vsel vm1, v4, v5;
	v5 =	vsel vm1, v6, v7  }
0x19e: {  	v6 =	vperm.xlane v4, v3;
	v7 =	vperm.xlane v5, v3;
	_ =	sdelay $0x1  }
0x19f: {  	v4 =	vadd.f32 v6, v4;
	v5 =	vadd.f32 v7, v5;
	_ =	sdelay $0x1  }
0x1a0: {  	s13 =	simm.s32 $0x8480;
	v4 =	vsel vm3, v4, v5  }
0x1a1: {  	s14 =	simm.s32 $0x200;
	[tilespmem:s13+$0x0] =	vst v4  }
0x1a2: {  	v5 =	vld [tilespmem:s14+$0x5400]  }
0x1a3: {  	v6 =	vld [tilespmem:s14+$0x1400]  }
0x1a4: {  	v7 =	vld [tilespmem:s14+$0x1410]  }
0x1a5: {  	v8 =	vld [tilespmem:s14+$0x5410]  }
0x1a6: {  	v9 =	vld [tilespmem:s14+$0x1500]  }
0x1a7: {  	v10 =	vld [tilespmem:s14+$0x5500]  }
0x1a8: {  	v11 =	vld [tilespmem:s14+$0x1510]  }
0x1a9: {  	v12 =	vld [tilespmem:s14+$0x5510]  }
0x1aa: {  	v13 =	vld [tilespmem:s14+$0x1480]  }
0x1ab: {  	v14 =	vld [tilespmem:s14+$0x5480]  }
0x1ac: {  	v15 =	vld [tilespmem:s14+$0x1490]  }
0x1ad: {  	v16 =	vld [tilespmem:s14+$0x5490]  }
0x1ae: {  	v17 =	vld [tilespmem:s14+$0x1580]  }
0x1af: {  	v18 =	vld [tilespmem:s14+$0x5580]  }
0x1b0: {  	v19 =	vld [tilespmem:s14+$0x1590]  }
0x1b1: {  	v20 =	vld [tilespmem:s14+$0x5590]  }
0x1b2: {  	v21 =	vld [tilespmem:s14+$0x1440]  }
0x1b3: {  	v22 =	vld [tilespmem:s14+$0x5440]  }
0x1b4: {  	v23 =	vld [tilespmem:s14+$0x1450]  }
0x1b5: {  	v24 =	vld [tilespmem:s14+$0x5450]  }
0x1b6: {  	v25 =	vld [tilespmem:s14+$0x1540]  }
0x1b7: {  	v26 =	vld [tilespmem:s14+$0x5540]  }
0x1b8: {  	v27 =	vld [tilespmem:s14+$0x1550]  }
0x1b9: {  	v28 =	vld [tilespmem:s14+$0x5550]  }
0x1ba: {  	v29 =	vld [tilespmem:s14+$0x14C0]  }
0x1bb: {  	v30 =	vld [tilespmem:s14+$0x54C0]  }
0x1bc: {  	v31 =	vld [tilespmem:s14+$0x14D0]  }
0x1bd: {  	v59 =	vld [tilespmem:s14+$0x54D0]  }
0x1be: {  	v60 =	vld [tilespmem:s14+$0x15C0]  }
0x1bf: {  	v61 =	vld [tilespmem:s14+$0x55C0]  }
0x1c0: {  	v62 =	vld [tilespmem:s14+$0x15D0]  }
0x1c1: {  	v63 =	vld [tilespmem:s14+$0x55D0]  }
0x1c2: {  	v48 =	vld [tilespmem:s14+$0x1420]  }
0x1c3: {  	v49 =	vld [tilespmem:s14+$0x5420]  }
0x1c4: {  	v50 =	vld [tilespmem:s14+$0x1430]  }
0x1c5: {  	v51 =	vld [tilespmem:s14+$0x5430]  }
0x1c6: {  	v52 =	vld [tilespmem:s14+$0x1520]  }
0x1c7: {  	v53 =	vld [tilespmem:s14+$0x5520]  }
0x1c8: {  	v54 =	vld [tilespmem:s14+$0x1530]  }
0x1c9: {  	v55 =	vld [tilespmem:s14+$0x5530]  }
0x1ca: {  	v4 =	vld [tilespmem:s14+$0x14A0]  }
0x1cb: {  	v45 =	vmul.f32 v5, v6;
	v7 =	vmul.f32 v8, v7;
	v5 =	vld [tilespmem:s14+$0x54A0]  }
0x1cc: {  	v8 =	vmul.f32 v10, v9;
	v9 =	vmul.f32 v12, v11;
	v6 =	vld [tilespmem:s14+$0x14B0]  }
0x1cd: {  	v10 =	vmul.f32 v14, v13;
	v11 =	vmul.f32 v16, v15;
	v45 =	vadd.f32 v7, v45;
	v7 =	vld [tilespmem:s14+$0x54B0]  }
0x1ce: {  	v9 =	vadd.f32 v9, v8;
	v8 =	vld [tilespmem:s14+$0x15A0]  }
0x1cf: {  	v12 =	vmul.f32 v18, v17;
	v13 =	vmul.f32 v20, v19;
	v14 =	vadd.f32 v11, v10;
	v10 =	vld [tilespmem:s14+$0x55A0]  }
0x1d0: {  	v19 =	vmul.f32 v22, v21;
	v21 =	vmul.f32 v24, v23;
	v11 =	vld [tilespmem:s14+$0x15B0]  }
0x1d1: {  	v22 =	vmul.f32 v26, v25;
	v23 =	vmul.f32 v28, v27;
	v17 =	vadd.f32 v13, v12;
	v12 =	vld [tilespmem:s14+$0x55B0]  }
0x1d2: {  	v27 =	vmul.f32 v30, v29;
	v28 =	vmul.f32 v59, v31;
	v13 =	vld [tilespmem:s14+$0x1460]  }
0x1d3: {  	v24 =	vadd.f32 v23, v22;
	v22 =	vld [tilespmem:s14+$0x5570];
	v15 =	vperm.xlane v45, v0;
	v16 =	vperm.xlane v9, v0  }
0x1d4: {  	v29 =	vmul.f32 v61, v60;
	v30 =	vmul.f32 v63, v62;
	v33 =	vadd.f32 v28, v27;
	v27 =	vld [tilespmem:s14+$0x15E0]  }
0x1d5: {  	v28 =	vld [tilespmem:s14+$0x55E0];
	v18 =	vperm.xlane v14, v0;
	v15 =	vadd.f32 v45, v15;
	v9 =	vadd.f32 v9, v16  }
0x1d6: {  	v31 =	vadd.f32 v30, v29;
	v30 =	vld [tilespmem:s14+$0x15F0];
	v25 =	vperm.xlane v24, v0  }
0x1d7: {  	v20 =	vadd.f32 v14, v18;
	v14 =	vld [tilespmem:s14+$0x5460];
	v9 =	vsel vm2, v15, v9;
	v15 =	vadd.f32 v21, v19  }
0x1d8: {  	v18 =	vld [tilespmem:s14+$0x5470]  }
0x1d9: {  	v16 =	vperm.xlane v17, v0;
	v57 =	vadd.f32 v24, v25;
	v24 =	vld [tilespmem:s14+$0x54E0];
	v23 =	vperm.xlane v15, v0  }
0x1da: {  	v58 =	vmul.f32 v49, v48;
	v59 =	vmul.f32 v51, v50;
	v25 =	vld [tilespmem:s14+$0x14F0]  }
0x1db: {  	v60 =	vmul.f32 v53, v52;
	v16 =	vadd.f32 v17, v16;
	v17 =	vld [tilespmem:s14+$0x1470];
	v15 =	vadd.f32 v15, v23  }
0x1dc: {  	v61 =	vmul.f32 v55, v54;
	v32 =	vadd.f32 v59, v58;
	v37 =	vperm.xlane v33, v0;
	v19 =	vld [tilespmem:s14+$0x1560]  }
0x1dd: {  	v21 =	vld [tilespmem:s14+$0x1570];
	v26 =	vperm.xlane v9, v1;
	v16 =	vsel vm2, v20, v16;
	v62 =	vsel vm2, v15, v57  }
0x1de: {  	v29 =	vadd.f32 v61, v60;
	v20 =	vld [tilespmem:s14+$0x5560];
	v56 =	vperm.xlane v16, v1;
	v63 =	vperm.xlane v62, v1  }
0x1df: {  	v35 =	vperm.xlane v31, v0;
	v36 =	vperm.xlane v32, v0;
	v9 =	vadd.f32 v26, v9;
	v26 =	vld [tilespmem:s14+$0x54F0]  }
0x1e0: {  	s15 =	simm.s32 $0x1000;
	v34 =	vperm.xlane v29, v0;
	v23 =	vld [tilespmem:s14+$0x14E0];
	v15 =	vadd.f32 v56, v16;
	v16 =	vadd.f32 v63, v62  }
.LBB2_4:
0x1e1: {  	p0 =	sne.s32 s15, $0x3800;
	v33 =	vadd.f32 v33, v37;
	v4 =	vmul.f32 v5, v4;
	v5 =	vmul.f32 v7, v6;
	v6 =	vld [tilespmem:s14+$0x55F0]  }
0x1e2: {  	v7 =	vadd.f32 v31, v35;
	v8 =	vmul.f32 v10, v8;
	v10 =	vmul.f32 v12, v11  }
0x1e3: {  	v12 =	vmul.f32 v14, v13;
	v13 =	vmul.f32 v18, v17;
	v11 =	vadd.f32 v32, v36  }
0x1e4: {  	v17 =	vmul.f32 v20, v19;
	v18 =	vmul.f32 v22, v21;
	v14 =	vadd.f32 v29, v34  }
0x1e5: {  	v19 =	vmul.f32 v26, v25;
	v4 =	vadd.f32 v5, v4;
	v5 =	vmul.f32 v24, v23  }
0x1e6: {  	v8 =	vadd.f32 v10, v8;
	v10 =	vmul.f32 v28, v27;
	v6 =	vmul.f32 v6, v30  }
0x1e7: {  	v12 =	vadd.f32 v13, v12;
	v13 =	vadd.f32 v18, v17;
	v20 =	vperm.xlane v4, v0  }
0x1e8: {  	v17 =	vperm.xlane v8, v0;
	v5 =	vadd.f32 v19, v5;
	v6 =	vadd.f32 v6, v10  }
0x1e9: {  	v18 =	vperm.xlane v13, v0;
	v4 =	vadd.f32 v4, v20;
	v10 =	vperm.xlane v12, v0  }
0x1ea: {  	v8 =	vadd.f32 v8, v17;
	v17 =	vperm.xlane v5, v0;
	v19 =	vperm.xlane v6, v0  }
0x1eb: {  	v7 =	vsel vm2, v33, v7;
	v10 =	vadd.f32 v12, v10;
	v12 =	vadd.f32 v13, v18  }
0x1ec: {  	v11 =	vsel vm2, v11, v14;
	v5 =	vadd.f32 v5, v17;
	v6 =	vadd.f32 v6, v19  }
0x1ed: {  	v4 =	vsel vm2, v4, v8;
	v8 =	vperm.xlane v7, v1;
	v13 =	vperm.xlane v11, v1  }
0x1ee: {  	v10 =	vsel vm2, v10, v12;
	v5 =	vsel vm2, v5, v6;
	v6 =	vperm.xlane v4, v1  }
0x1ef: {  	v7 =	vadd.f32 v8, v7;
	v8 =	vperm.xlane v10, v1;
	v12 =	vperm.xlane v5, v1  }
0x1f0: {  	v11 =	vadd.f32 v13, v11;
	v4 =	vadd.f32 v6, v4  }
0x1f1: {  	v6 =	vadd.f32 v8, v10;
	v8 =	vsel vm0, v9, v15;
	v5 =	vadd.f32 v12, v5  }
0x1f2: {  	v7 =	vsel vm0, v16, v7;
	v9 =	vperm.xlane v8, v2  }
0x1f3: {  	v4 =	vsel vm0, v11, v4;
	v5 =	vsel vm0, v6, v5;
	v6 =	vperm.xlane v7, v2  }
0x1f4: {  	v10 =	vperm.xlane v4, v2;
	v11 =	vperm.xlane v5, v2  }
0x1f5: {  	v8 =	vadd.f32 v9, v8;
	v6 =	vadd.f32 v6, v7  }
0x1f6: {  	v4 =	vadd.f32 v10, v4;
	v5 =	vadd.f32 v11, v5;
	_ =	sdelay $0x1  }
0x1f7: {  	v6 =	vsel vm1, v8, v6;
	v4 =	vsel vm1, v4, v5  }
0x1f8: {  	v5 =	vperm.xlane v6, v3;
	v7 =	vperm.xlane v4, v3;
	_ =	sdelay $0x1  }
0x1f9: {  	v5 =	vadd.f32 v5, v6;
	v4 =	vadd.f32 v7, v4;
	_ =	sdelay $0x1  }
0x1fa: {  	s13 =	sadd.s32 $0x10, s13;
	v4 =	vsel vm3, v5, v4  }
0x1fb: {  	s14 =	sshra.s32 s15, $0x2;
	[tilespmem:s13+$0x0] =	vst v4  }
0x1fc: {  	v5 =	vld [tilespmem:s14+$0x5400]  }
0x1fd: {  	v6 =	vld [tilespmem:s14+$0x1400]  }
0x1fe: {  	v7 =	vld [tilespmem:s14+$0x1410]  }
0x1ff: {  	v8 =	vld [tilespmem:s14+$0x5410]  }
0x200: {  	v9 =	vld [tilespmem:s14+$0x1500]  }
0x201: {  	v10 =	vld [tilespmem:s14+$0x5500]  }
0x202: {  	v11 =	vld [tilespmem:s14+$0x1510]  }
0x203: {  	v12 =	vld [tilespmem:s14+$0x5510]  }
0x204: {  	v13 =	vld [tilespmem:s14+$0x1480]  }
0x205: {  	v14 =	vld [tilespmem:s14+$0x5480]  }
0x206: {  	v15 =	vld [tilespmem:s14+$0x1490]  }
0x207: {  	v16 =	vld [tilespmem:s14+$0x5490]  }
0x208: {  	v17 =	vld [tilespmem:s14+$0x1580]  }
0x209: {  	v18 =	vld [tilespmem:s14+$0x5580]  }
0x20a: {  	v19 =	vld [tilespmem:s14+$0x1590]  }
0x20b: {  	v20 =	vld [tilespmem:s14+$0x5590]  }
0x20c: {  	v21 =	vld [tilespmem:s14+$0x1440]  }
0x20d: {  	v22 =	vld [tilespmem:s14+$0x5440]  }
0x20e: {  	v23 =	vld [tilespmem:s14+$0x1450]  }
0x20f: {  	v24 =	vld [tilespmem:s14+$0x5450]  }
0x210: {  	v25 =	vld [tilespmem:s14+$0x1540]  }
0x211: {  	v26 =	vld [tilespmem:s14+$0x5540]  }
0x212: {  	v27 =	vld [tilespmem:s14+$0x1550]  }
0x213: {  	v28 =	vld [tilespmem:s14+$0x5550]  }
0x214: {  	v29 =	vld [tilespmem:s14+$0x14C0]  }
0x215: {  	v30 =	vld [tilespmem:s14+$0x54C0]  }
0x216: {  	v31 =	vld [tilespmem:s14+$0x14D0]  }
0x217: {  	v32 =	vld [tilespmem:s14+$0x54D0]  }
0x218: {  	v33 =	vld [tilespmem:s14+$0x15C0]  }
0x219: {  	v34 =	vld [tilespmem:s14+$0x55C0]  }
0x21a: {  	v35 =	vld [tilespmem:s14+$0x15D0]  }
0x21b: {  	v36 =	vld [tilespmem:s14+$0x55D0]  }
0x21c: {  	v37 =	vld [tilespmem:s14+$0x1420]  }
0x21d: {  	v38 =	vld [tilespmem:s14+$0x5420]  }
0x21e: {  	v39 =	vld [tilespmem:s14+$0x1430]  }
0x21f: {  	v40 =	vld [tilespmem:s14+$0x5430]  }
0x220: {  	v41 =	vld [tilespmem:s14+$0x1520]  }
0x221: {  	v42 =	vld [tilespmem:s14+$0x5520]  }
0x222: {  	v43 =	vld [tilespmem:s14+$0x1530]  }
0x223: {  	v44 =	vld [tilespmem:s14+$0x5530]  }
0x224: {  	v4 =	vld [tilespmem:s14+$0x14A0]  }
0x225: {  	v45 =	vmul.f32 v5, v6;
	v7 =	vmul.f32 v8, v7;
	v5 =	vld [tilespmem:s14+$0x54A0]  }
0x226: {  	v8 =	vmul.f32 v10, v9;
	v9 =	vmul.f32 v12, v11;
	v6 =	vld [tilespmem:s14+$0x14B0]  }
0x227: {  	v45 =	vadd.f32 v7, v45;
	v10 =	vmul.f32 v14, v13;
	v11 =	vmul.f32 v16, v15;
	v7 =	vld [tilespmem:s14+$0x54B0]  }
0x228: {  	v9 =	vadd.f32 v9, v8;
	v12 =	vmul.f32 v18, v17;
	v13 =	vmul.f32 v20, v19;
	v8 =	vld [tilespmem:s14+$0x15A0]  }
0x229: {  	v14 =	vadd.f32 v11, v10;
	v10 =	vld [tilespmem:s14+$0x55A0]  }
0x22a: {  	v15 =	vperm.xlane v45, v0;
	v16 =	vperm.xlane v9, v0;
	v17 =	vadd.f32 v13, v12;
	v11 =	vld [tilespmem:s14+$0x15B0]  }
0x22b: {  	v18 =	vperm.xlane v14, v0;
	v12 =	vld [tilespmem:s14+$0x55B0]  }
0x22c: {  	v15 =	vadd.f32 v45, v15;
	v9 =	vadd.f32 v9, v16;
	v16 =	vperm.xlane v17, v0;
	v13 =	vld [tilespmem:s14+$0x1460]  }
0x22d: {  	v20 =	vadd.f32 v14, v18;
	v19 =	vmul.f32 v22, v21;
	v21 =	vmul.f32 v24, v23;
	v14 =	vld [tilespmem:s14+$0x5460]  }
0x22e: {  	v16 =	vadd.f32 v17, v16;
	v22 =	vmul.f32 v26, v25;
	v23 =	vmul.f32 v28, v27;
	v17 =	vld [tilespmem:s14+$0x1470]  }
0x22f: {  	v9 =	vsel vm2, v15, v9;
	v18 =	vld [tilespmem:s14+$0x5470]  }
0x230: {  	v15 =	vadd.f32 v21, v19;
	v16 =	vsel vm2, v20, v16;
	v24 =	vadd.f32 v23, v22;
	v19 =	vld [tilespmem:s14+$0x1560]  }
0x231: {  	v26 =	vperm.xlane v9, v1;
	v45 =	vperm.xlane v16, v1;
	v20 =	vld [tilespmem:s14+$0x5560]  }
0x232: {  	v23 =	vperm.xlane v15, v0;
	v25 =	vperm.xlane v24, v0;
	v21 =	vld [tilespmem:s14+$0x1570]  }
0x233: {  	v27 =	vmul.f32 v30, v29;
	v28 =	vmul.f32 v32, v31;
	v22 =	vld [tilespmem:s14+$0x5570]  }
0x234: {  	v15 =	vadd.f32 v15, v23;
	v29 =	vmul.f32 v34, v33;
	v30 =	vmul.f32 v36, v35;
	v23 =	vld [tilespmem:s14+$0x14E0]  }
0x235: {  	v32 =	vadd.f32 v24, v25;
	v34 =	vmul.f32 v38, v37;
	v35 =	vmul.f32 v40, v39;
	v24 =	vld [tilespmem:s14+$0x54E0]  }
.Ltmp1:
0x236: {  	v9 =	vadd.f32 v26, v9;
	v36 =	vmul.f32 v42, v41;
	v37 =	vmul.f32 v44, v43;
	v25 =	vld [tilespmem:s14+$0x14F0];
	(pc) =	sbr.rel @p0 .LBB2_4-.Ltmp1, $4  }
0x237: {  	v33 =	vadd.f32 v28, v27;
	v31 =	vadd.f32 v30, v29;
	v38 =	vsel vm2, v15, v32;
	v26 =	vld [tilespmem:s14+$0x54F0]  }
0x238: {  	v39 =	vperm.xlane v38, v1;
	v32 =	vadd.f32 v35, v34;
	v29 =	vadd.f32 v37, v36;
	v27 =	vld [tilespmem:s14+$0x15E0]  }
0x239: {  	v15 =	vadd.f32 v45, v16;
	v35 =	vperm.xlane v31, v0;
	v37 =	vperm.xlane v33, v0;
	v28 =	vld [tilespmem:s14+$0x55E0]  }
0x23a: {  	s15 =	sadd.s32 $0x800, s15;
	v16 =	vadd.f32 v39, v38;
	v36 =	vperm.xlane v32, v0;
	v34 =	vperm.xlane v29, v0;
	v30 =	vld [tilespmem:s14+$0x15F0]  }
0x23b: {  	v4 =	vmul.f32 v5, v4  }
0x23c: {  	v5 =	vmul.f32 v7, v6;
	v6 =	vld [tilespmem:s14+$0x55F0];
	v8 =	vmul.f32 v10, v8  }
0x23d: {  	v33 =	vadd.f32 v33, v37;
	v10 =	vmul.f32 v12, v11;
	v12 =	vmul.f32 v14, v13  }
0x23e: {  	v7 =	vadd.f32 v31, v35;
	v13 =	vmul.f32 v18, v17;
	v17 =	vmul.f32 v20, v19  }
0x23f: {  	v18 =	vmul.f32 v22, v21;
	v11 =	vadd.f32 v32, v36;
	v19 =	vmul.f32 v26, v25  }
0x240: {  	v4 =	vadd.f32 v5, v4;
	v5 =	vmul.f32 v24, v23;
	v8 =	vadd.f32 v10, v8  }
0x241: {  	v12 =	vadd.f32 v13, v12;
	v10 =	vmul.f32 v28, v27;
	v6 =	vmul.f32 v6, v30  }
0x242: {  	v13 =	vadd.f32 v18, v17;
	v17 =	vperm.xlane v8, v0;
	v5 =	vadd.f32 v19, v5  }
0x243: {  	v14 =	vadd.f32 v29, v34;
	v20 =	vperm.xlane v4, v0;
	v6 =	vadd.f32 v6, v10  }
0x244: {  	v8 =	vadd.f32 v8, v17;
	v17 =	vperm.xlane v5, v0;
	v10 =	vperm.xlane v12, v0  }
0x245: {  	v18 =	vperm.xlane v13, v0;
	v4 =	vadd.f32 v4, v20;
	v19 =	vperm.xlane v6, v0  }
0x246: {  	v7 =	vsel vm2, v33, v7;
	v5 =	vadd.f32 v5, v17;
	v10 =	vadd.f32 v12, v10  }
0x247: {  	v11 =	vsel vm2, v11, v14;
	v12 =	vadd.f32 v13, v18;
	v6 =	vadd.f32 v6, v19  }
0x248: {  	v4 =	vsel vm2, v4, v8;
	v8 =	vperm.xlane v7, v1;
	v13 =	vperm.xlane v11, v1  }
0x249: {  	v10 =	vsel vm2, v10, v12;
	v5 =	vsel vm2, v5, v6;
	v6 =	vperm.xlane v4, v1  }
0x24a: {  	v7 =	vadd.f32 v8, v7;
	v8 =	vperm.xlane v10, v1;
	v12 =	vperm.xlane v5, v1  }
0x24b: {  	v11 =	vadd.f32 v13, v11;
	v4 =	vadd.f32 v6, v4  }
0x24c: {  	v6 =	vadd.f32 v8, v10;
	v8 =	vsel vm0, v9, v15;
	v5 =	vadd.f32 v12, v5  }
0x24d: {  	v7 =	vsel vm0, v16, v7;
	v9 =	vperm.xlane v8, v2  }
0x24e: {  	v4 =	vsel vm0, v11, v4;
	v5 =	vsel vm0, v6, v5;
	v6 =	vperm.xlane v7, v2  }
0x24f: {  	v10 =	vperm.xlane v4, v2;
	v11 =	vperm.xlane v5, v2  }
0x250: {  	v8 =	vadd.f32 v9, v8;
	v6 =	vadd.f32 v6, v7  }
0x251: {  	v4 =	vadd.f32 v10, v4;
	v5 =	vadd.f32 v11, v5;
	_ =	sdelay $0x1  }
0x252: {  	v6 =	vsel vm1, v8, v6;
	v4 =	vsel vm1, v4, v5  }
0x253: {  	v5 =	vperm.xlane v6, v3;
	v7 =	vperm.xlane v4, v3;
	_ =	sdelay $0x1  }
0x254: {  	v5 =	vadd.f32 v5, v6;
	v4 =	vadd.f32 v7, v4;
	_ =	sdelay $0x1  }
0x255: {  	s13 =	sadd.s32 $0x10, s13;
	v4 =	vsel vm3, v5, v4  }
0x256: {  	[tilespmem:s13+$0x0] =	vst v4  }
0x257: {  	_ =	swait.ge [sflag:s29], $0x1000  }
0x258: {  	[sflag:s29] =	ssyncset.done $0x0  }
0x259: {  	[sflag:s29] =	ssyncadd.s32 $0xFFFFF000  }
0x25a: {  	_ =	swait.ge [sflag:s29], $0x1000  }
0x25b: {  	[sflag:s29] =	ssyncset.done $0x0  }
0x25c: {  	s15 =	simm.s32 $0x0;
	[sflag:s29] =	ssyncadd.s32 $0xFFFFF000  }
0x25d: {  	v4 =	vld [tilespmem:s15+$0x6400]  }
0x25e: {  	v5 =	vld [tilespmem:s15+$0x2400]  }
0x25f: {  	v6 =	vld [tilespmem:s15+$0x2410]  }
0x260: {  	v7 =	vld [tilespmem:s15+$0x6410]  }
0x261: {  	v8 =	vld [tilespmem:s15+$0x2500]  }
0x262: {  	v9 =	vld [tilespmem:s15+$0x6500]  }
0x263: {  	v10 =	vld [tilespmem:s15+$0x2510]  }
0x264: {  	v11 =	vld [tilespmem:s15+$0x6510]  }
0x265: {  	v12 =	vld [tilespmem:s15+$0x2480]  }
0x266: {  	v13 =	vld [tilespmem:s15+$0x6480]  }
0x267: {  	v14 =	vld [tilespmem:s15+$0x2490]  }
0x268: {  	v15 =	vld [tilespmem:s15+$0x6490]  }
0x269: {  	v16 =	vld [tilespmem:s15+$0x2580]  }
0x26a: {  	v17 =	vld [tilespmem:s15+$0x6580]  }
0x26b: {  	v18 =	vld [tilespmem:s15+$0x2590]  }
0x26c: {  	v19 =	vld [tilespmem:s15+$0x6590]  }
0x26d: {  	v20 =	vld [tilespmem:s15+$0x2440]  }
0x26e: {  	v21 =	vld [tilespmem:s15+$0x6440]  }
0x26f: {  	v22 =	vld [tilespmem:s15+$0x2450]  }
0x270: {  	v23 =	vld [tilespmem:s15+$0x6450]  }
0x271: {  	v24 =	vld [tilespmem:s15+$0x2540]  }
0x272: {  	v25 =	vld [tilespmem:s15+$0x6540]  }
0x273: {  	v26 =	vld [tilespmem:s15+$0x2550]  }
0x274: {  	v27 =	vld [tilespmem:s15+$0x6550]  }
0x275: {  	v28 =	vld [tilespmem:s15+$0x24C0]  }
0x276: {  	v29 =	vld [tilespmem:s15+$0x64C0]  }
0x277: {  	v30 =	vld [tilespmem:s15+$0x24D0]  }
0x278: {  	v31 =	vld [tilespmem:s15+$0x64D0]  }
0x279: {  	v61 =	vld [tilespmem:s15+$0x25C0]  }
0x27a: {  	v62 =	vld [tilespmem:s15+$0x65C0]  }
0x27b: {  	v63 =	vld [tilespmem:s15+$0x25D0]  }
0x27c: {  	v48 =	vld [tilespmem:s15+$0x65D0]  }
0x27d: {  	v49 =	vld [tilespmem:s15+$0x2420]  }
0x27e: {  	v50 =	vld [tilespmem:s15+$0x6420]  }
0x27f: {  	v38 =	vld [tilespmem:s15+$0x2430]  }
0x280: {  	v39 =	vld [tilespmem:s15+$0x6430]  }
0x281: {  	v40 =	vld [tilespmem:s15+$0x2520]  }
0x282: {  	v41 =	vld [tilespmem:s15+$0x6520]  }
0x283: {  	v42 =	vld [tilespmem:s15+$0x2530]  }
0x284: {  	v43 =	vld [tilespmem:s15+$0x6530]  }
0x285: {  	v44 =	vld [tilespmem:s15+$0x24A0]  }
0x286: {  	v51 =	vld [tilespmem:s15+$0x64E0]  }
0x287: {  	v54 =	vld [tilespmem:s15+$0x24F0]  }
0x288: {  	v56 =	vld [tilespmem:s15+$0x65E0];
	v4 =	vmul.f32 v4, v5;
	v5 =	vmul.f32 v7, v6  }
0x289: {  	v6 =	vld [tilespmem:s15+$0x64A0];
	v7 =	vmul.f32 v9, v8;
	v8 =	vmul.f32 v11, v10  }
0x28a: {  	v9 =	vld [tilespmem:s15+$0x24B0];
	v10 =	vmul.f32 v15, v14;
	v4 =	vadd.f32 v5, v4;
	v5 =	vmul.f32 v13, v12  }
0x28b: {  	v11 =	vld [tilespmem:s15+$0x64B0];
	v7 =	vadd.f32 v8, v7;
	v8 =	vmul.f32 v17, v16;
	v12 =	vmul.f32 v19, v18  }
0x28c: {  	v58 =	vld [tilespmem:s15+$0x25F0];
	v52 =	vmul.f32 v41, v40;
	v5 =	vadd.f32 v10, v5  }
0x28d: {  	v53 =	vmul.f32 v43, v42;
	v13 =	vld [tilespmem:s15+$0x25A0];
	v14 =	vperm.xlane v4, v0;
	v8 =	vadd.f32 v12, v8  }
0x28e: {  	v17 =	vld [tilespmem:s15+$0x65B0];
	v18 =	vmul.f32 v23, v22;
	v16 =	vperm.xlane v5, v0  }
0x28f: {  	v10 =	vld [tilespmem:s15+$0x65A0];
	v15 =	vperm.xlane v7, v0;
	v4 =	vadd.f32 v4, v14;
	v14 =	vperm.xlane v8, v0  }
0x290: {  	v12 =	vld [tilespmem:s15+$0x25B0];
	v6 =	vmul.f32 v6, v44;
	v9 =	vmul.f32 v11, v9;
	v5 =	vadd.f32 v5, v16  }
0x291: {  	v11 =	vld [tilespmem:s15+$0x65F0];
	v16 =	vmul.f32 v21, v20;
	v8 =	vadd.f32 v8, v14;
	v14 =	vmul.f32 v25, v24  }
0x292: {  	v7 =	vadd.f32 v7, v15;
	v20 =	vmul.f32 v27, v26;
	v25 =	vld [tilespmem:s15+$0x2570];
	v26 =	vmul.f32 v29, v28  }
0x293: {  	v27 =	vmul.f32 v31, v30;
	v28 =	vld [tilespmem:s15+$0x6570];
	v29 =	vmul.f32 v48, v63  }
0x294: {  	v4 =	vsel vm2, v4, v7;
	v30 =	vld [tilespmem:s15+$0x24E0];
	v31 =	vmul.f32 v39, v38;
	v10 =	vmul.f32 v10, v13  }
0x295: {  	v12 =	vmul.f32 v17, v12;
	v7 =	vadd.f32 v18, v16;
	v14 =	vadd.f32 v20, v14;
	v16 =	vld [tilespmem:s15+$0x2560]  }
0x296: {  	v5 =	vsel vm2, v5, v8;
	v8 =	vld [tilespmem:s15+$0x6560];
	v18 =	vperm.xlane v4, v1;
	v11 =	vmul.f32 v11, v58  }
0x297: {  	v19 =	vld [tilespmem:s15+$0x6460];
	v6 =	vadd.f32 v9, v6;
	v20 =	vperm.xlane v5, v1;
	v23 =	vperm.xlane v7, v0  }
0x298: {  	v22 =	vld [tilespmem:s15+$0x6470];
	v10 =	vadd.f32 v12, v10;
	v24 =	vperm.xlane v14, v0;
	v4 =	vadd.f32 v18, v4  }
0x299: {  	v18 =	vadd.f32 v27, v26;
	v27 =	vld [tilespmem:s15+$0x25E0];
	v9 =	vmul.f32 v51, v30;
	v7 =	vadd.f32 v7, v23  }
0x29a: {  	v15 =	vld [tilespmem:s15+$0x2460];
	v23 =	vmul.f32 v62, v61;
	v14 =	vadd.f32 v14, v24;
	v24 =	vmul.f32 v50, v49  }
0x29b: {  	v21 =	vld [tilespmem:s15+$0x2470];
	v5 =	vadd.f32 v20, v5;
	v8 =	vmul.f32 v8, v16;
	v16 =	vmul.f32 v28, v25  }
0x29c: {  	v26 =	vld [tilespmem:s15+$0x64F0];
	v23 =	vadd.f32 v29, v23;
	v7 =	vsel vm2, v7, v14;
	v14 =	vadd.f32 v31, v24  }
0x29d: {  	v24 =	vadd.f32 v53, v52;
	v31 =	vperm.xlane v18, v0;
	v29 =	vperm.xlane v7, v1  }
0x29e: {  	v12 =	vmul.f32 v56, v27;
	v8 =	vadd.f32 v16, v8;
	v20 =	vperm.xlane v14, v0  }
0x29f: {  	v55 =	vperm.xlane v23, v0;
	v57 =	vperm.xlane v24, v0;
	v18 =	vadd.f32 v18, v31  }
0x2a0: {  	v7 =	vadd.f32 v29, v7;
	v13 =	vadd.f32 v14, v20;
	v14 =	vmul.f32 v19, v15  }
0x2a1: {  	v11 =	vadd.f32 v11, v12;
	v15 =	vmul.f32 v22, v21;
	v19 =	vmul.f32 v26, v54  }
0x2a2: {  	v16 =	vperm.xlane v8, v0;
	v23 =	vadd.f32 v23, v55;
	v17 =	vadd.f32 v24, v57  }
0x2a3: {  	v14 =	vadd.f32 v15, v14;
	v15 =	vperm.xlane v10, v0;
	v9 =	vadd.f32 v19, v9  }
0x2a4: {  	v20 =	vperm.xlane v6, v0;
	v8 =	vadd.f32 v8, v16;
	v19 =	vperm.xlane v11, v0  }
0x2a5: {  	v12 =	vperm.xlane v14, v0;
	v10 =	vadd.f32 v10, v15;
	v15 =	vperm.xlane v9, v0  }
0x2a6: {  	v6 =	vadd.f32 v6, v20;
	v13 =	vsel vm2, v13, v17;
	v11 =	vadd.f32 v11, v19  }
0x2a7: {  	v12 =	vadd.f32 v14, v12;
	v14 =	vsel vm2, v18, v23;
	v9 =	vadd.f32 v9, v15  }
0x2a8: {  	v6 =	vsel vm2, v6, v10;
	v15 =	vperm.xlane v13, v1;
	v10 =	vperm.xlane v14, v1  }
0x2a9: {  	v8 =	vsel vm2, v12, v8;
	v9 =	vsel vm2, v9, v11;
	v11 =	vperm.xlane v6, v1  }
0x2aa: {  	v10 =	vadd.f32 v10, v14;
	v12 =	vperm.xlane v8, v1;
	v14 =	vperm.xlane v9, v1  }
0x2ab: {  	v13 =	vadd.f32 v15, v13;
	v6 =	vadd.f32 v11, v6  }
0x2ac: {  	v4 =	vsel vm0, v4, v5;
	v8 =	vadd.f32 v12, v8;
	v9 =	vadd.f32 v14, v9  }
0x2ad: {  	v5 =	vsel vm0, v7, v10;
	v7 =	vperm.xlane v4, v2  }
0x2ae: {  	v6 =	vsel vm0, v13, v6;
	v8 =	vsel vm0, v8, v9;
	v9 =	vperm.xlane v5, v2  }
0x2af: {  	v10 =	vperm.xlane v6, v2;
	v11 =	vperm.xlane v8, v2  }
0x2b0: {  	v4 =	vadd.f32 v7, v4;
	v5 =	vadd.f32 v9, v5  }
0x2b1: {  	v6 =	vadd.f32 v10, v6;
	v7 =	vadd.f32 v11, v8;
	_ =	sdelay $0x1  }
0x2b2: {  	v4 =	vsel vm1, v4, v5;
	v5 =	vsel vm1, v6, v7  }
0x2b3: {  	v6 =	vperm.xlane v4, v3;
	v7 =	vperm.xlane v5, v3;
	_ =	sdelay $0x1  }
0x2b4: {  	v4 =	vadd.f32 v6, v4;
	v5 =	vadd.f32 v7, v5;
	_ =	sdelay $0x1  }
0x2b5: {  	s13 =	simm.s32 $0x8500;
	v4 =	vsel vm3, v4, v5  }
0x2b6: {  	s14 =	simm.s32 $0x200;
	[tilespmem:s13+$0x0] =	vst v4  }
0x2b7: {  	v5 =	vld [tilespmem:s14+$0x6400]  }
0x2b8: {  	v6 =	vld [tilespmem:s14+$0x2400]  }
0x2b9: {  	v7 =	vld [tilespmem:s14+$0x2410]  }
0x2ba: {  	v8 =	vld [tilespmem:s14+$0x6410]  }
0x2bb: {  	v9 =	vld [tilespmem:s14+$0x2500]  }
0x2bc: {  	v10 =	vld [tilespmem:s14+$0x6500]  }
0x2bd: {  	v11 =	vld [tilespmem:s14+$0x2510]  }
0x2be: {  	v12 =	vld [tilespmem:s14+$0x6510]  }
0x2bf: {  	v13 =	vld [tilespmem:s14+$0x2480]  }
0x2c0: {  	v14 =	vld [tilespmem:s14+$0x6480]  }
0x2c1: {  	v15 =	vld [tilespmem:s14+$0x2490]  }
0x2c2: {  	v16 =	vld [tilespmem:s14+$0x6490]  }
0x2c3: {  	v17 =	vld [tilespmem:s14+$0x2580]  }
0x2c4: {  	v18 =	vld [tilespmem:s14+$0x6580]  }
0x2c5: {  	v19 =	vld [tilespmem:s14+$0x2590]  }
0x2c6: {  	v20 =	vld [tilespmem:s14+$0x6590]  }
0x2c7: {  	v21 =	vld [tilespmem:s14+$0x2440]  }
0x2c8: {  	v22 =	vld [tilespmem:s14+$0x6440]  }
0x2c9: {  	v23 =	vld [tilespmem:s14+$0x2450]  }
0x2ca: {  	v24 =	vld [tilespmem:s14+$0x6450]  }
0x2cb: {  	v25 =	vld [tilespmem:s14+$0x2540]  }
0x2cc: {  	v26 =	vld [tilespmem:s14+$0x6540]  }
0x2cd: {  	v27 =	vld [tilespmem:s14+$0x2550]  }
0x2ce: {  	v28 =	vld [tilespmem:s14+$0x6550]  }
0x2cf: {  	v29 =	vld [tilespmem:s14+$0x24C0]  }
0x2d0: {  	v30 =	vld [tilespmem:s14+$0x64C0]  }
0x2d1: {  	v31 =	vld [tilespmem:s14+$0x24D0]  }
0x2d2: {  	v59 =	vld [tilespmem:s14+$0x64D0]  }
0x2d3: {  	v60 =	vld [tilespmem:s14+$0x25C0]  }
0x2d4: {  	v61 =	vld [tilespmem:s14+$0x65C0]  }
0x2d5: {  	v62 =	vld [tilespmem:s14+$0x25D0]  }
0x2d6: {  	v63 =	vld [tilespmem:s14+$0x65D0]  }
0x2d7: {  	v48 =	vld [tilespmem:s14+$0x2420]  }
0x2d8: {  	v49 =	vld [tilespmem:s14+$0x6420]  }
0x2d9: {  	v50 =	vld [tilespmem:s14+$0x2430]  }
0x2da: {  	v51 =	vld [tilespmem:s14+$0x6430]  }
0x2db: {  	v52 =	vld [tilespmem:s14+$0x2520]  }
0x2dc: {  	v53 =	vld [tilespmem:s14+$0x6520]  }
0x2dd: {  	v54 =	vld [tilespmem:s14+$0x2530]  }
0x2de: {  	v55 =	vld [tilespmem:s14+$0x6530]  }
0x2df: {  	v4 =	vld [tilespmem:s14+$0x24A0]  }
0x2e0: {  	v45 =	vmul.f32 v5, v6;
	v7 =	vmul.f32 v8, v7;
	v5 =	vld [tilespmem:s14+$0x64A0]  }
0x2e1: {  	v8 =	vmul.f32 v10, v9;
	v9 =	vmul.f32 v12, v11;
	v6 =	vld [tilespmem:s14+$0x24B0]  }
0x2e2: {  	v10 =	vmul.f32 v14, v13;
	v11 =	vmul.f32 v16, v15;
	v45 =	vadd.f32 v7, v45;
	v7 =	vld [tilespmem:s14+$0x64B0]  }
0x2e3: {  	v9 =	vadd.f32 v9, v8;
	v8 =	vld [tilespmem:s14+$0x25A0]  }
0x2e4: {  	v12 =	vmul.f32 v18, v17;
	v13 =	vmul.f32 v20, v19;
	v14 =	vadd.f32 v11, v10;
	v10 =	vld [tilespmem:s14+$0x65A0]  }
0x2e5: {  	v19 =	vmul.f32 v22, v21;
	v21 =	vmul.f32 v24, v23;
	v11 =	vld [tilespmem:s14+$0x25B0]  }
0x2e6: {  	v22 =	vmul.f32 v26, v25;
	v23 =	vmul.f32 v28, v27;
	v17 =	vadd.f32 v13, v12;
	v12 =	vld [tilespmem:s14+$0x65B0]  }
0x2e7: {  	v27 =	vmul.f32 v30, v29;
	v28 =	vmul.f32 v59, v31;
	v13 =	vld [tilespmem:s14+$0x2460]  }
0x2e8: {  	v24 =	vadd.f32 v23, v22;
	v22 =	vld [tilespmem:s14+$0x6570];
	v15 =	vperm.xlane v45, v0;
	v16 =	vperm.xlane v9, v0  }
0x2e9: {  	v29 =	vmul.f32 v61, v60;
	v30 =	vmul.f32 v63, v62;
	v33 =	vadd.f32 v28, v27;
	v27 =	vld [tilespmem:s14+$0x25E0]  }
0x2ea: {  	v28 =	vld [tilespmem:s14+$0x65E0];
	v18 =	vperm.xlane v14, v0;
	v15 =	vadd.f32 v45, v15;
	v9 =	vadd.f32 v9, v16  }
0x2eb: {  	v31 =	vadd.f32 v30, v29;
	v30 =	vld [tilespmem:s14+$0x25F0];
	v25 =	vperm.xlane v24, v0  }
0x2ec: {  	v20 =	vadd.f32 v14, v18;
	v14 =	vld [tilespmem:s14+$0x6460];
	v9 =	vsel vm2, v15, v9;
	v15 =	vadd.f32 v21, v19  }
0x2ed: {  	v18 =	vld [tilespmem:s14+$0x6470]  }
0x2ee: {  	v16 =	vperm.xlane v17, v0;
	v57 =	vadd.f32 v24, v25;
	v24 =	vld [tilespmem:s14+$0x64E0];
	v23 =	vperm.xlane v15, v0  }
0x2ef: {  	v58 =	vmul.f32 v49, v48;
	v59 =	vmul.f32 v51, v50;
	v25 =	vld [tilespmem:s14+$0x24F0]  }
0x2f0: {  	v60 =	vmul.f32 v53, v52;
	v16 =	vadd.f32 v17, v16;
	v17 =	vld [tilespmem:s14+$0x2470];
	v15 =	vadd.f32 v15, v23  }
0x2f1: {  	v61 =	vmul.f32 v55, v54;
	v32 =	vadd.f32 v59, v58;
	v37 =	vperm.xlane v33, v0;
	v19 =	vld [tilespmem:s14+$0x2560]  }
0x2f2: {  	v21 =	vld [tilespmem:s14+$0x2570];
	v26 =	vperm.xlane v9, v1;
	v16 =	vsel vm2, v20, v16;
	v62 =	vsel vm2, v15, v57  }
0x2f3: {  	v29 =	vadd.f32 v61, v60;
	v20 =	vld [tilespmem:s14+$0x6560];
	v56 =	vperm.xlane v16, v1;
	v63 =	vperm.xlane v62, v1  }
0x2f4: {  	v35 =	vperm.xlane v31, v0;
	v36 =	vperm.xlane v32, v0;
	v9 =	vadd.f32 v26, v9;
	v26 =	vld [tilespmem:s14+$0x64F0]  }
0x2f5: {  	s15 =	simm.s32 $0x1000;
	v34 =	vperm.xlane v29, v0;
	v23 =	vld [tilespmem:s14+$0x24E0];
	v15 =	vadd.f32 v56, v16;
	v16 =	vadd.f32 v63, v62  }
.LBB2_6:
0x2f6: {  	p0 =	sne.s32 s15, $0x3800;
	v33 =	vadd.f32 v33, v37;
	v4 =	vmul.f32 v5, v4;
	v5 =	vmul.f32 v7, v6;
	v6 =	vld [tilespmem:s14+$0x65F0]  }
0x2f7: {  	v7 =	vadd.f32 v31, v35;
	v8 =	vmul.f32 v10, v8;
	v10 =	vmul.f32 v12, v11  }
0x2f8: {  	v12 =	vmul.f32 v14, v13;
	v13 =	vmul.f32 v18, v17;
	v11 =	vadd.f32 v32, v36  }
0x2f9: {  	v17 =	vmul.f32 v20, v19;
	v18 =	vmul.f32 v22, v21;
	v14 =	vadd.f32 v29, v34  }
0x2fa: {  	v19 =	vmul.f32 v26, v25;
	v4 =	vadd.f32 v5, v4;
	v5 =	vmul.f32 v24, v23  }
0x2fb: {  	v8 =	vadd.f32 v10, v8;
	v10 =	vmul.f32 v28, v27;
	v6 =	vmul.f32 v6, v30  }
0x2fc: {  	v12 =	vadd.f32 v13, v12;
	v13 =	vadd.f32 v18, v17;
	v20 =	vperm.xlane v4, v0  }
0x2fd: {  	v17 =	vperm.xlane v8, v0;
	v5 =	vadd.f32 v19, v5;
	v6 =	vadd.f32 v6, v10  }
0x2fe: {  	v18 =	vperm.xlane v13, v0;
	v4 =	vadd.f32 v4, v20;
	v10 =	vperm.xlane v12, v0  }
0x2ff: {  	v8 =	vadd.f32 v8, v17;
	v17 =	vperm.xlane v5, v0;
	v19 =	vperm.xlane v6, v0  }
0x300: {  	v7 =	vsel vm2, v33, v7;
	v10 =	vadd.f32 v12, v10;
	v12 =	vadd.f32 v13, v18  }
0x301: {  	v11 =	vsel vm2, v11, v14;
	v5 =	vadd.f32 v5, v17;
	v6 =	vadd.f32 v6, v19  }
0x302: {  	v4 =	vsel vm2, v4, v8;
	v8 =	vperm.xlane v7, v1;
	v13 =	vperm.xlane v11, v1  }
0x303: {  	v10 =	vsel vm2, v10, v12;
	v5 =	vsel vm2, v5, v6;
	v6 =	vperm.xlane v4, v1  }
0x304: {  	v7 =	vadd.f32 v8, v7;
	v8 =	vperm.xlane v10, v1;
	v12 =	vperm.xlane v5, v1  }
0x305: {  	v11 =	vadd.f32 v13, v11;
	v4 =	vadd.f32 v6, v4  }
0x306: {  	v6 =	vadd.f32 v8, v10;
	v8 =	vsel vm0, v9, v15;
	v5 =	vadd.f32 v12, v5  }
0x307: {  	v7 =	vsel vm0, v16, v7;
	v9 =	vperm.xlane v8, v2  }
0x308: {  	v4 =	vsel vm0, v11, v4;
	v5 =	vsel vm0, v6, v5;
	v6 =	vperm.xlane v7, v2  }
0x309: {  	v10 =	vperm.xlane v4, v2;
	v11 =	vperm.xlane v5, v2  }
0x30a: {  	v8 =	vadd.f32 v9, v8;
	v6 =	vadd.f32 v6, v7  }
0x30b: {  	v4 =	vadd.f32 v10, v4;
	v5 =	vadd.f32 v11, v5;
	_ =	sdelay $0x1  }
0x30c: {  	v6 =	vsel vm1, v8, v6;
	v4 =	vsel vm1, v4, v5  }
0x30d: {  	v5 =	vperm.xlane v6, v3;
	v7 =	vperm.xlane v4, v3;
	_ =	sdelay $0x1  }
0x30e: {  	v5 =	vadd.f32 v5, v6;
	v4 =	vadd.f32 v7, v4;
	_ =	sdelay $0x1  }
0x30f: {  	s13 =	sadd.s32 $0x10, s13;
	v4 =	vsel vm3, v5, v4  }
0x310: {  	s14 =	sshra.s32 s15, $0x2;
	[tilespmem:s13+$0x0] =	vst v4  }
0x311: {  	v5 =	vld [tilespmem:s14+$0x6400]  }
0x312: {  	v6 =	vld [tilespmem:s14+$0x2400]  }
0x313: {  	v7 =	vld [tilespmem:s14+$0x2410]  }
0x314: {  	v8 =	vld [tilespmem:s14+$0x6410]  }
0x315: {  	v9 =	vld [tilespmem:s14+$0x2500]  }
0x316: {  	v10 =	vld [tilespmem:s14+$0x6500]  }
0x317: {  	v11 =	vld [tilespmem:s14+$0x2510]  }
0x318: {  	v12 =	vld [tilespmem:s14+$0x6510]  }
0x319: {  	v13 =	vld [tilespmem:s14+$0x2480]  }
0x31a: {  	v14 =	vld [tilespmem:s14+$0x6480]  }
0x31b: {  	v15 =	vld [tilespmem:s14+$0x2490]  }
0x31c: {  	v16 =	vld [tilespmem:s14+$0x6490]  }
0x31d: {  	v17 =	vld [tilespmem:s14+$0x2580]  }
0x31e: {  	v18 =	vld [tilespmem:s14+$0x6580]  }
0x31f: {  	v19 =	vld [tilespmem:s14+$0x2590]  }
0x320: {  	v20 =	vld [tilespmem:s14+$0x6590]  }
0x321: {  	v21 =	vld [tilespmem:s14+$0x2440]  }
0x322: {  	v22 =	vld [tilespmem:s14+$0x6440]  }
0x323: {  	v23 =	vld [tilespmem:s14+$0x2450]  }
0x324: {  	v24 =	vld [tilespmem:s14+$0x6450]  }
0x325: {  	v25 =	vld [tilespmem:s14+$0x2540]  }
0x326: {  	v26 =	vld [tilespmem:s14+$0x6540]  }
0x327: {  	v27 =	vld [tilespmem:s14+$0x2550]  }
0x328: {  	v28 =	vld [tilespmem:s14+$0x6550]  }
0x329: {  	v29 =	vld [tilespmem:s14+$0x24C0]  }
0x32a: {  	v30 =	vld [tilespmem:s14+$0x64C0]  }
0x32b: {  	v31 =	vld [tilespmem:s14+$0x24D0]  }
0x32c: {  	v32 =	vld [tilespmem:s14+$0x64D0]  }
0x32d: {  	v33 =	vld [tilespmem:s14+$0x25C0]  }
0x32e: {  	v34 =	vld [tilespmem:s14+$0x65C0]  }
0x32f: {  	v35 =	vld [tilespmem:s14+$0x25D0]  }
0x330: {  	v36 =	vld [tilespmem:s14+$0x65D0]  }
0x331: {  	v37 =	vld [tilespmem:s14+$0x2420]  }
0x332: {  	v38 =	vld [tilespmem:s14+$0x6420]  }
0x333: {  	v39 =	vld [tilespmem:s14+$0x2430]  }
0x334: {  	v40 =	vld [tilespmem:s14+$0x6430]  }
0x335: {  	v41 =	vld [tilespmem:s14+$0x2520]  }
0x336: {  	v42 =	vld [tilespmem:s14+$0x6520]  }
0x337: {  	v43 =	vld [tilespmem:s14+$0x2530]  }
0x338: {  	v44 =	vld [tilespmem:s14+$0x6530]  }
0x339: {  	v4 =	vld [tilespmem:s14+$0x24A0]  }
0x33a: {  	v45 =	vmul.f32 v5, v6;
	v7 =	vmul.f32 v8, v7;
	v5 =	vld [tilespmem:s14+$0x64A0]  }
0x33b: {  	v8 =	vmul.f32 v10, v9;
	v9 =	vmul.f32 v12, v11;
	v6 =	vld [tilespmem:s14+$0x24B0]  }
0x33c: {  	v45 =	vadd.f32 v7, v45;
	v10 =	vmul.f32 v14, v13;
	v11 =	vmul.f32 v16, v15;
	v7 =	vld [tilespmem:s14+$0x64B0]  }
0x33d: {  	v9 =	vadd.f32 v9, v8;
	v12 =	vmul.f32 v18, v17;
	v13 =	vmul.f32 v20, v19;
	v8 =	vld [tilespmem:s14+$0x25A0]  }
0x33e: {  	v14 =	vadd.f32 v11, v10;
	v10 =	vld [tilespmem:s14+$0x65A0]  }
0x33f: {  	v15 =	vperm.xlane v45, v0;
	v16 =	vperm.xlane v9, v0;
	v17 =	vadd.f32 v13, v12;
	v11 =	vld [tilespmem:s14+$0x25B0]  }
0x340: {  	v18 =	vperm.xlane v14, v0;
	v12 =	vld [tilespmem:s14+$0x65B0]  }
0x341: {  	v15 =	vadd.f32 v45, v15;
	v9 =	vadd.f32 v9, v16;
	v16 =	vperm.xlane v17, v0;
	v13 =	vld [tilespmem:s14+$0x2460]  }
0x342: {  	v20 =	vadd.f32 v14, v18;
	v19 =	vmul.f32 v22, v21;
	v21 =	vmul.f32 v24, v23;
	v14 =	vld [tilespmem:s14+$0x6460]  }
0x343: {  	v16 =	vadd.f32 v17, v16;
	v22 =	vmul.f32 v26, v25;
	v23 =	vmul.f32 v28, v27;
	v17 =	vld [tilespmem:s14+$0x2470]  }
0x344: {  	v9 =	vsel vm2, v15, v9;
	v18 =	vld [tilespmem:s14+$0x6470]  }
0x345: {  	v15 =	vadd.f32 v21, v19;
	v16 =	vsel vm2, v20, v16;
	v24 =	vadd.f32 v23, v22;
	v19 =	vld [tilespmem:s14+$0x2560]  }
0x346: {  	v26 =	vperm.xlane v9, v1;
	v45 =	vperm.xlane v16, v1;
	v20 =	vld [tilespmem:s14+$0x6560]  }
0x347: {  	v23 =	vperm.xlane v15, v0;
	v25 =	vperm.xlane v24, v0;
	v21 =	vld [tilespmem:s14+$0x2570]  }
0x348: {  	v27 =	vmul.f32 v30, v29;
	v28 =	vmul.f32 v32, v31;
	v22 =	vld [tilespmem:s14+$0x6570]  }
0x349: {  	v15 =	vadd.f32 v15, v23;
	v29 =	vmul.f32 v34, v33;
	v30 =	vmul.f32 v36, v35;
	v23 =	vld [tilespmem:s14+$0x24E0]  }
0x34a: {  	v32 =	vadd.f32 v24, v25;
	v34 =	vmul.f32 v38, v37;
	v35 =	vmul.f32 v40, v39;
	v24 =	vld [tilespmem:s14+$0x64E0]  }
.Ltmp2:
0x34b: {  	v9 =	vadd.f32 v26, v9;
	v36 =	vmul.f32 v42, v41;
	v37 =	vmul.f32 v44, v43;
	v25 =	vld [tilespmem:s14+$0x24F0];
	(pc) =	sbr.rel @p0 .LBB2_6-.Ltmp2, $4  }
0x34c: {  	v33 =	vadd.f32 v28, v27;
	v31 =	vadd.f32 v30, v29;
	v38 =	vsel vm2, v15, v32;
	v26 =	vld [tilespmem:s14+$0x64F0]  }
0x34d: {  	v39 =	vperm.xlane v38, v1;
	v32 =	vadd.f32 v35, v34;
	v29 =	vadd.f32 v37, v36;
	v27 =	vld [tilespmem:s14+$0x25E0]  }
0x34e: {  	v15 =	vadd.f32 v45, v16;
	v35 =	vperm.xlane v31, v0;
	v37 =	vperm.xlane v33, v0;
	v28 =	vld [tilespmem:s14+$0x65E0]  }
0x34f: {  	s15 =	sadd.s32 $0x800, s15;
	v16 =	vadd.f32 v39, v38;
	v36 =	vperm.xlane v32, v0;
	v34 =	vperm.xlane v29, v0;
	v30 =	vld [tilespmem:s14+$0x25F0]  }
0x350: {  	v4 =	vmul.f32 v5, v4  }
0x351: {  	v5 =	vmul.f32 v7, v6;
	v6 =	vld [tilespmem:s14+$0x65F0];
	v8 =	vmul.f32 v10, v8  }
0x352: {  	v33 =	vadd.f32 v33, v37;
	v10 =	vmul.f32 v12, v11;
	v12 =	vmul.f32 v14, v13  }
0x353: {  	v7 =	vadd.f32 v31, v35;
	v13 =	vmul.f32 v18, v17;
	v17 =	vmul.f32 v20, v19  }
0x354: {  	v18 =	vmul.f32 v22, v21;
	v11 =	vadd.f32 v32, v36;
	v19 =	vmul.f32 v26, v25  }
0x355: {  	v4 =	vadd.f32 v5, v4;
	v5 =	vmul.f32 v24, v23;
	v8 =	vadd.f32 v10, v8  }
0x356: {  	v12 =	vadd.f32 v13, v12;
	v10 =	vmul.f32 v28, v27;
	v6 =	vmul.f32 v6, v30  }
0x357: {  	v13 =	vadd.f32 v18, v17;
	v17 =	vperm.xlane v8, v0;
	v5 =	vadd.f32 v19, v5  }
0x358: {  	v14 =	vadd.f32 v29, v34;
	v20 =	vperm.xlane v4, v0;
	v6 =	vadd.f32 v6, v10  }
0x359: {  	v8 =	vadd.f32 v8, v17;
	v17 =	vperm.xlane v5, v0;
	v10 =	vperm.xlane v12, v0  }
0x35a: {  	v18 =	vperm.xlane v13, v0;
	v4 =	vadd.f32 v4, v20;
	v19 =	vperm.xlane v6, v0  }
0x35b: {  	v7 =	vsel vm2, v33, v7;
	v5 =	vadd.f32 v5, v17;
	v10 =	vadd.f32 v12, v10  }
0x35c: {  	v11 =	vsel vm2, v11, v14;
	v12 =	vadd.f32 v13, v18;
	v6 =	vadd.f32 v6, v19  }
0x35d: {  	v4 =	vsel vm2, v4, v8;
	v8 =	vperm.xlane v7, v1;
	v13 =	vperm.xlane v11, v1  }
0x35e: {  	v10 =	vsel vm2, v10, v12;
	v5 =	vsel vm2, v5, v6;
	v6 =	vperm.xlane v4, v1  }
0x35f: {  	v7 =	vadd.f32 v8, v7;
	v8 =	vperm.xlane v10, v1;
	v12 =	vperm.xlane v5, v1  }
0x360: {  	v11 =	vadd.f32 v13, v11;
	v4 =	vadd.f32 v6, v4  }
0x361: {  	v6 =	vadd.f32 v8, v10;
	v8 =	vsel vm0, v9, v15;
	v5 =	vadd.f32 v12, v5  }
0x362: {  	v7 =	vsel vm0, v16, v7;
	v9 =	vperm.xlane v8, v2  }
0x363: {  	v4 =	vsel vm0, v11, v4;
	v5 =	vsel vm0, v6, v5;
	v6 =	vperm.xlane v7, v2  }
0x364: {  	v10 =	vperm.xlane v4, v2;
	v11 =	vperm.xlane v5, v2  }
0x365: {  	v8 =	vadd.f32 v9, v8;
	v6 =	vadd.f32 v6, v7  }
0x366: {  	v4 =	vadd.f32 v10, v4;
	v5 =	vadd.f32 v11, v5;
	_ =	sdelay $0x1  }
0x367: {  	v6 =	vsel vm1, v8, v6;
	v4 =	vsel vm1, v4, v5  }
0x368: {  	v5 =	vperm.xlane v6, v3;
	v7 =	vperm.xlane v4, v3;
	_ =	sdelay $0x1  }
0x369: {  	v5 =	vadd.f32 v5, v6;
	v4 =	vadd.f32 v7, v4;
	_ =	sdelay $0x1  }
0x36a: {  	s13 =	sadd.s32 $0x10, s13;
	v4 =	vsel vm3, v5, v4  }
0x36b: {  	[tilespmem:s13+$0x0] =	vst v4  }
0x36c: {  	_ =	swait.ge [sflag:s30], $0x1000  }
0x36d: {  	[sflag:s30] =	ssyncset.done $0x0  }
0x36e: {  	[sflag:s30] =	ssyncadd.s32 $0xFFFFF000  }
0x36f: {  	_ =	swait.ge [sflag:s30], $0x1000  }
0x370: {  	[sflag:s30] =	ssyncset.done $0x0  }
0x371: {  	s15 =	simm.s32 $0x0;
	[sflag:s30] =	ssyncadd.s32 $0xFFFFF000  }
0x372: {  	v4 =	vld [tilespmem:s15+$0x7400]  }
0x373: {  	v5 =	vld [tilespmem:s15+$0x3400]  }
0x374: {  	v6 =	vld [tilespmem:s15+$0x3410]  }
0x375: {  	v7 =	vld [tilespmem:s15+$0x7410]  }
0x376: {  	v8 =	vld [tilespmem:s15+$0x3500]  }
0x377: {  	v9 =	vld [tilespmem:s15+$0x7500]  }
0x378: {  	v10 =	vld [tilespmem:s15+$0x3510]  }
0x379: {  	v11 =	vld [tilespmem:s15+$0x7510]  }
0x37a: {  	v12 =	vld [tilespmem:s15+$0x3480]  }
0x37b: {  	v13 =	vld [tilespmem:s15+$0x7480]  }
0x37c: {  	v14 =	vld [tilespmem:s15+$0x3490]  }
0x37d: {  	v15 =	vld [tilespmem:s15+$0x7490]  }
0x37e: {  	v16 =	vld [tilespmem:s15+$0x3580]  }
0x37f: {  	v17 =	vld [tilespmem:s15+$0x7580]  }
0x380: {  	v18 =	vld [tilespmem:s15+$0x3590]  }
0x381: {  	v19 =	vld [tilespmem:s15+$0x7590]  }
0x382: {  	v20 =	vld [tilespmem:s15+$0x3440]  }
0x383: {  	v21 =	vld [tilespmem:s15+$0x7440]  }
0x384: {  	v22 =	vld [tilespmem:s15+$0x3450]  }
0x385: {  	v23 =	vld [tilespmem:s15+$0x7450]  }
0x386: {  	v24 =	vld [tilespmem:s15+$0x3540]  }
0x387: {  	v25 =	vld [tilespmem:s15+$0x7540]  }
0x388: {  	v26 =	vld [tilespmem:s15+$0x3550]  }
0x389: {  	v27 =	vld [tilespmem:s15+$0x7550]  }
0x38a: {  	v28 =	vld [tilespmem:s15+$0x34C0]  }
0x38b: {  	v29 =	vld [tilespmem:s15+$0x74C0]  }
0x38c: {  	v30 =	vld [tilespmem:s15+$0x34D0]  }
0x38d: {  	v31 =	vld [tilespmem:s15+$0x74D0]  }
0x38e: {  	v61 =	vld [tilespmem:s15+$0x35C0]  }
0x38f: {  	v62 =	vld [tilespmem:s15+$0x75C0]  }
0x390: {  	v63 =	vld [tilespmem:s15+$0x35D0]  }
0x391: {  	v48 =	vld [tilespmem:s15+$0x75D0]  }
0x392: {  	v49 =	vld [tilespmem:s15+$0x3420]  }
0x393: {  	v50 =	vld [tilespmem:s15+$0x7420]  }
0x394: {  	v38 =	vld [tilespmem:s15+$0x3430]  }
0x395: {  	v39 =	vld [tilespmem:s15+$0x7430]  }
0x396: {  	v40 =	vld [tilespmem:s15+$0x3520]  }
0x397: {  	v41 =	vld [tilespmem:s15+$0x7520]  }
0x398: {  	v42 =	vld [tilespmem:s15+$0x3530]  }
0x399: {  	v43 =	vld [tilespmem:s15+$0x7530]  }
0x39a: {  	v44 =	vld [tilespmem:s15+$0x34A0]  }
0x39b: {  	v51 =	vld [tilespmem:s15+$0x74E0]  }
0x39c: {  	v54 =	vld [tilespmem:s15+$0x34F0]  }
0x39d: {  	v56 =	vld [tilespmem:s15+$0x75E0];
	v4 =	vmul.f32 v4, v5;
	v5 =	vmul.f32 v7, v6  }
0x39e: {  	v6 =	vld [tilespmem:s15+$0x74A0];
	v7 =	vmul.f32 v9, v8;
	v8 =	vmul.f32 v11, v10  }
0x39f: {  	v9 =	vld [tilespmem:s15+$0x34B0];
	v10 =	vmul.f32 v15, v14;
	v4 =	vadd.f32 v5, v4;
	v5 =	vmul.f32 v13, v12  }
0x3a0: {  	v11 =	vld [tilespmem:s15+$0x74B0];
	v7 =	vadd.f32 v8, v7;
	v8 =	vmul.f32 v17, v16;
	v12 =	vmul.f32 v19, v18  }
0x3a1: {  	v58 =	vld [tilespmem:s15+$0x35F0];
	v52 =	vmul.f32 v41, v40;
	v5 =	vadd.f32 v10, v5  }
0x3a2: {  	v53 =	vmul.f32 v43, v42;
	v13 =	vld [tilespmem:s15+$0x35A0];
	v14 =	vperm.xlane v4, v0;
	v8 =	vadd.f32 v12, v8  }
0x3a3: {  	v17 =	vld [tilespmem:s15+$0x75B0];
	v18 =	vmul.f32 v23, v22;
	v16 =	vperm.xlane v5, v0  }
0x3a4: {  	v10 =	vld [tilespmem:s15+$0x75A0];
	v15 =	vperm.xlane v7, v0;
	v4 =	vadd.f32 v4, v14;
	v14 =	vperm.xlane v8, v0  }
0x3a5: {  	v12 =	vld [tilespmem:s15+$0x35B0];
	v6 =	vmul.f32 v6, v44;
	v9 =	vmul.f32 v11, v9;
	v5 =	vadd.f32 v5, v16  }
0x3a6: {  	v11 =	vld [tilespmem:s15+$0x75F0];
	v16 =	vmul.f32 v21, v20;
	v8 =	vadd.f32 v8, v14;
	v14 =	vmul.f32 v25, v24  }
0x3a7: {  	v7 =	vadd.f32 v7, v15;
	v20 =	vmul.f32 v27, v26;
	v25 =	vld [tilespmem:s15+$0x3570];
	v26 =	vmul.f32 v29, v28  }
0x3a8: {  	v27 =	vmul.f32 v31, v30;
	v28 =	vld [tilespmem:s15+$0x7570];
	v29 =	vmul.f32 v48, v63  }
0x3a9: {  	v4 =	vsel vm2, v4, v7;
	v30 =	vld [tilespmem:s15+$0x34E0];
	v31 =	vmul.f32 v39, v38;
	v10 =	vmul.f32 v10, v13  }
0x3aa: {  	v12 =	vmul.f32 v17, v12;
	v7 =	vadd.f32 v18, v16;
	v14 =	vadd.f32 v20, v14;
	v16 =	vld [tilespmem:s15+$0x3560]  }
0x3ab: {  	v5 =	vsel vm2, v5, v8;
	v8 =	vld [tilespmem:s15+$0x7560];
	v18 =	vperm.xlane v4, v1;
	v11 =	vmul.f32 v11, v58  }
0x3ac: {  	v19 =	vld [tilespmem:s15+$0x7460];
	v6 =	vadd.f32 v9, v6;
	v20 =	vperm.xlane v5, v1;
	v23 =	vperm.xlane v7, v0  }
0x3ad: {  	v22 =	vld [tilespmem:s15+$0x7470];
	v10 =	vadd.f32 v12, v10;
	v24 =	vperm.xlane v14, v0;
	v4 =	vadd.f32 v18, v4  }
0x3ae: {  	v18 =	vadd.f32 v27, v26;
	v27 =	vld [tilespmem:s15+$0x35E0];
	v9 =	vmul.f32 v51, v30;
	v7 =	vadd.f32 v7, v23  }
0x3af: {  	v15 =	vld [tilespmem:s15+$0x3460];
	v23 =	vmul.f32 v62, v61;
	v14 =	vadd.f32 v14, v24;
	v24 =	vmul.f32 v50, v49  }
0x3b0: {  	v21 =	vld [tilespmem:s15+$0x3470];
	v5 =	vadd.f32 v20, v5;
	v8 =	vmul.f32 v8, v16;
	v16 =	vmul.f32 v28, v25  }
0x3b1: {  	v26 =	vld [tilespmem:s15+$0x74F0];
	v23 =	vadd.f32 v29, v23;
	v7 =	vsel vm2, v7, v14;
	v14 =	vadd.f32 v31, v24  }
0x3b2: {  	v24 =	vadd.f32 v53, v52;
	v31 =	vperm.xlane v18, v0;
	v29 =	vperm.xlane v7, v1  }
0x3b3: {  	v12 =	vmul.f32 v56, v27;
	v8 =	vadd.f32 v16, v8;
	v20 =	vperm.xlane v14, v0  }
0x3b4: {  	v55 =	vperm.xlane v23, v0;
	v57 =	vperm.xlane v24, v0;
	v18 =	vadd.f32 v18, v31  }
0x3b5: {  	v7 =	vadd.f32 v29, v7;
	v13 =	vadd.f32 v14, v20;
	v14 =	vmul.f32 v19, v15  }
0x3b6: {  	v11 =	vadd.f32 v11, v12;
	v15 =	vmul.f32 v22, v21;
	v19 =	vmul.f32 v26, v54  }
0x3b7: {  	v16 =	vperm.xlane v8, v0;
	v23 =	vadd.f32 v23, v55;
	v17 =	vadd.f32 v24, v57  }
0x3b8: {  	v14 =	vadd.f32 v15, v14;
	v15 =	vperm.xlane v10, v0;
	v9 =	vadd.f32 v19, v9  }
0x3b9: {  	v20 =	vperm.xlane v6, v0;
	v8 =	vadd.f32 v8, v16;
	v19 =	vperm.xlane v11, v0  }
0x3ba: {  	v12 =	vperm.xlane v14, v0;
	v10 =	vadd.f32 v10, v15;
	v15 =	vperm.xlane v9, v0  }
0x3bb: {  	v6 =	vadd.f32 v6, v20;
	v13 =	vsel vm2, v13, v17;
	v11 =	vadd.f32 v11, v19  }
0x3bc: {  	v12 =	vadd.f32 v14, v12;
	v14 =	vsel vm2, v18, v23;
	v9 =	vadd.f32 v9, v15  }
0x3bd: {  	v6 =	vsel vm2, v6, v10;
	v15 =	vperm.xlane v13, v1;
	v10 =	vperm.xlane v14, v1  }
0x3be: {  	v8 =	vsel vm2, v12, v8;
	v9 =	vsel vm2, v9, v11;
	v11 =	vperm.xlane v6, v1  }
0x3bf: {  	v10 =	vadd.f32 v10, v14;
	v12 =	vperm.xlane v8, v1;
	v14 =	vperm.xlane v9, v1  }
0x3c0: {  	v13 =	vadd.f32 v15, v13;
	v6 =	vadd.f32 v11, v6  }
0x3c1: {  	v4 =	vsel vm0, v4, v5;
	v8 =	vadd.f32 v12, v8;
	v9 =	vadd.f32 v14, v9  }
0x3c2: {  	v5 =	vsel vm0, v7, v10;
	v7 =	vperm.xlane v4, v2  }
0x3c3: {  	v6 =	vsel vm0, v13, v6;
	v8 =	vsel vm0, v8, v9;
	v9 =	vperm.xlane v5, v2  }
0x3c4: {  	v10 =	vperm.xlane v6, v2;
	v11 =	vperm.xlane v8, v2  }
0x3c5: {  	v4 =	vadd.f32 v7, v4;
	v5 =	vadd.f32 v9, v5  }
0x3c6: {  	v6 =	vadd.f32 v10, v6;
	v7 =	vadd.f32 v11, v8;
	_ =	sdelay $0x1  }
0x3c7: {  	v4 =	vsel vm1, v4, v5;
	v5 =	vsel vm1, v6, v7  }
0x3c8: {  	v6 =	vperm.xlane v4, v3;
	v7 =	vperm.xlane v5, v3;
	_ =	sdelay $0x1  }
0x3c9: {  	v4 =	vadd.f32 v6, v4;
	v5 =	vadd.f32 v7, v5;
	_ =	sdelay $0x1  }
0x3ca: {  	s13 =	simm.s32 $0x8580;
	v4 =	vsel vm3, v4, v5  }
0x3cb: {  	s14 =	simm.s32 $0x200;
	[tilespmem:s13+$0x0] =	vst v4  }
0x3cc: {  	v5 =	vld [tilespmem:s14+$0x7400]  }
0x3cd: {  	v6 =	vld [tilespmem:s14+$0x3400]  }
0x3ce: {  	v7 =	vld [tilespmem:s14+$0x3410]  }
0x3cf: {  	v8 =	vld [tilespmem:s14+$0x7410]  }
0x3d0: {  	v9 =	vld [tilespmem:s14+$0x3500]  }
0x3d1: {  	v10 =	vld [tilespmem:s14+$0x7500]  }
0x3d2: {  	v11 =	vld [tilespmem:s14+$0x3510]  }
0x3d3: {  	v12 =	vld [tilespmem:s14+$0x7510]  }
0x3d4: {  	v13 =	vld [tilespmem:s14+$0x3480]  }
0x3d5: {  	v14 =	vld [tilespmem:s14+$0x7480]  }
0x3d6: {  	v15 =	vld [tilespmem:s14+$0x3490]  }
0x3d7: {  	v16 =	vld [tilespmem:s14+$0x7490]  }
0x3d8: {  	v17 =	vld [tilespmem:s14+$0x3580]  }
0x3d9: {  	v18 =	vld [tilespmem:s14+$0x7580]  }
0x3da: {  	v19 =	vld [tilespmem:s14+$0x3590]  }
0x3db: {  	v20 =	vld [tilespmem:s14+$0x7590]  }
0x3dc: {  	v21 =	vld [tilespmem:s14+$0x3440]  }
0x3dd: {  	v22 =	vld [tilespmem:s14+$0x7440]  }
0x3de: {  	v23 =	vld [tilespmem:s14+$0x3450]  }
0x3df: {  	v24 =	vld [tilespmem:s14+$0x7450]  }
0x3e0: {  	v25 =	vld [tilespmem:s14+$0x3540]  }
0x3e1: {  	v26 =	vld [tilespmem:s14+$0x7540]  }
0x3e2: {  	v27 =	vld [tilespmem:s14+$0x3550]  }
0x3e3: {  	v28 =	vld [tilespmem:s14+$0x7550]  }
0x3e4: {  	v29 =	vld [tilespmem:s14+$0x34C0]  }
0x3e5: {  	v30 =	vld [tilespmem:s14+$0x74C0]  }
0x3e6: {  	v31 =	vld [tilespmem:s14+$0x34D0]  }
0x3e7: {  	v59 =	vld [tilespmem:s14+$0x74D0]  }
0x3e8: {  	v60 =	vld [tilespmem:s14+$0x35C0]  }
0x3e9: {  	v61 =	vld [tilespmem:s14+$0x75C0]  }
0x3ea: {  	v62 =	vld [tilespmem:s14+$0x35D0]  }
0x3eb: {  	v63 =	vld [tilespmem:s14+$0x75D0]  }
0x3ec: {  	v48 =	vld [tilespmem:s14+$0x3420]  }
0x3ed: {  	v49 =	vld [tilespmem:s14+$0x7420]  }
0x3ee: {  	v50 =	vld [tilespmem:s14+$0x3430]  }
0x3ef: {  	v51 =	vld [tilespmem:s14+$0x7430]  }
0x3f0: {  	v52 =	vld [tilespmem:s14+$0x3520]  }
0x3f1: {  	v53 =	vld [tilespmem:s14+$0x7520]  }
0x3f2: {  	v54 =	vld [tilespmem:s14+$0x3530]  }
0x3f3: {  	v55 =	vld [tilespmem:s14+$0x7530]  }
0x3f4: {  	v4 =	vld [tilespmem:s14+$0x34A0]  }
0x3f5: {  	v45 =	vmul.f32 v5, v6;
	v7 =	vmul.f32 v8, v7;
	v5 =	vld [tilespmem:s14+$0x74A0]  }
0x3f6: {  	v8 =	vmul.f32 v10, v9;
	v9 =	vmul.f32 v12, v11;
	v6 =	vld [tilespmem:s14+$0x34B0]  }
0x3f7: {  	v10 =	vmul.f32 v14, v13;
	v11 =	vmul.f32 v16, v15;
	v45 =	vadd.f32 v7, v45;
	v7 =	vld [tilespmem:s14+$0x74B0]  }
0x3f8: {  	v9 =	vadd.f32 v9, v8;
	v8 =	vld [tilespmem:s14+$0x35A0]  }
0x3f9: {  	v12 =	vmul.f32 v18, v17;
	v13 =	vmul.f32 v20, v19;
	v14 =	vadd.f32 v11, v10;
	v10 =	vld [tilespmem:s14+$0x75A0]  }
0x3fa: {  	v19 =	vmul.f32 v22, v21;
	v21 =	vmul.f32 v24, v23;
	v11 =	vld [tilespmem:s14+$0x35B0]  }
0x3fb: {  	v22 =	vmul.f32 v26, v25;
	v23 =	vmul.f32 v28, v27;
	v17 =	vadd.f32 v13, v12;
	v12 =	vld [tilespmem:s14+$0x75B0]  }
0x3fc: {  	v27 =	vmul.f32 v30, v29;
	v28 =	vmul.f32 v59, v31;
	v13 =	vld [tilespmem:s14+$0x3460]  }
0x3fd: {  	v24 =	vadd.f32 v23, v22;
	v22 =	vld [tilespmem:s14+$0x7570];
	v15 =	vperm.xlane v45, v0;
	v16 =	vperm.xlane v9, v0  }
0x3fe: {  	v29 =	vmul.f32 v61, v60;
	v30 =	vmul.f32 v63, v62;
	v33 =	vadd.f32 v28, v27;
	v27 =	vld [tilespmem:s14+$0x35E0]  }
0x3ff: {  	v28 =	vld [tilespmem:s14+$0x75E0];
	v18 =	vperm.xlane v14, v0;
	v15 =	vadd.f32 v45, v15;
	v9 =	vadd.f32 v9, v16  }
0x400: {  	v31 =	vadd.f32 v30, v29;
	v30 =	vld [tilespmem:s14+$0x35F0];
	v25 =	vperm.xlane v24, v0  }
0x401: {  	v20 =	vadd.f32 v14, v18;
	v14 =	vld [tilespmem:s14+$0x7460];
	v9 =	vsel vm2, v15, v9;
	v15 =	vadd.f32 v21, v19  }
0x402: {  	v18 =	vld [tilespmem:s14+$0x7470]  }
0x403: {  	v16 =	vperm.xlane v17, v0;
	v57 =	vadd.f32 v24, v25;
	v24 =	vld [tilespmem:s14+$0x74E0];
	v23 =	vperm.xlane v15, v0  }
0x404: {  	v58 =	vmul.f32 v49, v48;
	v59 =	vmul.f32 v51, v50;
	v25 =	vld [tilespmem:s14+$0x34F0]  }
0x405: {  	v60 =	vmul.f32 v53, v52;
	v16 =	vadd.f32 v17, v16;
	v17 =	vld [tilespmem:s14+$0x3470];
	v15 =	vadd.f32 v15, v23  }
0x406: {  	v61 =	vmul.f32 v55, v54;
	v32 =	vadd.f32 v59, v58;
	v37 =	vperm.xlane v33, v0;
	v19 =	vld [tilespmem:s14+$0x3560]  }
0x407: {  	v21 =	vld [tilespmem:s14+$0x3570];
	v26 =	vperm.xlane v9, v1;
	v16 =	vsel vm2, v20, v16;
	v62 =	vsel vm2, v15, v57  }
0x408: {  	v29 =	vadd.f32 v61, v60;
	v20 =	vld [tilespmem:s14+$0x7560];
	v56 =	vperm.xlane v16, v1;
	v63 =	vperm.xlane v62, v1  }
0x409: {  	v35 =	vperm.xlane v31, v0;
	v36 =	vperm.xlane v32, v0;
	v9 =	vadd.f32 v26, v9;
	v26 =	vld [tilespmem:s14+$0x74F0]  }
0x40a: {  	s15 =	simm.s32 $0x1000;
	v34 =	vperm.xlane v29, v0;
	v23 =	vld [tilespmem:s14+$0x34E0];
	v15 =	vadd.f32 v56, v16;
	v16 =	vadd.f32 v63, v62  }
.LBB2_8:
0x40b: {  	p0 =	sne.s32 s15, $0x3800;
	v33 =	vadd.f32 v33, v37;
	v4 =	vmul.f32 v5, v4;
	v5 =	vmul.f32 v7, v6;
	v6 =	vld [tilespmem:s14+$0x75F0]  }
0x40c: {  	v7 =	vadd.f32 v31, v35;
	v8 =	vmul.f32 v10, v8;
	v10 =	vmul.f32 v12, v11  }
0x40d: {  	v12 =	vmul.f32 v14, v13;
	v13 =	vmul.f32 v18, v17;
	v11 =	vadd.f32 v32, v36  }
0x40e: {  	v17 =	vmul.f32 v20, v19;
	v18 =	vmul.f32 v22, v21;
	v14 =	vadd.f32 v29, v34  }
0x40f: {  	v19 =	vmul.f32 v26, v25;
	v4 =	vadd.f32 v5, v4;
	v5 =	vmul.f32 v24, v23  }
0x410: {  	v8 =	vadd.f32 v10, v8;
	v10 =	vmul.f32 v28, v27;
	v6 =	vmul.f32 v6, v30  }
0x411: {  	v12 =	vadd.f32 v13, v12;
	v13 =	vadd.f32 v18, v17;
	v20 =	vperm.xlane v4, v0  }
0x412: {  	v17 =	vperm.xlane v8, v0;
	v5 =	vadd.f32 v19, v5;
	v6 =	vadd.f32 v6, v10  }
0x413: {  	v18 =	vperm.xlane v13, v0;
	v4 =	vadd.f32 v4, v20;
	v10 =	vperm.xlane v12, v0  }
0x414: {  	v8 =	vadd.f32 v8, v17;
	v17 =	vperm.xlane v5, v0;
	v19 =	vperm.xlane v6, v0  }
0x415: {  	v7 =	vsel vm2, v33, v7;
	v10 =	vadd.f32 v12, v10;
	v12 =	vadd.f32 v13, v18  }
0x416: {  	v11 =	vsel vm2, v11, v14;
	v5 =	vadd.f32 v5, v17;
	v6 =	vadd.f32 v6, v19  }
0x417: {  	v4 =	vsel vm2, v4, v8;
	v8 =	vperm.xlane v7, v1;
	v13 =	vperm.xlane v11, v1  }
0x418: {  	v10 =	vsel vm2, v10, v12;
	v5 =	vsel vm2, v5, v6;
	v6 =	vperm.xlane v4, v1  }
0x419: {  	v7 =	vadd.f32 v8, v7;
	v8 =	vperm.xlane v10, v1;
	v12 =	vperm.xlane v5, v1  }
0x41a: {  	v11 =	vadd.f32 v13, v11;
	v4 =	vadd.f32 v6, v4  }
0x41b: {  	v6 =	vadd.f32 v8, v10;
	v8 =	vsel vm0, v9, v15;
	v5 =	vadd.f32 v12, v5  }
0x41c: {  	v7 =	vsel vm0, v16, v7;
	v9 =	vperm.xlane v8, v2  }
0x41d: {  	v4 =	vsel vm0, v11, v4;
	v5 =	vsel vm0, v6, v5;
	v6 =	vperm.xlane v7, v2  }
0x41e: {  	v10 =	vperm.xlane v4, v2;
	v11 =	vperm.xlane v5, v2  }
0x41f: {  	v8 =	vadd.f32 v9, v8;
	v6 =	vadd.f32 v6, v7  }
0x420: {  	v4 =	vadd.f32 v10, v4;
	v5 =	vadd.f32 v11, v5;
	_ =	sdelay $0x1  }
0x421: {  	v6 =	vsel vm1, v8, v6;
	v4 =	vsel vm1, v4, v5  }
0x422: {  	v5 =	vperm.xlane v6, v3;
	v7 =	vperm.xlane v4, v3;
	_ =	sdelay $0x1  }
0x423: {  	v5 =	vadd.f32 v5, v6;
	v4 =	vadd.f32 v7, v4;
	_ =	sdelay $0x1  }
0x424: {  	s13 =	sadd.s32 $0x10, s13;
	v4 =	vsel vm3, v5, v4  }
0x425: {  	s14 =	sshra.s32 s15, $0x2;
	[tilespmem:s13+$0x0] =	vst v4  }
0x426: {  	v5 =	vld [tilespmem:s14+$0x7400]  }
0x427: {  	v6 =	vld [tilespmem:s14+$0x3400]  }
0x428: {  	v7 =	vld [tilespmem:s14+$0x3410]  }
0x429: {  	v8 =	vld [tilespmem:s14+$0x7410]  }
0x42a: {  	v9 =	vld [tilespmem:s14+$0x3500]  }
0x42b: {  	v10 =	vld [tilespmem:s14+$0x7500]  }
0x42c: {  	v11 =	vld [tilespmem:s14+$0x3510]  }
0x42d: {  	v12 =	vld [tilespmem:s14+$0x7510]  }
0x42e: {  	v13 =	vld [tilespmem:s14+$0x3480]  }
0x42f: {  	v14 =	vld [tilespmem:s14+$0x7480]  }
0x430: {  	v15 =	vld [tilespmem:s14+$0x3490]  }
0x431: {  	v16 =	vld [tilespmem:s14+$0x7490]  }
0x432: {  	v17 =	vld [tilespmem:s14+$0x3580]  }
0x433: {  	v18 =	vld [tilespmem:s14+$0x7580]  }
0x434: {  	v19 =	vld [tilespmem:s14+$0x3590]  }
0x435: {  	v20 =	vld [tilespmem:s14+$0x7590]  }
0x436: {  	v21 =	vld [tilespmem:s14+$0x3440]  }
0x437: {  	v22 =	vld [tilespmem:s14+$0x7440]  }
0x438: {  	v23 =	vld [tilespmem:s14+$0x3450]  }
0x439: {  	v24 =	vld [tilespmem:s14+$0x7450]  }
0x43a: {  	v25 =	vld [tilespmem:s14+$0x3540]  }
0x43b: {  	v26 =	vld [tilespmem:s14+$0x7540]  }
0x43c: {  	v27 =	vld [tilespmem:s14+$0x3550]  }
0x43d: {  	v28 =	vld [tilespmem:s14+$0x7550]  }
0x43e: {  	v29 =	vld [tilespmem:s14+$0x34C0]  }
0x43f: {  	v30 =	vld [tilespmem:s14+$0x74C0]  }
0x440: {  	v31 =	vld [tilespmem:s14+$0x34D0]  }
0x441: {  	v32 =	vld [tilespmem:s14+$0x74D0]  }
0x442: {  	v33 =	vld [tilespmem:s14+$0x35C0]  }
0x443: {  	v34 =	vld [tilespmem:s14+$0x75C0]  }
0x444: {  	v35 =	vld [tilespmem:s14+$0x35D0]  }
0x445: {  	v36 =	vld [tilespmem:s14+$0x75D0]  }
0x446: {  	v37 =	vld [tilespmem:s14+$0x3420]  }
0x447: {  	v38 =	vld [tilespmem:s14+$0x7420]  }
0x448: {  	v39 =	vld [tilespmem:s14+$0x3430]  }
0x449: {  	v40 =	vld [tilespmem:s14+$0x7430]  }
0x44a: {  	v41 =	vld [tilespmem:s14+$0x3520]  }
0x44b: {  	v42 =	vld [tilespmem:s14+$0x7520]  }
0x44c: {  	v43 =	vld [tilespmem:s14+$0x3530]  }
0x44d: {  	v44 =	vld [tilespmem:s14+$0x7530]  }
0x44e: {  	v4 =	vld [tilespmem:s14+$0x34A0]  }
0x44f: {  	v45 =	vmul.f32 v5, v6;
	v7 =	vmul.f32 v8, v7;
	v5 =	vld [tilespmem:s14+$0x74A0]  }
0x450: {  	v8 =	vmul.f32 v10, v9;
	v9 =	vmul.f32 v12, v11;
	v6 =	vld [tilespmem:s14+$0x34B0]  }
0x451: {  	v45 =	vadd.f32 v7, v45;
	v10 =	vmul.f32 v14, v13;
	v11 =	vmul.f32 v16, v15;
	v7 =	vld [tilespmem:s14+$0x74B0]  }
0x452: {  	v9 =	vadd.f32 v9, v8;
	v12 =	vmul.f32 v18, v17;
	v13 =	vmul.f32 v20, v19;
	v8 =	vld [tilespmem:s14+$0x35A0]  }
0x453: {  	v14 =	vadd.f32 v11, v10;
	v10 =	vld [tilespmem:s14+$0x75A0]  }
0x454: {  	v15 =	vperm.xlane v45, v0;
	v16 =	vperm.xlane v9, v0;
	v17 =	vadd.f32 v13, v12;
	v11 =	vld [tilespmem:s14+$0x35B0]  }
0x455: {  	v18 =	vperm.xlane v14, v0;
	v12 =	vld [tilespmem:s14+$0x75B0]  }
0x456: {  	v15 =	vadd.f32 v45, v15;
	v9 =	vadd.f32 v9, v16;
	v16 =	vperm.xlane v17, v0;
	v13 =	vld [tilespmem:s14+$0x3460]  }
0x457: {  	v20 =	vadd.f32 v14, v18;
	v19 =	vmul.f32 v22, v21;
	v21 =	vmul.f32 v24, v23;
	v14 =	vld [tilespmem:s14+$0x7460]  }
0x458: {  	v16 =	vadd.f32 v17, v16;
	v22 =	vmul.f32 v26, v25;
	v23 =	vmul.f32 v28, v27;
	v17 =	vld [tilespmem:s14+$0x3470]  }
0x459: {  	v9 =	vsel vm2, v15, v9;
	v18 =	vld [tilespmem:s14+$0x7470]  }
0x45a: {  	v15 =	vadd.f32 v21, v19;
	v16 =	vsel vm2, v20, v16;
	v24 =	vadd.f32 v23, v22;
	v19 =	vld [tilespmem:s14+$0x3560]  }
0x45b: {  	v26 =	vperm.xlane v9, v1;
	v45 =	vperm.xlane v16, v1;
	v20 =	vld [tilespmem:s14+$0x7560]  }
0x45c: {  	v23 =	vperm.xlane v15, v0;
	v25 =	vperm.xlane v24, v0;
	v21 =	vld [tilespmem:s14+$0x3570]  }
0x45d: {  	v27 =	vmul.f32 v30, v29;
	v28 =	vmul.f32 v32, v31;
	v22 =	vld [tilespmem:s14+$0x7570]  }
0x45e: {  	v15 =	vadd.f32 v15, v23;
	v29 =	vmul.f32 v34, v33;
	v30 =	vmul.f32 v36, v35;
	v23 =	vld [tilespmem:s14+$0x34E0]  }
0x45f: {  	v32 =	vadd.f32 v24, v25;
	v34 =	vmul.f32 v38, v37;
	v35 =	vmul.f32 v40, v39;
	v24 =	vld [tilespmem:s14+$0x74E0]  }
.Ltmp3:
0x460: {  	v9 =	vadd.f32 v26, v9;
	v36 =	vmul.f32 v42, v41;
	v37 =	vmul.f32 v44, v43;
	v25 =	vld [tilespmem:s14+$0x34F0];
	(pc) =	sbr.rel @p0 .LBB2_8-.Ltmp3, $4  }
0x461: {  	v33 =	vadd.f32 v28, v27;
	v31 =	vadd.f32 v30, v29;
	v38 =	vsel vm2, v15, v32;
	v26 =	vld [tilespmem:s14+$0x74F0]  }
0x462: {  	v39 =	vperm.xlane v38, v1;
	v32 =	vadd.f32 v35, v34;
	v29 =	vadd.f32 v37, v36;
	v27 =	vld [tilespmem:s14+$0x35E0]  }
0x463: {  	v15 =	vadd.f32 v45, v16;
	v35 =	vperm.xlane v31, v0;
	v37 =	vperm.xlane v33, v0;
	v28 =	vld [tilespmem:s14+$0x75E0]  }
0x464: {  	s15 =	sadd.s32 $0x800, s15;
	v16 =	vadd.f32 v39, v38;
	v36 =	vperm.xlane v32, v0;
	v34 =	vperm.xlane v29, v0;
	v30 =	vld [tilespmem:s14+$0x35F0]  }
0x465: {  	v4 =	vmul.f32 v5, v4  }
0x466: {  	v5 =	vmul.f32 v7, v6;
	v63 =	vld [tilespmem:s14+$0x75F0];
	v8 =	vmul.f32 v10, v8  }
0x467: {  	v33 =	vadd.f32 v33, v37;
	v37 =	vmul.f32 v12, v11;
	v39 =	vmul.f32 v14, v13  }
0x468: {  	v35 =	vadd.f32 v31, v35;
	v40 =	vmul.f32 v18, v17;
	v42 =	vmul.f32 v20, v19  }
0x469: {  	v43 =	vmul.f32 v22, v21;
	v38 =	vadd.f32 v32, v36;
	v41 =	vadd.f32 v29, v34  }
0x46a: {  	v44 =	vmul.f32 v26, v25;
	v4 =	vadd.f32 v5, v4;
	v5 =	vmul.f32 v24, v23  }
0x46b: {  	v8 =	vadd.f32 v37, v8;
	v45 =	vmul.f32 v28, v27;
	v6 =	vmul.f32 v63, v30  }
0x46c: {  	v12 =	vadd.f32 v40, v39;
	v47 =	vadd.f32 v43, v42;
	v46 =	vperm.xlane v4, v0  }
0x46d: {  	v48 =	vperm.xlane v8, v0;
	v5 =	vadd.f32 v44, v5;
	v6 =	vadd.f32 v6, v45  }
0x46e: {  	v49 =	vperm.xlane v12, v0;
	v18 =	vperm.xlane v47, v0;
	v4 =	vadd.f32 v4, v46  }
0x46f: {  	v8 =	vadd.f32 v8, v48;
	v50 =	vperm.xlane v5, v0;
	v51 =	vperm.xlane v6, v0  }
0x470: {  	v7 =	vsel vm2, v33, v35;
	v10 =	vadd.f32 v12, v49;
	v52 =	vadd.f32 v47, v18  }
0x471: {  	v11 =	vsel vm2, v38, v41;
	v5 =	vadd.f32 v5, v50;
	v6 =	vadd.f32 v6, v51  }
0x472: {  	v53 =	vperm.xlane v7, v1;
	v54 =	vperm.xlane v11, v1;
	v4 =	vsel vm2, v4, v8  }
0x473: {  	v10 =	vsel vm2, v10, v52;
	v55 =	vperm.xlane v4, v1;
	v5 =	vsel vm2, v5, v6  }
0x474: {  	v7 =	vadd.f32 v53, v7;
	v56 =	vperm.xlane v10, v1;
	v57 =	vperm.xlane v5, v1  }
0x475: {  	v11 =	vadd.f32 v54, v11;
	v4 =	vadd.f32 v55, v4  }
0x476: {  	v59 =	vsel vm0, v9, v15;
	v58 =	vadd.f32 v56, v10;
	v5 =	vadd.f32 v57, v5  }
0x477: {  	v9 =	vperm.xlane v59, v2;
	v7 =	vsel vm0, v16, v7  }
0x478: {  	v60 =	vperm.xlane v7, v2;
	v4 =	vsel vm0, v11, v4;
	v5 =	vsel vm0, v58, v5  }
0x479: {  	v61 =	vperm.xlane v4, v2;
	v62 =	vperm.xlane v5, v2  }
0x47a: {  	v8 =	vadd.f32 v9, v59;
	v6 =	vadd.f32 v60, v7  }
0x47b: {  	v4 =	vadd.f32 v61, v4;
	v5 =	vadd.f32 v62, v5;
	_ =	sdelay $0x1  }
0x47c: {  	v6 =	vsel vm1, v8, v6;
	v4 =	vsel vm1, v4, v5  }
0x47d: {  	v5 =	vperm.xlane v6, v3;
	v63 =	vperm.xlane v4, v3;
	_ =	sdelay $0x1  }
0x47e: {  	v5 =	vadd.f32 v5, v6;
	v4 =	vadd.f32 v63, v4  }
0x47f: {  	s2 =	sadd.s32 $0x1, s2  }
0x480: {  	s13 =	sadd.s32 $0x10, s13;
	p0 =	sne.s32 s2, s8;
	v4 =	vsel vm3, v5, v4  }
.Ltmp4:
0x481: {  	[tilespmem:s13+$0x0] =	vst v4;
	(pc) =	sbr.rel @p0 .LBB2_1-.Ltmp4, $4  }
0x482: {  	[hbm4b:s7+s1] =	stream.linear.scatter [tilespmem:s31], [sflag:$0x7], $0x200, $0x38;
	[tilespmem:$0x8600] =	vst v63  }
0x483: {  	_ =	swait.ge [sflag:s0], $0x200  }
0x484: {  	[sflag:s0] =	ssyncset.done $0x0  }
0x485: {  	[sflag:s0] =	ssyncadd.s32 $0xFFFFFE00  }
0x486: {  	_ =	sfence.sel $0x180000  }
0x487: {  	[bflag:$0x0] =	sbarrier.arrive $0xFFFF  }
0x488: {  	_ =	strace $0x90000047  }
0x489: {  	s0 =	stileid.u32;
	[bflag:$0x2] =	sbarrier.arrive $0xFFFF  }
0x48a: {  	p0 =	sne.s32 s0, $0x0;
	s0 =	rddreg [dreg:$0x4]  }
0x48b: {  	s0 =	sadd.s32 @!p0 $0x100000, s0  }
0x48c: {  	[sflag:s0] =	ssyncadd.tile.s32 @!p0 $0x1;
	_ =	shalt  }
.Lfunc_end2:
_tile_overlayer_lowered:
.L_overlay_start_2:
0x48d: {  	(tag) =	ssettag $0x2  }
0x48e: {  	s0 =	rddreg [dreg:$0x0];
	s2 =	stileid.u32  }
0x48f: {  	s1 =	rddreg [dreg:$0x1];
	p0 =	sne.s32 s2, $0x0  }
0x490: {  	s3 =	rddreg [dreg:$0x2];
	[bflag:$0x3] =	sbarrier.arrive $0xFFFF;
	s2 =	simm.s32 @!p0 $0x1C07  }
0x491: {  	[timem:s3], [sflag:s2] =	dma.local @!p0 [hbm:s0], s1  }
0x492: {  	s0 =	simm.s32 @!p0 $0x7  }
0x493: {  	_ =	swait.ge @!p0 [sflag:s0], s1  }
0x494: {  	s1 =	ssub.s32 @!p0 $0x0, s1;
	[sflag:s0] =	ssyncset.done @!p0 $0x0  }
0x495: {  	[sflag:s0] =	ssyncadd.s32 @!p0 s1  }
0x496: {  	[bflag:$0x3] =	sbarrier.arrive $0xFFFF  }
0x497: {  	_ =	shalt  }

</sc_bundles>
